<compile_context>
chip_gen: v7x
topology: tpu7x:2x2x1
jax: 0.10.2.dev20260603
libtpu: 0.0.44.dev20260713+nightly
codegen_flags: <defaults>
</compile_context>

<pallas_src>
import functools
import math

import jax
import jax.numpy as jnp
from jax import lax
from jax.experimental import pallas as pl
from jax.experimental.pallas import tpu as pltpu
from jax.experimental.pallas import tpu_sc as plsc

N = 10000
E = 320000
D = 128
D_ATTR = 16
D_EMB = 16
FC_HIDDEN = 8

NC = 2
NS = 16
NW = NC * NS
S = 2
ES = E // S
PER_W = ES // NW
CHUNK = 40
ITERS = PER_W // CHUNK
NBUF = 5

INV_SQRT_D = 1.0 / math.sqrt(D)
INV_SQRT_EMB = 1.0 / math.sqrt(D_EMB)
INV_SQRT_FC = 1.0 / math.sqrt(FC_HIDDEN)
INV_SQRT_AVG = 1.0 / math.sqrt(32.0)
INV_SQRT_ATTR = 1.0 / math.sqrt(D_ATTR)
INV_SQRT_DDA = 1.0 / math.sqrt(D * D_ATTR)


def _silu(v):
    return v * jax.nn.sigmoid(v)


def _x_body(nf_ref, w1_ref, o_ref):
    o_ref[...] = jnp.dot(nf_ref[...], w1_ref[...],
                         preferred_element_type=jnp.float32) * INV_SQRT_D


def _compute_x(node_feats, W1):
    BN = 1000
    return pl.pallas_call(
        _x_body,
        grid=(N // BN,),
        in_specs=[pl.BlockSpec((BN, D), lambda i: (i, 0)),
                  pl.BlockSpec((D, D), lambda i: (0, 0))],
        out_specs=pl.BlockSpec((BN, D), lambda i: (i, 0)),
        out_shape=jax.ShapeDtypeStruct((N, D), jnp.float32),
    )(node_feats, W1)


@functools.lru_cache(maxsize=None)
def _sc_mesh():
    return plsc.VectorSubcoreMesh(core_axis_name="c", subcore_axis_name="s",
                                  num_cores=NC, num_subcores=NS)


@functools.lru_cache(maxsize=None)
def _make_gather():
    @functools.partial(
        pl.kernel,
        out_type=jax.ShapeDtypeStruct((ES, D), jnp.float32),
        mesh=_sc_mesh(),
        scratch_types=[
            pltpu.VMEM((ITERS, CHUNK), jnp.int32),
            pltpu.VMEM((NBUF, CHUNK, D), jnp.float32),
        ] + [pltpu.SemaphoreType.DMA] * NBUF,
    )
    def _gather_k(table_hbm, idx3_hbm, out_hbm, idx_all, rows, *sems):
        wid = lax.axis_index("s") * NC + lax.axis_index("c")
        base = pl.multiple_of(wid * PER_W, CHUNK)

        pltpu.sync_copy(idx3_hbm.at[wid], idx_all)

        def start(j, b):
            pltpu.async_copy(table_hbm.at[idx_all.at[j]], rows.at[b], sems[b])

        def drain(j, b):
            pltpu.make_async_copy(table_hbm.at[idx_all.at[j]], rows.at[b],
                                  sems[b]).wait()
            off = pl.multiple_of(base + j * CHUNK, CHUNK)
            pltpu.sync_copy(rows.at[b], out_hbm.at[pl.ds(off, CHUNK), :])

        for b in range(NBUF):
            start(b, b)

        def body(g, carry):
            for b in range(NBUF):
                j = NBUF * g + b
                drain(j, b)
                start(j + NBUF, b)
            return carry

        lax.fori_loop(0, ITERS // NBUF - 1, body, 0)
        for b in range(NBUF):
            drain(ITERS - NBUF + b, b)

    return _gather_k


def _edge_body(emb_ref, ea_ref, xg_ref, m1_ref, m2_ref, w2_ref, o_ref):
    h = _silu(jnp.dot(emb_ref[...], m1_ref[...],
                      preferred_element_type=jnp.float32) * INV_SQRT_EMB)
    w = jnp.dot(h, m2_ref[...],
                preferred_element_type=jnp.float32) * INV_SQRT_FC
    m = xg_ref[...] * ea_ref[...] * w
    m = jnp.dot(m.astype(jnp.bfloat16), w2_ref[...],
                preferred_element_type=jnp.float32) * INV_SQRT_D
    o_ref[...] = _silu(m)


def _compute_msg(t, edge_embedding, edge_attrs, xg, M1, M2, W2b):
    BE = 2000
    off = t * (ES // BE)
    return pl.pallas_call(
        _edge_body,
        grid=(ES // BE,),
        in_specs=[pl.BlockSpec((BE, D_EMB), lambda i: (i + off, 0)),
                  pl.BlockSpec((BE, 1), lambda i: (i + off, 0)),
                  pl.BlockSpec((BE, D), lambda i: (i, 0)),
                  pl.BlockSpec((D_EMB, FC_HIDDEN), lambda i: (0, 0)),
                  pl.BlockSpec((FC_HIDDEN, D), lambda i: (0, 0)),
                  pl.BlockSpec((D, D), lambda i: (0, 0))],
        out_specs=pl.BlockSpec((BE, D), lambda i: (i, 0)),
        out_shape=jax.ShapeDtypeStruct((ES, D), jnp.float32),
    )(edge_embedding, edge_attrs, xg, M1, M2, W2b)


N_PAD = 10240
ROWS_PER_SUB = N_PAD // NS


@functools.lru_cache(maxsize=None)
def _make_scatter():
    @functools.partial(
        pl.kernel,
        out_type=jax.ShapeDtypeStruct((NC, N_PAD, D), jnp.float32),
        mesh=_sc_mesh(),
        scratch_types=[
            pltpu.VMEM((ITERS, CHUNK), jnp.int32),
            pltpu.VMEM((NBUF, CHUNK, D), jnp.float32),
            pltpu.VMEM_SHARED((N_PAD, D), jnp.float32),
        ] + [pltpu.SemaphoreType.DMA] * NBUF,
    )
    def _scatter_k(msg_hbm, dst3_hbm, zeros_hbm, out_hbm, idx_all, msgb, acc,
                   *sems):
        cid = lax.axis_index("c")
        sid = lax.axis_index("s")
        wid = sid * NC + cid
        base = pl.multiple_of(wid * PER_W, CHUNK)

        pltpu.sync_copy(dst3_hbm.at[wid], idx_all)

        zbase = pl.multiple_of(sid * ROWS_PER_SUB, 8)
        pltpu.sync_copy(zeros_hbm.at[pl.ds(zbase, ROWS_PER_SUB), :],
                        acc.at[pl.ds(zbase, ROWS_PER_SUB), :])
        plsc.subcore_barrier()

        def start(j, b):
            off = pl.multiple_of(base + j * CHUNK, CHUNK)
            pltpu.async_copy(msg_hbm.at[pl.ds(off, CHUNK), :], msgb.at[b],
                             sems[b])

        def drain(j, b):
            off = pl.multiple_of(base + j * CHUNK, CHUNK)
            pltpu.make_async_copy(msg_hbm.at[pl.ds(off, CHUNK), :],
                                  msgb.at[b], sems[b]).wait()
            pltpu.sync_copy(msgb.at[b], acc.at[idx_all.at[j]], add=True)

        for b in range(NBUF):
            start(b, b)

        def body(g, carry):
            for b in range(NBUF):
                j = NBUF * g + b
                drain(j, b)
                start(j + NBUF, b)
            return carry

        lax.fori_loop(0, ITERS // NBUF - 1, body, 0)
        for b in range(NBUF):
            drain(ITERS - NBUF + b, b)
        plsc.subcore_barrier()

        pltpu.sync_copy(acc.at[pl.ds(zbase, ROWS_PER_SUB), :],
                        out_hbm.at[cid, pl.ds(zbase, ROWS_PER_SUB), :])

    return _scatter_k


def _upd_body(acc_a_ref, acc_b_ref, na_ref, nf_ref, wtpt_ref, w3_ref,
              w2d_ref, o_ref):
    na = na_ref[...]
    agg = ((acc_a_ref[0] + acc_a_ref[1])
           + (acc_b_ref[0] + acc_b_ref[1])) * INV_SQRT_AVG
    t = jnp.dot(na, wtpt_ref[...], preferred_element_type=jnp.float32)
    upd = agg * t * INV_SQRT_ATTR
    upd = jnp.dot(upd.astype(jnp.bfloat16), w3_ref[...],
                  preferred_element_type=jnp.float32) * INV_SQRT_D
    upd = _silu(upd)
    y = jnp.dot(nf_ref[...].astype(jnp.bfloat16), w2d_ref[...],
                preferred_element_type=jnp.float32)
    sc = na[:, 0:1] * y[:, 0:D]
    for j in range(1, D_ATTR):
        sc = sc + na[:, j:j + 1] * y[:, j * D:(j + 1) * D]
    o_ref[...] = upd + sc * INV_SQRT_DDA


def _compute_out(acc_a, acc_b, node_attrs, node_feats, WtpT, W3, W2d):
    BN = 1000
    return pl.pallas_call(
        _upd_body,
        grid=(N // BN,),
        in_specs=[pl.BlockSpec((NC, BN, D), lambda i: (0, i, 0)),
                  pl.BlockSpec((NC, BN, D), lambda i: (0, i, 0)),
                  pl.BlockSpec((BN, D_ATTR), lambda i: (i, 0)),
                  pl.BlockSpec((BN, D), lambda i: (i, 0)),
                  pl.BlockSpec((D_ATTR, D), lambda i: (0, 0)),
                  pl.BlockSpec((D, D), lambda i: (0, 0)),
                  pl.BlockSpec((D, D_ATTR * D), lambda i: (0, 0))],
        out_specs=pl.BlockSpec((BN, D), lambda i: (i, 0)),
        out_shape=jax.ShapeDtypeStruct((N, D), jnp.float32),
    )(acc_a, acc_b, node_attrs, node_feats, WtpT, W3, W2d)


def kernel(node_feats, node_attrs, edge_embedding, edge_attrs, edge_index,
           W1, M1, M2, W2, Wtp, W3, Wsc):
    src = edge_index[0]
    dst = edge_index[1]

    x = _compute_x(node_feats, W1)
    zeros = jnp.zeros((N_PAD, D), jnp.float32)
    W2b = W2.astype(jnp.bfloat16)
    src4 = src.reshape(S, NW, ITERS, CHUNK)
    dst4 = dst.reshape(S, NW, ITERS, CHUNK)
    accs = []
    for t in range(S):
        xg_t = _make_gather()(x, src4[t])
        msg_t = _compute_msg(t, edge_embedding, edge_attrs, xg_t,
                             M1, M2, W2b)
        accs.append(_make_scatter()(msg_t, dst4[t], zeros))

    WtpT = Wtp.T
    W2d = Wsc.transpose(1, 2, 0).reshape(D, D_ATTR * D).astype(jnp.bfloat16)
    return _compute_out(accs[0], accs[1], node_attrs, node_feats, WtpT,
                        W3.astype(jnp.bfloat16), W2d)

# --- scband reference (transcript-rebuilt; emitter-appended) ---
"""Pipeline reference for scband-segnnmessage-passing-30915174596963 (READ-ONLY COPY).

The authoritative reference and input builder live on the scoring server;
editing this copy changes nothing except your own understanding.
"""

import jax, jax.numpy as jnp
import numpy as np

N = 10000
E = 320000
D = 128
D_ATTR = 16
D_EMB = 16
FC_HIDDEN = 8
AVG_NEIGH = 32.0


def setup_inputs(seed: int = 0) -> dict:
    key = jax.random.key(seed)
    ks = jax.random.split(key, 12)
    node_feats = jax.random.normal(ks[0], (N, D), dtype=jnp.float32)
    node_attrs = jax.random.normal(ks[1], (N, D_ATTR), dtype=jnp.float32)
    edge_embedding = jax.random.uniform(ks[2], (E, D_EMB), dtype=jnp.float32)
    edge_attrs = jax.random.normal(ks[3], (E, 1), dtype=jnp.float32)
    edge_index = jax.random.randint(ks[4], (2, E), 0, N, dtype=jnp.int32)
    # learned parameters (all-scalar irreps: e3nn Linear -> plain linear, UVU TP -> weighted elementwise product)
    W1 = jax.random.normal(ks[5], (D, D), dtype=jnp.float32)
    M1 = jax.random.normal(ks[6], (D_EMB, FC_HIDDEN), dtype=jnp.float32)
    M2 = jax.random.normal(ks[7], (FC_HIDDEN, D), dtype=jnp.float32)
    W2 = jax.random.normal(ks[8], (D, D), dtype=jnp.float32)
    Wtp = jax.random.normal(ks[9], (D, D_ATTR), dtype=jnp.float32)
    W3 = jax.random.normal(ks[10], (D, D), dtype=jnp.float32)
    Wsc = jax.random.normal(ks[11], (D, D, D_ATTR), dtype=jnp.float32)
    return {"node_feats": node_feats, "node_attrs": node_attrs, "edge_embedding": edge_embedding,
            "edge_attrs": edge_attrs, "edge_index": edge_index,
            "W1": W1, "M1": M1, "M2": M2, "W2": W2, "Wtp": Wtp, "W3": W3, "Wsc": Wsc}


def reference(node_feats, node_attrs, edge_embedding, edge_attrs, edge_index,
              W1, M1, M2, W2, Wtp, W3, Wsc):
    src = edge_index[0]
    dst = edge_index[1]
    # ---- SEGNNMessage ----
    # linear_1 (e3nn Linear on 128x0e: fan-in normalized, no bias)
    x = node_feats @ W1 / jnp.sqrt(D)
    # radial MLP on scalar edge embedding -> per-path weights of the UVU tensor product
    h = jax.nn.silu(edge_embedding @ M1 / jnp.sqrt(D_EMB))
    w_msg = h @ M2 / jnp.sqrt(FC_HIDDEN)
    # message_tp: UVU tensor product (all-scalar irreps -> weighted elementwise product)
    # with node feats gathered at edge source
    msg = x[src] * edge_attrs * w_msg
    # linear_2
    msg = msg @ W2 / jnp.sqrt(D)
    # gate activation on pure scalars reduces to scalar activation (silu)
    msg = jax.nn.silu(msg)
    # ---- SEGNNUpdate ----
    # aggregate messages: scatter-add over destination nodes, avg-neighbor normalization
    agg = jax.ops.segment_sum(msg, dst, num_segments=N) / jnp.sqrt(AVG_NEIGH)
    # update_tp: UVU tensor product between aggregated message and node attrs
    # (internal shared weights)
    upd = jnp.einsum('nu,nv,uv->nu', agg, node_attrs, Wtp) / jnp.sqrt(D_ATTR)
    # linear_3
    upd = upd @ W3 / jnp.sqrt(D)
    upd = jax.nn.silu(upd)
    # self connection: fully connected tensor product node_feats x node_attrs
    sc = jnp.einsum('ni,nj,uij->nu', node_feats, node_attrs, Wsc) / jnp.sqrt(D * D_ATTR)
    return upd + sc

if __name__ == "__main__":
    import jax
    _d = setup_inputs()
    print(jax.jit(kernel)(*tuple(_d.values())))

</pallas_src>

<mosaic_0001>
#map = affine_map<(d0, d1) -> (0, 0)>
#map1 = affine_map<(d0, d1) -> (0, 0, 0)>
module attributes {stable_mosaic.version = 14 : i64} {
  func.func @_scatter_k(%arg0: i32, %arg1: i32, %arg2: memref<160000x128xf32, #tpu.memory_space<hbm>>, %arg3: memref<32x125x40xi32, #tpu.memory_space<hbm>>, %arg4: memref<10240x128xf32, #tpu.memory_space<hbm>>, %arg5: memref<2x10240x128xf32, #tpu.memory_space<hbm>>, %arg6: memref<125x40xi32, #tpu.memory_space<vmem>>, %arg7: memref<5x40x128xf32, #tpu.memory_space<vmem>>, %arg8: memref<10240x128xf32, #tpu.memory_space<vmem_shared>>, %arg9: memref<!tpu.dma_semaphore, #tpu.memory_space<semaphore_mem>>, %arg10: memref<!tpu.dma_semaphore, #tpu.memory_space<semaphore_mem>>, %arg11: memref<!tpu.dma_semaphore, #tpu.memory_space<semaphore_mem>>, %arg12: memref<!tpu.dma_semaphore, #tpu.memory_space<semaphore_mem>>, %arg13: memref<!tpu.dma_semaphore, #tpu.memory_space<semaphore_mem>>) attributes {dimension_semantics = [#tpu.dimension_semantics<core_parallel>, #tpu.dimension_semantics<subcore_parallel>], iteration_bounds = array<i64: 2, 16>, scalar_prefetch = 0 : i64, scratch_operands = 8 : i64, tpu.core_type = #tpu.core_type<sc_vector_subcore>, window_params = [{transform_indices = #map}, {transform_indices = #map1}, {transform_indices = #map}, {transform_indices = #map1}]} {
    %mul3A = arith.constant 2 : i32
    %mul3A_0 = arith.muli %arg1, %mul3A : i32
    %add3A = arith.addi %mul3A_0, %arg0 : i32
    %mul3A_1 = arith.constant 5000 : i32
    %mul3A_2 = arith.muli %add3A, %mul3A_1 : i32
    %multiple_of3A = tpu.assume_multiple %mul3A_2, 40 : i32
    "tpu.region"() ({
      %run_scoped3A_179 = tpu.sem_alloc : memref<!tpu.dma_semaphore, #tpu.memory_space<semaphore_mem>>
      %dma_start3A_180 = arith.constant 0 : i32
      %dma_start3A_181 = arith.constant 0 : i32
      %dma_start3A_182 = tpu.memref_slice %arg3[%add3A, %dma_start3A_180, %dma_start3A_181] : memref<32x125x40xi32, #tpu.memory_space<hbm>> -> memref<1x125x40xi32, #tpu.memory_space<hbm>>
      %dma_start3A_183 = tpu.memref_squeeze %dma_start3A_182 : memref<1x125x40xi32, #tpu.memory_space<hbm>> -> memref<125x40xi32, #tpu.memory_space<hbm>>
      %dma_start3A_184 = arith.constant 0 : i32
      %dma_start3A_185 = arith.constant 0 : i32
      %dma_start3A_186 = tpu.memref_slice %arg3[%add3A, %dma_start3A_184, %dma_start3A_185] : memref<32x125x40xi32, #tpu.memory_space<hbm>> -> memref<1x125x40xi32, #tpu.memory_space<hbm>>
      %dma_start3A_187 = tpu.memref_squeeze %dma_start3A_186 : memref<1x125x40xi32, #tpu.memory_space<hbm>> -> memref<125x40xi32, #tpu.memory_space<hbm>>
      tpu.enqueue_dma source(%dma_start3A_187 : memref<125x40xi32, #tpu.memory_space<hbm>>) target(%arg6 : memref<125x40xi32, #tpu.memory_space<vmem>>) target_semaphore(%run_scoped3A_179 : memref<!tpu.dma_semaphore, #tpu.memory_space<semaphore_mem>>)
      %dma_wait3A_188 = arith.constant 0 : i32
      %dma_wait3A_189 = arith.constant 0 : i32
      %dma_wait3A_190 = tpu.memref_slice %arg3[%add3A, %dma_wait3A_188, %dma_wait3A_189] : memref<32x125x40xi32, #tpu.memory_space<hbm>> -> memref<1x125x40xi32, #tpu.memory_space<hbm>>
      %dma_wait3A_191 = tpu.memref_squeeze %dma_wait3A_190 : memref<1x125x40xi32, #tpu.memory_space<hbm>> -> memref<125x40xi32, #tpu.memory_space<hbm>>
      %dma_wait3A_192 = arith.constant 0 : i32
      %dma_wait3A_193 = arith.constant 0 : i32
      %dma_wait3A_194 = tpu.memref_slice %arg3[%add3A, %dma_wait3A_192, %dma_wait3A_193] : memref<32x125x40xi32, #tpu.memory_space<hbm>> -> memref<1x125x40xi32, #tpu.memory_space<hbm>>
      %dma_wait3A_195 = tpu.memref_squeeze %dma_wait3A_194 : memref<1x125x40xi32, #tpu.memory_space<hbm>> -> memref<125x40xi32, #tpu.memory_space<hbm>>
      tpu.wait_dma2 semaphore(%run_scoped3A_179 : memref<!tpu.dma_semaphore, #tpu.memory_space<semaphore_mem>>) src(%dma_wait3A_195 : memref<125x40xi32, #tpu.memory_space<hbm>>) dst(%arg6 : memref<125x40xi32, #tpu.memory_space<vmem>>)
      tpu.yield
    }) : () -> ()
    %mul3A_3 = arith.constant 640 : i32
    %mul3A_4 = arith.muli %arg1, %mul3A_3 : i32
    %multiple_of3A_5 = tpu.assume_multiple %mul3A_4, 8 : i32
    "tpu.region"() ({
      %run_scoped3A_179 = tpu.sem_alloc : memref<!tpu.dma_semaphore, #tpu.memory_space<semaphore_mem>>
      %dma_start3A_180 = arith.constant 0 : i32
      %dma_start3A_181 = tpu.memref_slice %arg8[%multiple_of3A_5, %dma_start3A_180] : memref<10240x128xf32, #tpu.memory_space<vmem_shared>> -> memref<640x128xf32, #tpu.memory_space<vmem_shared>>
      %dma_start3A_182 = arith.constant 0 : i32
      %dma_start3A_183 = tpu.memref_slice %arg4[%multiple_of3A_5, %dma_start3A_182] : memref<10240x128xf32, #tpu.memory_space<hbm>> -> memref<640x128xf32, #tpu.memory_space<hbm>>
      tpu.enqueue_dma source(%dma_start3A_183 : memref<640x128xf32, #tpu.memory_space<hbm>>) target(%dma_start3A_181 : memref<640x128xf32, #tpu.memory_space<vmem_shared>>) target_semaphore(%run_scoped3A_179 : memref<!tpu.dma_semaphore, #tpu.memory_space<semaphore_mem>>)
      %dma_wait3A_184 = arith.constant 0 : i32
      %dma_wait3A_185 = tpu.memref_slice %arg8[%multiple_of3A_5, %dma_wait3A_184] : memref<10240x128xf32, #tpu.memory_space<vmem_shared>> -> memref<640x128xf32, #tpu.memory_space<vmem_shared>>
      %dma_wait3A_186 = arith.constant 0 : i32
      %dma_wait3A_187 = tpu.memref_slice %arg4[%multiple_of3A_5, %dma_wait3A_186] : memref<10240x128xf32, #tpu.memory_space<hbm>> -> memref<640x128xf32, #tpu.memory_space<hbm>>
      tpu.wait_dma2 semaphore(%run_scoped3A_179 : memref<!tpu.dma_semaphore, #tpu.memory_space<semaphore_mem>>) src(%dma_wait3A_187 : memref<640x128xf32, #tpu.memory_space<hbm>>) dst(%dma_wait3A_185 : memref<640x128xf32, #tpu.memory_space<vmem_shared>>)
      tpu.yield
    }) : () -> ()
    %barrier3A = arith.constant 0 : index
    tpu.barrier barrier_id(%barrier3A)
    %add3A_6 = arith.constant 0 : i32
    %add3A_7 = arith.addi %multiple_of3A, %add3A_6 : i32
    %multiple_of3A_8 = tpu.assume_multiple %add3A_7, 40 : i32
    %dma_start3A = arith.constant 0 : i32
    %dma_start3A_9 = arith.constant 0 : i32
    %dma_start3A_10 = arith.constant 0 : i32
    %dma_start3A_11 = tpu.memref_slice %arg7[%dma_start3A, %dma_start3A_9, %dma_start3A_10] : memref<5x40x128xf32, #tpu.memory_space<vmem>> -> memref<1x40x128xf32, #tpu.memory_space<vmem>>
    %dma_start3A_12 = tpu.memref_squeeze %dma_start3A_11 : memref<1x40x128xf32, #tpu.memory_space<vmem>> -> memref<40x128xf32, #tpu.memory_space<vmem>>
    %dma_start3A_13 = arith.constant 0 : i32
    %dma_start3A_14 = tpu.memref_slice %arg2[%multiple_of3A_8, %dma_start3A_13] : memref<160000x128xf32, #tpu.memory_space<hbm>> -> memref<40x128xf32, #tpu.memory_space<hbm>>
    %dma_start3A_15 = arith.constant 0 : i32
    %dma_start3A_16 = arith.constant 0 : i32
    %dma_start3A_17 = tpu.memref_slice %arg7[%dma_start3A, %dma_start3A_15, %dma_start3A_16] : memref<5x40x128xf32, #tpu.memory_space<vmem>> -> memref<1x40x128xf32, #tpu.memory_space<vmem>>
    %dma_start3A_18 = tpu.memref_squeeze %dma_start3A_17 : memref<1x40x128xf32, #tpu.memory_space<vmem>> -> memref<40x128xf32, #tpu.memory_space<vmem>>
    %dma_start3A_19 = arith.constant 0 : i32
    %dma_start3A_20 = tpu.memref_slice %arg2[%multiple_of3A_8, %dma_start3A_19] : memref<160000x128xf32, #tpu.memory_space<hbm>> -> memref<40x128xf32, #tpu.memory_space<hbm>>
    tpu.enqueue_dma source(%dma_start3A_20 : memref<40x128xf32, #tpu.memory_space<hbm>>) target(%dma_start3A_18 : memref<40x128xf32, #tpu.memory_space<vmem>>) target_semaphore(%arg9 : memref<!tpu.dma_semaphore, #tpu.memory_space<semaphore_mem>>)
    %add3A_21 = arith.constant 40 : i32
    %add3A_22 = arith.addi %multiple_of3A, %add3A_21 : i32
    %multiple_of3A_23 = tpu.assume_multiple %add3A_22, 40 : i32
    %dma_start3A_24 = arith.constant 1 : i32
    %dma_start3A_25 = arith.constant 0 : i32
    %dma_start3A_26 = arith.constant 0 : i32
    %dma_start3A_27 = tpu.memref_slice %arg7[%dma_start3A_24, %dma_start3A_25, %dma_start3A_26] : memref<5x40x128xf32, #tpu.memory_space<vmem>> -> memref<1x40x128xf32, #tpu.memory_space<vmem>>
    %dma_start3A_28 = tpu.memref_squeeze %dma_start3A_27 : memref<1x40x128xf32, #tpu.memory_space<vmem>> -> memref<40x128xf32, #tpu.memory_space<vmem>>
    %dma_start3A_29 = arith.constant 0 : i32
    %dma_start3A_30 = tpu.memref_slice %arg2[%multiple_of3A_23, %dma_start3A_29] : memref<160000x128xf32, #tpu.memory_space<hbm>> -> memref<40x128xf32, #tpu.memory_space<hbm>>
    %dma_start3A_31 = arith.constant 0 : i32
    %dma_start3A_32 = arith.constant 0 : i32
    %dma_start3A_33 = tpu.memref_slice %arg7[%dma_start3A_24, %dma_start3A_31, %dma_start3A_32] : memref<5x40x128xf32, #tpu.memory_space<vmem>> -> memref<1x40x128xf32, #tpu.memory_space<vmem>>
    %dma_start3A_34 = tpu.memref_squeeze %dma_start3A_33 : memref<1x40x128xf32, #tpu.memory_space<vmem>> -> memref<40x128xf32, #tpu.memory_space<vmem>>
    %dma_start3A_35 = arith.constant 0 : i32
    %dma_start3A_36 = tpu.memref_slice %arg2[%multiple_of3A_23, %dma_start3A_35] : memref<160000x128xf32, #tpu.memory_space<hbm>> -> memref<40x128xf32, #tpu.memory_space<hbm>>
    tpu.enqueue_dma source(%dma_start3A_36 : memref<40x128xf32, #tpu.memory_space<hbm>>) target(%dma_start3A_34 : memref<40x128xf32, #tpu.memory_space<vmem>>) target_semaphore(%arg10 : memref<!tpu.dma_semaphore, #tpu.memory_space<semaphore_mem>>)
    %add3A_37 = arith.constant 80 : i32
    %add3A_38 = arith.addi %multiple_of3A, %add3A_37 : i32
    %multiple_of3A_39 = tpu.assume_multiple %add3A_38, 40 : i32
    %dma_start3A_40 = arith.constant 2 : i32
    %dma_start3A_41 = arith.constant 0 : i32
    %dma_start3A_42 = arith.constant 0 : i32
    %dma_start3A_43 = tpu.memref_slice %arg7[%dma_start3A_40, %dma_start3A_41, %dma_start3A_42] : memref<5x40x128xf32, #tpu.memory_space<vmem>> -> memref<1x40x128xf32, #tpu.memory_space<vmem>>
    %dma_start3A_44 = tpu.memref_squeeze %dma_start3A_43 : memref<1x40x128xf32, #tpu.memory_space<vmem>> -> memref<40x128xf32, #tpu.memory_space<vmem>>
    %dma_start3A_45 = arith.constant 0 : i32
    %dma_start3A_46 = tpu.memref_slice %arg2[%multiple_of3A_39, %dma_start3A_45] : memref<160000x128xf32, #tpu.memory_space<hbm>> -> memref<40x128xf32, #tpu.memory_space<hbm>>
    %dma_start3A_47 = arith.constant 0 : i32
    %dma_start3A_48 = arith.constant 0 : i32
    %dma_start3A_49 = tpu.memref_slice %arg7[%dma_start3A_40, %dma_start3A_47, %dma_start3A_48] : memref<5x40x128xf32, #tpu.memory_space<vmem>> -> memref<1x40x128xf32, #tpu.memory_space<vmem>>
    %dma_start3A_50 = tpu.memref_squeeze %dma_start3A_49 : memref<1x40x128xf32, #tpu.memory_space<vmem>> -> memref<40x128xf32, #tpu.memory_space<vmem>>
    %dma_start3A_51 = arith.constant 0 : i32
    %dma_start3A_52 = tpu.memref_slice %arg2[%multiple_of3A_39, %dma_start3A_51] : memref<160000x128xf32, #tpu.memory_space<hbm>> -> memref<40x128xf32, #tpu.memory_space<hbm>>
    tpu.enqueue_dma source(%dma_start3A_52 : memref<40x128xf32, #tpu.memory_space<hbm>>) target(%dma_start3A_50 : memref<40x128xf32, #tpu.memory_space<vmem>>) target_semaphore(%arg11 : memref<!tpu.dma_semaphore, #tpu.memory_space<semaphore_mem>>)
    %add3A_53 = arith.constant 120 : i32
    %add3A_54 = arith.addi %multiple_of3A, %add3A_53 : i32
    %multiple_of3A_55 = tpu.assume_multiple %add3A_54, 40 : i32
    %dma_start3A_56 = arith.constant 3 : i32
    %dma_start3A_57 = arith.constant 0 : i32
    %dma_start3A_58 = arith.constant 0 : i32
    %dma_start3A_59 = tpu.memref_slice %arg7[%dma_start3A_56, %dma_start3A_57, %dma_start3A_58] : memref<5x40x128xf32, #tpu.memory_space<vmem>> -> memref<1x40x128xf32, #tpu.memory_space<vmem>>
    %dma_start3A_60 = tpu.memref_squeeze %dma_start3A_59 : memref<1x40x128xf32, #tpu.memory_space<vmem>> -> memref<40x128xf32, #tpu.memory_space<vmem>>
    %dma_start3A_61 = arith.constant 0 : i32
    %dma_start3A_62 = tpu.memref_slice %arg2[%multiple_of3A_55, %dma_start3A_61] : memref<160000x128xf32, #tpu.memory_space<hbm>> -> memref<40x128xf32, #tpu.memory_space<hbm>>
    %dma_start3A_63 = arith.constant 0 : i32
    %dma_start3A_64 = arith.constant 0 : i32
    %dma_start3A_65 = tpu.memref_slice %arg7[%dma_start3A_56, %dma_start3A_63, %dma_start3A_64] : memref<5x40x128xf32, #tpu.memory_space<vmem>> -> memref<1x40x128xf32, #tpu.memory_space<vmem>>
    %dma_start3A_66 = tpu.memref_squeeze %dma_start3A_65 : memref<1x40x128xf32, #tpu.memory_space<vmem>> -> memref<40x128xf32, #tpu.memory_space<vmem>>
    %dma_start3A_67 = arith.constant 0 : i32
    %dma_start3A_68 = tpu.memref_slice %arg2[%multiple_of3A_55, %dma_start3A_67] : memref<160000x128xf32, #tpu.memory_space<hbm>> -> memref<40x128xf32, #tpu.memory_space<hbm>>
    tpu.enqueue_dma source(%dma_start3A_68 : memref<40x128xf32, #tpu.memory_space<hbm>>) target(%dma_start3A_66 : memref<40x128xf32, #tpu.memory_space<vmem>>) target_semaphore(%arg12 : memref<!tpu.dma_semaphore, #tpu.memory_space<semaphore_mem>>)
    %add3A_69 = arith.constant 160 : i32
    %add3A_70 = arith.addi %multiple_of3A, %add3A_69 : i32
    %multiple_of3A_71 = tpu.assume_multiple %add3A_70, 40 : i32
    %dma_start3A_72 = arith.constant 4 : i32
    %dma_start3A_73 = arith.constant 0 : i32
    %dma_start3A_74 = arith.constant 0 : i32
    %dma_start3A_75 = tpu.memref_slice %arg7[%dma_start3A_72, %dma_start3A_73, %dma_start3A_74] : memref<5x40x128xf32, #tpu.memory_space<vmem>> -> memref<1x40x128xf32, #tpu.memory_space<vmem>>
    %dma_start3A_76 = tpu.memref_squeeze %dma_start3A_75 : memref<1x40x128xf32, #tpu.memory_space<vmem>> -> memref<40x128xf32, #tpu.memory_space<vmem>>
    %dma_start3A_77 = arith.constant 0 : i32
    %dma_start3A_78 = tpu.memref_slice %arg2[%multiple_of3A_71, %dma_start3A_77] : memref<160000x128xf32, #tpu.memory_space<hbm>> -> memref<40x128xf32, #tpu.memory_space<hbm>>
    %dma_start3A_79 = arith.constant 0 : i32
    %dma_start3A_80 = arith.constant 0 : i32
    %dma_start3A_81 = tpu.memref_slice %arg7[%dma_start3A_72, %dma_start3A_79, %dma_start3A_80] : memref<5x40x128xf32, #tpu.memory_space<vmem>> -> memref<1x40x128xf32, #tpu.memory_space<vmem>>
    %dma_start3A_82 = tpu.memref_squeeze %dma_start3A_81 : memref<1x40x128xf32, #tpu.memory_space<vmem>> -> memref<40x128xf32, #tpu.memory_space<vmem>>
    %dma_start3A_83 = arith.constant 0 : i32
    %dma_start3A_84 = tpu.memref_slice %arg2[%multiple_of3A_71, %dma_start3A_83] : memref<160000x128xf32, #tpu.memory_space<hbm>> -> memref<40x128xf32, #tpu.memory_space<hbm>>
    tpu.enqueue_dma source(%dma_start3A_84 : memref<40x128xf32, #tpu.memory_space<hbm>>) target(%dma_start3A_82 : memref<40x128xf32, #tpu.memory_space<vmem>>) target_semaphore(%arg13 : memref<!tpu.dma_semaphore, #tpu.memory_space<semaphore_mem>>)
    %scan3A = arith.constant 0 : i32
    %scan3A_85 = arith.constant 0 : i32
    %scan3A_86 = arith.constant 24 : i32
    %scan3A_87 = arith.addi %scan3A_85, %scan3A_86 : i32
    %scan3A_88 = arith.constant 1 : i32
    scf.for %scan3A_179 = %scan3A_85 to %scan3A_87 step %scan3A_88  : i32 {
      %mul3A_180 = arith.constant 5 : i32
      %mul3A_181 = arith.muli %mul3A_180, %scan3A_179 : i32
      %add3A_182 = arith.constant 0 : i32
      %add3A_183 = arith.addi %mul3A_181, %add3A_182 : i32
      %mul3A_184 = arith.constant 40 : i32
      %mul3A_185 = arith.muli %add3A_183, %mul3A_184 : i32
      %add3A_186 = arith.addi %multiple_of3A, %mul3A_185 : i32
      %multiple_of3A_187 = tpu.assume_multiple %add3A_186, 40 : i32
      %dma_wait3A_188 = arith.constant 0 : i32
      %dma_wait3A_189 = arith.constant 0 : i32
      %dma_wait3A_190 = arith.constant 0 : i32
      %dma_wait3A_191 = tpu.memref_slice %arg7[%dma_wait3A_188, %dma_wait3A_189, %dma_wait3A_190] : memref<5x40x128xf32, #tpu.memory_space<vmem>> -> memref<1x40x128xf32, #tpu.memory_space<vmem>>
      %dma_wait3A_192 = tpu.memref_squeeze %dma_wait3A_191 : memref<1x40x128xf32, #tpu.memory_space<vmem>> -> memref<40x128xf32, #tpu.memory_space<vmem>>
      %dma_wait3A_193 = arith.constant 0 : i32
      %dma_wait3A_194 = tpu.memref_slice %arg2[%multiple_of3A_187, %dma_wait3A_193] : memref<160000x128xf32, #tpu.memory_space<hbm>> -> memref<40x128xf32, #tpu.memory_space<hbm>>
      %dma_wait3A_195 = arith.constant 0 : i32
      %dma_wait3A_196 = arith.constant 0 : i32
      %dma_wait3A_197 = tpu.memref_slice %arg7[%dma_wait3A_188, %dma_wait3A_195, %dma_wait3A_196] : memref<5x40x128xf32, #tpu.memory_space<vmem>> -> memref<1x40x128xf32, #tpu.memory_space<vmem>>
      %dma_wait3A_198 = tpu.memref_squeeze %dma_wait3A_197 : memref<1x40x128xf32, #tpu.memory_space<vmem>> -> memref<40x128xf32, #tpu.memory_space<vmem>>
      %dma_wait3A_199 = arith.constant 0 : i32
      %dma_wait3A_200 = tpu.memref_slice %arg2[%multiple_of3A_187, %dma_wait3A_199] : memref<160000x128xf32, #tpu.memory_space<hbm>> -> memref<40x128xf32, #tpu.memory_space<hbm>>
      tpu.wait_dma2 semaphore(%arg9 : memref<!tpu.dma_semaphore, #tpu.memory_space<semaphore_mem>>) src(%dma_wait3A_200 : memref<40x128xf32, #tpu.memory_space<hbm>>) dst(%dma_wait3A_198 : memref<40x128xf32, #tpu.memory_space<vmem>>)
      %run_scoped3A_201 = arith.constant 0 : i32
      "tpu.region"() ({
        %run_scoped3A_385 = tpu.sem_alloc : memref<!tpu.dma_semaphore, #tpu.memory_space<semaphore_mem>>
        %dma_start3A_386 = arith.constant 0 : i32
        %dma_start3A_387 = arith.constant 0 : i32
        %dma_start3A_388 = tpu.memref_slice %arg7[%run_scoped3A_201, %dma_start3A_386, %dma_start3A_387] : memref<5x40x128xf32, #tpu.memory_space<vmem>> -> memref<1x40x128xf32, #tpu.memory_space<vmem>>
        %dma_start3A_389 = tpu.memref_squeeze %dma_start3A_388 : memref<1x40x128xf32, #tpu.memory_space<vmem>> -> memref<40x128xf32, #tpu.memory_space<vmem>>
        %dma_start3A_390 = arith.constant 0 : i32
        %dma_start3A_391 = tpu.memref_slice %arg6[%add3A_183, %dma_start3A_390] : memref<125x40xi32, #tpu.memory_space<vmem>> -> memref<1x40xi32, #tpu.memory_space<vmem>>
        %dma_start3A_392 = tpu.memref_squeeze %dma_start3A_391 : memref<1x40xi32, #tpu.memory_space<vmem>> -> memref<40xi32, #tpu.memory_space<vmem>>
        %dma_start3A_393 = arith.constant 0 : i32
        %dma_start3A_394 = arith.constant 0 : i32
        %dma_start3A_395 = tpu.memref_slice %arg8[%dma_start3A_393, %dma_start3A_394] : memref<10240x128xf32, #tpu.memory_space<vmem_shared>> -> memref<10240x128xf32, #tpu.memory_space<vmem_shared>>
        tpu.enqueue_indirect_dma source(%dma_start3A_389 : memref<40x128xf32, #tpu.memory_space<vmem>>) target(%dma_start3A_395 : memref<10240x128xf32, #tpu.memory_space<vmem_shared>>) offsets(%dma_start3A_392 : memref<40xi32, #tpu.memory_space<vmem>>) semaphore(%run_scoped3A_385 : memref<!tpu.dma_semaphore, #tpu.memory_space<semaphore_mem>>) {add = true}
        %dma_wait3A_396 = arith.constant 0 : i32
        %dma_wait3A_397 = arith.constant 0 : i32
        %dma_wait3A_398 = tpu.memref_slice %arg7[%run_scoped3A_201, %dma_wait3A_396, %dma_wait3A_397] : memref<5x40x128xf32, #tpu.memory_space<vmem>> -> memref<1x40x128xf32, #tpu.memory_space<vmem>>
        %dma_wait3A_399 = tpu.memref_squeeze %dma_wait3A_398 : memref<1x40x128xf32, #tpu.memory_space<vmem>> -> memref<40x128xf32, #tpu.memory_space<vmem>>
        %dma_wait3A_400 = arith.constant 0 : i32
        %dma_wait3A_401 = tpu.memref_slice %arg6[%add3A_183, %dma_wait3A_400] : memref<125x40xi32, #tpu.memory_space<vmem>> -> memref<1x40xi32, #tpu.memory_space<vmem>>
        %dma_wait3A_402 = tpu.memref_squeeze %dma_wait3A_401 : memref<1x40xi32, #tpu.memory_space<vmem>> -> memref<40xi32, #tpu.memory_space<vmem>>
        %dma_wait3A_403 = arith.constant 0 : i32
        %dma_wait3A_404 = arith.constant 0 : i32
        %dma_wait3A_405 = tpu.memref_slice %arg8[%dma_wait3A_403, %dma_wait3A_404] : memref<10240x128xf32, #tpu.memory_space<vmem_shared>> -> memref<10240x128xf32, #tpu.memory_space<vmem_shared>>
        tpu.wait_indirect_dma semaphore(%run_scoped3A_385 : memref<!tpu.dma_semaphore, #tpu.memory_space<semaphore_mem>>) src(%dma_wait3A_399 : memref<40x128xf32, #tpu.memory_space<vmem>>) dst(%dma_wait3A_405 : memref<10240x128xf32, #tpu.memory_space<vmem_shared>>)
        tpu.yield
      }) : () -> ()
      %add3A_202 = arith.constant 5 : i32
      %add3A_203 = arith.addi %add3A_183, %add3A_202 : i32
      %mul3A_204 = arith.constant 40 : i32
      %mul3A_205 = arith.muli %add3A_203, %mul3A_204 : i32
      %add3A_206 = arith.addi %multiple_of3A, %mul3A_205 : i32
      %multiple_of3A_207 = tpu.assume_multiple %add3A_206, 40 : i32
      %dma_start3A_208 = arith.constant 0 : i32
      %dma_start3A_209 = arith.constant 0 : i32
      %dma_start3A_210 = arith.constant 0 : i32
      %dma_start3A_211 = tpu.memref_slice %arg7[%dma_start3A_208, %dma_start3A_209, %dma_start3A_210] : memref<5x40x128xf32, #tpu.memory_space<vmem>> -> memref<1x40x128xf32, #tpu.memory_space<vmem>>
      %dma_start3A_212 = tpu.memref_squeeze %dma_start3A_211 : memref<1x40x128xf32, #tpu.memory_space<vmem>> -> memref<40x128xf32, #tpu.memory_space<vmem>>
      %dma_start3A_213 = arith.constant 0 : i32
      %dma_start3A_214 = tpu.memref_slice %arg2[%multiple_of3A_207, %dma_start3A_213] : memref<160000x128xf32, #tpu.memory_space<hbm>> -> memref<40x128xf32, #tpu.memory_space<hbm>>
      %dma_start3A_215 = arith.constant 0 : i32
      %dma_start3A_216 = arith.constant 0 : i32
      %dma_start3A_217 = tpu.memref_slice %arg7[%dma_start3A_208, %dma_start3A_215, %dma_start3A_216] : memref<5x40x128xf32, #tpu.memory_space<vmem>> -> memref<1x40x128xf32, #tpu.memory_space<vmem>>
      %dma_start3A_218 = tpu.memref_squeeze %dma_start3A_217 : memref<1x40x128xf32, #tpu.memory_space<vmem>> -> memref<40x128xf32, #tpu.memory_space<vmem>>
      %dma_start3A_219 = arith.constant 0 : i32
      %dma_start3A_220 = tpu.memref_slice %arg2[%multiple_of3A_207, %dma_start3A_219] : memref<160000x128xf32, #tpu.memory_space<hbm>> -> memref<40x128xf32, #tpu.memory_space<hbm>>
      tpu.enqueue_dma source(%dma_start3A_220 : memref<40x128xf32, #tpu.memory_space<hbm>>) target(%dma_start3A_218 : memref<40x128xf32, #tpu.memory_space<vmem>>) target_semaphore(%arg9 : memref<!tpu.dma_semaphore, #tpu.memory_space<semaphore_mem>>)
      %mul3A_221 = arith.constant 5 : i32
      %mul3A_222 = arith.muli %mul3A_221, %scan3A_179 : i32
      %add3A_223 = arith.constant 1 : i32
      %add3A_224 = arith.addi %mul3A_222, %add3A_223 : i32
      %mul3A_225 = arith.constant 40 : i32
      %mul3A_226 = arith.muli %add3A_224, %mul3A_225 : i32
      %add3A_227 = arith.addi %multiple_of3A, %mul3A_226 : i32
      %multiple_of3A_228 = tpu.assume_multiple %add3A_227, 40 : i32
      %dma_wait3A_229 = arith.constant 1 : i32
      %dma_wait3A_230 = arith.constant 0 : i32
      %dma_wait3A_231 = arith.constant 0 : i32
      %dma_wait3A_232 = tpu.memref_slice %arg7[%dma_wait3A_229, %dma_wait3A_230, %dma_wait3A_231] : memref<5x40x128xf32, #tpu.memory_space<vmem>> -> memref<1x40x128xf32, #tpu.memory_space<vmem>>
      %dma_wait3A_233 = tpu.memref_squeeze %dma_wait3A_232 : memref<1x40x128xf32, #tpu.memory_space<vmem>> -> memref<40x128xf32, #tpu.memory_space<vmem>>
      %dma_wait3A_234 = arith.constant 0 : i32
      %dma_wait3A_235 = tpu.memref_slice %arg2[%multiple_of3A_228, %dma_wait3A_234] : memref<160000x128xf32, #tpu.memory_space<hbm>> -> memref<40x128xf32, #tpu.memory_space<hbm>>
      %dma_wait3A_236 = arith.constant 0 : i32
      %dma_wait3A_237 = arith.constant 0 : i32
      %dma_wait3A_238 = tpu.memref_slice %arg7[%dma_wait3A_229, %dma_wait3A_236, %dma_wait3A_237] : memref<5x40x128xf32, #tpu.memory_space<vmem>> -> memref<1x40x128xf32, #tpu.memory_space<vmem>>
      %dma_wait3A_239 = tpu.memref_squeeze %dma_wait3A_238 : memref<1x40x128xf32, #tpu.memory_space<vmem>> -> memref<40x128xf32, #tpu.memory_space<vmem>>
      %dma_wait3A_240 = arith.constant 0 : i32
      %dma_wait3A_241 = tpu.memref_slice %arg2[%multiple_of3A_228, %dma_wait3A_240] : memref<160000x128xf32, #tpu.memory_space<hbm>> -> memref<40x128xf32, #tpu.memory_space<hbm>>
      tpu.wait_dma2 semaphore(%arg10 : memref<!tpu.dma_semaphore, #tpu.memory_space<semaphore_mem>>) src(%dma_wait3A_241 : memref<40x128xf32, #tpu.memory_space<hbm>>) dst(%dma_wait3A_239 : memref<40x128xf32, #tpu.memory_space<vmem>>)
      %run_scoped3A_242 = arith.constant 1 : i32
      "tpu.region"() ({
        %run_scoped3A_385 = tpu.sem_alloc : memref<!tpu.dma_semaphore, #tpu.memory_space<semaphore_mem>>
        %dma_start3A_386 = arith.constant 0 : i32
        %dma_start3A_387 = arith.constant 0 : i32
        %dma_start3A_388 = tpu.memref_slice %arg7[%run_scoped3A_242, %dma_start3A_386, %dma_start3A_387] : memref<5x40x128xf32, #tpu.memory_space<vmem>> -> memref<1x40x128xf32, #tpu.memory_space<vmem>>
        %dma_start3A_389 = tpu.memref_squeeze %dma_start3A_388 : memref<1x40x128xf32, #tpu.memory_space<vmem>> -> memref<40x128xf32, #tpu.memory_space<vmem>>
        %dma_start3A_390 = arith.constant 0 : i32
        %dma_start3A_391 = tpu.memref_slice %arg6[%add3A_224, %dma_start3A_390] : memref<125x40xi32, #tpu.memory_space<vmem>> -> memref<1x40xi32, #tpu.memory_space<vmem>>
        %dma_start3A_392 = tpu.memref_squeeze %dma_start3A_391 : memref<1x40xi32, #tpu.memory_space<vmem>> -> memref<40xi32, #tpu.memory_space<vmem>>
        %dma_start3A_393 = arith.constant 0 : i32
        %dma_start3A_394 = arith.constant 0 : i32
        %dma_start3A_395 = tpu.memref_slice %arg8[%dma_start3A_393, %dma_start3A_394] : memref<10240x128xf32, #tpu.memory_space<vmem_shared>> -> memref<10240x128xf32, #tpu.memory_space<vmem_shared>>
        tpu.enqueue_indirect_dma source(%dma_start3A_389 : memref<40x128xf32, #tpu.memory_space<vmem>>) target(%dma_start3A_395 : memref<10240x128xf32, #tpu.memory_space<vmem_shared>>) offsets(%dma_start3A_392 : memref<40xi32, #tpu.memory_space<vmem>>) semaphore(%run_scoped3A_385 : memref<!tpu.dma_semaphore, #tpu.memory_space<semaphore_mem>>) {add = true}
        %dma_wait3A_396 = arith.constant 0 : i32
        %dma_wait3A_397 = arith.constant 0 : i32
        %dma_wait3A_398 = tpu.memref_slice %arg7[%run_scoped3A_242, %dma_wait3A_396, %dma_wait3A_397] : memref<5x40x128xf32, #tpu.memory_space<vmem>> -> memref<1x40x128xf32, #tpu.memory_space<vmem>>
        %dma_wait3A_399 = tpu.memref_squeeze %dma_wait3A_398 : memref<1x40x128xf32, #tpu.memory_space<vmem>> -> memref<40x128xf32, #tpu.memory_space<vmem>>
        %dma_wait3A_400 = arith.constant 0 : i32
        %dma_wait3A_401 = tpu.memref_slice %arg6[%add3A_224, %dma_wait3A_400] : memref<125x40xi32, #tpu.memory_space<vmem>> -> memref<1x40xi32, #tpu.memory_space<vmem>>
        %dma_wait3A_402 = tpu.memref_squeeze %dma_wait3A_401 : memref<1x40xi32, #tpu.memory_space<vmem>> -> memref<40xi32, #tpu.memory_space<vmem>>
        %dma_wait3A_403 = arith.constant 0 : i32
        %dma_wait3A_404 = arith.constant 0 : i32
        %dma_wait3A_405 = tpu.memref_slice %arg8[%dma_wait3A_403, %dma_wait3A_404] : memref<10240x128xf32, #tpu.memory_space<vmem_shared>> -> memref<10240x128xf32, #tpu.memory_space<vmem_shared>>
        tpu.wait_indirect_dma semaphore(%run_scoped3A_385 : memref<!tpu.dma_semaphore, #tpu.memory_space<semaphore_mem>>) src(%dma_wait3A_399 : memref<40x128xf32, #tpu.memory_space<vmem>>) dst(%dma_wait3A_405 : memref<10240x128xf32, #tpu.memory_space<vmem_shared>>)
        tpu.yield
      }) : () -> ()
      %add3A_243 = arith.constant 5 : i32
      %add3A_244 = arith.addi %add3A_224, %add3A_243 : i32
      %mul3A_245 = arith.constant 40 : i32
      %mul3A_246 = arith.muli %add3A_244, %mul3A_245 : i32
      %add3A_247 = arith.addi %multiple_of3A, %mul3A_246 : i32
      %multiple_of3A_248 = tpu.assume_multiple %add3A_247, 40 : i32
      %dma_start3A_249 = arith.constant 1 : i32
      %dma_start3A_250 = arith.constant 0 : i32
      %dma_start3A_251 = arith.constant 0 : i32
      %dma_start3A_252 = tpu.memref_slice %arg7[%dma_start3A_249, %dma_start3A_250, %dma_start3A_251] : memref<5x40x128xf32, #tpu.memory_space<vmem>> -> memref<1x40x128xf32, #tpu.memory_space<vmem>>
      %dma_start3A_253 = tpu.memref_squeeze %dma_start3A_252 : memref<1x40x128xf32, #tpu.memory_space<vmem>> -> memref<40x128xf32, #tpu.memory_space<vmem>>
      %dma_start3A_254 = arith.constant 0 : i32
      %dma_start3A_255 = tpu.memref_slice %arg2[%multiple_of3A_248, %dma_start3A_254] : memref<160000x128xf32, #tpu.memory_space<hbm>> -> memref<40x128xf32, #tpu.memory_space<hbm>>
      %dma_start3A_256 = arith.constant 0 : i32
      %dma_start3A_257 = arith.constant 0 : i32
      %dma_start3A_258 = tpu.memref_slice %arg7[%dma_start3A_249, %dma_start3A_256, %dma_start3A_257] : memref<5x40x128xf32, #tpu.memory_space<vmem>> -> memref<1x40x128xf32, #tpu.memory_space<vmem>>
      %dma_start3A_259 = tpu.memref_squeeze %dma_start3A_258 : memref<1x40x128xf32, #tpu.memory_space<vmem>> -> memref<40x128xf32, #tpu.memory_space<vmem>>
      %dma_start3A_260 = arith.constant 0 : i32
      %dma_start3A_261 = tpu.memref_slice %arg2[%multiple_of3A_248, %dma_start3A_260] : memref<160000x128xf32, #tpu.memory_space<hbm>> -> memref<40x128xf32, #tpu.memory_space<hbm>>
      tpu.enqueue_dma source(%dma_start3A_261 : memref<40x128xf32, #tpu.memory_space<hbm>>) target(%dma_start3A_259 : memref<40x128xf32, #tpu.memory_space<vmem>>) target_semaphore(%arg10 : memref<!tpu.dma_semaphore, #tpu.memory_space<semaphore_mem>>)
      %mul3A_262 = arith.constant 5 : i32
      %mul3A_263 = arith.muli %mul3A_262, %scan3A_179 : i32
      %add3A_264 = arith.constant 2 : i32
      %add3A_265 = arith.addi %mul3A_263, %add3A_264 : i32
      %mul3A_266 = arith.constant 40 : i32
      %mul3A_267 = arith.muli %add3A_265, %mul3A_266 : i32
      %add3A_268 = arith.addi %multiple_of3A, %mul3A_267 : i32
      %multiple_of3A_269 = tpu.assume_multiple %add3A_268, 40 : i32
      %dma_wait3A_270 = arith.constant 2 : i32
      %dma_wait3A_271 = arith.constant 0 : i32
      %dma_wait3A_272 = arith.constant 0 : i32
      %dma_wait3A_273 = tpu.memref_slice %arg7[%dma_wait3A_270, %dma_wait3A_271, %dma_wait3A_272] : memref<5x40x128xf32, #tpu.memory_space<vmem>> -> memref<1x40x128xf32, #tpu.memory_space<vmem>>
      %dma_wait3A_274 = tpu.memref_squeeze %dma_wait3A_273 : memref<1x40x128xf32, #tpu.memory_space<vmem>> -> memref<40x128xf32, #tpu.memory_space<vmem>>
      %dma_wait3A_275 = arith.constant 0 : i32
      %dma_wait3A_276 = tpu.memref_slice %arg2[%multiple_of3A_269, %dma_wait3A_275] : memref<160000x128xf32, #tpu.memory_space<hbm>> -> memref<40x128xf32, #tpu.memory_space<hbm>>
      %dma_wait3A_277 = arith.constant 0 : i32
      %dma_wait3A_278 = arith.constant 0 : i32
      %dma_wait3A_279 = tpu.memref_slice %arg7[%dma_wait3A_270, %dma_wait3A_277, %dma_wait3A_278] : memref<5x40x128xf32, #tpu.memory_space<vmem>> -> memref<1x40x128xf32, #tpu.memory_space<vmem>>
      %dma_wait3A_280 = tpu.memref_squeeze %dma_wait3A_279 : memref<1x40x128xf32, #tpu.memory_space<vmem>> -> memref<40x128xf32, #tpu.memory_space<vmem>>
      %dma_wait3A_281 = arith.constant 0 : i32
      %dma_wait3A_282 = tpu.memref_slice %arg2[%multiple_of3A_269, %dma_wait3A_281] : memref<160000x128xf32, #tpu.memory_space<hbm>> -> memref<40x128xf32, #tpu.memory_space<hbm>>
      tpu.wait_dma2 semaphore(%arg11 : memref<!tpu.dma_semaphore, #tpu.memory_space<semaphore_mem>>) src(%dma_wait3A_282 : memref<40x128xf32, #tpu.memory_space<hbm>>) dst(%dma_wait3A_280 : memref<40x128xf32, #tpu.memory_space<vmem>>)
      %run_scoped3A_283 = arith.constant 2 : i32
      "tpu.region"() ({
        %run_scoped3A_385 = tpu.sem_alloc : memref<!tpu.dma_semaphore, #tpu.memory_space<semaphore_mem>>
        %dma_start3A_386 = arith.constant 0 : i32
        %dma_start3A_387 = arith.constant 0 : i32
        %dma_start3A_388 = tpu.memref_slice %arg7[%run_scoped3A_283, %dma_start3A_386, %dma_start3A_387] : memref<5x40x128xf32, #tpu.memory_space<vmem>> -> memref<1x40x128xf32, #tpu.memory_space<vmem>>
        %dma_start3A_389 = tpu.memref_squeeze %dma_start3A_388 : memref<1x40x128xf32, #tpu.memory_space<vmem>> -> memref<40x128xf32, #tpu.memory_space<vmem>>
        %dma_start3A_390 = arith.constant 0 : i32
        %dma_start3A_391 = tpu.memref_slice %arg6[%add3A_265, %dma_start3A_390] : memref<125x40xi32, #tpu.memory_space<vmem>> -> memref<1x40xi32, #tpu.memory_space<vmem>>
        %dma_start3A_392 = tpu.memref_squeeze %dma_start3A_391 : memref<1x40xi32, #tpu.memory_space<vmem>> -> memref<40xi32, #tpu.memory_space<vmem>>
        %dma_start3A_393 = arith.constant 0 : i32
        %dma_start3A_394 = arith.constant 0 : i32
        %dma_start3A_395 = tpu.memref_slice %arg8[%dma_start3A_393, %dma_start3A_394] : memref<10240x128xf32, #tpu.memory_space<vmem_shared>> -> memref<10240x128xf32, #tpu.memory_space<vmem_shared>>
        tpu.enqueue_indirect_dma source(%dma_start3A_389 : memref<40x128xf32, #tpu.memory_space<vmem>>) target(%dma_start3A_395 : memref<10240x128xf32, #tpu.memory_space<vmem_shared>>) offsets(%dma_start3A_392 : memref<40xi32, #tpu.memory_space<vmem>>) semaphore(%run_scoped3A_385 : memref<!tpu.dma_semaphore, #tpu.memory_space<semaphore_mem>>) {add = true}
        %dma_wait3A_396 = arith.constant 0 : i32
        %dma_wait3A_397 = arith.constant 0 : i32
        %dma_wait3A_398 = tpu.memref_slice %arg7[%run_scoped3A_283, %dma_wait3A_396, %dma_wait3A_397] : memref<5x40x128xf32, #tpu.memory_space<vmem>> -> memref<1x40x128xf32, #tpu.memory_space<vmem>>
        %dma_wait3A_399 = tpu.memref_squeeze %dma_wait3A_398 : memref<1x40x128xf32, #tpu.memory_space<vmem>> -> memref<40x128xf32, #tpu.memory_space<vmem>>
        %dma_wait3A_400 = arith.constant 0 : i32
        %dma_wait3A_401 = tpu.memref_slice %arg6[%add3A_265, %dma_wait3A_400] : memref<125x40xi32, #tpu.memory_space<vmem>> -> memref<1x40xi32, #tpu.memory_space<vmem>>
        %dma_wait3A_402 = tpu.memref_squeeze %dma_wait3A_401 : memref<1x40xi32, #tpu.memory_space<vmem>> -> memref<40xi32, #tpu.memory_space<vmem>>
        %dma_wait3A_403 = arith.constant 0 : i32
        %dma_wait3A_404 = arith.constant 0 : i32
        %dma_wait3A_405 = tpu.memref_slice %arg8[%dma_wait3A_403, %dma_wait3A_404] : memref<10240x128xf32, #tpu.memory_space<vmem_shared>> -> memref<10240x128xf32, #tpu.memory_space<vmem_shared>>
        tpu.wait_indirect_dma semaphore(%run_scoped3A_385 : memref<!tpu.dma_semaphore, #tpu.memory_space<semaphore_mem>>) src(%dma_wait3A_399 : memref<40x128xf32, #tpu.memory_space<vmem>>) dst(%dma_wait3A_405 : memref<10240x128xf32, #tpu.memory_space<vmem_shared>>)
        tpu.yield
      }) : () -> ()
      %add3A_284 = arith.constant 5 : i32
      %add3A_285 = arith.addi %add3A_265, %add3A_284 : i32
      %mul3A_286 = arith.constant 40 : i32
      %mul3A_287 = arith.muli %add3A_285, %mul3A_286 : i32
      %add3A_288 = arith.addi %multiple_of3A, %mul3A_287 : i32
      %multiple_of3A_289 = tpu.assume_multiple %add3A_288, 40 : i32
      %dma_start3A_290 = arith.constant 2 : i32
      %dma_start3A_291 = arith.constant 0 : i32
      %dma_start3A_292 = arith.constant 0 : i32
      %dma_start3A_293 = tpu.memref_slice %arg7[%dma_start3A_290, %dma_start3A_291, %dma_start3A_292] : memref<5x40x128xf32, #tpu.memory_space<vmem>> -> memref<1x40x128xf32, #tpu.memory_space<vmem>>
      %dma_start3A_294 = tpu.memref_squeeze %dma_start3A_293 : memref<1x40x128xf32, #tpu.memory_space<vmem>> -> memref<40x128xf32, #tpu.memory_space<vmem>>
      %dma_start3A_295 = arith.constant 0 : i32
      %dma_start3A_296 = tpu.memref_slice %arg2[%multiple_of3A_289, %dma_start3A_295] : memref<160000x128xf32, #tpu.memory_space<hbm>> -> memref<40x128xf32, #tpu.memory_space<hbm>>
      %dma_start3A_297 = arith.constant 0 : i32
      %dma_start3A_298 = arith.constant 0 : i32
      %dma_start3A_299 = tpu.memref_slice %arg7[%dma_start3A_290, %dma_start3A_297, %dma_start3A_298] : memref<5x40x128xf32, #tpu.memory_space<vmem>> -> memref<1x40x128xf32, #tpu.memory_space<vmem>>
      %dma_start3A_300 = tpu.memref_squeeze %dma_start3A_299 : memref<1x40x128xf32, #tpu.memory_space<vmem>> -> memref<40x128xf32, #tpu.memory_space<vmem>>
      %dma_start3A_301 = arith.constant 0 : i32
      %dma_start3A_302 = tpu.memref_slice %arg2[%multiple_of3A_289, %dma_start3A_301] : memref<160000x128xf32, #tpu.memory_space<hbm>> -> memref<40x128xf32, #tpu.memory_space<hbm>>
      tpu.enqueue_dma source(%dma_start3A_302 : memref<40x128xf32, #tpu.memory_space<hbm>>) target(%dma_start3A_300 : memref<40x128xf32, #tpu.memory_space<vmem>>) target_semaphore(%arg11 : memref<!tpu.dma_semaphore, #tpu.memory_space<semaphore_mem>>)
      %mul3A_303 = arith.constant 5 : i32
      %mul3A_304 = arith.muli %mul3A_303, %scan3A_179 : i32
      %add3A_305 = arith.constant 3 : i32
      %add3A_306 = arith.addi %mul3A_304, %add3A_305 : i32
      %mul3A_307 = arith.constant 40 : i32
      %mul3A_308 = arith.muli %add3A_306, %mul3A_307 : i32
      %add3A_309 = arith.addi %multiple_of3A, %mul3A_308 : i32
      %multiple_of3A_310 = tpu.assume_multiple %add3A_309, 40 : i32
      %dma_wait3A_311 = arith.constant 3 : i32
      %dma_wait3A_312 = arith.constant 0 : i32
      %dma_wait3A_313 = arith.constant 0 : i32
      %dma_wait3A_314 = tpu.memref_slice %arg7[%dma_wait3A_311, %dma_wait3A_312, %dma_wait3A_313] : memref<5x40x128xf32, #tpu.memory_space<vmem>> -> memref<1x40x128xf32, #tpu.memory_space<vmem>>
      %dma_wait3A_315 = tpu.memref_squeeze %dma_wait3A_314 : memref<1x40x128xf32, #tpu.memory_space<vmem>> -> memref<40x128xf32, #tpu.memory_space<vmem>>
      %dma_wait3A_316 = arith.constant 0 : i32
      %dma_wait3A_317 = tpu.memref_slice %arg2[%multiple_of3A_310, %dma_wait3A_316] : memref<160000x128xf32, #tpu.memory_space<hbm>> -> memref<40x128xf32, #tpu.memory_space<hbm>>
      %dma_wait3A_318 = arith.constant 0 : i32
      %dma_wait3A_319 = arith.constant 0 : i32
      %dma_wait3A_320 = tpu.memref_slice %arg7[%dma_wait3A_311, %dma_wait3A_318, %dma_wait3A_319] : memref<5x40x128xf32, #tpu.memory_space<vmem>> -> memref<1x40x128xf32, #tpu.memory_space<vmem>>
      %dma_wait3A_321 = tpu.memref_squeeze %dma_wait3A_320 : memref<1x40x128xf32, #tpu.memory_space<vmem>> -> memref<40x128xf32, #tpu.memory_space<vmem>>
      %dma_wait3A_322 = arith.constant 0 : i32
      %dma_wait3A_323 = tpu.memref_slice %arg2[%multiple_of3A_310, %dma_wait3A_322] : memref<160000x128xf32, #tpu.memory_space<hbm>> -> memref<40x128xf32, #tpu.memory_space<hbm>>
      tpu.wait_dma2 semaphore(%arg12 : memref<!tpu.dma_semaphore, #tpu.memory_space<semaphore_mem>>) src(%dma_wait3A_323 : memref<40x128xf32, #tpu.memory_space<hbm>>) dst(%dma_wait3A_321 : memref<40x128xf32, #tpu.memory_space<vmem>>)
      %run_scoped3A_324 = arith.constant 3 : i32
      "tpu.region"() ({
        %run_scoped3A_385 = tpu.sem_alloc : memref<!tpu.dma_semaphore, #tpu.memory_space<semaphore_mem>>
        %dma_start3A_386 = arith.constant 0 : i32
        %dma_start3A_387 = arith.constant 0 : i32
        %dma_start3A_388 = tpu.memref_slice %arg7[%run_scoped3A_324, %dma_start3A_386, %dma_start3A_387] : memref<5x40x128xf32, #tpu.memory_space<vmem>> -> memref<1x40x128xf32, #tpu.memory_space<vmem>>
        %dma_start3A_389 = tpu.memref_squeeze %dma_start3A_388 : memref<1x40x128xf32, #tpu.memory_space<vmem>> -> memref<40x128xf32, #tpu.memory_space<vmem>>
        %dma_start3A_390 = arith.constant 0 : i32
        %dma_start3A_391 = tpu.memref_slice %arg6[%add3A_306, %dma_start3A_390] : memref<125x40xi32, #tpu.memory_space<vmem>> -> memref<1x40xi32, #tpu.memory_space<vmem>>
        %dma_start3A_392 = tpu.memref_squeeze %dma_start3A_391 : memref<1x40xi32, #tpu.memory_space<vmem>> -> memref<40xi32, #tpu.memory_space<vmem>>
        %dma_start3A_393 = arith.constant 0 : i32
        %dma_start3A_394 = arith.constant 0 : i32
        %dma_start3A_395 = tpu.memref_slice %arg8[%dma_start3A_393, %dma_start3A_394] : memref<10240x128xf32, #tpu.memory_space<vmem_shared>> -> memref<10240x128xf32, #tpu.memory_space<vmem_shared>>
        tpu.enqueue_indirect_dma source(%dma_start3A_389 : memref<40x128xf32, #tpu.memory_space<vmem>>) target(%dma_start3A_395 : memref<10240x128xf32, #tpu.memory_space<vmem_shared>>) offsets(%dma_start3A_392 : memref<40xi32, #tpu.memory_space<vmem>>) semaphore(%run_scoped3A_385 : memref<!tpu.dma_semaphore, #tpu.memory_space<semaphore_mem>>) {add = true}
        %dma_wait3A_396 = arith.constant 0 : i32
        %dma_wait3A_397 = arith.constant 0 : i32
        %dma_wait3A_398 = tpu.memref_slice %arg7[%run_scoped3A_324, %dma_wait3A_396, %dma_wait3A_397] : memref<5x40x128xf32, #tpu.memory_space<vmem>> -> memref<1x40x128xf32, #tpu.memory_space<vmem>>
        %dma_wait3A_399 = tpu.memref_squeeze %dma_wait3A_398 : memref<1x40x128xf32, #tpu.memory_space<vmem>> -> memref<40x128xf32, #tpu.memory_space<vmem>>
        %dma_wait3A_400 = arith.constant 0 : i32
        %dma_wait3A_401 = tpu.memref_slice %arg6[%add3A_306, %dma_wait3A_400] : memref<125x40xi32, #tpu.memory_space<vmem>> -> memref<1x40xi32, #tpu.memory_space<vmem>>
        %dma_wait3A_402 = tpu.memref_squeeze %dma_wait3A_401 : memref<1x40xi32, #tpu.memory_space<vmem>> -> memref<40xi32, #tpu.memory_space<vmem>>
        %dma_wait3A_403 = arith.constant 0 : i32
        %dma_wait3A_404 = arith.constant 0 : i32
        %dma_wait3A_405 = tpu.memref_slice %arg8[%dma_wait3A_403, %dma_wait3A_404] : memref<10240x128xf32, #tpu.memory_space<vmem_shared>> -> memref<10240x128xf32, #tpu.memory_space<vmem_shared>>
        tpu.wait_indirect_dma semaphore(%run_scoped3A_385 : memref<!tpu.dma_semaphore, #tpu.memory_space<semaphore_mem>>) src(%dma_wait3A_399 : memref<40x128xf32, #tpu.memory_space<vmem>>) dst(%dma_wait3A_405 : memref<10240x128xf32, #tpu.memory_space<vmem_shared>>)
        tpu.yield
      }) : () -> ()
      %add3A_325 = arith.constant 5 : i32
      %add3A_326 = arith.addi %add3A_306, %add3A_325 : i32
      %mul3A_327 = arith.constant 40 : i32
      %mul3A_328 = arith.muli %add3A_326, %mul3A_327 : i32
      %add3A_329 = arith.addi %multiple_of3A, %mul3A_328 : i32
      %multiple_of3A_330 = tpu.assume_multiple %add3A_329, 40 : i32
      %dma_start3A_331 = arith.constant 3 : i32
      %dma_start3A_332 = arith.constant 0 : i32
      %dma_start3A_333 = arith.constant 0 : i32
      %dma_start3A_334 = tpu.memref_slice %arg7[%dma_start3A_331, %dma_start3A_332, %dma_start3A_333] : memref<5x40x128xf32, #tpu.memory_space<vmem>> -> memref<1x40x128xf32, #tpu.memory_space<vmem>>
      %dma_start3A_335 = tpu.memref_squeeze %dma_start3A_334 : memref<1x40x128xf32, #tpu.memory_space<vmem>> -> memref<40x128xf32, #tpu.memory_space<vmem>>
      %dma_start3A_336 = arith.constant 0 : i32
      %dma_start3A_337 = tpu.memref_slice %arg2[%multiple_of3A_330, %dma_start3A_336] : memref<160000x128xf32, #tpu.memory_space<hbm>> -> memref<40x128xf32, #tpu.memory_space<hbm>>
      %dma_start3A_338 = arith.constant 0 : i32
      %dma_start3A_339 = arith.constant 0 : i32
      %dma_start3A_340 = tpu.memref_slice %arg7[%dma_start3A_331, %dma_start3A_338, %dma_start3A_339] : memref<5x40x128xf32, #tpu.memory_space<vmem>> -> memref<1x40x128xf32, #tpu.memory_space<vmem>>
      %dma_start3A_341 = tpu.memref_squeeze %dma_start3A_340 : memref<1x40x128xf32, #tpu.memory_space<vmem>> -> memref<40x128xf32, #tpu.memory_space<vmem>>
      %dma_start3A_342 = arith.constant 0 : i32
      %dma_start3A_343 = tpu.memref_slice %arg2[%multiple_of3A_330, %dma_start3A_342] : memref<160000x128xf32, #tpu.memory_space<hbm>> -> memref<40x128xf32, #tpu.memory_space<hbm>>
      tpu.enqueue_dma source(%dma_start3A_343 : memref<40x128xf32, #tpu.memory_space<hbm>>) target(%dma_start3A_341 : memref<40x128xf32, #tpu.memory_space<vmem>>) target_semaphore(%arg12 : memref<!tpu.dma_semaphore, #tpu.memory_space<semaphore_mem>>)
      %mul3A_344 = arith.constant 5 : i32
      %mul3A_345 = arith.muli %mul3A_344, %scan3A_179 : i32
      %add3A_346 = arith.constant 4 : i32
      %add3A_347 = arith.addi %mul3A_345, %add3A_346 : i32
      %mul3A_348 = arith.constant 40 : i32
      %mul3A_349 = arith.muli %add3A_347, %mul3A_348 : i32
      %add3A_350 = arith.addi %multiple_of3A, %mul3A_349 : i32
      %multiple_of3A_351 = tpu.assume_multiple %add3A_350, 40 : i32
      %dma_wait3A_352 = arith.constant 4 : i32
      %dma_wait3A_353 = arith.constant 0 : i32
      %dma_wait3A_354 = arith.constant 0 : i32
      %dma_wait3A_355 = tpu.memref_slice %arg7[%dma_wait3A_352, %dma_wait3A_353, %dma_wait3A_354] : memref<5x40x128xf32, #tpu.memory_space<vmem>> -> memref<1x40x128xf32, #tpu.memory_space<vmem>>
      %dma_wait3A_356 = tpu.memref_squeeze %dma_wait3A_355 : memref<1x40x128xf32, #tpu.memory_space<vmem>> -> memref<40x128xf32, #tpu.memory_space<vmem>>
      %dma_wait3A_357 = arith.constant 0 : i32
      %dma_wait3A_358 = tpu.memref_slice %arg2[%multiple_of3A_351, %dma_wait3A_357] : memref<160000x128xf32, #tpu.memory_space<hbm>> -> memref<40x128xf32, #tpu.memory_space<hbm>>
      %dma_wait3A_359 = arith.constant 0 : i32
      %dma_wait3A_360 = arith.constant 0 : i32
      %dma_wait3A_361 = tpu.memref_slice %arg7[%dma_wait3A_352, %dma_wait3A_359, %dma_wait3A_360] : memref<5x40x128xf32, #tpu.memory_space<vmem>> -> memref<1x40x128xf32, #tpu.memory_space<vmem>>
      %dma_wait3A_362 = tpu.memref_squeeze %dma_wait3A_361 : memref<1x40x128xf32, #tpu.memory_space<vmem>> -> memref<40x128xf32, #tpu.memory_space<vmem>>
      %dma_wait3A_363 = arith.constant 0 : i32
      %dma_wait3A_364 = tpu.memref_slice %arg2[%multiple_of3A_351, %dma_wait3A_363] : memref<160000x128xf32, #tpu.memory_space<hbm>> -> memref<40x128xf32, #tpu.memory_space<hbm>>
      tpu.wait_dma2 semaphore(%arg13 : memref<!tpu.dma_semaphore, #tpu.memory_space<semaphore_mem>>) src(%dma_wait3A_364 : memref<40x128xf32, #tpu.memory_space<hbm>>) dst(%dma_wait3A_362 : memref<40x128xf32, #tpu.memory_space<vmem>>)
      %run_scoped3A_365 = arith.constant 4 : i32
      "tpu.region"() ({
        %run_scoped3A_385 = tpu.sem_alloc : memref<!tpu.dma_semaphore, #tpu.memory_space<semaphore_mem>>
        %dma_start3A_386 = arith.constant 0 : i32
        %dma_start3A_387 = arith.constant 0 : i32
        %dma_start3A_388 = tpu.memref_slice %arg7[%run_scoped3A_365, %dma_start3A_386, %dma_start3A_387] : memref<5x40x128xf32, #tpu.memory_space<vmem>> -> memref<1x40x128xf32, #tpu.memory_space<vmem>>
        %dma_start3A_389 = tpu.memref_squeeze %dma_start3A_388 : memref<1x40x128xf32, #tpu.memory_space<vmem>> -> memref<40x128xf32, #tpu.memory_space<vmem>>
        %dma_start3A_390 = arith.constant 0 : i32
        %dma_start3A_391 = tpu.memref_slice %arg6[%add3A_347, %dma_start3A_390] : memref<125x40xi32, #tpu.memory_space<vmem>> -> memref<1x40xi32, #tpu.memory_space<vmem>>
        %dma_start3A_392 = tpu.memref_squeeze %dma_start3A_391 : memref<1x40xi32, #tpu.memory_space<vmem>> -> memref<40xi32, #tpu.memory_space<vmem>>
        %dma_start3A_393 = arith.constant 0 : i32
        %dma_start3A_394 = arith.constant 0 : i32
        %dma_start3A_395 = tpu.memref_slice %arg8[%dma_start3A_393, %dma_start3A_394] : memref<10240x128xf32, #tpu.memory_space<vmem_shared>> -> memref<10240x128xf32, #tpu.memory_space<vmem_shared>>
        tpu.enqueue_indirect_dma source(%dma_start3A_389 : memref<40x128xf32, #tpu.memory_space<vmem>>) target(%dma_start3A_395 : memref<10240x128xf32, #tpu.memory_space<vmem_shared>>) offsets(%dma_start3A_392 : memref<40xi32, #tpu.memory_space<vmem>>) semaphore(%run_scoped3A_385 : memref<!tpu.dma_semaphore, #tpu.memory_space<semaphore_mem>>) {add = true}
        %dma_wait3A_396 = arith.constant 0 : i32
        %dma_wait3A_397 = arith.constant 0 : i32
        %dma_wait3A_398 = tpu.memref_slice %arg7[%run_scoped3A_365, %dma_wait3A_396, %dma_wait3A_397] : memref<5x40x128xf32, #tpu.memory_space<vmem>> -> memref<1x40x128xf32, #tpu.memory_space<vmem>>
        %dma_wait3A_399 = tpu.memref_squeeze %dma_wait3A_398 : memref<1x40x128xf32, #tpu.memory_space<vmem>> -> memref<40x128xf32, #tpu.memory_space<vmem>>
        %dma_wait3A_400 = arith.constant 0 : i32
        %dma_wait3A_401 = tpu.memref_slice %arg6[%add3A_347, %dma_wait3A_400] : memref<125x40xi32, #tpu.memory_space<vmem>> -> memref<1x40xi32, #tpu.memory_space<vmem>>
        %dma_wait3A_402 = tpu.memref_squeeze %dma_wait3A_401 : memref<1x40xi32, #tpu.memory_space<vmem>> -> memref<40xi32, #tpu.memory_space<vmem>>
        %dma_wait3A_403 = arith.constant 0 : i32
        %dma_wait3A_404 = arith.constant 0 : i32
        %dma_wait3A_405 = tpu.memref_slice %arg8[%dma_wait3A_403, %dma_wait3A_404] : memref<10240x128xf32, #tpu.memory_space<vmem_shared>> -> memref<10240x128xf32, #tpu.memory_space<vmem_shared>>
        tpu.wait_indirect_dma semaphore(%run_scoped3A_385 : memref<!tpu.dma_semaphore, #tpu.memory_space<semaphore_mem>>) src(%dma_wait3A_399 : memref<40x128xf32, #tpu.memory_space<vmem>>) dst(%dma_wait3A_405 : memref<10240x128xf32, #tpu.memory_space<vmem_shared>>)
        tpu.yield
      }) : () -> ()
      %add3A_366 = arith.constant 5 : i32
      %add3A_367 = arith.addi %add3A_347, %add3A_366 : i32
      %mul3A_368 = arith.constant 40 : i32
      %mul3A_369 = arith.muli %add3A_367, %mul3A_368 : i32
      %add3A_370 = arith.addi %multiple_of3A, %mul3A_369 : i32
      %multiple_of3A_371 = tpu.assume_multiple %add3A_370, 40 : i32
      %dma_start3A_372 = arith.constant 4 : i32
      %dma_start3A_373 = arith.constant 0 : i32
      %dma_start3A_374 = arith.constant 0 : i32
      %dma_start3A_375 = tpu.memref_slice %arg7[%dma_start3A_372, %dma_start3A_373, %dma_start3A_374] : memref<5x40x128xf32, #tpu.memory_space<vmem>> -> memref<1x40x128xf32, #tpu.memory_space<vmem>>
      %dma_start3A_376 = tpu.memref_squeeze %dma_start3A_375 : memref<1x40x128xf32, #tpu.memory_space<vmem>> -> memref<40x128xf32, #tpu.memory_space<vmem>>
      %dma_start3A_377 = arith.constant 0 : i32
      %dma_start3A_378 = tpu.memref_slice %arg2[%multiple_of3A_371, %dma_start3A_377] : memref<160000x128xf32, #tpu.memory_space<hbm>> -> memref<40x128xf32, #tpu.memory_space<hbm>>
      %dma_start3A_379 = arith.constant 0 : i32
      %dma_start3A_380 = arith.constant 0 : i32
      %dma_start3A_381 = tpu.memref_slice %arg7[%dma_start3A_372, %dma_start3A_379, %dma_start3A_380] : memref<5x40x128xf32, #tpu.memory_space<vmem>> -> memref<1x40x128xf32, #tpu.memory_space<vmem>>
      %dma_start3A_382 = tpu.memref_squeeze %dma_start3A_381 : memref<1x40x128xf32, #tpu.memory_space<vmem>> -> memref<40x128xf32, #tpu.memory_space<vmem>>
      %dma_start3A_383 = arith.constant 0 : i32
      %dma_start3A_384 = tpu.memref_slice %arg2[%multiple_of3A_371, %dma_start3A_383] : memref<160000x128xf32, #tpu.memory_space<hbm>> -> memref<40x128xf32, #tpu.memory_space<hbm>>
      tpu.enqueue_dma source(%dma_start3A_384 : memref<40x128xf32, #tpu.memory_space<hbm>>) target(%dma_start3A_382 : memref<40x128xf32, #tpu.memory_space<vmem>>) target_semaphore(%arg13 : memref<!tpu.dma_semaphore, #tpu.memory_space<semaphore_mem>>)
    }
    %scan3A_89 = arith.constant 24 : i32
    %add3A_90 = arith.constant 4800 : i32
    %add3A_91 = arith.addi %multiple_of3A, %add3A_90 : i32
    %multiple_of3A_92 = tpu.assume_multiple %add3A_91, 40 : i32
    %dma_wait3A = arith.constant 0 : i32
    %dma_wait3A_93 = arith.constant 0 : i32
    %dma_wait3A_94 = arith.constant 0 : i32
    %dma_wait3A_95 = tpu.memref_slice %arg7[%dma_wait3A, %dma_wait3A_93, %dma_wait3A_94] : memref<5x40x128xf32, #tpu.memory_space<vmem>> -> memref<1x40x128xf32, #tpu.memory_space<vmem>>
    %dma_wait3A_96 = tpu.memref_squeeze %dma_wait3A_95 : memref<1x40x128xf32, #tpu.memory_space<vmem>> -> memref<40x128xf32, #tpu.memory_space<vmem>>
    %dma_wait3A_97 = arith.constant 0 : i32
    %dma_wait3A_98 = tpu.memref_slice %arg2[%multiple_of3A_92, %dma_wait3A_97] : memref<160000x128xf32, #tpu.memory_space<hbm>> -> memref<40x128xf32, #tpu.memory_space<hbm>>
    %dma_wait3A_99 = arith.constant 0 : i32
    %dma_wait3A_100 = arith.constant 0 : i32
    %dma_wait3A_101 = tpu.memref_slice %arg7[%dma_wait3A, %dma_wait3A_99, %dma_wait3A_100] : memref<5x40x128xf32, #tpu.memory_space<vmem>> -> memref<1x40x128xf32, #tpu.memory_space<vmem>>
    %dma_wait3A_102 = tpu.memref_squeeze %dma_wait3A_101 : memref<1x40x128xf32, #tpu.memory_space<vmem>> -> memref<40x128xf32, #tpu.memory_space<vmem>>
    %dma_wait3A_103 = arith.constant 0 : i32
    %dma_wait3A_104 = tpu.memref_slice %arg2[%multiple_of3A_92, %dma_wait3A_103] : memref<160000x128xf32, #tpu.memory_space<hbm>> -> memref<40x128xf32, #tpu.memory_space<hbm>>
    tpu.wait_dma2 semaphore(%arg9 : memref<!tpu.dma_semaphore, #tpu.memory_space<semaphore_mem>>) src(%dma_wait3A_104 : memref<40x128xf32, #tpu.memory_space<hbm>>) dst(%dma_wait3A_102 : memref<40x128xf32, #tpu.memory_space<vmem>>)
    %run_scoped3A = arith.constant 0 : i32
    %run_scoped3A_105 = arith.constant 120 : i32
    "tpu.region"() ({
      %run_scoped3A_179 = tpu.sem_alloc : memref<!tpu.dma_semaphore, #tpu.memory_space<semaphore_mem>>
      %dma_start3A_180 = arith.constant 0 : i32
      %dma_start3A_181 = arith.constant 0 : i32
      %dma_start3A_182 = tpu.memref_slice %arg7[%run_scoped3A, %dma_start3A_180, %dma_start3A_181] : memref<5x40x128xf32, #tpu.memory_space<vmem>> -> memref<1x40x128xf32, #tpu.memory_space<vmem>>
      %dma_start3A_183 = tpu.memref_squeeze %dma_start3A_182 : memref<1x40x128xf32, #tpu.memory_space<vmem>> -> memref<40x128xf32, #tpu.memory_space<vmem>>
      %dma_start3A_184 = arith.constant 0 : i32
      %dma_start3A_185 = tpu.memref_slice %arg6[%run_scoped3A_105, %dma_start3A_184] : memref<125x40xi32, #tpu.memory_space<vmem>> -> memref<1x40xi32, #tpu.memory_space<vmem>>
      %dma_start3A_186 = tpu.memref_squeeze %dma_start3A_185 : memref<1x40xi32, #tpu.memory_space<vmem>> -> memref<40xi32, #tpu.memory_space<vmem>>
      %dma_start3A_187 = arith.constant 0 : i32
      %dma_start3A_188 = arith.constant 0 : i32
      %dma_start3A_189 = tpu.memref_slice %arg8[%dma_start3A_187, %dma_start3A_188] : memref<10240x128xf32, #tpu.memory_space<vmem_shared>> -> memref<10240x128xf32, #tpu.memory_space<vmem_shared>>
      tpu.enqueue_indirect_dma source(%dma_start3A_183 : memref<40x128xf32, #tpu.memory_space<vmem>>) target(%dma_start3A_189 : memref<10240x128xf32, #tpu.memory_space<vmem_shared>>) offsets(%dma_start3A_186 : memref<40xi32, #tpu.memory_space<vmem>>) semaphore(%run_scoped3A_179 : memref<!tpu.dma_semaphore, #tpu.memory_space<semaphore_mem>>) {add = true}
      %dma_wait3A_190 = arith.constant 0 : i32
      %dma_wait3A_191 = arith.constant 0 : i32
      %dma_wait3A_192 = tpu.memref_slice %arg7[%run_scoped3A, %dma_wait3A_190, %dma_wait3A_191] : memref<5x40x128xf32, #tpu.memory_space<vmem>> -> memref<1x40x128xf32, #tpu.memory_space<vmem>>
      %dma_wait3A_193 = tpu.memref_squeeze %dma_wait3A_192 : memref<1x40x128xf32, #tpu.memory_space<vmem>> -> memref<40x128xf32, #tpu.memory_space<vmem>>
      %dma_wait3A_194 = arith.constant 0 : i32
      %dma_wait3A_195 = tpu.memref_slice %arg6[%run_scoped3A_105, %dma_wait3A_194] : memref<125x40xi32, #tpu.memory_space<vmem>> -> memref<1x40xi32, #tpu.memory_space<vmem>>
      %dma_wait3A_196 = tpu.memref_squeeze %dma_wait3A_195 : memref<1x40xi32, #tpu.memory_space<vmem>> -> memref<40xi32, #tpu.memory_space<vmem>>
      %dma_wait3A_197 = arith.constant 0 : i32
      %dma_wait3A_198 = arith.constant 0 : i32
      %dma_wait3A_199 = tpu.memref_slice %arg8[%dma_wait3A_197, %dma_wait3A_198] : memref<10240x128xf32, #tpu.memory_space<vmem_shared>> -> memref<10240x128xf32, #tpu.memory_space<vmem_shared>>
      tpu.wait_indirect_dma semaphore(%run_scoped3A_179 : memref<!tpu.dma_semaphore, #tpu.memory_space<semaphore_mem>>) src(%dma_wait3A_193 : memref<40x128xf32, #tpu.memory_space<vmem>>) dst(%dma_wait3A_199 : memref<10240x128xf32, #tpu.memory_space<vmem_shared>>)
      tpu.yield
    }) : () -> ()
    %add3A_106 = arith.constant 4840 : i32
    %add3A_107 = arith.addi %multiple_of3A, %add3A_106 : i32
    %multiple_of3A_108 = tpu.assume_multiple %add3A_107, 40 : i32
    %dma_wait3A_109 = arith.constant 1 : i32
    %dma_wait3A_110 = arith.constant 0 : i32
    %dma_wait3A_111 = arith.constant 0 : i32
    %dma_wait3A_112 = tpu.memref_slice %arg7[%dma_wait3A_109, %dma_wait3A_110, %dma_wait3A_111] : memref<5x40x128xf32, #tpu.memory_space<vmem>> -> memref<1x40x128xf32, #tpu.memory_space<vmem>>
    %dma_wait3A_113 = tpu.memref_squeeze %dma_wait3A_112 : memref<1x40x128xf32, #tpu.memory_space<vmem>> -> memref<40x128xf32, #tpu.memory_space<vmem>>
    %dma_wait3A_114 = arith.constant 0 : i32
    %dma_wait3A_115 = tpu.memref_slice %arg2[%multiple_of3A_108, %dma_wait3A_114] : memref<160000x128xf32, #tpu.memory_space<hbm>> -> memref<40x128xf32, #tpu.memory_space<hbm>>
    %dma_wait3A_116 = arith.constant 0 : i32
    %dma_wait3A_117 = arith.constant 0 : i32
    %dma_wait3A_118 = tpu.memref_slice %arg7[%dma_wait3A_109, %dma_wait3A_116, %dma_wait3A_117] : memref<5x40x128xf32, #tpu.memory_space<vmem>> -> memref<1x40x128xf32, #tpu.memory_space<vmem>>
    %dma_wait3A_119 = tpu.memref_squeeze %dma_wait3A_118 : memref<1x40x128xf32, #tpu.memory_space<vmem>> -> memref<40x128xf32, #tpu.memory_space<vmem>>
    %dma_wait3A_120 = arith.constant 0 : i32
    %dma_wait3A_121 = tpu.memref_slice %arg2[%multiple_of3A_108, %dma_wait3A_120] : memref<160000x128xf32, #tpu.memory_space<hbm>> -> memref<40x128xf32, #tpu.memory_space<hbm>>
    tpu.wait_dma2 semaphore(%arg10 : memref<!tpu.dma_semaphore, #tpu.memory_space<semaphore_mem>>) src(%dma_wait3A_121 : memref<40x128xf32, #tpu.memory_space<hbm>>) dst(%dma_wait3A_119 : memref<40x128xf32, #tpu.memory_space<vmem>>)
    %run_scoped3A_122 = arith.constant 1 : i32
    %run_scoped3A_123 = arith.constant 121 : i32
    "tpu.region"() ({
      %run_scoped3A_179 = tpu.sem_alloc : memref<!tpu.dma_semaphore, #tpu.memory_space<semaphore_mem>>
      %dma_start3A_180 = arith.constant 0 : i32
      %dma_start3A_181 = arith.constant 0 : i32
      %dma_start3A_182 = tpu.memref_slice %arg7[%run_scoped3A_122, %dma_start3A_180, %dma_start3A_181] : memref<5x40x128xf32, #tpu.memory_space<vmem>> -> memref<1x40x128xf32, #tpu.memory_space<vmem>>
      %dma_start3A_183 = tpu.memref_squeeze %dma_start3A_182 : memref<1x40x128xf32, #tpu.memory_space<vmem>> -> memref<40x128xf32, #tpu.memory_space<vmem>>
      %dma_start3A_184 = arith.constant 0 : i32
      %dma_start3A_185 = tpu.memref_slice %arg6[%run_scoped3A_123, %dma_start3A_184] : memref<125x40xi32, #tpu.memory_space<vmem>> -> memref<1x40xi32, #tpu.memory_space<vmem>>
      %dma_start3A_186 = tpu.memref_squeeze %dma_start3A_185 : memref<1x40xi32, #tpu.memory_space<vmem>> -> memref<40xi32, #tpu.memory_space<vmem>>
      %dma_start3A_187 = arith.constant 0 : i32
      %dma_start3A_188 = arith.constant 0 : i32
      %dma_start3A_189 = tpu.memref_slice %arg8[%dma_start3A_187, %dma_start3A_188] : memref<10240x128xf32, #tpu.memory_space<vmem_shared>> -> memref<10240x128xf32, #tpu.memory_space<vmem_shared>>
      tpu.enqueue_indirect_dma source(%dma_start3A_183 : memref<40x128xf32, #tpu.memory_space<vmem>>) target(%dma_start3A_189 : memref<10240x128xf32, #tpu.memory_space<vmem_shared>>) offsets(%dma_start3A_186 : memref<40xi32, #tpu.memory_space<vmem>>) semaphore(%run_scoped3A_179 : memref<!tpu.dma_semaphore, #tpu.memory_space<semaphore_mem>>) {add = true}
      %dma_wait3A_190 = arith.constant 0 : i32
      %dma_wait3A_191 = arith.constant 0 : i32
      %dma_wait3A_192 = tpu.memref_slice %arg7[%run_scoped3A_122, %dma_wait3A_190, %dma_wait3A_191] : memref<5x40x128xf32, #tpu.memory_space<vmem>> -> memref<1x40x128xf32, #tpu.memory_space<vmem>>
      %dma_wait3A_193 = tpu.memref_squeeze %dma_wait3A_192 : memref<1x40x128xf32, #tpu.memory_space<vmem>> -> memref<40x128xf32, #tpu.memory_space<vmem>>
      %dma_wait3A_194 = arith.constant 0 : i32
      %dma_wait3A_195 = tpu.memref_slice %arg6[%run_scoped3A_123, %dma_wait3A_194] : memref<125x40xi32, #tpu.memory_space<vmem>> -> memref<1x40xi32, #tpu.memory_space<vmem>>
      %dma_wait3A_196 = tpu.memref_squeeze %dma_wait3A_195 : memref<1x40xi32, #tpu.memory_space<vmem>> -> memref<40xi32, #tpu.memory_space<vmem>>
      %dma_wait3A_197 = arith.constant 0 : i32
      %dma_wait3A_198 = arith.constant 0 : i32
      %dma_wait3A_199 = tpu.memref_slice %arg8[%dma_wait3A_197, %dma_wait3A_198] : memref<10240x128xf32, #tpu.memory_space<vmem_shared>> -> memref<10240x128xf32, #tpu.memory_space<vmem_shared>>
      tpu.wait_indirect_dma semaphore(%run_scoped3A_179 : memref<!tpu.dma_semaphore, #tpu.memory_space<semaphore_mem>>) src(%dma_wait3A_193 : memref<40x128xf32, #tpu.memory_space<vmem>>) dst(%dma_wait3A_199 : memref<10240x128xf32, #tpu.memory_space<vmem_shared>>)
      tpu.yield
    }) : () -> ()
    %add3A_124 = arith.constant 4880 : i32
    %add3A_125 = arith.addi %multiple_of3A, %add3A_124 : i32
    %multiple_of3A_126 = tpu.assume_multiple %add3A_125, 40 : i32
    %dma_wait3A_127 = arith.constant 2 : i32
    %dma_wait3A_128 = arith.constant 0 : i32
    %dma_wait3A_129 = arith.constant 0 : i32
    %dma_wait3A_130 = tpu.memref_slice %arg7[%dma_wait3A_127, %dma_wait3A_128, %dma_wait3A_129] : memref<5x40x128xf32, #tpu.memory_space<vmem>> -> memref<1x40x128xf32, #tpu.memory_space<vmem>>
    %dma_wait3A_131 = tpu.memref_squeeze %dma_wait3A_130 : memref<1x40x128xf32, #tpu.memory_space<vmem>> -> memref<40x128xf32, #tpu.memory_space<vmem>>
    %dma_wait3A_132 = arith.constant 0 : i32
    %dma_wait3A_133 = tpu.memref_slice %arg2[%multiple_of3A_126, %dma_wait3A_132] : memref<160000x128xf32, #tpu.memory_space<hbm>> -> memref<40x128xf32, #tpu.memory_space<hbm>>
    %dma_wait3A_134 = arith.constant 0 : i32
    %dma_wait3A_135 = arith.constant 0 : i32
    %dma_wait3A_136 = tpu.memref_slice %arg7[%dma_wait3A_127, %dma_wait3A_134, %dma_wait3A_135] : memref<5x40x128xf32, #tpu.memory_space<vmem>> -> memref<1x40x128xf32, #tpu.memory_space<vmem>>
    %dma_wait3A_137 = tpu.memref_squeeze %dma_wait3A_136 : memref<1x40x128xf32, #tpu.memory_space<vmem>> -> memref<40x128xf32, #tpu.memory_space<vmem>>
    %dma_wait3A_138 = arith.constant 0 : i32
    %dma_wait3A_139 = tpu.memref_slice %arg2[%multiple_of3A_126, %dma_wait3A_138] : memref<160000x128xf32, #tpu.memory_space<hbm>> -> memref<40x128xf32, #tpu.memory_space<hbm>>
    tpu.wait_dma2 semaphore(%arg11 : memref<!tpu.dma_semaphore, #tpu.memory_space<semaphore_mem>>) src(%dma_wait3A_139 : memref<40x128xf32, #tpu.memory_space<hbm>>) dst(%dma_wait3A_137 : memref<40x128xf32, #tpu.memory_space<vmem>>)
    %run_scoped3A_140 = arith.constant 2 : i32
    %run_scoped3A_141 = arith.constant 122 : i32
    "tpu.region"() ({
      %run_scoped3A_179 = tpu.sem_alloc : memref<!tpu.dma_semaphore, #tpu.memory_space<semaphore_mem>>
      %dma_start3A_180 = arith.constant 0 : i32
      %dma_start3A_181 = arith.constant 0 : i32
      %dma_start3A_182 = tpu.memref_slice %arg7[%run_scoped3A_140, %dma_start3A_180, %dma_start3A_181] : memref<5x40x128xf32, #tpu.memory_space<vmem>> -> memref<1x40x128xf32, #tpu.memory_space<vmem>>
      %dma_start3A_183 = tpu.memref_squeeze %dma_start3A_182 : memref<1x40x128xf32, #tpu.memory_space<vmem>> -> memref<40x128xf32, #tpu.memory_space<vmem>>
      %dma_start3A_184 = arith.constant 0 : i32
      %dma_start3A_185 = tpu.memref_slice %arg6[%run_scoped3A_141, %dma_start3A_184] : memref<125x40xi32, #tpu.memory_space<vmem>> -> memref<1x40xi32, #tpu.memory_space<vmem>>
      %dma_start3A_186 = tpu.memref_squeeze %dma_start3A_185 : memref<1x40xi32, #tpu.memory_space<vmem>> -> memref<40xi32, #tpu.memory_space<vmem>>
      %dma_start3A_187 = arith.constant 0 : i32
      %dma_start3A_188 = arith.constant 0 : i32
      %dma_start3A_189 = tpu.memref_slice %arg8[%dma_start3A_187, %dma_start3A_188] : memref<10240x128xf32, #tpu.memory_space<vmem_shared>> -> memref<10240x128xf32, #tpu.memory_space<vmem_shared>>
      tpu.enqueue_indirect_dma source(%dma_start3A_183 : memref<40x128xf32, #tpu.memory_space<vmem>>) target(%dma_start3A_189 : memref<10240x128xf32, #tpu.memory_space<vmem_shared>>) offsets(%dma_start3A_186 : memref<40xi32, #tpu.memory_space<vmem>>) semaphore(%run_scoped3A_179 : memref<!tpu.dma_semaphore, #tpu.memory_space<semaphore_mem>>) {add = true}
      %dma_wait3A_190 = arith.constant 0 : i32
      %dma_wait3A_191 = arith.constant 0 : i32
      %dma_wait3A_192 = tpu.memref_slice %arg7[%run_scoped3A_140, %dma_wait3A_190, %dma_wait3A_191] : memref<5x40x128xf32, #tpu.memory_space<vmem>> -> memref<1x40x128xf32, #tpu.memory_space<vmem>>
      %dma_wait3A_193 = tpu.memref_squeeze %dma_wait3A_192 : memref<1x40x128xf32, #tpu.memory_space<vmem>> -> memref<40x128xf32, #tpu.memory_space<vmem>>
      %dma_wait3A_194 = arith.constant 0 : i32
      %dma_wait3A_195 = tpu.memref_slice %arg6[%run_scoped3A_141, %dma_wait3A_194] : memref<125x40xi32, #tpu.memory_space<vmem>> -> memref<1x40xi32, #tpu.memory_space<vmem>>
      %dma_wait3A_196 = tpu.memref_squeeze %dma_wait3A_195 : memref<1x40xi32, #tpu.memory_space<vmem>> -> memref<40xi32, #tpu.memory_space<vmem>>
      %dma_wait3A_197 = arith.constant 0 : i32
      %dma_wait3A_198 = arith.constant 0 : i32
      %dma_wait3A_199 = tpu.memref_slice %arg8[%dma_wait3A_197, %dma_wait3A_198] : memref<10240x128xf32, #tpu.memory_space<vmem_shared>> -> memref<10240x128xf32, #tpu.memory_space<vmem_shared>>
      tpu.wait_indirect_dma semaphore(%run_scoped3A_179 : memref<!tpu.dma_semaphore, #tpu.memory_space<semaphore_mem>>) src(%dma_wait3A_193 : memref<40x128xf32, #tpu.memory_space<vmem>>) dst(%dma_wait3A_199 : memref<10240x128xf32, #tpu.memory_space<vmem_shared>>)
      tpu.yield
    }) : () -> ()
    %add3A_142 = arith.constant 4920 : i32
    %add3A_143 = arith.addi %multiple_of3A, %add3A_142 : i32
    %multiple_of3A_144 = tpu.assume_multiple %add3A_143, 40 : i32
    %dma_wait3A_145 = arith.constant 3 : i32
    %dma_wait3A_146 = arith.constant 0 : i32
    %dma_wait3A_147 = arith.constant 0 : i32
    %dma_wait3A_148 = tpu.memref_slice %arg7[%dma_wait3A_145, %dma_wait3A_146, %dma_wait3A_147] : memref<5x40x128xf32, #tpu.memory_space<vmem>> -> memref<1x40x128xf32, #tpu.memory_space<vmem>>
    %dma_wait3A_149 = tpu.memref_squeeze %dma_wait3A_148 : memref<1x40x128xf32, #tpu.memory_space<vmem>> -> memref<40x128xf32, #tpu.memory_space<vmem>>
    %dma_wait3A_150 = arith.constant 0 : i32
    %dma_wait3A_151 = tpu.memref_slice %arg2[%multiple_of3A_144, %dma_wait3A_150] : memref<160000x128xf32, #tpu.memory_space<hbm>> -> memref<40x128xf32, #tpu.memory_space<hbm>>
    %dma_wait3A_152 = arith.constant 0 : i32
    %dma_wait3A_153 = arith.constant 0 : i32
    %dma_wait3A_154 = tpu.memref_slice %arg7[%dma_wait3A_145, %dma_wait3A_152, %dma_wait3A_153] : memref<5x40x128xf32, #tpu.memory_space<vmem>> -> memref<1x40x128xf32, #tpu.memory_space<vmem>>
    %dma_wait3A_155 = tpu.memref_squeeze %dma_wait3A_154 : memref<1x40x128xf32, #tpu.memory_space<vmem>> -> memref<40x128xf32, #tpu.memory_space<vmem>>
    %dma_wait3A_156 = arith.constant 0 : i32
    %dma_wait3A_157 = tpu.memref_slice %arg2[%multiple_of3A_144, %dma_wait3A_156] : memref<160000x128xf32, #tpu.memory_space<hbm>> -> memref<40x128xf32, #tpu.memory_space<hbm>>
    tpu.wait_dma2 semaphore(%arg12 : memref<!tpu.dma_semaphore, #tpu.memory_space<semaphore_mem>>) src(%dma_wait3A_157 : memref<40x128xf32, #tpu.memory_space<hbm>>) dst(%dma_wait3A_155 : memref<40x128xf32, #tpu.memory_space<vmem>>)
    %run_scoped3A_158 = arith.constant 3 : i32
    %run_scoped3A_159 = arith.constant 123 : i32
    "tpu.region"() ({
      %run_scoped3A_179 = tpu.sem_alloc : memref<!tpu.dma_semaphore, #tpu.memory_space<semaphore_mem>>
      %dma_start3A_180 = arith.constant 0 : i32
      %dma_start3A_181 = arith.constant 0 : i32
      %dma_start3A_182 = tpu.memref_slice %arg7[%run_scoped3A_158, %dma_start3A_180, %dma_start3A_181] : memref<5x40x128xf32, #tpu.memory_space<vmem>> -> memref<1x40x128xf32, #tpu.memory_space<vmem>>
      %dma_start3A_183 = tpu.memref_squeeze %dma_start3A_182 : memref<1x40x128xf32, #tpu.memory_space<vmem>> -> memref<40x128xf32, #tpu.memory_space<vmem>>
      %dma_start3A_184 = arith.constant 0 : i32
      %dma_start3A_185 = tpu.memref_slice %arg6[%run_scoped3A_159, %dma_start3A_184] : memref<125x40xi32, #tpu.memory_space<vmem>> -> memref<1x40xi32, #tpu.memory_space<vmem>>
      %dma_start3A_186 = tpu.memref_squeeze %dma_start3A_185 : memref<1x40xi32, #tpu.memory_space<vmem>> -> memref<40xi32, #tpu.memory_space<vmem>>
      %dma_start3A_187 = arith.constant 0 : i32
      %dma_start3A_188 = arith.constant 0 : i32
      %dma_start3A_189 = tpu.memref_slice %arg8[%dma_start3A_187, %dma_start3A_188] : memref<10240x128xf32, #tpu.memory_space<vmem_shared>> -> memref<10240x128xf32, #tpu.memory_space<vmem_shared>>
      tpu.enqueue_indirect_dma source(%dma_start3A_183 : memref<40x128xf32, #tpu.memory_space<vmem>>) target(%dma_start3A_189 : memref<10240x128xf32, #tpu.memory_space<vmem_shared>>) offsets(%dma_start3A_186 : memref<40xi32, #tpu.memory_space<vmem>>) semaphore(%run_scoped3A_179 : memref<!tpu.dma_semaphore, #tpu.memory_space<semaphore_mem>>) {add = true}
      %dma_wait3A_190 = arith.constant 0 : i32
      %dma_wait3A_191 = arith.constant 0 : i32
      %dma_wait3A_192 = tpu.memref_slice %arg7[%run_scoped3A_158, %dma_wait3A_190, %dma_wait3A_191] : memref<5x40x128xf32, #tpu.memory_space<vmem>> -> memref<1x40x128xf32, #tpu.memory_space<vmem>>
      %dma_wait3A_193 = tpu.memref_squeeze %dma_wait3A_192 : memref<1x40x128xf32, #tpu.memory_space<vmem>> -> memref<40x128xf32, #tpu.memory_space<vmem>>
      %dma_wait3A_194 = arith.constant 0 : i32
      %dma_wait3A_195 = tpu.memref_slice %arg6[%run_scoped3A_159, %dma_wait3A_194] : memref<125x40xi32, #tpu.memory_space<vmem>> -> memref<1x40xi32, #tpu.memory_space<vmem>>
      %dma_wait3A_196 = tpu.memref_squeeze %dma_wait3A_195 : memref<1x40xi32, #tpu.memory_space<vmem>> -> memref<40xi32, #tpu.memory_space<vmem>>
      %dma_wait3A_197 = arith.constant 0 : i32
      %dma_wait3A_198 = arith.constant 0 : i32
      %dma_wait3A_199 = tpu.memref_slice %arg8[%dma_wait3A_197, %dma_wait3A_198] : memref<10240x128xf32, #tpu.memory_space<vmem_shared>> -> memref<10240x128xf32, #tpu.memory_space<vmem_shared>>
      tpu.wait_indirect_dma semaphore(%run_scoped3A_179 : memref<!tpu.dma_semaphore, #tpu.memory_space<semaphore_mem>>) src(%dma_wait3A_193 : memref<40x128xf32, #tpu.memory_space<vmem>>) dst(%dma_wait3A_199 : memref<10240x128xf32, #tpu.memory_space<vmem_shared>>)
      tpu.yield
    }) : () -> ()
    %add3A_160 = arith.constant 4960 : i32
    %add3A_161 = arith.addi %multiple_of3A, %add3A_160 : i32
    %multiple_of3A_162 = tpu.assume_multiple %add3A_161, 40 : i32
    %dma_wait3A_163 = arith.constant 4 : i32
    %dma_wait3A_164 = arith.constant 0 : i32
    %dma_wait3A_165 = arith.constant 0 : i32
    %dma_wait3A_166 = tpu.memref_slice %arg7[%dma_wait3A_163, %dma_wait3A_164, %dma_wait3A_165] : memref<5x40x128xf32, #tpu.memory_space<vmem>> -> memref<1x40x128xf32, #tpu.memory_space<vmem>>
    %dma_wait3A_167 = tpu.memref_squeeze %dma_wait3A_166 : memref<1x40x128xf32, #tpu.memory_space<vmem>> -> memref<40x128xf32, #tpu.memory_space<vmem>>
    %dma_wait3A_168 = arith.constant 0 : i32
    %dma_wait3A_169 = tpu.memref_slice %arg2[%multiple_of3A_162, %dma_wait3A_168] : memref<160000x128xf32, #tpu.memory_space<hbm>> -> memref<40x128xf32, #tpu.memory_space<hbm>>
    %dma_wait3A_170 = arith.constant 0 : i32
    %dma_wait3A_171 = arith.constant 0 : i32
    %dma_wait3A_172 = tpu.memref_slice %arg7[%dma_wait3A_163, %dma_wait3A_170, %dma_wait3A_171] : memref<5x40x128xf32, #tpu.memory_space<vmem>> -> memref<1x40x128xf32, #tpu.memory_space<vmem>>
    %dma_wait3A_173 = tpu.memref_squeeze %dma_wait3A_172 : memref<1x40x128xf32, #tpu.memory_space<vmem>> -> memref<40x128xf32, #tpu.memory_space<vmem>>
    %dma_wait3A_174 = arith.constant 0 : i32
    %dma_wait3A_175 = tpu.memref_slice %arg2[%multiple_of3A_162, %dma_wait3A_174] : memref<160000x128xf32, #tpu.memory_space<hbm>> -> memref<40x128xf32, #tpu.memory_space<hbm>>
    tpu.wait_dma2 semaphore(%arg13 : memref<!tpu.dma_semaphore, #tpu.memory_space<semaphore_mem>>) src(%dma_wait3A_175 : memref<40x128xf32, #tpu.memory_space<hbm>>) dst(%dma_wait3A_173 : memref<40x128xf32, #tpu.memory_space<vmem>>)
    %run_scoped3A_176 = arith.constant 4 : i32
    %run_scoped3A_177 = arith.constant 124 : i32
    "tpu.region"() ({
      %run_scoped3A_179 = tpu.sem_alloc : memref<!tpu.dma_semaphore, #tpu.memory_space<semaphore_mem>>
      %dma_start3A_180 = arith.constant 0 : i32
      %dma_start3A_181 = arith.constant 0 : i32
      %dma_start3A_182 = tpu.memref_slice %arg7[%run_scoped3A_176, %dma_start3A_180, %dma_start3A_181] : memref<5x40x128xf32, #tpu.memory_space<vmem>> -> memref<1x40x128xf32, #tpu.memory_space<vmem>>
      %dma_start3A_183 = tpu.memref_squeeze %dma_start3A_182 : memref<1x40x128xf32, #tpu.memory_space<vmem>> -> memref<40x128xf32, #tpu.memory_space<vmem>>
      %dma_start3A_184 = arith.constant 0 : i32
      %dma_start3A_185 = tpu.memref_slice %arg6[%run_scoped3A_177, %dma_start3A_184] : memref<125x40xi32, #tpu.memory_space<vmem>> -> memref<1x40xi32, #tpu.memory_space<vmem>>
      %dma_start3A_186 = tpu.memref_squeeze %dma_start3A_185 : memref<1x40xi32, #tpu.memory_space<vmem>> -> memref<40xi32, #tpu.memory_space<vmem>>
      %dma_start3A_187 = arith.constant 0 : i32
      %dma_start3A_188 = arith.constant 0 : i32
      %dma_start3A_189 = tpu.memref_slice %arg8[%dma_start3A_187, %dma_start3A_188] : memref<10240x128xf32, #tpu.memory_space<vmem_shared>> -> memref<10240x128xf32, #tpu.memory_space<vmem_shared>>
      tpu.enqueue_indirect_dma source(%dma_start3A_183 : memref<40x128xf32, #tpu.memory_space<vmem>>) target(%dma_start3A_189 : memref<10240x128xf32, #tpu.memory_space<vmem_shared>>) offsets(%dma_start3A_186 : memref<40xi32, #tpu.memory_space<vmem>>) semaphore(%run_scoped3A_179 : memref<!tpu.dma_semaphore, #tpu.memory_space<semaphore_mem>>) {add = true}
      %dma_wait3A_190 = arith.constant 0 : i32
      %dma_wait3A_191 = arith.constant 0 : i32
      %dma_wait3A_192 = tpu.memref_slice %arg7[%run_scoped3A_176, %dma_wait3A_190, %dma_wait3A_191] : memref<5x40x128xf32, #tpu.memory_space<vmem>> -> memref<1x40x128xf32, #tpu.memory_space<vmem>>
      %dma_wait3A_193 = tpu.memref_squeeze %dma_wait3A_192 : memref<1x40x128xf32, #tpu.memory_space<vmem>> -> memref<40x128xf32, #tpu.memory_space<vmem>>
      %dma_wait3A_194 = arith.constant 0 : i32
      %dma_wait3A_195 = tpu.memref_slice %arg6[%run_scoped3A_177, %dma_wait3A_194] : memref<125x40xi32, #tpu.memory_space<vmem>> -> memref<1x40xi32, #tpu.memory_space<vmem>>
      %dma_wait3A_196 = tpu.memref_squeeze %dma_wait3A_195 : memref<1x40xi32, #tpu.memory_space<vmem>> -> memref<40xi32, #tpu.memory_space<vmem>>
      %dma_wait3A_197 = arith.constant 0 : i32
      %dma_wait3A_198 = arith.constant 0 : i32
      %dma_wait3A_199 = tpu.memref_slice %arg8[%dma_wait3A_197, %dma_wait3A_198] : memref<10240x128xf32, #tpu.memory_space<vmem_shared>> -> memref<10240x128xf32, #tpu.memory_space<vmem_shared>>
      tpu.wait_indirect_dma semaphore(%run_scoped3A_179 : memref<!tpu.dma_semaphore, #tpu.memory_space<semaphore_mem>>) src(%dma_wait3A_193 : memref<40x128xf32, #tpu.memory_space<vmem>>) dst(%dma_wait3A_199 : memref<10240x128xf32, #tpu.memory_space<vmem_shared>>)
      tpu.yield
    }) : () -> ()
    %barrier3A_178 = arith.constant 0 : index
    tpu.barrier barrier_id(%barrier3A_178)
    "tpu.region"() ({
      %run_scoped3A_179 = tpu.sem_alloc : memref<!tpu.dma_semaphore, #tpu.memory_space<semaphore_mem>>
      %dma_start3A_180 = arith.constant 0 : i32
      %dma_start3A_181 = tpu.memref_slice %arg5[%arg0, %multiple_of3A_5, %dma_start3A_180] : memref<2x10240x128xf32, #tpu.memory_space<hbm>> -> memref<1x640x128xf32, #tpu.memory_space<hbm>>
      %dma_start3A_182 = tpu.memref_squeeze %dma_start3A_181 : memref<1x640x128xf32, #tpu.memory_space<hbm>> -> memref<640x128xf32, #tpu.memory_space<hbm>>
      %dma_start3A_183 = arith.constant 0 : i32
      %dma_start3A_184 = tpu.memref_slice %arg8[%multiple_of3A_5, %dma_start3A_183] : memref<10240x128xf32, #tpu.memory_space<vmem_shared>> -> memref<640x128xf32, #tpu.memory_space<vmem_shared>>
      tpu.enqueue_dma source(%dma_start3A_184 : memref<640x128xf32, #tpu.memory_space<vmem_shared>>) target(%dma_start3A_182 : memref<640x128xf32, #tpu.memory_space<hbm>>) target_semaphore(%run_scoped3A_179 : memref<!tpu.dma_semaphore, #tpu.memory_space<semaphore_mem>>)
      %dma_wait3A_185 = arith.constant 0 : i32
      %dma_wait3A_186 = tpu.memref_slice %arg5[%arg0, %multiple_of3A_5, %dma_wait3A_185] : memref<2x10240x128xf32, #tpu.memory_space<hbm>> -> memref<1x640x128xf32, #tpu.memory_space<hbm>>
      %dma_wait3A_187 = tpu.memref_squeeze %dma_wait3A_186 : memref<1x640x128xf32, #tpu.memory_space<hbm>> -> memref<640x128xf32, #tpu.memory_space<hbm>>
      %dma_wait3A_188 = arith.constant 0 : i32
      %dma_wait3A_189 = tpu.memref_slice %arg8[%multiple_of3A_5, %dma_wait3A_188] : memref<10240x128xf32, #tpu.memory_space<vmem_shared>> -> memref<640x128xf32, #tpu.memory_space<vmem_shared>>
      tpu.wait_dma2 semaphore(%run_scoped3A_179 : memref<!tpu.dma_semaphore, #tpu.memory_space<semaphore_mem>>) src(%dma_wait3A_189 : memref<640x128xf32, #tpu.memory_space<vmem_shared>>) dst(%dma_wait3A_187 : memref<640x128xf32, #tpu.memory_space<hbm>>)
      tpu.yield
    }) : () -> ()
    return
  }
}

#map = affine_map<(d0, d1) -> (0, 0)>
#map1 = affine_map<(d0, d1) -> (0, 0, 0)>
module attributes {stable_mosaic.version = 14 : i64} {
  func.func @_scatter_k(%arg0: i32, %arg1: i32, %arg2: memref<160000x128xf32, #tpu.memory_space<hbm>>, %arg3: memref<32x125x40xi32, #tpu.memory_space<hbm>>, %arg4: memref<10240x128xf32, #tpu.memory_space<hbm>>, %arg5: memref<2x10240x128xf32, #tpu.memory_space<hbm>>, %arg6: memref<125x40xi32, #tpu.memory_space<vmem>>, %arg7: memref<5x40x128xf32, #tpu.memory_space<vmem>>, %arg8: memref<10240x128xf32, #tpu.memory_space<vmem_shared>>, %arg9: memref<!tpu.dma_semaphore, #tpu.memory_space<semaphore_mem>>, %arg10: memref<!tpu.dma_semaphore, #tpu.memory_space<semaphore_mem>>, %arg11: memref<!tpu.dma_semaphore, #tpu.memory_space<semaphore_mem>>, %arg12: memref<!tpu.dma_semaphore, #tpu.memory_space<semaphore_mem>>, %arg13: memref<!tpu.dma_semaphore, #tpu.memory_space<semaphore_mem>>) attributes {dimension_semantics = [#tpu.dimension_semantics<core_parallel>, #tpu.dimension_semantics<subcore_parallel>], iteration_bounds = array<i64: 2, 16>, scalar_prefetch = 0 : i64, scratch_operands = 8 : i64, tpu.core_type = #tpu.core_type<sc_vector_subcore>, window_params = [{transform_indices = #map}, {transform_indices = #map1}, {transform_indices = #map}, {transform_indices = #map1}]} {
    %mul3A = arith.constant 2 : i32
    %mul3A_0 = arith.muli %arg1, %mul3A : i32
    %add3A = arith.addi %mul3A_0, %arg0 : i32
    %mul3A_1 = arith.constant 5000 : i32
    %mul3A_2 = arith.muli %add3A, %mul3A_1 : i32
    %multiple_of3A = tpu.assume_multiple %mul3A_2, 40 : i32
    "tpu.region"() ({
      %run_scoped3A_179 = tpu.sem_alloc : memref<!tpu.dma_semaphore, #tpu.memory_space<semaphore_mem>>
      %dma_start3A_180 = arith.constant 0 : i32
      %dma_start3A_181 = arith.constant 0 : i32
      %dma_start3A_182 = tpu.memref_slice %arg3[%add3A, %dma_start3A_180, %dma_start3A_181] : memref<32x125x40xi32, #tpu.memory_space<hbm>> -> memref<1x125x40xi32, #tpu.memory_space<hbm>>
      %dma_start3A_183 = tpu.memref_squeeze %dma_start3A_182 : memref<1x125x40xi32, #tpu.memory_space<hbm>> -> memref<125x40xi32, #tpu.memory_space<hbm>>
      %dma_start3A_184 = arith.constant 0 : i32
      %dma_start3A_185 = arith.constant 0 : i32
      %dma_start3A_186 = tpu.memref_slice %arg3[%add3A, %dma_start3A_184, %dma_start3A_185] : memref<32x125x40xi32, #tpu.memory_space<hbm>> -> memref<1x125x40xi32, #tpu.memory_space<hbm>>
      %dma_start3A_187 = tpu.memref_squeeze %dma_start3A_186 : memref<1x125x40xi32, #tpu.memory_space<hbm>> -> memref<125x40xi32, #tpu.memory_space<hbm>>
      tpu.enqueue_dma source(%dma_start3A_187 : memref<125x40xi32, #tpu.memory_space<hbm>>) target(%arg6 : memref<125x40xi32, #tpu.memory_space<vmem>>) target_semaphore(%run_scoped3A_179 : memref<!tpu.dma_semaphore, #tpu.memory_space<semaphore_mem>>)
      %dma_wait3A_188 = arith.constant 0 : i32
      %dma_wait3A_189 = arith.constant 0 : i32
      %dma_wait3A_190 = tpu.memref_slice %arg3[%add3A, %dma_wait3A_188, %dma_wait3A_189] : memref<32x125x40xi32, #tpu.memory_space<hbm>> -> memref<1x125x40xi32, #tpu.memory_space<hbm>>
      %dma_wait3A_191 = tpu.memref_squeeze %dma_wait3A_190 : memref<1x125x40xi32, #tpu.memory_space<hbm>> -> memref<125x40xi32, #tpu.memory_space<hbm>>
      %dma_wait3A_192 = arith.constant 0 : i32
      %dma_wait3A_193 = arith.constant 0 : i32
      %dma_wait3A_194 = tpu.memref_slice %arg3[%add3A, %dma_wait3A_192, %dma_wait3A_193] : memref<32x125x40xi32, #tpu.memory_space<hbm>> -> memref<1x125x40xi32, #tpu.memory_space<hbm>>
      %dma_wait3A_195 = tpu.memref_squeeze %dma_wait3A_194 : memref<1x125x40xi32, #tpu.memory_space<hbm>> -> memref<125x40xi32, #tpu.memory_space<hbm>>
      tpu.wait_dma2 semaphore(%run_scoped3A_179 : memref<!tpu.dma_semaphore, #tpu.memory_space<semaphore_mem>>) src(%dma_wait3A_195 : memref<125x40xi32, #tpu.memory_space<hbm>>) dst(%arg6 : memref<125x40xi32, #tpu.memory_space<vmem>>)
      tpu.yield
    }) : () -> ()
    %mul3A_3 = arith.constant 640 : i32
    %mul3A_4 = arith.muli %arg1, %mul3A_3 : i32
    %multiple_of3A_5 = tpu.assume_multiple %mul3A_4, 8 : i32
    "tpu.region"() ({
      %run_scoped3A_179 = tpu.sem_alloc : memref<!tpu.dma_semaphore, #tpu.memory_space<semaphore_mem>>
      %dma_start3A_180 = arith.constant 0 : i32
      %dma_start3A_181 = tpu.memref_slice %arg8[%multiple_of3A_5, %dma_start3A_180] : memref<10240x128xf32, #tpu.memory_space<vmem_shared>> -> memref<640x128xf32, #tpu.memory_space<vmem_shared>>
      %dma_start3A_182 = arith.constant 0 : i32
      %dma_start3A_183 = tpu.memref_slice %arg4[%multiple_of3A_5, %dma_start3A_182] : memref<10240x128xf32, #tpu.memory_space<hbm>> -> memref<640x128xf32, #tpu.memory_space<hbm>>
      tpu.enqueue_dma source(%dma_start3A_183 : memref<640x128xf32, #tpu.memory_space<hbm>>) target(%dma_start3A_181 : memref<640x128xf32, #tpu.memory_space<vmem_shared>>) target_semaphore(%run_scoped3A_179 : memref<!tpu.dma_semaphore, #tpu.memory_space<semaphore_mem>>)
      %dma_wait3A_184 = arith.constant 0 : i32
      %dma_wait3A_185 = tpu.memref_slice %arg8[%multiple_of3A_5, %dma_wait3A_184] : memref<10240x128xf32, #tpu.memory_space<vmem_shared>> -> memref<640x128xf32, #tpu.memory_space<vmem_shared>>
      %dma_wait3A_186 = arith.constant 0 : i32
      %dma_wait3A_187 = tpu.memref_slice %arg4[%multiple_of3A_5, %dma_wait3A_186] : memref<10240x128xf32, #tpu.memory_space<hbm>> -> memref<640x128xf32, #tpu.memory_space<hbm>>
      tpu.wait_dma2 semaphore(%run_scoped3A_179 : memref<!tpu.dma_semaphore, #tpu.memory_space<semaphore_mem>>) src(%dma_wait3A_187 : memref<640x128xf32, #tpu.memory_space<hbm>>) dst(%dma_wait3A_185 : memref<640x128xf32, #tpu.memory_space<vmem_shared>>)
      tpu.yield
    }) : () -> ()
    %barrier3A = arith.constant 0 : index
    tpu.barrier barrier_id(%barrier3A)
    %add3A_6 = arith.constant 0 : i32
    %add3A_7 = arith.addi %multiple_of3A, %add3A_6 : i32
    %multiple_of3A_8 = tpu.assume_multiple %add3A_7, 40 : i32
    %dma_start3A = arith.constant 0 : i32
    %dma_start3A_9 = arith.constant 0 : i32
    %dma_start3A_10 = arith.constant 0 : i32
    %dma_start3A_11 = tpu.memref_slice %arg7[%dma_start3A, %dma_start3A_9, %dma_start3A_10] : memref<5x40x128xf32, #tpu.memory_space<vmem>> -> memref<1x40x128xf32, #tpu.memory_space<vmem>>
    %dma_start3A_12 = tpu.memref_squeeze %dma_start3A_11 : memref<1x40x128xf32, #tpu.memory_space<vmem>> -> memref<40x128xf32, #tpu.memory_space<vmem>>
    %dma_start3A_13 = arith.constant 0 : i32
    %dma_start3A_14 = tpu.memref_slice %arg2[%multiple_of3A_8, %dma_start3A_13] : memref<160000x128xf32, #tpu.memory_space<hbm>> -> memref<40x128xf32, #tpu.memory_space<hbm>>
    %dma_start3A_15 = arith.constant 0 : i32
    %dma_start3A_16 = arith.constant 0 : i32
    %dma_start3A_17 = tpu.memref_slice %arg7[%dma_start3A, %dma_start3A_15, %dma_start3A_16] : memref<5x40x128xf32, #tpu.memory_space<vmem>> -> memref<1x40x128xf32, #tpu.memory_space<vmem>>
    %dma_start3A_18 = tpu.memref_squeeze %dma_start3A_17 : memref<1x40x128xf32, #tpu.memory_space<vmem>> -> memref<40x128xf32, #tpu.memory_space<vmem>>
    %dma_start3A_19 = arith.constant 0 : i32
    %dma_start3A_20 = tpu.memref_slice %arg2[%multiple_of3A_8, %dma_start3A_19] : memref<160000x128xf32, #tpu.memory_space<hbm>> -> memref<40x128xf32, #tpu.memory_space<hbm>>
    tpu.enqueue_dma source(%dma_start3A_20 : memref<40x128xf32, #tpu.memory_space<hbm>>) target(%dma_start3A_18 : memref<40x128xf32, #tpu.memory_space<vmem>>) target_semaphore(%arg9 : memref<!tpu.dma_semaphore, #tpu.memory_space<semaphore_mem>>)
    %add3A_21 = arith.constant 40 : i32
    %add3A_22 = arith.addi %multiple_of3A, %add3A_21 : i32
    %multiple_of3A_23 = tpu.assume_multiple %add3A_22, 40 : i32
    %dma_start3A_24 = arith.constant 1 : i32
    %dma_start3A_25 = arith.constant 0 : i32
    %dma_start3A_26 = arith.constant 0 : i32
    %dma_start3A_27 = tpu.memref_slice %arg7[%dma_start3A_24, %dma_start3A_25, %dma_start3A_26] : memref<5x40x128xf32, #tpu.memory_space<vmem>> -> memref<1x40x128xf32, #tpu.memory_space<vmem>>
    %dma_start3A_28 = tpu.memref_squeeze %dma_start3A_27 : memref<1x40x128xf32, #tpu.memory_space<vmem>> -> memref<40x128xf32, #tpu.memory_space<vmem>>
    %dma_start3A_29 = arith.constant 0 : i32
    %dma_start3A_30 = tpu.memref_slice %arg2[%multiple_of3A_23, %dma_start3A_29] : memref<160000x128xf32, #tpu.memory_space<hbm>> -> memref<40x128xf32, #tpu.memory_space<hbm>>
    %dma_start3A_31 = arith.constant 0 : i32
    %dma_start3A_32 = arith.constant 0 : i32
    %dma_start3A_33 = tpu.memref_slice %arg7[%dma_start3A_24, %dma_start3A_31, %dma_start3A_32] : memref<5x40x128xf32, #tpu.memory_space<vmem>> -> memref<1x40x128xf32, #tpu.memory_space<vmem>>
    %dma_start3A_34 = tpu.memref_squeeze %dma_start3A_33 : memref<1x40x128xf32, #tpu.memory_space<vmem>> -> memref<40x128xf32, #tpu.memory_space<vmem>>
    %dma_start3A_35 = arith.constant 0 : i32
    %dma_start3A_36 = tpu.memref_slice %arg2[%multiple_of3A_23, %dma_start3A_35] : memref<160000x128xf32, #tpu.memory_space<hbm>> -> memref<40x128xf32, #tpu.memory_space<hbm>>
    tpu.enqueue_dma source(%dma_start3A_36 : memref<40x128xf32, #tpu.memory_space<hbm>>) target(%dma_start3A_34 : memref<40x128xf32, #tpu.memory_space<vmem>>) target_semaphore(%arg10 : memref<!tpu.dma_semaphore, #tpu.memory_space<semaphore_mem>>)
    %add3A_37 = arith.constant 80 : i32
    %add3A_38 = arith.addi %multiple_of3A, %add3A_37 : i32
    %multiple_of3A_39 = tpu.assume_multiple %add3A_38, 40 : i32
    %dma_start3A_40 = arith.constant 2 : i32
    %dma_start3A_41 = arith.constant 0 : i32
    %dma_start3A_42 = arith.constant 0 : i32
    %dma_start3A_43 = tpu.memref_slice %arg7[%dma_start3A_40, %dma_start3A_41, %dma_start3A_42] : memref<5x40x128xf32, #tpu.memory_space<vmem>> -> memref<1x40x128xf32, #tpu.memory_space<vmem>>
    %dma_start3A_44 = tpu.memref_squeeze %dma_start3A_43 : memref<1x40x128xf32, #tpu.memory_space<vmem>> -> memref<40x128xf32, #tpu.memory_space<vmem>>
    %dma_start3A_45 = arith.constant 0 : i32
    %dma_start3A_46 = tpu.memref_slice %arg2[%multiple_of3A_39, %dma_start3A_45] : memref<160000x128xf32, #tpu.memory_space<hbm>> -> memref<40x128xf32, #tpu.memory_space<hbm>>
    %dma_start3A_47 = arith.constant 0 : i32
    %dma_start3A_48 = arith.constant 0 : i32
    %dma_start3A_49 = tpu.memref_slice %arg7[%dma_start3A_40, %dma_start3A_47, %dma_start3A_48] : memref<5x40x128xf32, #tpu.memory_space<vmem>> -> memref<1x40x128xf32, #tpu.memory_space<vmem>>
    %dma_start3A_50 = tpu.memref_squeeze %dma_start3A_49 : memref<1x40x128xf32, #tpu.memory_space<vmem>> -> memref<40x128xf32, #tpu.memory_space<vmem>>
    %dma_start3A_51 = arith.constant 0 : i32
    %dma_start3A_52 = tpu.memref_slice %arg2[%multiple_of3A_39, %dma_start3A_51] : memref<160000x128xf32, #tpu.memory_space<hbm>> -> memref<40x128xf32, #tpu.memory_space<hbm>>
    tpu.enqueue_dma source(%dma_start3A_52 : memref<40x128xf32, #tpu.memory_space<hbm>>) target(%dma_start3A_50 : memref<40x128xf32, #tpu.memory_space<vmem>>) target_semaphore(%arg11 : memref<!tpu.dma_semaphore, #tpu.memory_space<semaphore_mem>>)
    %add3A_53 = arith.constant 120 : i32
    %add3A_54 = arith.addi %multiple_of3A, %add3A_53 : i32
    %multiple_of3A_55 = tpu.assume_multiple %add3A_54, 40 : i32
    %dma_start3A_56 = arith.constant 3 : i32
    %dma_start3A_57 = arith.constant 0 : i32
    %dma_start3A_58 = arith.constant 0 : i32
    %dma_start3A_59 = tpu.memref_slice %arg7[%dma_start3A_56, %dma_start3A_57, %dma_start3A_58] : memref<5x40x128xf32, #tpu.memory_space<vmem>> -> memref<1x40x128xf32, #tpu.memory_space<vmem>>
    %dma_start3A_60 = tpu.memref_squeeze %dma_start3A_59 : memref<1x40x128xf32, #tpu.memory_space<vmem>> -> memref<40x128xf32, #tpu.memory_space<vmem>>
    %dma_start3A_61 = arith.constant 0 : i32
    %dma_start3A_62 = tpu.memref_slice %arg2[%multiple_of3A_55, %dma_start3A_61] : memref<160000x128xf32, #tpu.memory_space<hbm>> -> memref<40x128xf32, #tpu.memory_space<hbm>>
    %dma_start3A_63 = arith.constant 0 : i32
    %dma_start3A_64 = arith.constant 0 : i32
    %dma_start3A_65 = tpu.memref_slice %arg7[%dma_start3A_56, %dma_start3A_63, %dma_start3A_64] : memref<5x40x128xf32, #tpu.memory_space<vmem>> -> memref<1x40x128xf32, #tpu.memory_space<vmem>>
    %dma_start3A_66 = tpu.memref_squeeze %dma_start3A_65 : memref<1x40x128xf32, #tpu.memory_space<vmem>> -> memref<40x128xf32, #tpu.memory_space<vmem>>
    %dma_start3A_67 = arith.constant 0 : i32
    %dma_start3A_68 = tpu.memref_slice %arg2[%multiple_of3A_55, %dma_start3A_67] : memref<160000x128xf32, #tpu.memory_space<hbm>> -> memref<40x128xf32, #tpu.memory_space<hbm>>
    tpu.enqueue_dma source(%dma_start3A_68 : memref<40x128xf32, #tpu.memory_space<hbm>>) target(%dma_start3A_66 : memref<40x128xf32, #tpu.memory_space<vmem>>) target_semaphore(%arg12 : memref<!tpu.dma_semaphore, #tpu.memory_space<semaphore_mem>>)
    %add3A_69 = arith.constant 160 : i32
    %add3A_70 = arith.addi %multiple_of3A, %add3A_69 : i32
    %multiple_of3A_71 = tpu.assume_multiple %add3A_70, 40 : i32
    %dma_start3A_72 = arith.constant 4 : i32
    %dma_start3A_73 = arith.constant 0 : i32
    %dma_start3A_74 = arith.constant 0 : i32
    %dma_start3A_75 = tpu.memref_slice %arg7[%dma_start3A_72, %dma_start3A_73, %dma_start3A_74] : memref<5x40x128xf32, #tpu.memory_space<vmem>> -> memref<1x40x128xf32, #tpu.memory_space<vmem>>
    %dma_start3A_76 = tpu.memref_squeeze %dma_start3A_75 : memref<1x40x128xf32, #tpu.memory_space<vmem>> -> memref<40x128xf32, #tpu.memory_space<vmem>>
    %dma_start3A_77 = arith.constant 0 : i32
    %dma_start3A_78 = tpu.memref_slice %arg2[%multiple_of3A_71, %dma_start3A_77] : memref<160000x128xf32, #tpu.memory_space<hbm>> -> memref<40x128xf32, #tpu.memory_space<hbm>>
    %dma_start3A_79 = arith.constant 0 : i32
    %dma_start3A_80 = arith.constant 0 : i32
    %dma_start3A_81 = tpu.memref_slice %arg7[%dma_start3A_72, %dma_start3A_79, %dma_start3A_80] : memref<5x40x128xf32, #tpu.memory_space<vmem>> -> memref<1x40x128xf32, #tpu.memory_space<vmem>>
    %dma_start3A_82 = tpu.memref_squeeze %dma_start3A_81 : memref<1x40x128xf32, #tpu.memory_space<vmem>> -> memref<40x128xf32, #tpu.memory_space<vmem>>
    %dma_start3A_83 = arith.constant 0 : i32
    %dma_start3A_84 = tpu.memref_slice %arg2[%multiple_of3A_71, %dma_start3A_83] : memref<160000x128xf32, #tpu.memory_space<hbm>> -> memref<40x128xf32, #tpu.memory_space<hbm>>
    tpu.enqueue_dma source(%dma_start3A_84 : memref<40x128xf32, #tpu.memory_space<hbm>>) target(%dma_start3A_82 : memref<40x128xf32, #tpu.memory_space<vmem>>) target_semaphore(%arg13 : memref<!tpu.dma_semaphore, #tpu.memory_space<semaphore_mem>>)
    %scan3A = arith.constant 0 : i32
    %scan3A_85 = arith.constant 0 : i32
    %scan3A_86 = arith.constant 24 : i32
    %scan3A_87 = arith.addi %scan3A_85, %scan3A_86 : i32
    %scan3A_88 = arith.constant 1 : i32
    scf.for %scan3A_179 = %scan3A_85 to %scan3A_87 step %scan3A_88  : i32 {
      %mul3A_180 = arith.constant 5 : i32
      %mul3A_181 = arith.muli %mul3A_180, %scan3A_179 : i32
      %add3A_182 = arith.constant 0 : i32
      %add3A_183 = arith.addi %mul3A_181, %add3A_182 : i32
      %mul3A_184 = arith.constant 40 : i32
      %mul3A_185 = arith.muli %add3A_183, %mul3A_184 : i32
      %add3A_186 = arith.addi %multiple_of3A, %mul3A_185 : i32
      %multiple_of3A_187 = tpu.assume_multiple %add3A_186, 40 : i32
      %dma_wait3A_188 = arith.constant 0 : i32
      %dma_wait3A_189 = arith.constant 0 : i32
      %dma_wait3A_190 = arith.constant 0 : i32
      %dma_wait3A_191 = tpu.memref_slice %arg7[%dma_wait3A_188, %dma_wait3A_189, %dma_wait3A_190] : memref<5x40x128xf32, #tpu.memory_space<vmem>> -> memref<1x40x128xf32, #tpu.memory_space<vmem>>
      %dma_wait3A_192 = tpu.memref_squeeze %dma_wait3A_191 : memref<1x40x128xf32, #tpu.memory_space<vmem>> -> memref<40x128xf32, #tpu.memory_space<vmem>>
      %dma_wait3A_193 = arith.constant 0 : i32
      %dma_wait3A_194 = tpu.memref_slice %arg2[%multiple_of3A_187, %dma_wait3A_193] : memref<160000x128xf32, #tpu.memory_space<hbm>> -> memref<40x128xf32, #tpu.memory_space<hbm>>
      %dma_wait3A_195 = arith.constant 0 : i32
      %dma_wait3A_196 = arith.constant 0 : i32
      %dma_wait3A_197 = tpu.memref_slice %arg7[%dma_wait3A_188, %dma_wait3A_195, %dma_wait3A_196] : memref<5x40x128xf32, #tpu.memory_space<vmem>> -> memref<1x40x128xf32, #tpu.memory_space<vmem>>
      %dma_wait3A_198 = tpu.memref_squeeze %dma_wait3A_197 : memref<1x40x128xf32, #tpu.memory_space<vmem>> -> memref<40x128xf32, #tpu.memory_space<vmem>>
      %dma_wait3A_199 = arith.constant 0 : i32
      %dma_wait3A_200 = tpu.memref_slice %arg2[%multiple_of3A_187, %dma_wait3A_199] : memref<160000x128xf32, #tpu.memory_space<hbm>> -> memref<40x128xf32, #tpu.memory_space<hbm>>
      tpu.wait_dma2 semaphore(%arg9 : memref<!tpu.dma_semaphore, #tpu.memory_space<semaphore_mem>>) src(%dma_wait3A_200 : memref<40x128xf32, #tpu.memory_space<hbm>>) dst(%dma_wait3A_198 : memref<40x128xf32, #tpu.memory_space<vmem>>)
      %run_scoped3A_201 = arith.constant 0 : i32
      "tpu.region"() ({
        %run_scoped3A_385 = tpu.sem_alloc : memref<!tpu.dma_semaphore, #tpu.memory_space<semaphore_mem>>
        %dma_start3A_386 = arith.constant 0 : i32
        %dma_start3A_387 = arith.constant 0 : i32
        %dma_start3A_388 = tpu.memref_slice %arg7[%run_scoped3A_201, %dma_start3A_386, %dma_start3A_387] : memref<5x40x128xf32, #tpu.memory_space<vmem>> -> memref<1x40x128xf32, #tpu.memory_space<vmem>>
        %dma_start3A_389 = tpu.memref_squeeze %dma_start3A_388 : memref<1x40x128xf32, #tpu.memory_space<vmem>> -> memref<40x128xf32, #tpu.memory_space<vmem>>
        %dma_start3A_390 = arith.constant 0 : i32
        %dma_start3A_391 = tpu.memref_slice %arg6[%add3A_183, %dma_start3A_390] : memref<125x40xi32, #tpu.memory_space<vmem>> -> memref<1x40xi32, #tpu.memory_space<vmem>>
        %dma_start3A_392 = tpu.memref_squeeze %dma_start3A_391 : memref<1x40xi32, #tpu.memory_space<vmem>> -> memref<40xi32, #tpu.memory_space<vmem>>
        %dma_start3A_393 = arith.constant 0 : i32
        %dma_start3A_394 = arith.constant 0 : i32
        %dma_start3A_395 = tpu.memref_slice %arg8[%dma_start3A_393, %dma_start3A_394] : memref<10240x128xf32, #tpu.memory_space<vmem_shared>> -> memref<10240x128xf32, #tpu.memory_space<vmem_shared>>
        tpu.enqueue_indirect_dma source(%dma_start3A_389 : memref<40x128xf32, #tpu.memory_space<vmem>>) target(%dma_start3A_395 : memref<10240x128xf32, #tpu.memory_space<vmem_shared>>) offsets(%dma_start3A_392 : memref<40xi32, #tpu.memory_space<vmem>>) semaphore(%run_scoped3A_385 : memref<!tpu.dma_semaphore, #tpu.memory_space<semaphore_mem>>) {add = true}
        %dma_wait3A_396 = arith.constant 0 : i32
        %dma_wait3A_397 = arith.constant 0 : i32
        %dma_wait3A_398 = tpu.memref_slice %arg7[%run_scoped3A_201, %dma_wait3A_396, %dma_wait3A_397] : memref<5x40x128xf32, #tpu.memory_space<vmem>> -> memref<1x40x128xf32, #tpu.memory_space<vmem>>
        %dma_wait3A_399 = tpu.memref_squeeze %dma_wait3A_398 : memref<1x40x128xf32, #tpu.memory_space<vmem>> -> memref<40x128xf32, #tpu.memory_space<vmem>>
        %dma_wait3A_400 = arith.constant 0 : i32
        %dma_wait3A_401 = tpu.memref_slice %arg6[%add3A_183, %dma_wait3A_400] : memref<125x40xi32, #tpu.memory_space<vmem>> -> memref<1x40xi32, #tpu.memory_space<vmem>>
        %dma_wait3A_402 = tpu.memref_squeeze %dma_wait3A_401 : memref<1x40xi32, #tpu.memory_space<vmem>> -> memref<40xi32, #tpu.memory_space<vmem>>
        %dma_wait3A_403 = arith.constant 0 : i32
        %dma_wait3A_404 = arith.constant 0 : i32
        %dma_wait3A_405 = tpu.memref_slice %arg8[%dma_wait3A_403, %dma_wait3A_404] : memref<10240x128xf32, #tpu.memory_space<vmem_shared>> -> memref<10240x128xf32, #tpu.memory_space<vmem_shared>>
        tpu.wait_indirect_dma semaphore(%run_scoped3A_385 : memref<!tpu.dma_semaphore, #tpu.memory_space<semaphore_mem>>) src(%dma_wait3A_399 : memref<40x128xf32, #tpu.memory_space<vmem>>) dst(%dma_wait3A_405 : memref<10240x128xf32, #tpu.memory_space<vmem_shared>>)
        tpu.yield
      }) : () -> ()
      %add3A_202 = arith.constant 5 : i32
      %add3A_203 = arith.addi %add3A_183, %add3A_202 : i32
      %mul3A_204 = arith.constant 40 : i32
      %mul3A_205 = arith.muli %add3A_203, %mul3A_204 : i32
      %add3A_206 = arith.addi %multiple_of3A, %mul3A_205 : i32
      %multiple_of3A_207 = tpu.assume_multiple %add3A_206, 40 : i32
      %dma_start3A_208 = arith.constant 0 : i32
      %dma_start3A_209 = arith.constant 0 : i32
      %dma_start3A_210 = arith.constant 0 : i32
      %dma_start3A_211 = tpu.memref_slice %arg7[%dma_start3A_208, %dma_start3A_209, %dma_start3A_210] : memref<5x40x128xf32, #tpu.memory_space<vmem>> -> memref<1x40x128xf32, #tpu.memory_space<vmem>>
      %dma_start3A_212 = tpu.memref_squeeze %dma_start3A_211 : memref<1x40x128xf32, #tpu.memory_space<vmem>> -> memref<40x128xf32, #tpu.memory_space<vmem>>
      %dma_start3A_213 = arith.constant 0 : i32
      %dma_start3A_214 = tpu.memref_slice %arg2[%multiple_of3A_207, %dma_start3A_213] : memref<160000x128xf32, #tpu.memory_space<hbm>> -> memref<40x128xf32, #tpu.memory_space<hbm>>
      %dma_start3A_215 = arith.constant 0 : i32
      %dma_start3A_216 = arith.constant 0 : i32
      %dma_start3A_217 = tpu.memref_slice %arg7[%dma_start3A_208, %dma_start3A_215, %dma_start3A_216] : memref<5x40x128xf32, #tpu.memory_space<vmem>> -> memref<1x40x128xf32, #tpu.memory_space<vmem>>
      %dma_start3A_218 = tpu.memref_squeeze %dma_start3A_217 : memref<1x40x128xf32, #tpu.memory_space<vmem>> -> memref<40x128xf32, #tpu.memory_space<vmem>>
      %dma_start3A_219 = arith.constant 0 : i32
      %dma_start3A_220 = tpu.memref_slice %arg2[%multiple_of3A_207, %dma_start3A_219] : memref<160000x128xf32, #tpu.memory_space<hbm>> -> memref<40x128xf32, #tpu.memory_space<hbm>>
      tpu.enqueue_dma source(%dma_start3A_220 : memref<40x128xf32, #tpu.memory_space<hbm>>) target(%dma_start3A_218 : memref<40x128xf32, #tpu.memory_space<vmem>>) target_semaphore(%arg9 : memref<!tpu.dma_semaphore, #tpu.memory_space<semaphore_mem>>)
      %mul3A_221 = arith.constant 5 : i32
      %mul3A_222 = arith.muli %mul3A_221, %scan3A_179 : i32
      %add3A_223 = arith.constant 1 : i32
      %add3A_224 = arith.addi %mul3A_222, %add3A_223 : i32
      %mul3A_225 = arith.constant 40 : i32
      %mul3A_226 = arith.muli %add3A_224, %mul3A_225 : i32
      %add3A_227 = arith.addi %multiple_of3A, %mul3A_226 : i32
      %multiple_of3A_228 = tpu.assume_multiple %add3A_227, 40 : i32
      %dma_wait3A_229 = arith.constant 1 : i32
      %dma_wait3A_230 = arith.constant 0 : i32
      %dma_wait3A_231 = arith.constant 0 : i32
      %dma_wait3A_232 = tpu.memref_slice %arg7[%dma_wait3A_229, %dma_wait3A_230, %dma_wait3A_231] : memref<5x40x128xf32, #tpu.memory_space<vmem>> -> memref<1x40x128xf32, #tpu.memory_space<vmem>>
      %dma_wait3A_233 = tpu.memref_squeeze %dma_wait3A_232 : memref<1x40x128xf32, #tpu.memory_space<vmem>> -> memref<40x128xf32, #tpu.memory_space<vmem>>
      %dma_wait3A_234 = arith.constant 0 : i32
      %dma_wait3A_235 = tpu.memref_slice %arg2[%multiple_of3A_228, %dma_wait3A_234] : memref<160000x128xf32, #tpu.memory_space<hbm>> -> memref<40x128xf32, #tpu.memory_space<hbm>>
      %dma_wait3A_236 = arith.constant 0 : i32
      %dma_wait3A_237 = arith.constant 0 : i32
      %dma_wait3A_238 = tpu.memref_slice %arg7[%dma_wait3A_229, %dma_wait3A_236, %dma_wait3A_237] : memref<5x40x128xf32, #tpu.memory_space<vmem>> -> memref<1x40x128xf32, #tpu.memory_space<vmem>>
      %dma_wait3A_239 = tpu.memref_squeeze %dma_wait3A_238 : memref<1x40x128xf32, #tpu.memory_space<vmem>> -> memref<40x128xf32, #tpu.memory_space<vmem>>
      %dma_wait3A_240 = arith.constant 0 : i32
      %dma_wait3A_241 = tpu.memref_slice %arg2[%multiple_of3A_228, %dma_wait3A_240] : memref<160000x128xf32, #tpu.memory_space<hbm>> -> memref<40x128xf32, #tpu.memory_space<hbm>>
      tpu.wait_dma2 semaphore(%arg10 : memref<!tpu.dma_semaphore, #tpu.memory_space<semaphore_mem>>) src(%dma_wait3A_241 : memref<40x128xf32, #tpu.memory_space<hbm>>) dst(%dma_wait3A_239 : memref<40x128xf32, #tpu.memory_space<vmem>>)
      %run_scoped3A_242 = arith.constant 1 : i32
      "tpu.region"() ({
        %run_scoped3A_385 = tpu.sem_alloc : memref<!tpu.dma_semaphore, #tpu.memory_space<semaphore_mem>>
        %dma_start3A_386 = arith.constant 0 : i32
        %dma_start3A_387 = arith.constant 0 : i32
        %dma_start3A_388 = tpu.memref_slice %arg7[%run_scoped3A_242, %dma_start3A_386, %dma_start3A_387] : memref<5x40x128xf32, #tpu.memory_space<vmem>> -> memref<1x40x128xf32, #tpu.memory_space<vmem>>
        %dma_start3A_389 = tpu.memref_squeeze %dma_start3A_388 : memref<1x40x128xf32, #tpu.memory_space<vmem>> -> memref<40x128xf32, #tpu.memory_space<vmem>>
        %dma_start3A_390 = arith.constant 0 : i32
        %dma_start3A_391 = tpu.memref_slice %arg6[%add3A_224, %dma_start3A_390] : memref<125x40xi32, #tpu.memory_space<vmem>> -> memref<1x40xi32, #tpu.memory_space<vmem>>
        %dma_start3A_392 = tpu.memref_squeeze %dma_start3A_391 : memref<1x40xi32, #tpu.memory_space<vmem>> -> memref<40xi32, #tpu.memory_space<vmem>>
        %dma_start3A_393 = arith.constant 0 : i32
        %dma_start3A_394 = arith.constant 0 : i32
        %dma_start3A_395 = tpu.memref_slice %arg8[%dma_start3A_393, %dma_start3A_394] : memref<10240x128xf32, #tpu.memory_space<vmem_shared>> -> memref<10240x128xf32, #tpu.memory_space<vmem_shared>>
        tpu.enqueue_indirect_dma source(%dma_start3A_389 : memref<40x128xf32, #tpu.memory_space<vmem>>) target(%dma_start3A_395 : memref<10240x128xf32, #tpu.memory_space<vmem_shared>>) offsets(%dma_start3A_392 : memref<40xi32, #tpu.memory_space<vmem>>) semaphore(%run_scoped3A_385 : memref<!tpu.dma_semaphore, #tpu.memory_space<semaphore_mem>>) {add = true}
        %dma_wait3A_396 = arith.constant 0 : i32
        %dma_wait3A_397 = arith.constant 0 : i32
        %dma_wait3A_398 = tpu.memref_slice %arg7[%run_scoped3A_242, %dma_wait3A_396, %dma_wait3A_397] : memref<5x40x128xf32, #tpu.memory_space<vmem>> -> memref<1x40x128xf32, #tpu.memory_space<vmem>>
        %dma_wait3A_399 = tpu.memref_squeeze %dma_wait3A_398 : memref<1x40x128xf32, #tpu.memory_space<vmem>> -> memref<40x128xf32, #tpu.memory_space<vmem>>
        %dma_wait3A_400 = arith.constant 0 : i32
        %dma_wait3A_401 = tpu.memref_slice %arg6[%add3A_224, %dma_wait3A_400] : memref<125x40xi32, #tpu.memory_space<vmem>> -> memref<1x40xi32, #tpu.memory_space<vmem>>
        %dma_wait3A_402 = tpu.memref_squeeze %dma_wait3A_401 : memref<1x40xi32, #tpu.memory_space<vmem>> -> memref<40xi32, #tpu.memory_space<vmem>>
        %dma_wait3A_403 = arith.constant 0 : i32
        %dma_wait3A_404 = arith.constant 0 : i32
        %dma_wait3A_405 = tpu.memref_slice %arg8[%dma_wait3A_403, %dma_wait3A_404] : memref<10240x128xf32, #tpu.memory_space<vmem_shared>> -> memref<10240x128xf32, #tpu.memory_space<vmem_shared>>
        tpu.wait_indirect_dma semaphore(%run_scoped3A_385 : memref<!tpu.dma_semaphore, #tpu.memory_space<semaphore_mem>>) src(%dma_wait3A_399 : memref<40x128xf32, #tpu.memory_space<vmem>>) dst(%dma_wait3A_405 : memref<10240x128xf32, #tpu.memory_space<vmem_shared>>)
        tpu.yield
      }) : () -> ()
      %add3A_243 = arith.constant 5 : i32
      %add3A_244 = arith.addi %add3A_224, %add3A_243 : i32
      %mul3A_245 = arith.constant 40 : i32
      %mul3A_246 = arith.muli %add3A_244, %mul3A_245 : i32
      %add3A_247 = arith.addi %multiple_of3A, %mul3A_246 : i32
      %multiple_of3A_248 = tpu.assume_multiple %add3A_247, 40 : i32
      %dma_start3A_249 = arith.constant 1 : i32
      %dma_start3A_250 = arith.constant 0 : i32
      %dma_start3A_251 = arith.constant 0 : i32
      %dma_start3A_252 = tpu.memref_slice %arg7[%dma_start3A_249, %dma_start3A_250, %dma_start3A_251] : memref<5x40x128xf32, #tpu.memory_space<vmem>> -> memref<1x40x128xf32, #tpu.memory_space<vmem>>
      %dma_start3A_253 = tpu.memref_squeeze %dma_start3A_252 : memref<1x40x128xf32, #tpu.memory_space<vmem>> -> memref<40x128xf32, #tpu.memory_space<vmem>>
      %dma_start3A_254 = arith.constant 0 : i32
      %dma_start3A_255 = tpu.memref_slice %arg2[%multiple_of3A_248, %dma_start3A_254] : memref<160000x128xf32, #tpu.memory_space<hbm>> -> memref<40x128xf32, #tpu.memory_space<hbm>>
      %dma_start3A_256 = arith.constant 0 : i32
      %dma_start3A_257 = arith.constant 0 : i32
      %dma_start3A_258 = tpu.memref_slice %arg7[%dma_start3A_249, %dma_start3A_256, %dma_start3A_257] : memref<5x40x128xf32, #tpu.memory_space<vmem>> -> memref<1x40x128xf32, #tpu.memory_space<vmem>>
      %dma_start3A_259 = tpu.memref_squeeze %dma_start3A_258 : memref<1x40x128xf32, #tpu.memory_space<vmem>> -> memref<40x128xf32, #tpu.memory_space<vmem>>
      %dma_start3A_260 = arith.constant 0 : i32
      %dma_start3A_261 = tpu.memref_slice %arg2[%multiple_of3A_248, %dma_start3A_260] : memref<160000x128xf32, #tpu.memory_space<hbm>> -> memref<40x128xf32, #tpu.memory_space<hbm>>
      tpu.enqueue_dma source(%dma_start3A_261 : memref<40x128xf32, #tpu.memory_space<hbm>>) target(%dma_start3A_259 : memref<40x128xf32, #tpu.memory_space<vmem>>) target_semaphore(%arg10 : memref<!tpu.dma_semaphore, #tpu.memory_space<semaphore_mem>>)
      %mul3A_262 = arith.constant 5 : i32
      %mul3A_263 = arith.muli %mul3A_262, %scan3A_179 : i32
      %add3A_264 = arith.constant 2 : i32
      %add3A_265 = arith.addi %mul3A_263, %add3A_264 : i32
      %mul3A_266 = arith.constant 40 : i32
      %mul3A_267 = arith.muli %add3A_265, %mul3A_266 : i32
      %add3A_268 = arith.addi %multiple_of3A, %mul3A_267 : i32
      %multiple_of3A_269 = tpu.assume_multiple %add3A_268, 40 : i32
      %dma_wait3A_270 = arith.constant 2 : i32
      %dma_wait3A_271 = arith.constant 0 : i32
      %dma_wait3A_272 = arith.constant 0 : i32
      %dma_wait3A_273 = tpu.memref_slice %arg7[%dma_wait3A_270, %dma_wait3A_271, %dma_wait3A_272] : memref<5x40x128xf32, #tpu.memory_space<vmem>> -> memref<1x40x128xf32, #tpu.memory_space<vmem>>
      %dma_wait3A_274 = tpu.memref_squeeze %dma_wait3A_273 : memref<1x40x128xf32, #tpu.memory_space<vmem>> -> memref<40x128xf32, #tpu.memory_space<vmem>>
      %dma_wait3A_275 = arith.constant 0 : i32
      %dma_wait3A_276 = tpu.memref_slice %arg2[%multiple_of3A_269, %dma_wait3A_275] : memref<160000x128xf32, #tpu.memory_space<hbm>> -> memref<40x128xf32, #tpu.memory_space<hbm>>
      %dma_wait3A_277 = arith.constant 0 : i32
      %dma_wait3A_278 = arith.constant 0 : i32
      %dma_wait3A_279 = tpu.memref_slice %arg7[%dma_wait3A_270, %dma_wait3A_277, %dma_wait3A_278] : memref<5x40x128xf32, #tpu.memory_space<vmem>> -> memref<1x40x128xf32, #tpu.memory_space<vmem>>
      %dma_wait3A_280 = tpu.memref_squeeze %dma_wait3A_279 : memref<1x40x128xf32, #tpu.memory_space<vmem>> -> memref<40x128xf32, #tpu.memory_space<vmem>>
      %dma_wait3A_281 = arith.constant 0 : i32
      %dma_wait3A_282 = tpu.memref_slice %arg2[%multiple_of3A_269, %dma_wait3A_281] : memref<160000x128xf32, #tpu.memory_space<hbm>> -> memref<40x128xf32, #tpu.memory_space<hbm>>
      tpu.wait_dma2 semaphore(%arg11 : memref<!tpu.dma_semaphore, #tpu.memory_space<semaphore_mem>>) src(%dma_wait3A_282 : memref<40x128xf32, #tpu.memory_space<hbm>>) dst(%dma_wait3A_280 : memref<40x128xf32, #tpu.memory_space<vmem>>)
      %run_scoped3A_283 = arith.constant 2 : i32
      "tpu.region"() ({
        %run_scoped3A_385 = tpu.sem_alloc : memref<!tpu.dma_semaphore, #tpu.memory_space<semaphore_mem>>
        %dma_start3A_386 = arith.constant 0 : i32
        %dma_start3A_387 = arith.constant 0 : i32
        %dma_start3A_388 = tpu.memref_slice %arg7[%run_scoped3A_283, %dma_start3A_386, %dma_start3A_387] : memref<5x40x128xf32, #tpu.memory_space<vmem>> -> memref<1x40x128xf32, #tpu.memory_space<vmem>>
        %dma_start3A_389 = tpu.memref_squeeze %dma_start3A_388 : memref<1x40x128xf32, #tpu.memory_space<vmem>> -> memref<40x128xf32, #tpu.memory_space<vmem>>
        %dma_start3A_390 = arith.constant 0 : i32
        %dma_start3A_391 = tpu.memref_slice %arg6[%add3A_265, %dma_start3A_390] : memref<125x40xi32, #tpu.memory_space<vmem>> -> memref<1x40xi32, #tpu.memory_space<vmem>>
        %dma_start3A_392 = tpu.memref_squeeze %dma_start3A_391 : memref<1x40xi32, #tpu.memory_space<vmem>> -> memref<40xi32, #tpu.memory_space<vmem>>
        %dma_start3A_393 = arith.constant 0 : i32
        %dma_start3A_394 = arith.constant 0 : i32
        %dma_start3A_395 = tpu.memref_slice %arg8[%dma_start3A_393, %dma_start3A_394] : memref<10240x128xf32, #tpu.memory_space<vmem_shared>> -> memref<10240x128xf32, #tpu.memory_space<vmem_shared>>
        tpu.enqueue_indirect_dma source(%dma_start3A_389 : memref<40x128xf32, #tpu.memory_space<vmem>>) target(%dma_start3A_395 : memref<10240x128xf32, #tpu.memory_space<vmem_shared>>) offsets(%dma_start3A_392 : memref<40xi32, #tpu.memory_space<vmem>>) semaphore(%run_scoped3A_385 : memref<!tpu.dma_semaphore, #tpu.memory_space<semaphore_mem>>) {add = true}
        %dma_wait3A_396 = arith.constant 0 : i32
        %dma_wait3A_397 = arith.constant 0 : i32
        %dma_wait3A_398 = tpu.memref_slice %arg7[%run_scoped3A_283, %dma_wait3A_396, %dma_wait3A_397] : memref<5x40x128xf32, #tpu.memory_space<vmem>> -> memref<1x40x128xf32, #tpu.memory_space<vmem>>
        %dma_wait3A_399 = tpu.memref_squeeze %dma_wait3A_398 : memref<1x40x128xf32, #tpu.memory_space<vmem>> -> memref<40x128xf32, #tpu.memory_space<vmem>>
        %dma_wait3A_400 = arith.constant 0 : i32
        %dma_wait3A_401 = tpu.memref_slice %arg6[%add3A_265, %dma_wait3A_400] : memref<125x40xi32, #tpu.memory_space<vmem>> -> memref<1x40xi32, #tpu.memory_space<vmem>>
        %dma_wait3A_402 = tpu.memref_squeeze %dma_wait3A_401 : memref<1x40xi32, #tpu.memory_space<vmem>> -> memref<40xi32, #tpu.memory_space<vmem>>
        %dma_wait3A_403 = arith.constant 0 : i32
        %dma_wait3A_404 = arith.constant 0 : i32
        %dma_wait3A_405 = tpu.memref_slice %arg8[%dma_wait3A_403, %dma_wait3A_404] : memref<10240x128xf32, #tpu.memory_space<vmem_shared>> -> memref<10240x128xf32, #tpu.memory_space<vmem_shared>>
        tpu.wait_indirect_dma semaphore(%run_scoped3A_385 : memref<!tpu.dma_semaphore, #tpu.memory_space<semaphore_mem>>) src(%dma_wait3A_399 : memref<40x128xf32, #tpu.memory_space<vmem>>) dst(%dma_wait3A_405 : memref<10240x128xf32, #tpu.memory_space<vmem_shared>>)
        tpu.yield
      }) : () -> ()
      %add3A_284 = arith.constant 5 : i32
      %add3A_285 = arith.addi %add3A_265, %add3A_284 : i32
      %mul3A_286 = arith.constant 40 : i32
      %mul3A_287 = arith.muli %add3A_285, %mul3A_286 : i32
      %add3A_288 = arith.addi %multiple_of3A, %mul3A_287 : i32
      %multiple_of3A_289 = tpu.assume_multiple %add3A_288, 40 : i32
      %dma_start3A_290 = arith.constant 2 : i32
      %dma_start3A_291 = arith.constant 0 : i32
      %dma_start3A_292 = arith.constant 0 : i32
      %dma_start3A_293 = tpu.memref_slice %arg7[%dma_start3A_290, %dma_start3A_291, %dma_start3A_292] : memref<5x40x128xf32, #tpu.memory_space<vmem>> -> memref<1x40x128xf32, #tpu.memory_space<vmem>>
      %dma_start3A_294 = tpu.memref_squeeze %dma_start3A_293 : memref<1x40x128xf32, #tpu.memory_space<vmem>> -> memref<40x128xf32, #tpu.memory_space<vmem>>
      %dma_start3A_295 = arith.constant 0 : i32
      %dma_start3A_296 = tpu.memref_slice %arg2[%multiple_of3A_289, %dma_start3A_295] : memref<160000x128xf32, #tpu.memory_space<hbm>> -> memref<40x128xf32, #tpu.memory_space<hbm>>
      %dma_start3A_297 = arith.constant 0 : i32
      %dma_start3A_298 = arith.constant 0 : i32
      %dma_start3A_299 = tpu.memref_slice %arg7[%dma_start3A_290, %dma_start3A_297, %dma_start3A_298] : memref<5x40x128xf32, #tpu.memory_space<vmem>> -> memref<1x40x128xf32, #tpu.memory_space<vmem>>
      %dma_start3A_300 = tpu.memref_squeeze %dma_start3A_299 : memref<1x40x128xf32, #tpu.memory_space<vmem>> -> memref<40x128xf32, #tpu.memory_space<vmem>>
      %dma_start3A_301 = arith.constant 0 : i32
      %dma_start3A_302 = tpu.memref_slice %arg2[%multiple_of3A_289, %dma_start3A_301] : memref<160000x128xf32, #tpu.memory_space<hbm>> -> memref<40x128xf32, #tpu.memory_space<hbm>>
      tpu.enqueue_dma source(%dma_start3A_302 : memref<40x128xf32, #tpu.memory_space<hbm>>) target(%dma_start3A_300 : memref<40x128xf32, #tpu.memory_space<vmem>>) target_semaphore(%arg11 : memref<!tpu.dma_semaphore, #tpu.memory_space<semaphore_mem>>)
      %mul3A_303 = arith.constant 5 : i32
      %mul3A_304 = arith.muli %mul3A_303, %scan3A_179 : i32
      %add3A_305 = arith.constant 3 : i32
      %add3A_306 = arith.addi %mul3A_304, %add3A_305 : i32
      %mul3A_307 = arith.constant 40 : i32
      %mul3A_308 = arith.muli %add3A_306, %mul3A_307 : i32
      %add3A_309 = arith.addi %multiple_of3A, %mul3A_308 : i32
      %multiple_of3A_310 = tpu.assume_multiple %add3A_309, 40 : i32
      %dma_wait3A_311 = arith.constant 3 : i32
      %dma_wait3A_312 = arith.constant 0 : i32
      %dma_wait3A_313 = arith.constant 0 : i32
      %dma_wait3A_314 = tpu.memref_slice %arg7[%dma_wait3A_311, %dma_wait3A_312, %dma_wait3A_313] : memref<5x40x128xf32, #tpu.memory_space<vmem>> -> memref<1x40x128xf32, #tpu.memory_space<vmem>>
      %dma_wait3A_315 = tpu.memref_squeeze %dma_wait3A_314 : memref<1x40x128xf32, #tpu.memory_space<vmem>> -> memref<40x128xf32, #tpu.memory_space<vmem>>
      %dma_wait3A_316 = arith.constant 0 : i32
      %dma_wait3A_317 = tpu.memref_slice %arg2[%multiple_of3A_310, %dma_wait3A_316] : memref<160000x128xf32, #tpu.memory_space<hbm>> -> memref<40x128xf32, #tpu.memory_space<hbm>>
      %dma_wait3A_318 = arith.constant 0 : i32
      %dma_wait3A_319 = arith.constant 0 : i32
      %dma_wait3A_320 = tpu.memref_slice %arg7[%dma_wait3A_311, %dma_wait3A_318, %dma_wait3A_319] : memref<5x40x128xf32, #tpu.memory_space<vmem>> -> memref<1x40x128xf32, #tpu.memory_space<vmem>>
      %dma_wait3A_321 = tpu.memref_squeeze %dma_wait3A_320 : memref<1x40x128xf32, #tpu.memory_space<vmem>> -> memref<40x128xf32, #tpu.memory_space<vmem>>
      %dma_wait3A_322 = arith.constant 0 : i32
      %dma_wait3A_323 = tpu.memref_slice %arg2[%multiple_of3A_310, %dma_wait3A_322] : memref<160000x128xf32, #tpu.memory_space<hbm>> -> memref<40x128xf32, #tpu.memory_space<hbm>>
      tpu.wait_dma2 semaphore(%arg12 : memref<!tpu.dma_semaphore, #tpu.memory_space<semaphore_mem>>) src(%dma_wait3A_323 : memref<40x128xf32, #tpu.memory_space<hbm>>) dst(%dma_wait3A_321 : memref<40x128xf32, #tpu.memory_space<vmem>>)
      %run_scoped3A_324 = arith.constant 3 : i32
      "tpu.region"() ({
        %run_scoped3A_385 = tpu.sem_alloc : memref<!tpu.dma_semaphore, #tpu.memory_space<semaphore_mem>>
        %dma_start3A_386 = arith.constant 0 : i32
        %dma_start3A_387 = arith.constant 0 : i32
        %dma_start3A_388 = tpu.memref_slice %arg7[%run_scoped3A_324, %dma_start3A_386, %dma_start3A_387] : memref<5x40x128xf32, #tpu.memory_space<vmem>> -> memref<1x40x128xf32, #tpu.memory_space<vmem>>
        %dma_start3A_389 = tpu.memref_squeeze %dma_start3A_388 : memref<1x40x128xf32, #tpu.memory_space<vmem>> -> memref<40x128xf32, #tpu.memory_space<vmem>>
        %dma_start3A_390 = arith.constant 0 : i32
        %dma_start3A_391 = tpu.memref_slice %arg6[%add3A_306, %dma_start3A_390] : memref<125x40xi32, #tpu.memory_space<vmem>> -> memref<1x40xi32, #tpu.memory_space<vmem>>
        %dma_start3A_392 = tpu.memref_squeeze %dma_start3A_391 : memref<1x40xi32, #tpu.memory_space<vmem>> -> memref<40xi32, #tpu.memory_space<vmem>>
        %dma_start3A_393 = arith.constant 0 : i32
        %dma_start3A_394 = arith.constant 0 : i32
        %dma_start3A_395 = tpu.memref_slice %arg8[%dma_start3A_393, %dma_start3A_394] : memref<10240x128xf32, #tpu.memory_space<vmem_shared>> -> memref<10240x128xf32, #tpu.memory_space<vmem_shared>>
        tpu.enqueue_indirect_dma source(%dma_start3A_389 : memref<40x128xf32, #tpu.memory_space<vmem>>) target(%dma_start3A_395 : memref<10240x128xf32, #tpu.memory_space<vmem_shared>>) offsets(%dma_start3A_392 : memref<40xi32, #tpu.memory_space<vmem>>) semaphore(%run_scoped3A_385 : memref<!tpu.dma_semaphore, #tpu.memory_space<semaphore_mem>>) {add = true}
        %dma_wait3A_396 = arith.constant 0 : i32
        %dma_wait3A_397 = arith.constant 0 : i32
        %dma_wait3A_398 = tpu.memref_slice %arg7[%run_scoped3A_324, %dma_wait3A_396, %dma_wait3A_397] : memref<5x40x128xf32, #tpu.memory_space<vmem>> -> memref<1x40x128xf32, #tpu.memory_space<vmem>>
        %dma_wait3A_399 = tpu.memref_squeeze %dma_wait3A_398 : memref<1x40x128xf32, #tpu.memory_space<vmem>> -> memref<40x128xf32, #tpu.memory_space<vmem>>
        %dma_wait3A_400 = arith.constant 0 : i32
        %dma_wait3A_401 = tpu.memref_slice %arg6[%add3A_306, %dma_wait3A_400] : memref<125x40xi32, #tpu.memory_space<vmem>> -> memref<1x40xi32, #tpu.memory_space<vmem>>
        %dma_wait3A_402 = tpu.memref_squeeze %dma_wait3A_401 : memref<1x40xi32, #tpu.memory_space<vmem>> -> memref<40xi32, #tpu.memory_space<vmem>>
        %dma_wait3A_403 = arith.constant 0 : i32
        %dma_wait3A_404 = arith.constant 0 : i32
        %dma_wait3A_405 = tpu.memref_slice %arg8[%dma_wait3A_403, %dma_wait3A_404] : memref<10240x128xf32, #tpu.memory_space<vmem_shared>> -> memref<10240x128xf32, #tpu.memory_space<vmem_shared>>
        tpu.wait_indirect_dma semaphore(%run_scoped3A_385 : memref<!tpu.dma_semaphore, #tpu.memory_space<semaphore_mem>>) src(%dma_wait3A_399 : memref<40x128xf32, #tpu.memory_space<vmem>>) dst(%dma_wait3A_405 : memref<10240x128xf32, #tpu.memory_space<vmem_shared>>)
        tpu.yield
      }) : () -> ()
      %add3A_325 = arith.constant 5 : i32
      %add3A_326 = arith.addi %add3A_306, %add3A_325 : i32
      %mul3A_327 = arith.constant 40 : i32
      %mul3A_328 = arith.muli %add3A_326, %mul3A_327 : i32
      %add3A_329 = arith.addi %multiple_of3A, %mul3A_328 : i32
      %multiple_of3A_330 = tpu.assume_multiple %add3A_329, 40 : i32
      %dma_start3A_331 = arith.constant 3 : i32
      %dma_start3A_332 = arith.constant 0 : i32
      %dma_start3A_333 = arith.constant 0 : i32
      %dma_start3A_334 = tpu.memref_slice %arg7[%dma_start3A_331, %dma_start3A_332, %dma_start3A_333] : memref<5x40x128xf32, #tpu.memory_space<vmem>> -> memref<1x40x128xf32, #tpu.memory_space<vmem>>
      %dma_start3A_335 = tpu.memref_squeeze %dma_start3A_334 : memref<1x40x128xf32, #tpu.memory_space<vmem>> -> memref<40x128xf32, #tpu.memory_space<vmem>>
      %dma_start3A_336 = arith.constant 0 : i32
      %dma_start3A_337 = tpu.memref_slice %arg2[%multiple_of3A_330, %dma_start3A_336] : memref<160000x128xf32, #tpu.memory_space<hbm>> -> memref<40x128xf32, #tpu.memory_space<hbm>>
      %dma_start3A_338 = arith.constant 0 : i32
      %dma_start3A_339 = arith.constant 0 : i32
      %dma_start3A_340 = tpu.memref_slice %arg7[%dma_start3A_331, %dma_start3A_338, %dma_start3A_339] : memref<5x40x128xf32, #tpu.memory_space<vmem>> -> memref<1x40x128xf32, #tpu.memory_space<vmem>>
      %dma_start3A_341 = tpu.memref_squeeze %dma_start3A_340 : memref<1x40x128xf32, #tpu.memory_space<vmem>> -> memref<40x128xf32, #tpu.memory_space<vmem>>
      %dma_start3A_342 = arith.constant 0 : i32
      %dma_start3A_343 = tpu.memref_slice %arg2[%multiple_of3A_330, %dma_start3A_342] : memref<160000x128xf32, #tpu.memory_space<hbm>> -> memref<40x128xf32, #tpu.memory_space<hbm>>
      tpu.enqueue_dma source(%dma_start3A_343 : memref<40x128xf32, #tpu.memory_space<hbm>>) target(%dma_start3A_341 : memref<40x128xf32, #tpu.memory_space<vmem>>) target_semaphore(%arg12 : memref<!tpu.dma_semaphore, #tpu.memory_space<semaphore_mem>>)
      %mul3A_344 = arith.constant 5 : i32
      %mul3A_345 = arith.muli %mul3A_344, %scan3A_179 : i32
      %add3A_346 = arith.constant 4 : i32
      %add3A_347 = arith.addi %mul3A_345, %add3A_346 : i32
      %mul3A_348 = arith.constant 40 : i32
      %mul3A_349 = arith.muli %add3A_347, %mul3A_348 : i32
      %add3A_350 = arith.addi %multiple_of3A, %mul3A_349 : i32
      %multiple_of3A_351 = tpu.assume_multiple %add3A_350, 40 : i32
      %dma_wait3A_352 = arith.constant 4 : i32
      %dma_wait3A_353 = arith.constant 0 : i32
      %dma_wait3A_354 = arith.constant 0 : i32
      %dma_wait3A_355 = tpu.memref_slice %arg7[%dma_wait3A_352, %dma_wait3A_353, %dma_wait3A_354] : memref<5x40x128xf32, #tpu.memory_space<vmem>> -> memref<1x40x128xf32, #tpu.memory_space<vmem>>
      %dma_wait3A_356 = tpu.memref_squeeze %dma_wait3A_355 : memref<1x40x128xf32, #tpu.memory_space<vmem>> -> memref<40x128xf32, #tpu.memory_space<vmem>>
      %dma_wait3A_357 = arith.constant 0 : i32
      %dma_wait3A_358 = tpu.memref_slice %arg2[%multiple_of3A_351, %dma_wait3A_357] : memref<160000x128xf32, #tpu.memory_space<hbm>> -> memref<40x128xf32, #tpu.memory_space<hbm>>
      %dma_wait3A_359 = arith.constant 0 : i32
      %dma_wait3A_360 = arith.constant 0 : i32
      %dma_wait3A_361 = tpu.memref_slice %arg7[%dma_wait3A_352, %dma_wait3A_359, %dma_wait3A_360] : memref<5x40x128xf32, #tpu.memory_space<vmem>> -> memref<1x40x128xf32, #tpu.memory_space<vmem>>
      %dma_wait3A_362 = tpu.memref_squeeze %dma_wait3A_361 : memref<1x40x128xf32, #tpu.memory_space<vmem>> -> memref<40x128xf32, #tpu.memory_space<vmem>>
      %dma_wait3A_363 = arith.constant 0 : i32
      %dma_wait3A_364 = tpu.memref_slice %arg2[%multiple_of3A_351, %dma_wait3A_363] : memref<160000x128xf32, #tpu.memory_space<hbm>> -> memref<40x128xf32, #tpu.memory_space<hbm>>
      tpu.wait_dma2 semaphore(%arg13 : memref<!tpu.dma_semaphore, #tpu.memory_space<semaphore_mem>>) src(%dma_wait3A_364 : memref<40x128xf32, #tpu.memory_space<hbm>>) dst(%dma_wait3A_362 : memref<40x128xf32, #tpu.memory_space<vmem>>)
      %run_scoped3A_365 = arith.constant 4 : i32
      "tpu.region"() ({
        %run_scoped3A_385 = tpu.sem_alloc : memref<!tpu.dma_semaphore, #tpu.memory_space<semaphore_mem>>
        %dma_start3A_386 = arith.constant 0 : i32
        %dma_start3A_387 = arith.constant 0 : i32
        %dma_start3A_388 = tpu.memref_slice %arg7[%run_scoped3A_365, %dma_start3A_386, %dma_start3A_387] : memref<5x40x128xf32, #tpu.memory_space<vmem>> -> memref<1x40x128xf32, #tpu.memory_space<vmem>>
        %dma_start3A_389 = tpu.memref_squeeze %dma_start3A_388 : memref<1x40x128xf32, #tpu.memory_space<vmem>> -> memref<40x128xf32, #tpu.memory_space<vmem>>
        %dma_start3A_390 = arith.constant 0 : i32
        %dma_start3A_391 = tpu.memref_slice %arg6[%add3A_347, %dma_start3A_390] : memref<125x40xi32, #tpu.memory_space<vmem>> -> memref<1x40xi32, #tpu.memory_space<vmem>>
        %dma_start3A_392 = tpu.memref_squeeze %dma_start3A_391 : memref<1x40xi32, #tpu.memory_space<vmem>> -> memref<40xi32, #tpu.memory_space<vmem>>
        %dma_start3A_393 = arith.constant 0 : i32
        %dma_start3A_394 = arith.constant 0 : i32
        %dma_start3A_395 = tpu.memref_slice %arg8[%dma_start3A_393, %dma_start3A_394] : memref<10240x128xf32, #tpu.memory_space<vmem_shared>> -> memref<10240x128xf32, #tpu.memory_space<vmem_shared>>
        tpu.enqueue_indirect_dma source(%dma_start3A_389 : memref<40x128xf32, #tpu.memory_space<vmem>>) target(%dma_start3A_395 : memref<10240x128xf32, #tpu.memory_space<vmem_shared>>) offsets(%dma_start3A_392 : memref<40xi32, #tpu.memory_space<vmem>>) semaphore(%run_scoped3A_385 : memref<!tpu.dma_semaphore, #tpu.memory_space<semaphore_mem>>) {add = true}
        %dma_wait3A_396 = arith.constant 0 : i32
        %dma_wait3A_397 = arith.constant 0 : i32
        %dma_wait3A_398 = tpu.memref_slice %arg7[%run_scoped3A_365, %dma_wait3A_396, %dma_wait3A_397] : memref<5x40x128xf32, #tpu.memory_space<vmem>> -> memref<1x40x128xf32, #tpu.memory_space<vmem>>
        %dma_wait3A_399 = tpu.memref_squeeze %dma_wait3A_398 : memref<1x40x128xf32, #tpu.memory_space<vmem>> -> memref<40x128xf32, #tpu.memory_space<vmem>>
        %dma_wait3A_400 = arith.constant 0 : i32
        %dma_wait3A_401 = tpu.memref_slice %arg6[%add3A_347, %dma_wait3A_400] : memref<125x40xi32, #tpu.memory_space<vmem>> -> memref<1x40xi32, #tpu.memory_space<vmem>>
        %dma_wait3A_402 = tpu.memref_squeeze %dma_wait3A_401 : memref<1x40xi32, #tpu.memory_space<vmem>> -> memref<40xi32, #tpu.memory_space<vmem>>
        %dma_wait3A_403 = arith.constant 0 : i32
        %dma_wait3A_404 = arith.constant 0 : i32
        %dma_wait3A_405 = tpu.memref_slice %arg8[%dma_wait3A_403, %dma_wait3A_404] : memref<10240x128xf32, #tpu.memory_space<vmem_shared>> -> memref<10240x128xf32, #tpu.memory_space<vmem_shared>>
        tpu.wait_indirect_dma semaphore(%run_scoped3A_385 : memref<!tpu.dma_semaphore, #tpu.memory_space<semaphore_mem>>) src(%dma_wait3A_399 : memref<40x128xf32, #tpu.memory_space<vmem>>) dst(%dma_wait3A_405 : memref<10240x128xf32, #tpu.memory_space<vmem_shared>>)
        tpu.yield
      }) : () -> ()
      %add3A_366 = arith.constant 5 : i32
      %add3A_367 = arith.addi %add3A_347, %add3A_366 : i32
      %mul3A_368 = arith.constant 40 : i32
      %mul3A_369 = arith.muli %add3A_367, %mul3A_368 : i32
      %add3A_370 = arith.addi %multiple_of3A, %mul3A_369 : i32
      %multiple_of3A_371 = tpu.assume_multiple %add3A_370, 40 : i32
      %dma_start3A_372 = arith.constant 4 : i32
      %dma_start3A_373 = arith.constant 0 : i32
      %dma_start3A_374 = arith.constant 0 : i32
      %dma_start3A_375 = tpu.memref_slice %arg7[%dma_start3A_372, %dma_start3A_373, %dma_start3A_374] : memref<5x40x128xf32, #tpu.memory_space<vmem>> -> memref<1x40x128xf32, #tpu.memory_space<vmem>>
      %dma_start3A_376 = tpu.memref_squeeze %dma_start3A_375 : memref<1x40x128xf32, #tpu.memory_space<vmem>> -> memref<40x128xf32, #tpu.memory_space<vmem>>
      %dma_start3A_377 = arith.constant 0 : i32
      %dma_start3A_378 = tpu.memref_slice %arg2[%multiple_of3A_371, %dma_start3A_377] : memref<160000x128xf32, #tpu.memory_space<hbm>> -> memref<40x128xf32, #tpu.memory_space<hbm>>
      %dma_start3A_379 = arith.constant 0 : i32
      %dma_start3A_380 = arith.constant 0 : i32
      %dma_start3A_381 = tpu.memref_slice %arg7[%dma_start3A_372, %dma_start3A_379, %dma_start3A_380] : memref<5x40x128xf32, #tpu.memory_space<vmem>> -> memref<1x40x128xf32, #tpu.memory_space<vmem>>
      %dma_start3A_382 = tpu.memref_squeeze %dma_start3A_381 : memref<1x40x128xf32, #tpu.memory_space<vmem>> -> memref<40x128xf32, #tpu.memory_space<vmem>>
      %dma_start3A_383 = arith.constant 0 : i32
      %dma_start3A_384 = tpu.memref_slice %arg2[%multiple_of3A_371, %dma_start3A_383] : memref<160000x128xf32, #tpu.memory_space<hbm>> -> memref<40x128xf32, #tpu.memory_space<hbm>>
      tpu.enqueue_dma source(%dma_start3A_384 : memref<40x128xf32, #tpu.memory_space<hbm>>) target(%dma_start3A_382 : memref<40x128xf32, #tpu.memory_space<vmem>>) target_semaphore(%arg13 : memref<!tpu.dma_semaphore, #tpu.memory_space<semaphore_mem>>)
    }
    %scan3A_89 = arith.constant 24 : i32
    %add3A_90 = arith.constant 4800 : i32
    %add3A_91 = arith.addi %multiple_of3A, %add3A_90 : i32
    %multiple_of3A_92 = tpu.assume_multiple %add3A_91, 40 : i32
    %dma_wait3A = arith.constant 0 : i32
    %dma_wait3A_93 = arith.constant 0 : i32
    %dma_wait3A_94 = arith.constant 0 : i32
    %dma_wait3A_95 = tpu.memref_slice %arg7[%dma_wait3A, %dma_wait3A_93, %dma_wait3A_94] : memref<5x40x128xf32, #tpu.memory_space<vmem>> -> memref<1x40x128xf32, #tpu.memory_space<vmem>>
    %dma_wait3A_96 = tpu.memref_squeeze %dma_wait3A_95 : memref<1x40x128xf32, #tpu.memory_space<vmem>> -> memref<40x128xf32, #tpu.memory_space<vmem>>
    %dma_wait3A_97 = arith.constant 0 : i32
    %dma_wait3A_98 = tpu.memref_slice %arg2[%multiple_of3A_92, %dma_wait3A_97] : memref<160000x128xf32, #tpu.memory_space<hbm>> -> memref<40x128xf32, #tpu.memory_space<hbm>>
    %dma_wait3A_99 = arith.constant 0 : i32
    %dma_wait3A_100 = arith.constant 0 : i32
    %dma_wait3A_101 = tpu.memref_slice %arg7[%dma_wait3A, %dma_wait3A_99, %dma_wait3A_100] : memref<5x40x128xf32, #tpu.memory_space<vmem>> -> memref<1x40x128xf32, #tpu.memory_space<vmem>>
    %dma_wait3A_102 = tpu.memref_squeeze %dma_wait3A_101 : memref<1x40x128xf32, #tpu.memory_space<vmem>> -> memref<40x128xf32, #tpu.memory_space<vmem>>
    %dma_wait3A_103 = arith.constant 0 : i32
    %dma_wait3A_104 = tpu.memref_slice %arg2[%multiple_of3A_92, %dma_wait3A_103] : memref<160000x128xf32, #tpu.memory_space<hbm>> -> memref<40x128xf32, #tpu.memory_space<hbm>>
    tpu.wait_dma2 semaphore(%arg9 : memref<!tpu.dma_semaphore, #tpu.memory_space<semaphore_mem>>) src(%dma_wait3A_104 : memref<40x128xf32, #tpu.memory_space<hbm>>) dst(%dma_wait3A_102 : memref<40x128xf32, #tpu.memory_space<vmem>>)
    %run_scoped3A = arith.constant 0 : i32
    %run_scoped3A_105 = arith.constant 120 : i32
    "tpu.region"() ({
      %run_scoped3A_179 = tpu.sem_alloc : memref<!tpu.dma_semaphore, #tpu.memory_space<semaphore_mem>>
      %dma_start3A_180 = arith.constant 0 : i32
      %dma_start3A_181 = arith.constant 0 : i32
      %dma_start3A_182 = tpu.memref_slice %arg7[%run_scoped3A, %dma_start3A_180, %dma_start3A_181] : memref<5x40x128xf32, #tpu.memory_space<vmem>> -> memref<1x40x128xf32, #tpu.memory_space<vmem>>
      %dma_start3A_183 = tpu.memref_squeeze %dma_start3A_182 : memref<1x40x128xf32, #tpu.memory_space<vmem>> -> memref<40x128xf32, #tpu.memory_space<vmem>>
      %dma_start3A_184 = arith.constant 0 : i32
      %dma_start3A_185 = tpu.memref_slice %arg6[%run_scoped3A_105, %dma_start3A_184] : memref<125x40xi32, #tpu.memory_space<vmem>> -> memref<1x40xi32, #tpu.memory_space<vmem>>
      %dma_start3A_186 = tpu.memref_squeeze %dma_start3A_185 : memref<1x40xi32, #tpu.memory_space<vmem>> -> memref<40xi32, #tpu.memory_space<vmem>>
      %dma_start3A_187 = arith.constant 0 : i32
      %dma_start3A_188 = arith.constant 0 : i32
      %dma_start3A_189 = tpu.memref_slice %arg8[%dma_start3A_187, %dma_start3A_188] : memref<10240x128xf32, #tpu.memory_space<vmem_shared>> -> memref<10240x128xf32, #tpu.memory_space<vmem_shared>>
      tpu.enqueue_indirect_dma source(%dma_start3A_183 : memref<40x128xf32, #tpu.memory_space<vmem>>) target(%dma_start3A_189 : memref<10240x128xf32, #tpu.memory_space<vmem_shared>>) offsets(%dma_start3A_186 : memref<40xi32, #tpu.memory_space<vmem>>) semaphore(%run_scoped3A_179 : memref<!tpu.dma_semaphore, #tpu.memory_space<semaphore_mem>>) {add = true}
      %dma_wait3A_190 = arith.constant 0 : i32
      %dma_wait3A_191 = arith.constant 0 : i32
      %dma_wait3A_192 = tpu.memref_slice %arg7[%run_scoped3A, %dma_wait3A_190, %dma_wait3A_191] : memref<5x40x128xf32, #tpu.memory_space<vmem>> -> memref<1x40x128xf32, #tpu.memory_space<vmem>>
      %dma_wait3A_193 = tpu.memref_squeeze %dma_wait3A_192 : memref<1x40x128xf32, #tpu.memory_space<vmem>> -> memref<40x128xf32, #tpu.memory_space<vmem>>
      %dma_wait3A_194 = arith.constant 0 : i32
      %dma_wait3A_195 = tpu.memref_slice %arg6[%run_scoped3A_105, %dma_wait3A_194] : memref<125x40xi32, #tpu.memory_space<vmem>> -> memref<1x40xi32, #tpu.memory_space<vmem>>
      %dma_wait3A_196 = tpu.memref_squeeze %dma_wait3A_195 : memref<1x40xi32, #tpu.memory_space<vmem>> -> memref<40xi32, #tpu.memory_space<vmem>>
      %dma_wait3A_197 = arith.constant 0 : i32
      %dma_wait3A_198 = arith.constant 0 : i32
      %dma_wait3A_199 = tpu.memref_slice %arg8[%dma_wait3A_197, %dma_wait3A_198] : memref<10240x128xf32, #tpu.memory_space<vmem_shared>> -> memref<10240x128xf32, #tpu.memory_space<vmem_shared>>
      tpu.wait_indirect_dma semaphore(%run_scoped3A_179 : memref<!tpu.dma_semaphore, #tpu.memory_space<semaphore_mem>>) src(%dma_wait3A_193 : memref<40x128xf32, #tpu.memory_space<vmem>>) dst(%dma_wait3A_199 : memref<10240x128xf32, #tpu.memory_space<vmem_shared>>)
      tpu.yield
    }) : () -> ()
    %add3A_106 = arith.constant 4840 : i32
    %add3A_107 = arith.addi %multiple_of3A, %add3A_106 : i32
    %multiple_of3A_108 = tpu.assume_multiple %add3A_107, 40 : i32
    %dma_wait3A_109 = arith.constant 1 : i32
    %dma_wait3A_110 = arith.constant 0 : i32
    %dma_wait3A_111 = arith.constant 0 : i32
    %dma_wait3A_112 = tpu.memref_slice %arg7[%dma_wait3A_109, %dma_wait3A_110, %dma_wait3A_111] : memref<5x40x128xf32, #tpu.memory_space<vmem>> -> memref<1x40x128xf32, #tpu.memory_space<vmem>>
    %dma_wait3A_113 = tpu.memref_squeeze %dma_wait3A_112 : memref<1x40x128xf32, #tpu.memory_space<vmem>> -> memref<40x128xf32, #tpu.memory_space<vmem>>
    %dma_wait3A_114 = arith.constant 0 : i32
    %dma_wait3A_115 = tpu.memref_slice %arg2[%multiple_of3A_108, %dma_wait3A_114] : memref<160000x128xf32, #tpu.memory_space<hbm>> -> memref<40x128xf32, #tpu.memory_space<hbm>>
    %dma_wait3A_116 = arith.constant 0 : i32
    %dma_wait3A_117 = arith.constant 0 : i32
    %dma_wait3A_118 = tpu.memref_slice %arg7[%dma_wait3A_109, %dma_wait3A_116, %dma_wait3A_117] : memref<5x40x128xf32, #tpu.memory_space<vmem>> -> memref<1x40x128xf32, #tpu.memory_space<vmem>>
    %dma_wait3A_119 = tpu.memref_squeeze %dma_wait3A_118 : memref<1x40x128xf32, #tpu.memory_space<vmem>> -> memref<40x128xf32, #tpu.memory_space<vmem>>
    %dma_wait3A_120 = arith.constant 0 : i32
    %dma_wait3A_121 = tpu.memref_slice %arg2[%multiple_of3A_108, %dma_wait3A_120] : memref<160000x128xf32, #tpu.memory_space<hbm>> -> memref<40x128xf32, #tpu.memory_space<hbm>>
    tpu.wait_dma2 semaphore(%arg10 : memref<!tpu.dma_semaphore, #tpu.memory_space<semaphore_mem>>) src(%dma_wait3A_121 : memref<40x128xf32, #tpu.memory_space<hbm>>) dst(%dma_wait3A_119 : memref<40x128xf32, #tpu.memory_space<vmem>>)
    %run_scoped3A_122 = arith.constant 1 : i32
    %run_scoped3A_123 = arith.constant 121 : i32
    "tpu.region"() ({
      %run_scoped3A_179 = tpu.sem_alloc : memref<!tpu.dma_semaphore, #tpu.memory_space<semaphore_mem>>
      %dma_start3A_180 = arith.constant 0 : i32
      %dma_start3A_181 = arith.constant 0 : i32
      %dma_start3A_182 = tpu.memref_slice %arg7[%run_scoped3A_122, %dma_start3A_180, %dma_start3A_181] : memref<5x40x128xf32, #tpu.memory_space<vmem>> -> memref<1x40x128xf32, #tpu.memory_space<vmem>>
      %dma_start3A_183 = tpu.memref_squeeze %dma_start3A_182 : memref<1x40x128xf32, #tpu.memory_space<vmem>> -> memref<40x128xf32, #tpu.memory_space<vmem>>
      %dma_start3A_184 = arith.constant 0 : i32
      %dma_start3A_185 = tpu.memref_slice %arg6[%run_scoped3A_123, %dma_start3A_184] : memref<125x40xi32, #tpu.memory_space<vmem>> -> memref<1x40xi32, #tpu.memory_space<vmem>>
      %dma_start3A_186 = tpu.memref_squeeze %dma_start3A_185 : memref<1x40xi32, #tpu.memory_space<vmem>> -> memref<40xi32, #tpu.memory_space<vmem>>
      %dma_start3A_187 = arith.constant 0 : i32
      %dma_start3A_188 = arith.constant 0 : i32
      %dma_start3A_189 = tpu.memref_slice %arg8[%dma_start3A_187, %dma_start3A_188] : memref<10240x128xf32, #tpu.memory_space<vmem_shared>> -> memref<10240x128xf32, #tpu.memory_space<vmem_shared>>
      tpu.enqueue_indirect_dma source(%dma_start3A_183 : memref<40x128xf32, #tpu.memory_space<vmem>>) target(%dma_start3A_189 : memref<10240x128xf32, #tpu.memory_space<vmem_shared>>) offsets(%dma_start3A_186 : memref<40xi32, #tpu.memory_space<vmem>>) semaphore(%run_scoped3A_179 : memref<!tpu.dma_semaphore, #tpu.memory_space<semaphore_mem>>) {add = true}
      %dma_wait3A_190 = arith.constant 0 : i32
      %dma_wait3A_191 = arith.constant 0 : i32
      %dma_wait3A_192 = tpu.memref_slice %arg7[%run_scoped3A_122, %dma_wait3A_190, %dma_wait3A_191] : memref<5x40x128xf32, #tpu.memory_space<vmem>> -> memref<1x40x128xf32, #tpu.memory_space<vmem>>
      %dma_wait3A_193 = tpu.memref_squeeze %dma_wait3A_192 : memref<1x40x128xf32, #tpu.memory_space<vmem>> -> memref<40x128xf32, #tpu.memory_space<vmem>>
      %dma_wait3A_194 = arith.constant 0 : i32
      %dma_wait3A_195 = tpu.memref_slice %arg6[%run_scoped3A_123, %dma_wait3A_194] : memref<125x40xi32, #tpu.memory_space<vmem>> -> memref<1x40xi32, #tpu.memory_space<vmem>>
      %dma_wait3A_196 = tpu.memref_squeeze %dma_wait3A_195 : memref<1x40xi32, #tpu.memory_space<vmem>> -> memref<40xi32, #tpu.memory_space<vmem>>
      %dma_wait3A_197 = arith.constant 0 : i32
      %dma_wait3A_198 = arith.constant 0 : i32
      %dma_wait3A_199 = tpu.memref_slice %arg8[%dma_wait3A_197, %dma_wait3A_198] : memref<10240x128xf32, #tpu.memory_space<vmem_shared>> -> memref<10240x128xf32, #tpu.memory_space<vmem_shared>>
      tpu.wait_indirect_dma semaphore(%run_scoped3A_179 : memref<!tpu.dma_semaphore, #tpu.memory_space<semaphore_mem>>) src(%dma_wait3A_193 : memref<40x128xf32, #tpu.memory_space<vmem>>) dst(%dma_wait3A_199 : memref<10240x128xf32, #tpu.memory_space<vmem_shared>>)
      tpu.yield
    }) : () -> ()
    %add3A_124 = arith.constant 4880 : i32
    %add3A_125 = arith.addi %multiple_of3A, %add3A_124 : i32
    %multiple_of3A_126 = tpu.assume_multiple %add3A_125, 40 : i32
    %dma_wait3A_127 = arith.constant 2 : i32
    %dma_wait3A_128 = arith.constant 0 : i32
    %dma_wait3A_129 = arith.constant 0 : i32
    %dma_wait3A_130 = tpu.memref_slice %arg7[%dma_wait3A_127, %dma_wait3A_128, %dma_wait3A_129] : memref<5x40x128xf32, #tpu.memory_space<vmem>> -> memref<1x40x128xf32, #tpu.memory_space<vmem>>
    %dma_wait3A_131 = tpu.memref_squeeze %dma_wait3A_130 : memref<1x40x128xf32, #tpu.memory_space<vmem>> -> memref<40x128xf32, #tpu.memory_space<vmem>>
    %dma_wait3A_132 = arith.constant 0 : i32
    %dma_wait3A_133 = tpu.memref_slice %arg2[%multiple_of3A_126, %dma_wait3A_132] : memref<160000x128xf32, #tpu.memory_space<hbm>> -> memref<40x128xf32, #tpu.memory_space<hbm>>
    %dma_wait3A_134 = arith.constant 0 : i32
    %dma_wait3A_135 = arith.constant 0 : i32
    %dma_wait3A_136 = tpu.memref_slice %arg7[%dma_wait3A_127, %dma_wait3A_134, %dma_wait3A_135] : memref<5x40x128xf32, #tpu.memory_space<vmem>> -> memref<1x40x128xf32, #tpu.memory_space<vmem>>
    %dma_wait3A_137 = tpu.memref_squeeze %dma_wait3A_136 : memref<1x40x128xf32, #tpu.memory_space<vmem>> -> memref<40x128xf32, #tpu.memory_space<vmem>>
    %dma_wait3A_138 = arith.constant 0 : i32
    %dma_wait3A_139 = tpu.memref_slice %arg2[%multiple_of3A_126, %dma_wait3A_138] : memref<160000x128xf32, #tpu.memory_space<hbm>> -> memref<40x128xf32, #tpu.memory_space<hbm>>
    tpu.wait_dma2 semaphore(%arg11 : memref<!tpu.dma_semaphore, #tpu.memory_space<semaphore_mem>>) src(%dma_wait3A_139 : memref<40x128xf32, #tpu.memory_space<hbm>>) dst(%dma_wait3A_137 : memref<40x128xf32, #tpu.memory_space<vmem>>)
    %run_scoped3A_140 = arith.constant 2 : i32
    %run_scoped3A_141 = arith.constant 122 : i32
    "tpu.region"() ({
      %run_scoped3A_179 = tpu.sem_alloc : memref<!tpu.dma_semaphore, #tpu.memory_space<semaphore_mem>>
      %dma_start3A_180 = arith.constant 0 : i32
      %dma_start3A_181 = arith.constant 0 : i32
      %dma_start3A_182 = tpu.memref_slice %arg7[%run_scoped3A_140, %dma_start3A_180, %dma_start3A_181] : memref<5x40x128xf32, #tpu.memory_space<vmem>> -> memref<1x40x128xf32, #tpu.memory_space<vmem>>
      %dma_start3A_183 = tpu.memref_squeeze %dma_start3A_182 : memref<1x40x128xf32, #tpu.memory_space<vmem>> -> memref<40x128xf32, #tpu.memory_space<vmem>>
      %dma_start3A_184 = arith.constant 0 : i32
      %dma_start3A_185 = tpu.memref_slice %arg6[%run_scoped3A_141, %dma_start3A_184] : memref<125x40xi32, #tpu.memory_space<vmem>> -> memref<1x40xi32, #tpu.memory_space<vmem>>
      %dma_start3A_186 = tpu.memref_squeeze %dma_start3A_185 : memref<1x40xi32, #tpu.memory_space<vmem>> -> memref<40xi32, #tpu.memory_space<vmem>>
      %dma_start3A_187 = arith.constant 0 : i32
      %dma_start3A_188 = arith.constant 0 : i32
      %dma_start3A_189 = tpu.memref_slice %arg8[%dma_start3A_187, %dma_start3A_188] : memref<10240x128xf32, #tpu.memory_space<vmem_shared>> -> memref<10240x128xf32, #tpu.memory_space<vmem_shared>>
      tpu.enqueue_indirect_dma source(%dma_start3A_183 : memref<40x128xf32, #tpu.memory_space<vmem>>) target(%dma_start3A_189 : memref<10240x128xf32, #tpu.memory_space<vmem_shared>>) offsets(%dma_start3A_186 : memref<40xi32, #tpu.memory_space<vmem>>) semaphore(%run_scoped3A_179 : memref<!tpu.dma_semaphore, #tpu.memory_space<semaphore_mem>>) {add = true}
      %dma_wait3A_190 = arith.constant 0 : i32
      %dma_wait3A_191 = arith.constant 0 : i32
      %dma_wait3A_192 = tpu.memref_slice %arg7[%run_scoped3A_140, %dma_wait3A_190, %dma_wait3A_191] : memref<5x40x128xf32, #tpu.memory_space<vmem>> -> memref<1x40x128xf32, #tpu.memory_space<vmem>>
      %dma_wait3A_193 = tpu.memref_squeeze %dma_wait3A_192 : memref<1x40x128xf32, #tpu.memory_space<vmem>> -> memref<40x128xf32, #tpu.memory_space<vmem>>
      %dma_wait3A_194 = arith.constant 0 : i32
      %dma_wait3A_195 = tpu.memref_slice %arg6[%run_scoped3A_141, %dma_wait3A_194] : memref<125x40xi32, #tpu.memory_space<vmem>> -> memref<1x40xi32, #tpu.memory_space<vmem>>
      %dma_wait3A_196 = tpu.memref_squeeze %dma_wait3A_195 : memref<1x40xi32, #tpu.memory_space<vmem>> -> memref<40xi32, #tpu.memory_space<vmem>>
      %dma_wait3A_197 = arith.constant 0 : i32
      %dma_wait3A_198 = arith.constant 0 : i32
      %dma_wait3A_199 = tpu.memref_slice %arg8[%dma_wait3A_197, %dma_wait3A_198] : memref<10240x128xf32, #tpu.memory_space<vmem_shared>> -> memref<10240x128xf32, #tpu.memory_space<vmem_shared>>
      tpu.wait_indirect_dma semaphore(%run_scoped3A_179 : memref<!tpu.dma_semaphore, #tpu.memory_space<semaphore_mem>>) src(%dma_wait3A_193 : memref<40x128xf32, #tpu.memory_space<vmem>>) dst(%dma_wait3A_199 : memref<10240x128xf32, #tpu.memory_space<vmem_shared>>)
      tpu.yield
    }) : () -> ()
    %add3A_142 = arith.constant 4920 : i32
    %add3A_143 = arith.addi %multiple_of3A, %add3A_142 : i32
    %multiple_of3A_144 = tpu.assume_multiple %add3A_143, 40 : i32
    %dma_wait3A_145 = arith.constant 3 : i32
    %dma_wait3A_146 = arith.constant 0 : i32
    %dma_wait3A_147 = arith.constant 0 : i32
    %dma_wait3A_148 = tpu.memref_slice %arg7[%dma_wait3A_145, %dma_wait3A_146, %dma_wait3A_147] : memref<5x40x128xf32, #tpu.memory_space<vmem>> -> memref<1x40x128xf32, #tpu.memory_space<vmem>>
    %dma_wait3A_149 = tpu.memref_squeeze %dma_wait3A_148 : memref<1x40x128xf32, #tpu.memory_space<vmem>> -> memref<40x128xf32, #tpu.memory_space<vmem>>
    %dma_wait3A_150 = arith.constant 0 : i32
    %dma_wait3A_151 = tpu.memref_slice %arg2[%multiple_of3A_144, %dma_wait3A_150] : memref<160000x128xf32, #tpu.memory_space<hbm>> -> memref<40x128xf32, #tpu.memory_space<hbm>>
    %dma_wait3A_152 = arith.constant 0 : i32
    %dma_wait3A_153 = arith.constant 0 : i32
    %dma_wait3A_154 = tpu.memref_slice %arg7[%dma_wait3A_145, %dma_wait3A_152, %dma_wait3A_153] : memref<5x40x128xf32, #tpu.memory_space<vmem>> -> memref<1x40x128xf32, #tpu.memory_space<vmem>>
    %dma_wait3A_155 = tpu.memref_squeeze %dma_wait3A_154 : memref<1x40x128xf32, #tpu.memory_space<vmem>> -> memref<40x128xf32, #tpu.memory_space<vmem>>
    %dma_wait3A_156 = arith.constant 0 : i32
    %dma_wait3A_157 = tpu.memref_slice %arg2[%multiple_of3A_144, %dma_wait3A_156] : memref<160000x128xf32, #tpu.memory_space<hbm>> -> memref<40x128xf32, #tpu.memory_space<hbm>>
    tpu.wait_dma2 semaphore(%arg12 : memref<!tpu.dma_semaphore, #tpu.memory_space<semaphore_mem>>) src(%dma_wait3A_157 : memref<40x128xf32, #tpu.memory_space<hbm>>) dst(%dma_wait3A_155 : memref<40x128xf32, #tpu.memory_space<vmem>>)
    %run_scoped3A_158 = arith.constant 3 : i32
    %run_scoped3A_159 = arith.constant 123 : i32
    "tpu.region"() ({
      %run_scoped3A_179 = tpu.sem_alloc : memref<!tpu.dma_semaphore, #tpu.memory_space<semaphore_mem>>
      %dma_start3A_180 = arith.constant 0 : i32
      %dma_start3A_181 = arith.constant 0 : i32
      %dma_start3A_182 = tpu.memref_slice %arg7[%run_scoped3A_158, %dma_start3A_180, %dma_start3A_181] : memref<5x40x128xf32, #tpu.memory_space<vmem>> -> memref<1x40x128xf32, #tpu.memory_space<vmem>>
      %dma_start3A_183 = tpu.memref_squeeze %dma_start3A_182 : memref<1x40x128xf32, #tpu.memory_space<vmem>> -> memref<40x128xf32, #tpu.memory_space<vmem>>
      %dma_start3A_184 = arith.constant 0 : i32
      %dma_start3A_185 = tpu.memref_slice %arg6[%run_scoped3A_159, %dma_start3A_184] : memref<125x40xi32, #tpu.memory_space<vmem>> -> memref<1x40xi32, #tpu.memory_space<vmem>>
      %dma_start3A_186 = tpu.memref_squeeze %dma_start3A_185 : memref<1x40xi32, #tpu.memory_space<vmem>> -> memref<40xi32, #tpu.memory_space<vmem>>
      %dma_start3A_187 = arith.constant 0 : i32
      %dma_start3A_188 = arith.constant 0 : i32
      %dma_start3A_189 = tpu.memref_slice %arg8[%dma_start3A_187, %dma_start3A_188] : memref<10240x128xf32, #tpu.memory_space<vmem_shared>> -> memref<10240x128xf32, #tpu.memory_space<vmem_shared>>
      tpu.enqueue_indirect_dma source(%dma_start3A_183 : memref<40x128xf32, #tpu.memory_space<vmem>>) target(%dma_start3A_189 : memref<10240x128xf32, #tpu.memory_space<vmem_shared>>) offsets(%dma_start3A_186 : memref<40xi32, #tpu.memory_space<vmem>>) semaphore(%run_scoped3A_179 : memref<!tpu.dma_semaphore, #tpu.memory_space<semaphore_mem>>) {add = true}
      %dma_wait3A_190 = arith.constant 0 : i32
      %dma_wait3A_191 = arith.constant 0 : i32
      %dma_wait3A_192 = tpu.memref_slice %arg7[%run_scoped3A_158, %dma_wait3A_190, %dma_wait3A_191] : memref<5x40x128xf32, #tpu.memory_space<vmem>> -> memref<1x40x128xf32, #tpu.memory_space<vmem>>
      %dma_wait3A_193 = tpu.memref_squeeze %dma_wait3A_192 : memref<1x40x128xf32, #tpu.memory_space<vmem>> -> memref<40x128xf32, #tpu.memory_space<vmem>>
      %dma_wait3A_194 = arith.constant 0 : i32
      %dma_wait3A_195 = tpu.memref_slice %arg6[%run_scoped3A_159, %dma_wait3A_194] : memref<125x40xi32, #tpu.memory_space<vmem>> -> memref<1x40xi32, #tpu.memory_space<vmem>>
      %dma_wait3A_196 = tpu.memref_squeeze %dma_wait3A_195 : memref<1x40xi32, #tpu.memory_space<vmem>> -> memref<40xi32, #tpu.memory_space<vmem>>
      %dma_wait3A_197 = arith.constant 0 : i32
      %dma_wait3A_198 = arith.constant 0 : i32
      %dma_wait3A_199 = tpu.memref_slice %arg8[%dma_wait3A_197, %dma_wait3A_198] : memref<10240x128xf32, #tpu.memory_space<vmem_shared>> -> memref<10240x128xf32, #tpu.memory_space<vmem_shared>>
      tpu.wait_indirect_dma semaphore(%run_scoped3A_179 : memref<!tpu.dma_semaphore, #tpu.memory_space<semaphore_mem>>) src(%dma_wait3A_193 : memref<40x128xf32, #tpu.memory_space<vmem>>) dst(%dma_wait3A_199 : memref<10240x128xf32, #tpu.memory_space<vmem_shared>>)
      tpu.yield
    }) : () -> ()
    %add3A_160 = arith.constant 4960 : i32
    %add3A_161 = arith.addi %multiple_of3A, %add3A_160 : i32
    %multiple_of3A_162 = tpu.assume_multiple %add3A_161, 40 : i32
    %dma_wait3A_163 = arith.constant 4 : i32
    %dma_wait3A_164 = arith.constant 0 : i32
    %dma_wait3A_165 = arith.constant 0 : i32
    %dma_wait3A_166 = tpu.memref_slice %arg7[%dma_wait3A_163, %dma_wait3A_164, %dma_wait3A_165] : memref<5x40x128xf32, #tpu.memory_space<vmem>> -> memref<1x40x128xf32, #tpu.memory_space<vmem>>
    %dma_wait3A_167 = tpu.memref_squeeze %dma_wait3A_166 : memref<1x40x128xf32, #tpu.memory_space<vmem>> -> memref<40x128xf32, #tpu.memory_space<vmem>>
    %dma_wait3A_168 = arith.constant 0 : i32
    %dma_wait3A_169 = tpu.memref_slice %arg2[%multiple_of3A_162, %dma_wait3A_168] : memref<160000x128xf32, #tpu.memory_space<hbm>> -> memref<40x128xf32, #tpu.memory_space<hbm>>
    %dma_wait3A_170 = arith.constant 0 : i32
    %dma_wait3A_171 = arith.constant 0 : i32
    %dma_wait3A_172 = tpu.memref_slice %arg7[%dma_wait3A_163, %dma_wait3A_170, %dma_wait3A_171] : memref<5x40x128xf32, #tpu.memory_space<vmem>> -> memref<1x40x128xf32, #tpu.memory_space<vmem>>
    %dma_wait3A_173 = tpu.memref_squeeze %dma_wait3A_172 : memref<1x40x128xf32, #tpu.memory_space<vmem>> -> memref<40x128xf32, #tpu.memory_space<vmem>>
    %dma_wait3A_174 = arith.constant 0 : i32
    %dma_wait3A_175 = tpu.memref_slice %arg2[%multiple_of3A_162, %dma_wait3A_174] : memref<160000x128xf32, #tpu.memory_space<hbm>> -> memref<40x128xf32, #tpu.memory_space<hbm>>
    tpu.wait_dma2 semaphore(%arg13 : memref<!tpu.dma_semaphore, #tpu.memory_space<semaphore_mem>>) src(%dma_wait3A_175 : memref<40x128xf32, #tpu.memory_space<hbm>>) dst(%dma_wait3A_173 : memref<40x128xf32, #tpu.memory_space<vmem>>)
    %run_scoped3A_176 = arith.constant 4 : i32
    %run_scoped3A_177 = arith.constant 124 : i32
    "tpu.region"() ({
      %run_scoped3A_179 = tpu.sem_alloc : memref<!tpu.dma_semaphore, #tpu.memory_space<semaphore_mem>>
      %dma_start3A_180 = arith.constant 0 : i32
      %dma_start3A_181 = arith.constant 0 : i32
      %dma_start3A_182 = tpu.memref_slice %arg7[%run_scoped3A_176, %dma_start3A_180, %dma_start3A_181] : memref<5x40x128xf32, #tpu.memory_space<vmem>> -> memref<1x40x128xf32, #tpu.memory_space<vmem>>
      %dma_start3A_183 = tpu.memref_squeeze %dma_start3A_182 : memref<1x40x128xf32, #tpu.memory_space<vmem>> -> memref<40x128xf32, #tpu.memory_space<vmem>>
      %dma_start3A_184 = arith.constant 0 : i32
      %dma_start3A_185 = tpu.memref_slice %arg6[%run_scoped3A_177, %dma_start3A_184] : memref<125x40xi32, #tpu.memory_space<vmem>> -> memref<1x40xi32, #tpu.memory_space<vmem>>
      %dma_start3A_186 = tpu.memref_squeeze %dma_start3A_185 : memref<1x40xi32, #tpu.memory_space<vmem>> -> memref<40xi32, #tpu.memory_space<vmem>>
      %dma_start3A_187 = arith.constant 0 : i32
      %dma_start3A_188 = arith.constant 0 : i32
      %dma_start3A_189 = tpu.memref_slice %arg8[%dma_start3A_187, %dma_start3A_188] : memref<10240x128xf32, #tpu.memory_space<vmem_shared>> -> memref<10240x128xf32, #tpu.memory_space<vmem_shared>>
      tpu.enqueue_indirect_dma source(%dma_start3A_183 : memref<40x128xf32, #tpu.memory_space<vmem>>) target(%dma_start3A_189 : memref<10240x128xf32, #tpu.memory_space<vmem_shared>>) offsets(%dma_start3A_186 : memref<40xi32, #tpu.memory_space<vmem>>) semaphore(%run_scoped3A_179 : memref<!tpu.dma_semaphore, #tpu.memory_space<semaphore_mem>>) {add = true}
      %dma_wait3A_190 = arith.constant 0 : i32
      %dma_wait3A_191 = arith.constant 0 : i32
      %dma_wait3A_192 = tpu.memref_slice %arg7[%run_scoped3A_176, %dma_wait3A_190, %dma_wait3A_191] : memref<5x40x128xf32, #tpu.memory_space<vmem>> -> memref<1x40x128xf32, #tpu.memory_space<vmem>>
      %dma_wait3A_193 = tpu.memref_squeeze %dma_wait3A_192 : memref<1x40x128xf32, #tpu.memory_space<vmem>> -> memref<40x128xf32, #tpu.memory_space<vmem>>
      %dma_wait3A_194 = arith.constant 0 : i32
      %dma_wait3A_195 = tpu.memref_slice %arg6[%run_scoped3A_177, %dma_wait3A_194] : memref<125x40xi32, #tpu.memory_space<vmem>> -> memref<1x40xi32, #tpu.memory_space<vmem>>
      %dma_wait3A_196 = tpu.memref_squeeze %dma_wait3A_195 : memref<1x40xi32, #tpu.memory_space<vmem>> -> memref<40xi32, #tpu.memory_space<vmem>>
      %dma_wait3A_197 = arith.constant 0 : i32
      %dma_wait3A_198 = arith.constant 0 : i32
      %dma_wait3A_199 = tpu.memref_slice %arg8[%dma_wait3A_197, %dma_wait3A_198] : memref<10240x128xf32, #tpu.memory_space<vmem_shared>> -> memref<10240x128xf32, #tpu.memory_space<vmem_shared>>
      tpu.wait_indirect_dma semaphore(%run_scoped3A_179 : memref<!tpu.dma_semaphore, #tpu.memory_space<semaphore_mem>>) src(%dma_wait3A_193 : memref<40x128xf32, #tpu.memory_space<vmem>>) dst(%dma_wait3A_199 : memref<10240x128xf32, #tpu.memory_space<vmem_shared>>)
      tpu.yield
    }) : () -> ()
    %barrier3A_178 = arith.constant 0 : index
    tpu.barrier barrier_id(%barrier3A_178)
    "tpu.region"() ({
      %run_scoped3A_179 = tpu.sem_alloc : memref<!tpu.dma_semaphore, #tpu.memory_space<semaphore_mem>>
      %dma_start3A_180 = arith.constant 0 : i32
      %dma_start3A_181 = tpu.memref_slice %arg5[%arg0, %multiple_of3A_5, %dma_start3A_180] : memref<2x10240x128xf32, #tpu.memory_space<hbm>> -> memref<1x640x128xf32, #tpu.memory_space<hbm>>
      %dma_start3A_182 = tpu.memref_squeeze %dma_start3A_181 : memref<1x640x128xf32, #tpu.memory_space<hbm>> -> memref<640x128xf32, #tpu.memory_space<hbm>>
      %dma_start3A_183 = arith.constant 0 : i32
      %dma_start3A_184 = tpu.memref_slice %arg8[%multiple_of3A_5, %dma_start3A_183] : memref<10240x128xf32, #tpu.memory_space<vmem_shared>> -> memref<640x128xf32, #tpu.memory_space<vmem_shared>>
      tpu.enqueue_dma source(%dma_start3A_184 : memref<640x128xf32, #tpu.memory_space<vmem_shared>>) target(%dma_start3A_182 : memref<640x128xf32, #tpu.memory_space<hbm>>) target_semaphore(%run_scoped3A_179 : memref<!tpu.dma_semaphore, #tpu.memory_space<semaphore_mem>>)
      %dma_wait3A_185 = arith.constant 0 : i32
      %dma_wait3A_186 = tpu.memref_slice %arg5[%arg0, %multiple_of3A_5, %dma_wait3A_185] : memref<2x10240x128xf32, #tpu.memory_space<hbm>> -> memref<1x640x128xf32, #tpu.memory_space<hbm>>
      %dma_wait3A_187 = tpu.memref_squeeze %dma_wait3A_186 : memref<1x640x128xf32, #tpu.memory_space<hbm>> -> memref<640x128xf32, #tpu.memory_space<hbm>>
      %dma_wait3A_188 = arith.constant 0 : i32
      %dma_wait3A_189 = tpu.memref_slice %arg8[%multiple_of3A_5, %dma_wait3A_188] : memref<10240x128xf32, #tpu.memory_space<vmem_shared>> -> memref<640x128xf32, #tpu.memory_space<vmem_shared>>
      tpu.wait_dma2 semaphore(%run_scoped3A_179 : memref<!tpu.dma_semaphore, #tpu.memory_space<semaphore_mem>>) src(%dma_wait3A_189 : memref<640x128xf32, #tpu.memory_space<vmem_shared>>) dst(%dma_wait3A_187 : memref<640x128xf32, #tpu.memory_space<hbm>>)
      tpu.yield
    }) : () -> ()
    return
  }
}

#map = affine_map<(d0, d1) -> (0, 0)>
#map1 = affine_map<(d0, d1) -> (0, 0, 0)>
module attributes {stable_mosaic.version = 14 : i64} {
  func.func @_gather_k(%arg0: i32, %arg1: i32, %arg2: memref<10000x128xf32, #tpu.memory_space<hbm>>, %arg3: memref<32x125x40xi32, #tpu.memory_space<hbm>>, %arg4: memref<160000x128xf32, #tpu.memory_space<hbm>>, %arg5: memref<125x40xi32, #tpu.memory_space<vmem>>, %arg6: memref<5x40x128xf32, #tpu.memory_space<vmem>>, %arg7: memref<!tpu.dma_semaphore, #tpu.memory_space<semaphore_mem>>, %arg8: memref<!tpu.dma_semaphore, #tpu.memory_space<semaphore_mem>>, %arg9: memref<!tpu.dma_semaphore, #tpu.memory_space<semaphore_mem>>, %arg10: memref<!tpu.dma_semaphore, #tpu.memory_space<semaphore_mem>>, %arg11: memref<!tpu.dma_semaphore, #tpu.memory_space<semaphore_mem>>) attributes {dimension_semantics = [#tpu.dimension_semantics<core_parallel>, #tpu.dimension_semantics<subcore_parallel>], iteration_bounds = array<i64: 2, 16>, scalar_prefetch = 0 : i64, scratch_operands = 7 : i64, tpu.core_type = #tpu.core_type<sc_vector_subcore>, window_params = [{transform_indices = #map}, {transform_indices = #map1}, {transform_indices = #map}]} {
    %mul3A = arith.constant 2 : i32
    %mul3A_0 = arith.muli %arg1, %mul3A : i32
    %add3A = arith.addi %mul3A_0, %arg0 : i32
    %mul3A_1 = arith.constant 5000 : i32
    %mul3A_2 = arith.muli %add3A, %mul3A_1 : i32
    %multiple_of3A = tpu.assume_multiple %mul3A_2, 40 : i32
    "tpu.region"() ({
      %run_scoped3A_145 = tpu.sem_alloc : memref<!tpu.dma_semaphore, #tpu.memory_space<semaphore_mem>>
      %dma_start3A_146 = arith.constant 0 : i32
      %dma_start3A_147 = arith.constant 0 : i32
      %dma_start3A_148 = tpu.memref_slice %arg3[%add3A, %dma_start3A_146, %dma_start3A_147] : memref<32x125x40xi32, #tpu.memory_space<hbm>> -> memref<1x125x40xi32, #tpu.memory_space<hbm>>
      %dma_start3A_149 = tpu.memref_squeeze %dma_start3A_148 : memref<1x125x40xi32, #tpu.memory_space<hbm>> -> memref<125x40xi32, #tpu.memory_space<hbm>>
      %dma_start3A_150 = arith.constant 0 : i32
      %dma_start3A_151 = arith.constant 0 : i32
      %dma_start3A_152 = tpu.memref_slice %arg3[%add3A, %dma_start3A_150, %dma_start3A_151] : memref<32x125x40xi32, #tpu.memory_space<hbm>> -> memref<1x125x40xi32, #tpu.memory_space<hbm>>
      %dma_start3A_153 = tpu.memref_squeeze %dma_start3A_152 : memref<1x125x40xi32, #tpu.memory_space<hbm>> -> memref<125x40xi32, #tpu.memory_space<hbm>>
      tpu.enqueue_dma source(%dma_start3A_153 : memref<125x40xi32, #tpu.memory_space<hbm>>) target(%arg5 : memref<125x40xi32, #tpu.memory_space<vmem>>) target_semaphore(%run_scoped3A_145 : memref<!tpu.dma_semaphore, #tpu.memory_space<semaphore_mem>>)
      %dma_wait3A_154 = arith.constant 0 : i32
      %dma_wait3A_155 = arith.constant 0 : i32
      %dma_wait3A_156 = tpu.memref_slice %arg3[%add3A, %dma_wait3A_154, %dma_wait3A_155] : memref<32x125x40xi32, #tpu.memory_space<hbm>> -> memref<1x125x40xi32, #tpu.memory_space<hbm>>
      %dma_wait3A_157 = tpu.memref_squeeze %dma_wait3A_156 : memref<1x125x40xi32, #tpu.memory_space<hbm>> -> memref<125x40xi32, #tpu.memory_space<hbm>>
      %dma_wait3A_158 = arith.constant 0 : i32
      %dma_wait3A_159 = arith.constant 0 : i32
      %dma_wait3A_160 = tpu.memref_slice %arg3[%add3A, %dma_wait3A_158, %dma_wait3A_159] : memref<32x125x40xi32, #tpu.memory_space<hbm>> -> memref<1x125x40xi32, #tpu.memory_space<hbm>>
      %dma_wait3A_161 = tpu.memref_squeeze %dma_wait3A_160 : memref<1x125x40xi32, #tpu.memory_space<hbm>> -> memref<125x40xi32, #tpu.memory_space<hbm>>
      tpu.wait_dma2 semaphore(%run_scoped3A_145 : memref<!tpu.dma_semaphore, #tpu.memory_space<semaphore_mem>>) src(%dma_wait3A_161 : memref<125x40xi32, #tpu.memory_space<hbm>>) dst(%arg5 : memref<125x40xi32, #tpu.memory_space<vmem>>)
      tpu.yield
    }) : () -> ()
    %dma_start3A = arith.constant 0 : i32
    %dma_start3A_3 = arith.constant 0 : i32
    %dma_start3A_4 = arith.constant 0 : i32
    %dma_start3A_5 = arith.constant 0 : i32
    %dma_start3A_6 = tpu.memref_slice %arg6[%dma_start3A_3, %dma_start3A_4, %dma_start3A_5] : memref<5x40x128xf32, #tpu.memory_space<vmem>> -> memref<1x40x128xf32, #tpu.memory_space<vmem>>
    %dma_start3A_7 = tpu.memref_squeeze %dma_start3A_6 : memref<1x40x128xf32, #tpu.memory_space<vmem>> -> memref<40x128xf32, #tpu.memory_space<vmem>>
    %dma_start3A_8 = arith.constant 0 : i32
    %dma_start3A_9 = tpu.memref_slice %arg5[%dma_start3A, %dma_start3A_8] : memref<125x40xi32, #tpu.memory_space<vmem>> -> memref<1x40xi32, #tpu.memory_space<vmem>>
    %dma_start3A_10 = tpu.memref_squeeze %dma_start3A_9 : memref<1x40xi32, #tpu.memory_space<vmem>> -> memref<40xi32, #tpu.memory_space<vmem>>
    %dma_start3A_11 = arith.constant 0 : i32
    %dma_start3A_12 = arith.constant 0 : i32
    %dma_start3A_13 = tpu.memref_slice %arg2[%dma_start3A_11, %dma_start3A_12] : memref<10000x128xf32, #tpu.memory_space<hbm>> -> memref<10000x128xf32, #tpu.memory_space<hbm>>
    tpu.enqueue_indirect_dma source(%dma_start3A_13 : memref<10000x128xf32, #tpu.memory_space<hbm>>) target(%dma_start3A_7 : memref<40x128xf32, #tpu.memory_space<vmem>>) offsets(%dma_start3A_10 : memref<40xi32, #tpu.memory_space<vmem>>) semaphore(%arg7 : memref<!tpu.dma_semaphore, #tpu.memory_space<semaphore_mem>>)
    %dma_start3A_14 = arith.constant 1 : i32
    %dma_start3A_15 = arith.constant 1 : i32
    %dma_start3A_16 = arith.constant 0 : i32
    %dma_start3A_17 = arith.constant 0 : i32
    %dma_start3A_18 = tpu.memref_slice %arg6[%dma_start3A_15, %dma_start3A_16, %dma_start3A_17] : memref<5x40x128xf32, #tpu.memory_space<vmem>> -> memref<1x40x128xf32, #tpu.memory_space<vmem>>
    %dma_start3A_19 = tpu.memref_squeeze %dma_start3A_18 : memref<1x40x128xf32, #tpu.memory_space<vmem>> -> memref<40x128xf32, #tpu.memory_space<vmem>>
    %dma_start3A_20 = arith.constant 0 : i32
    %dma_start3A_21 = tpu.memref_slice %arg5[%dma_start3A_14, %dma_start3A_20] : memref<125x40xi32, #tpu.memory_space<vmem>> -> memref<1x40xi32, #tpu.memory_space<vmem>>
    %dma_start3A_22 = tpu.memref_squeeze %dma_start3A_21 : memref<1x40xi32, #tpu.memory_space<vmem>> -> memref<40xi32, #tpu.memory_space<vmem>>
    %dma_start3A_23 = arith.constant 0 : i32
    %dma_start3A_24 = arith.constant 0 : i32
    %dma_start3A_25 = tpu.memref_slice %arg2[%dma_start3A_23, %dma_start3A_24] : memref<10000x128xf32, #tpu.memory_space<hbm>> -> memref<10000x128xf32, #tpu.memory_space<hbm>>
    tpu.enqueue_indirect_dma source(%dma_start3A_25 : memref<10000x128xf32, #tpu.memory_space<hbm>>) target(%dma_start3A_19 : memref<40x128xf32, #tpu.memory_space<vmem>>) offsets(%dma_start3A_22 : memref<40xi32, #tpu.memory_space<vmem>>) semaphore(%arg8 : memref<!tpu.dma_semaphore, #tpu.memory_space<semaphore_mem>>)
    %dma_start3A_26 = arith.constant 2 : i32
    %dma_start3A_27 = arith.constant 2 : i32
    %dma_start3A_28 = arith.constant 0 : i32
    %dma_start3A_29 = arith.constant 0 : i32
    %dma_start3A_30 = tpu.memref_slice %arg6[%dma_start3A_27, %dma_start3A_28, %dma_start3A_29] : memref<5x40x128xf32, #tpu.memory_space<vmem>> -> memref<1x40x128xf32, #tpu.memory_space<vmem>>
    %dma_start3A_31 = tpu.memref_squeeze %dma_start3A_30 : memref<1x40x128xf32, #tpu.memory_space<vmem>> -> memref<40x128xf32, #tpu.memory_space<vmem>>
    %dma_start3A_32 = arith.constant 0 : i32
    %dma_start3A_33 = tpu.memref_slice %arg5[%dma_start3A_26, %dma_start3A_32] : memref<125x40xi32, #tpu.memory_space<vmem>> -> memref<1x40xi32, #tpu.memory_space<vmem>>
    %dma_start3A_34 = tpu.memref_squeeze %dma_start3A_33 : memref<1x40xi32, #tpu.memory_space<vmem>> -> memref<40xi32, #tpu.memory_space<vmem>>
    %dma_start3A_35 = arith.constant 0 : i32
    %dma_start3A_36 = arith.constant 0 : i32
    %dma_start3A_37 = tpu.memref_slice %arg2[%dma_start3A_35, %dma_start3A_36] : memref<10000x128xf32, #tpu.memory_space<hbm>> -> memref<10000x128xf32, #tpu.memory_space<hbm>>
    tpu.enqueue_indirect_dma source(%dma_start3A_37 : memref<10000x128xf32, #tpu.memory_space<hbm>>) target(%dma_start3A_31 : memref<40x128xf32, #tpu.memory_space<vmem>>) offsets(%dma_start3A_34 : memref<40xi32, #tpu.memory_space<vmem>>) semaphore(%arg9 : memref<!tpu.dma_semaphore, #tpu.memory_space<semaphore_mem>>)
    %dma_start3A_38 = arith.constant 3 : i32
    %dma_start3A_39 = arith.constant 3 : i32
    %dma_start3A_40 = arith.constant 0 : i32
    %dma_start3A_41 = arith.constant 0 : i32
    %dma_start3A_42 = tpu.memref_slice %arg6[%dma_start3A_39, %dma_start3A_40, %dma_start3A_41] : memref<5x40x128xf32, #tpu.memory_space<vmem>> -> memref<1x40x128xf32, #tpu.memory_space<vmem>>
    %dma_start3A_43 = tpu.memref_squeeze %dma_start3A_42 : memref<1x40x128xf32, #tpu.memory_space<vmem>> -> memref<40x128xf32, #tpu.memory_space<vmem>>
    %dma_start3A_44 = arith.constant 0 : i32
    %dma_start3A_45 = tpu.memref_slice %arg5[%dma_start3A_38, %dma_start3A_44] : memref<125x40xi32, #tpu.memory_space<vmem>> -> memref<1x40xi32, #tpu.memory_space<vmem>>
    %dma_start3A_46 = tpu.memref_squeeze %dma_start3A_45 : memref<1x40xi32, #tpu.memory_space<vmem>> -> memref<40xi32, #tpu.memory_space<vmem>>
    %dma_start3A_47 = arith.constant 0 : i32
    %dma_start3A_48 = arith.constant 0 : i32
    %dma_start3A_49 = tpu.memref_slice %arg2[%dma_start3A_47, %dma_start3A_48] : memref<10000x128xf32, #tpu.memory_space<hbm>> -> memref<10000x128xf32, #tpu.memory_space<hbm>>
    tpu.enqueue_indirect_dma source(%dma_start3A_49 : memref<10000x128xf32, #tpu.memory_space<hbm>>) target(%dma_start3A_43 : memref<40x128xf32, #tpu.memory_space<vmem>>) offsets(%dma_start3A_46 : memref<40xi32, #tpu.memory_space<vmem>>) semaphore(%arg10 : memref<!tpu.dma_semaphore, #tpu.memory_space<semaphore_mem>>)
    %dma_start3A_50 = arith.constant 4 : i32
    %dma_start3A_51 = arith.constant 4 : i32
    %dma_start3A_52 = arith.constant 0 : i32
    %dma_start3A_53 = arith.constant 0 : i32
    %dma_start3A_54 = tpu.memref_slice %arg6[%dma_start3A_51, %dma_start3A_52, %dma_start3A_53] : memref<5x40x128xf32, #tpu.memory_space<vmem>> -> memref<1x40x128xf32, #tpu.memory_space<vmem>>
    %dma_start3A_55 = tpu.memref_squeeze %dma_start3A_54 : memref<1x40x128xf32, #tpu.memory_space<vmem>> -> memref<40x128xf32, #tpu.memory_space<vmem>>
    %dma_start3A_56 = arith.constant 0 : i32
    %dma_start3A_57 = tpu.memref_slice %arg5[%dma_start3A_50, %dma_start3A_56] : memref<125x40xi32, #tpu.memory_space<vmem>> -> memref<1x40xi32, #tpu.memory_space<vmem>>
    %dma_start3A_58 = tpu.memref_squeeze %dma_start3A_57 : memref<1x40xi32, #tpu.memory_space<vmem>> -> memref<40xi32, #tpu.memory_space<vmem>>
    %dma_start3A_59 = arith.constant 0 : i32
    %dma_start3A_60 = arith.constant 0 : i32
    %dma_start3A_61 = tpu.memref_slice %arg2[%dma_start3A_59, %dma_start3A_60] : memref<10000x128xf32, #tpu.memory_space<hbm>> -> memref<10000x128xf32, #tpu.memory_space<hbm>>
    tpu.enqueue_indirect_dma source(%dma_start3A_61 : memref<10000x128xf32, #tpu.memory_space<hbm>>) target(%dma_start3A_55 : memref<40x128xf32, #tpu.memory_space<vmem>>) offsets(%dma_start3A_58 : memref<40xi32, #tpu.memory_space<vmem>>) semaphore(%arg11 : memref<!tpu.dma_semaphore, #tpu.memory_space<semaphore_mem>>)
    %scan3A = arith.constant 0 : i32
    %scan3A_62 = arith.constant 0 : i32
    %scan3A_63 = arith.constant 24 : i32
    %scan3A_64 = arith.addi %scan3A_62, %scan3A_63 : i32
    %scan3A_65 = arith.constant 1 : i32
    scf.for %scan3A_145 = %scan3A_62 to %scan3A_64 step %scan3A_65  : i32 {
      %mul3A_146 = arith.constant 5 : i32
      %mul3A_147 = arith.muli %mul3A_146, %scan3A_145 : i32
      %add3A_148 = arith.constant 0 : i32
      %add3A_149 = arith.addi %mul3A_147, %add3A_148 : i32
      %dma_wait3A_150 = arith.constant 0 : i32
      %dma_wait3A_151 = arith.constant 0 : i32
      %dma_wait3A_152 = arith.constant 0 : i32
      %dma_wait3A_153 = tpu.memref_slice %arg6[%dma_wait3A_150, %dma_wait3A_151, %dma_wait3A_152] : memref<5x40x128xf32, #tpu.memory_space<vmem>> -> memref<1x40x128xf32, #tpu.memory_space<vmem>>
      %dma_wait3A_154 = tpu.memref_squeeze %dma_wait3A_153 : memref<1x40x128xf32, #tpu.memory_space<vmem>> -> memref<40x128xf32, #tpu.memory_space<vmem>>
      %dma_wait3A_155 = arith.constant 0 : i32
      %dma_wait3A_156 = tpu.memref_slice %arg5[%add3A_149, %dma_wait3A_155] : memref<125x40xi32, #tpu.memory_space<vmem>> -> memref<1x40xi32, #tpu.memory_space<vmem>>
      %dma_wait3A_157 = tpu.memref_squeeze %dma_wait3A_156 : memref<1x40xi32, #tpu.memory_space<vmem>> -> memref<40xi32, #tpu.memory_space<vmem>>
      %dma_wait3A_158 = arith.constant 0 : i32
      %dma_wait3A_159 = arith.constant 0 : i32
      %dma_wait3A_160 = tpu.memref_slice %arg2[%dma_wait3A_158, %dma_wait3A_159] : memref<10000x128xf32, #tpu.memory_space<hbm>> -> memref<10000x128xf32, #tpu.memory_space<hbm>>
      tpu.wait_indirect_dma semaphore(%arg7 : memref<!tpu.dma_semaphore, #tpu.memory_space<semaphore_mem>>) src(%dma_wait3A_160 : memref<10000x128xf32, #tpu.memory_space<hbm>>) dst(%dma_wait3A_154 : memref<40x128xf32, #tpu.memory_space<vmem>>)
      %mul3A_161 = arith.constant 40 : i32
      %mul3A_162 = arith.muli %add3A_149, %mul3A_161 : i32
      %add3A_163 = arith.addi %multiple_of3A, %mul3A_162 : i32
      %multiple_of3A_164 = tpu.assume_multiple %add3A_163, 40 : i32
      %run_scoped3A_165 = arith.constant 0 : i32
      "tpu.region"() ({
        %run_scoped3A_311 = tpu.sem_alloc : memref<!tpu.dma_semaphore, #tpu.memory_space<semaphore_mem>>
        %dma_start3A_312 = arith.constant 0 : i32
        %dma_start3A_313 = arith.constant 0 : i32
        %dma_start3A_314 = tpu.memref_slice %arg6[%run_scoped3A_165, %dma_start3A_312, %dma_start3A_313] : memref<5x40x128xf32, #tpu.memory_space<vmem>> -> memref<1x40x128xf32, #tpu.memory_space<vmem>>
        %dma_start3A_315 = tpu.memref_squeeze %dma_start3A_314 : memref<1x40x128xf32, #tpu.memory_space<vmem>> -> memref<40x128xf32, #tpu.memory_space<vmem>>
        %dma_start3A_316 = arith.constant 0 : i32
        %dma_start3A_317 = tpu.memref_slice %arg4[%multiple_of3A_164, %dma_start3A_316] : memref<160000x128xf32, #tpu.memory_space<hbm>> -> memref<40x128xf32, #tpu.memory_space<hbm>>
        %dma_start3A_318 = arith.constant 0 : i32
        %dma_start3A_319 = tpu.memref_slice %arg4[%multiple_of3A_164, %dma_start3A_318] : memref<160000x128xf32, #tpu.memory_space<hbm>> -> memref<40x128xf32, #tpu.memory_space<hbm>>
        %dma_start3A_320 = arith.constant 0 : i32
        %dma_start3A_321 = arith.constant 0 : i32
        %dma_start3A_322 = tpu.memref_slice %arg6[%run_scoped3A_165, %dma_start3A_320, %dma_start3A_321] : memref<5x40x128xf32, #tpu.memory_space<vmem>> -> memref<1x40x128xf32, #tpu.memory_space<vmem>>
        %dma_start3A_323 = tpu.memref_squeeze %dma_start3A_322 : memref<1x40x128xf32, #tpu.memory_space<vmem>> -> memref<40x128xf32, #tpu.memory_space<vmem>>
        tpu.enqueue_dma source(%dma_start3A_323 : memref<40x128xf32, #tpu.memory_space<vmem>>) target(%dma_start3A_319 : memref<40x128xf32, #tpu.memory_space<hbm>>) target_semaphore(%run_scoped3A_311 : memref<!tpu.dma_semaphore, #tpu.memory_space<semaphore_mem>>)
        %dma_wait3A_324 = arith.constant 0 : i32
        %dma_wait3A_325 = arith.constant 0 : i32
        %dma_wait3A_326 = tpu.memref_slice %arg6[%run_scoped3A_165, %dma_wait3A_324, %dma_wait3A_325] : memref<5x40x128xf32, #tpu.memory_space<vmem>> -> memref<1x40x128xf32, #tpu.memory_space<vmem>>
        %dma_wait3A_327 = tpu.memref_squeeze %dma_wait3A_326 : memref<1x40x128xf32, #tpu.memory_space<vmem>> -> memref<40x128xf32, #tpu.memory_space<vmem>>
        %dma_wait3A_328 = arith.constant 0 : i32
        %dma_wait3A_329 = tpu.memref_slice %arg4[%multiple_of3A_164, %dma_wait3A_328] : memref<160000x128xf32, #tpu.memory_space<hbm>> -> memref<40x128xf32, #tpu.memory_space<hbm>>
        %dma_wait3A_330 = arith.constant 0 : i32
        %dma_wait3A_331 = tpu.memref_slice %arg4[%multiple_of3A_164, %dma_wait3A_330] : memref<160000x128xf32, #tpu.memory_space<hbm>> -> memref<40x128xf32, #tpu.memory_space<hbm>>
        %dma_wait3A_332 = arith.constant 0 : i32
        %dma_wait3A_333 = arith.constant 0 : i32
        %dma_wait3A_334 = tpu.memref_slice %arg6[%run_scoped3A_165, %dma_wait3A_332, %dma_wait3A_333] : memref<5x40x128xf32, #tpu.memory_space<vmem>> -> memref<1x40x128xf32, #tpu.memory_space<vmem>>
        %dma_wait3A_335 = tpu.memref_squeeze %dma_wait3A_334 : memref<1x40x128xf32, #tpu.memory_space<vmem>> -> memref<40x128xf32, #tpu.memory_space<vmem>>
        tpu.wait_dma2 semaphore(%run_scoped3A_311 : memref<!tpu.dma_semaphore, #tpu.memory_space<semaphore_mem>>) src(%dma_wait3A_335 : memref<40x128xf32, #tpu.memory_space<vmem>>) dst(%dma_wait3A_331 : memref<40x128xf32, #tpu.memory_space<hbm>>)
        tpu.yield
      }) : () -> ()
      %add3A_166 = arith.constant 5 : i32
      %add3A_167 = arith.addi %add3A_149, %add3A_166 : i32
      %dma_start3A_168 = arith.constant 0 : i32
      %dma_start3A_169 = arith.constant 0 : i32
      %dma_start3A_170 = arith.constant 0 : i32
      %dma_start3A_171 = tpu.memref_slice %arg6[%dma_start3A_168, %dma_start3A_169, %dma_start3A_170] : memref<5x40x128xf32, #tpu.memory_space<vmem>> -> memref<1x40x128xf32, #tpu.memory_space<vmem>>
      %dma_start3A_172 = tpu.memref_squeeze %dma_start3A_171 : memref<1x40x128xf32, #tpu.memory_space<vmem>> -> memref<40x128xf32, #tpu.memory_space<vmem>>
      %dma_start3A_173 = arith.constant 0 : i32
      %dma_start3A_174 = tpu.memref_slice %arg5[%add3A_167, %dma_start3A_173] : memref<125x40xi32, #tpu.memory_space<vmem>> -> memref<1x40xi32, #tpu.memory_space<vmem>>
      %dma_start3A_175 = tpu.memref_squeeze %dma_start3A_174 : memref<1x40xi32, #tpu.memory_space<vmem>> -> memref<40xi32, #tpu.memory_space<vmem>>
      %dma_start3A_176 = arith.constant 0 : i32
      %dma_start3A_177 = arith.constant 0 : i32
      %dma_start3A_178 = tpu.memref_slice %arg2[%dma_start3A_176, %dma_start3A_177] : memref<10000x128xf32, #tpu.memory_space<hbm>> -> memref<10000x128xf32, #tpu.memory_space<hbm>>
      tpu.enqueue_indirect_dma source(%dma_start3A_178 : memref<10000x128xf32, #tpu.memory_space<hbm>>) target(%dma_start3A_172 : memref<40x128xf32, #tpu.memory_space<vmem>>) offsets(%dma_start3A_175 : memref<40xi32, #tpu.memory_space<vmem>>) semaphore(%arg7 : memref<!tpu.dma_semaphore, #tpu.memory_space<semaphore_mem>>)
      %mul3A_179 = arith.constant 5 : i32
      %mul3A_180 = arith.muli %mul3A_179, %scan3A_145 : i32
      %add3A_181 = arith.constant 1 : i32
      %add3A_182 = arith.addi %mul3A_180, %add3A_181 : i32
      %dma_wait3A_183 = arith.constant 1 : i32
      %dma_wait3A_184 = arith.constant 0 : i32
      %dma_wait3A_185 = arith.constant 0 : i32
      %dma_wait3A_186 = tpu.memref_slice %arg6[%dma_wait3A_183, %dma_wait3A_184, %dma_wait3A_185] : memref<5x40x128xf32, #tpu.memory_space<vmem>> -> memref<1x40x128xf32, #tpu.memory_space<vmem>>
      %dma_wait3A_187 = tpu.memref_squeeze %dma_wait3A_186 : memref<1x40x128xf32, #tpu.memory_space<vmem>> -> memref<40x128xf32, #tpu.memory_space<vmem>>
      %dma_wait3A_188 = arith.constant 0 : i32
      %dma_wait3A_189 = tpu.memref_slice %arg5[%add3A_182, %dma_wait3A_188] : memref<125x40xi32, #tpu.memory_space<vmem>> -> memref<1x40xi32, #tpu.memory_space<vmem>>
      %dma_wait3A_190 = tpu.memref_squeeze %dma_wait3A_189 : memref<1x40xi32, #tpu.memory_space<vmem>> -> memref<40xi32, #tpu.memory_space<vmem>>
      %dma_wait3A_191 = arith.constant 0 : i32
      %dma_wait3A_192 = arith.constant 0 : i32
      %dma_wait3A_193 = tpu.memref_slice %arg2[%dma_wait3A_191, %dma_wait3A_192] : memref<10000x128xf32, #tpu.memory_space<hbm>> -> memref<10000x128xf32, #tpu.memory_space<hbm>>
      tpu.wait_indirect_dma semaphore(%arg8 : memref<!tpu.dma_semaphore, #tpu.memory_space<semaphore_mem>>) src(%dma_wait3A_193 : memref<10000x128xf32, #tpu.memory_space<hbm>>) dst(%dma_wait3A_187 : memref<40x128xf32, #tpu.memory_space<vmem>>)
      %mul3A_194 = arith.constant 40 : i32
      %mul3A_195 = arith.muli %add3A_182, %mul3A_194 : i32
      %add3A_196 = arith.addi %multiple_of3A, %mul3A_195 : i32
      %multiple_of3A_197 = tpu.assume_multiple %add3A_196, 40 : i32
      %run_scoped3A_198 = arith.constant 1 : i32
      "tpu.region"() ({
        %run_scoped3A_311 = tpu.sem_alloc : memref<!tpu.dma_semaphore, #tpu.memory_space<semaphore_mem>>
        %dma_start3A_312 = arith.constant 0 : i32
        %dma_start3A_313 = arith.constant 0 : i32
        %dma_start3A_314 = tpu.memref_slice %arg6[%run_scoped3A_198, %dma_start3A_312, %dma_start3A_313] : memref<5x40x128xf32, #tpu.memory_space<vmem>> -> memref<1x40x128xf32, #tpu.memory_space<vmem>>
        %dma_start3A_315 = tpu.memref_squeeze %dma_start3A_314 : memref<1x40x128xf32, #tpu.memory_space<vmem>> -> memref<40x128xf32, #tpu.memory_space<vmem>>
        %dma_start3A_316 = arith.constant 0 : i32
        %dma_start3A_317 = tpu.memref_slice %arg4[%multiple_of3A_197, %dma_start3A_316] : memref<160000x128xf32, #tpu.memory_space<hbm>> -> memref<40x128xf32, #tpu.memory_space<hbm>>
        %dma_start3A_318 = arith.constant 0 : i32
        %dma_start3A_319 = tpu.memref_slice %arg4[%multiple_of3A_197, %dma_start3A_318] : memref<160000x128xf32, #tpu.memory_space<hbm>> -> memref<40x128xf32, #tpu.memory_space<hbm>>
        %dma_start3A_320 = arith.constant 0 : i32
        %dma_start3A_321 = arith.constant 0 : i32
        %dma_start3A_322 = tpu.memref_slice %arg6[%run_scoped3A_198, %dma_start3A_320, %dma_start3A_321] : memref<5x40x128xf32, #tpu.memory_space<vmem>> -> memref<1x40x128xf32, #tpu.memory_space<vmem>>
        %dma_start3A_323 = tpu.memref_squeeze %dma_start3A_322 : memref<1x40x128xf32, #tpu.memory_space<vmem>> -> memref<40x128xf32, #tpu.memory_space<vmem>>
        tpu.enqueue_dma source(%dma_start3A_323 : memref<40x128xf32, #tpu.memory_space<vmem>>) target(%dma_start3A_319 : memref<40x128xf32, #tpu.memory_space<hbm>>) target_semaphore(%run_scoped3A_311 : memref<!tpu.dma_semaphore, #tpu.memory_space<semaphore_mem>>)
        %dma_wait3A_324 = arith.constant 0 : i32
        %dma_wait3A_325 = arith.constant 0 : i32
        %dma_wait3A_326 = tpu.memref_slice %arg6[%run_scoped3A_198, %dma_wait3A_324, %dma_wait3A_325] : memref<5x40x128xf32, #tpu.memory_space<vmem>> -> memref<1x40x128xf32, #tpu.memory_space<vmem>>
        %dma_wait3A_327 = tpu.memref_squeeze %dma_wait3A_326 : memref<1x40x128xf32, #tpu.memory_space<vmem>> -> memref<40x128xf32, #tpu.memory_space<vmem>>
        %dma_wait3A_328 = arith.constant 0 : i32
        %dma_wait3A_329 = tpu.memref_slice %arg4[%multiple_of3A_197, %dma_wait3A_328] : memref<160000x128xf32, #tpu.memory_space<hbm>> -> memref<40x128xf32, #tpu.memory_space<hbm>>
        %dma_wait3A_330 = arith.constant 0 : i32
        %dma_wait3A_331 = tpu.memref_slice %arg4[%multiple_of3A_197, %dma_wait3A_330] : memref<160000x128xf32, #tpu.memory_space<hbm>> -> memref<40x128xf32, #tpu.memory_space<hbm>>
        %dma_wait3A_332 = arith.constant 0 : i32
        %dma_wait3A_333 = arith.constant 0 : i32
        %dma_wait3A_334 = tpu.memref_slice %arg6[%run_scoped3A_198, %dma_wait3A_332, %dma_wait3A_333] : memref<5x40x128xf32, #tpu.memory_space<vmem>> -> memref<1x40x128xf32, #tpu.memory_space<vmem>>
        %dma_wait3A_335 = tpu.memref_squeeze %dma_wait3A_334 : memref<1x40x128xf32, #tpu.memory_space<vmem>> -> memref<40x128xf32, #tpu.memory_space<vmem>>
        tpu.wait_dma2 semaphore(%run_scoped3A_311 : memref<!tpu.dma_semaphore, #tpu.memory_space<semaphore_mem>>) src(%dma_wait3A_335 : memref<40x128xf32, #tpu.memory_space<vmem>>) dst(%dma_wait3A_331 : memref<40x128xf32, #tpu.memory_space<hbm>>)
        tpu.yield
      }) : () -> ()
      %add3A_199 = arith.constant 5 : i32
      %add3A_200 = arith.addi %add3A_182, %add3A_199 : i32
      %dma_start3A_201 = arith.constant 1 : i32
      %dma_start3A_202 = arith.constant 0 : i32
      %dma_start3A_203 = arith.constant 0 : i32
      %dma_start3A_204 = tpu.memref_slice %arg6[%dma_start3A_201, %dma_start3A_202, %dma_start3A_203] : memref<5x40x128xf32, #tpu.memory_space<vmem>> -> memref<1x40x128xf32, #tpu.memory_space<vmem>>
      %dma_start3A_205 = tpu.memref_squeeze %dma_start3A_204 : memref<1x40x128xf32, #tpu.memory_space<vmem>> -> memref<40x128xf32, #tpu.memory_space<vmem>>
      %dma_start3A_206 = arith.constant 0 : i32
      %dma_start3A_207 = tpu.memref_slice %arg5[%add3A_200, %dma_start3A_206] : memref<125x40xi32, #tpu.memory_space<vmem>> -> memref<1x40xi32, #tpu.memory_space<vmem>>
      %dma_start3A_208 = tpu.memref_squeeze %dma_start3A_207 : memref<1x40xi32, #tpu.memory_space<vmem>> -> memref<40xi32, #tpu.memory_space<vmem>>
      %dma_start3A_209 = arith.constant 0 : i32
      %dma_start3A_210 = arith.constant 0 : i32
      %dma_start3A_211 = tpu.memref_slice %arg2[%dma_start3A_209, %dma_start3A_210] : memref<10000x128xf32, #tpu.memory_space<hbm>> -> memref<10000x128xf32, #tpu.memory_space<hbm>>
      tpu.enqueue_indirect_dma source(%dma_start3A_211 : memref<10000x128xf32, #tpu.memory_space<hbm>>) target(%dma_start3A_205 : memref<40x128xf32, #tpu.memory_space<vmem>>) offsets(%dma_start3A_208 : memref<40xi32, #tpu.memory_space<vmem>>) semaphore(%arg8 : memref<!tpu.dma_semaphore, #tpu.memory_space<semaphore_mem>>)
      %mul3A_212 = arith.constant 5 : i32
      %mul3A_213 = arith.muli %mul3A_212, %scan3A_145 : i32
      %add3A_214 = arith.constant 2 : i32
      %add3A_215 = arith.addi %mul3A_213, %add3A_214 : i32
      %dma_wait3A_216 = arith.constant 2 : i32
      %dma_wait3A_217 = arith.constant 0 : i32
      %dma_wait3A_218 = arith.constant 0 : i32
      %dma_wait3A_219 = tpu.memref_slice %arg6[%dma_wait3A_216, %dma_wait3A_217, %dma_wait3A_218] : memref<5x40x128xf32, #tpu.memory_space<vmem>> -> memref<1x40x128xf32, #tpu.memory_space<vmem>>
      %dma_wait3A_220 = tpu.memref_squeeze %dma_wait3A_219 : memref<1x40x128xf32, #tpu.memory_space<vmem>> -> memref<40x128xf32, #tpu.memory_space<vmem>>
      %dma_wait3A_221 = arith.constant 0 : i32
      %dma_wait3A_222 = tpu.memref_slice %arg5[%add3A_215, %dma_wait3A_221] : memref<125x40xi32, #tpu.memory_space<vmem>> -> memref<1x40xi32, #tpu.memory_space<vmem>>
      %dma_wait3A_223 = tpu.memref_squeeze %dma_wait3A_222 : memref<1x40xi32, #tpu.memory_space<vmem>> -> memref<40xi32, #tpu.memory_space<vmem>>
      %dma_wait3A_224 = arith.constant 0 : i32
      %dma_wait3A_225 = arith.constant 0 : i32
      %dma_wait3A_226 = tpu.memref_slice %arg2[%dma_wait3A_224, %dma_wait3A_225] : memref<10000x128xf32, #tpu.memory_space<hbm>> -> memref<10000x128xf32, #tpu.memory_space<hbm>>
      tpu.wait_indirect_dma semaphore(%arg9 : memref<!tpu.dma_semaphore, #tpu.memory_space<semaphore_mem>>) src(%dma_wait3A_226 : memref<10000x128xf32, #tpu.memory_space<hbm>>) dst(%dma_wait3A_220 : memref<40x128xf32, #tpu.memory_space<vmem>>)
      %mul3A_227 = arith.constant 40 : i32
      %mul3A_228 = arith.muli %add3A_215, %mul3A_227 : i32
      %add3A_229 = arith.addi %multiple_of3A, %mul3A_228 : i32
      %multiple_of3A_230 = tpu.assume_multiple %add3A_229, 40 : i32
      %run_scoped3A_231 = arith.constant 2 : i32
      "tpu.region"() ({
        %run_scoped3A_311 = tpu.sem_alloc : memref<!tpu.dma_semaphore, #tpu.memory_space<semaphore_mem>>
        %dma_start3A_312 = arith.constant 0 : i32
        %dma_start3A_313 = arith.constant 0 : i32
        %dma_start3A_314 = tpu.memref_slice %arg6[%run_scoped3A_231, %dma_start3A_312, %dma_start3A_313] : memref<5x40x128xf32, #tpu.memory_space<vmem>> -> memref<1x40x128xf32, #tpu.memory_space<vmem>>
        %dma_start3A_315 = tpu.memref_squeeze %dma_start3A_314 : memref<1x40x128xf32, #tpu.memory_space<vmem>> -> memref<40x128xf32, #tpu.memory_space<vmem>>
        %dma_start3A_316 = arith.constant 0 : i32
        %dma_start3A_317 = tpu.memref_slice %arg4[%multiple_of3A_230, %dma_start3A_316] : memref<160000x128xf32, #tpu.memory_space<hbm>> -> memref<40x128xf32, #tpu.memory_space<hbm>>
        %dma_start3A_318 = arith.constant 0 : i32
        %dma_start3A_319 = tpu.memref_slice %arg4[%multiple_of3A_230, %dma_start3A_318] : memref<160000x128xf32, #tpu.memory_space<hbm>> -> memref<40x128xf32, #tpu.memory_space<hbm>>
        %dma_start3A_320 = arith.constant 0 : i32
        %dma_start3A_321 = arith.constant 0 : i32
        %dma_start3A_322 = tpu.memref_slice %arg6[%run_scoped3A_231, %dma_start3A_320, %dma_start3A_321] : memref<5x40x128xf32, #tpu.memory_space<vmem>> -> memref<1x40x128xf32, #tpu.memory_space<vmem>>
        %dma_start3A_323 = tpu.memref_squeeze %dma_start3A_322 : memref<1x40x128xf32, #tpu.memory_space<vmem>> -> memref<40x128xf32, #tpu.memory_space<vmem>>
        tpu.enqueue_dma source(%dma_start3A_323 : memref<40x128xf32, #tpu.memory_space<vmem>>) target(%dma_start3A_319 : memref<40x128xf32, #tpu.memory_space<hbm>>) target_semaphore(%run_scoped3A_311 : memref<!tpu.dma_semaphore, #tpu.memory_space<semaphore_mem>>)
        %dma_wait3A_324 = arith.constant 0 : i32
        %dma_wait3A_325 = arith.constant 0 : i32
        %dma_wait3A_326 = tpu.memref_slice %arg6[%run_scoped3A_231, %dma_wait3A_324, %dma_wait3A_325] : memref<5x40x128xf32, #tpu.memory_space<vmem>> -> memref<1x40x128xf32, #tpu.memory_space<vmem>>
        %dma_wait3A_327 = tpu.memref_squeeze %dma_wait3A_326 : memref<1x40x128xf32, #tpu.memory_space<vmem>> -> memref<40x128xf32, #tpu.memory_space<vmem>>
        %dma_wait3A_328 = arith.constant 0 : i32
        %dma_wait3A_329 = tpu.memref_slice %arg4[%multiple_of3A_230, %dma_wait3A_328] : memref<160000x128xf32, #tpu.memory_space<hbm>> -> memref<40x128xf32, #tpu.memory_space<hbm>>
        %dma_wait3A_330 = arith.constant 0 : i32
        %dma_wait3A_331 = tpu.memref_slice %arg4[%multiple_of3A_230, %dma_wait3A_330] : memref<160000x128xf32, #tpu.memory_space<hbm>> -> memref<40x128xf32, #tpu.memory_space<hbm>>
        %dma_wait3A_332 = arith.constant 0 : i32
        %dma_wait3A_333 = arith.constant 0 : i32
        %dma_wait3A_334 = tpu.memref_slice %arg6[%run_scoped3A_231, %dma_wait3A_332, %dma_wait3A_333] : memref<5x40x128xf32, #tpu.memory_space<vmem>> -> memref<1x40x128xf32, #tpu.memory_space<vmem>>
        %dma_wait3A_335 = tpu.memref_squeeze %dma_wait3A_334 : memref<1x40x128xf32, #tpu.memory_space<vmem>> -> memref<40x128xf32, #tpu.memory_space<vmem>>
        tpu.wait_dma2 semaphore(%run_scoped3A_311 : memref<!tpu.dma_semaphore, #tpu.memory_space<semaphore_mem>>) src(%dma_wait3A_335 : memref<40x128xf32, #tpu.memory_space<vmem>>) dst(%dma_wait3A_331 : memref<40x128xf32, #tpu.memory_space<hbm>>)
        tpu.yield
      }) : () -> ()
      %add3A_232 = arith.constant 5 : i32
      %add3A_233 = arith.addi %add3A_215, %add3A_232 : i32
      %dma_start3A_234 = arith.constant 2 : i32
      %dma_start3A_235 = arith.constant 0 : i32
      %dma_start3A_236 = arith.constant 0 : i32
      %dma_start3A_237 = tpu.memref_slice %arg6[%dma_start3A_234, %dma_start3A_235, %dma_start3A_236] : memref<5x40x128xf32, #tpu.memory_space<vmem>> -> memref<1x40x128xf32, #tpu.memory_space<vmem>>
      %dma_start3A_238 = tpu.memref_squeeze %dma_start3A_237 : memref<1x40x128xf32, #tpu.memory_space<vmem>> -> memref<40x128xf32, #tpu.memory_space<vmem>>
      %dma_start3A_239 = arith.constant 0 : i32
      %dma_start3A_240 = tpu.memref_slice %arg5[%add3A_233, %dma_start3A_239] : memref<125x40xi32, #tpu.memory_space<vmem>> -> memref<1x40xi32, #tpu.memory_space<vmem>>
      %dma_start3A_241 = tpu.memref_squeeze %dma_start3A_240 : memref<1x40xi32, #tpu.memory_space<vmem>> -> memref<40xi32, #tpu.memory_space<vmem>>
      %dma_start3A_242 = arith.constant 0 : i32
      %dma_start3A_243 = arith.constant 0 : i32
      %dma_start3A_244 = tpu.memref_slice %arg2[%dma_start3A_242, %dma_start3A_243] : memref<10000x128xf32, #tpu.memory_space<hbm>> -> memref<10000x128xf32, #tpu.memory_space<hbm>>
      tpu.enqueue_indirect_dma source(%dma_start3A_244 : memref<10000x128xf32, #tpu.memory_space<hbm>>) target(%dma_start3A_238 : memref<40x128xf32, #tpu.memory_space<vmem>>) offsets(%dma_start3A_241 : memref<40xi32, #tpu.memory_space<vmem>>) semaphore(%arg9 : memref<!tpu.dma_semaphore, #tpu.memory_space<semaphore_mem>>)
      %mul3A_245 = arith.constant 5 : i32
      %mul3A_246 = arith.muli %mul3A_245, %scan3A_145 : i32
      %add3A_247 = arith.constant 3 : i32
      %add3A_248 = arith.addi %mul3A_246, %add3A_247 : i32
      %dma_wait3A_249 = arith.constant 3 : i32
      %dma_wait3A_250 = arith.constant 0 : i32
      %dma_wait3A_251 = arith.constant 0 : i32
      %dma_wait3A_252 = tpu.memref_slice %arg6[%dma_wait3A_249, %dma_wait3A_250, %dma_wait3A_251] : memref<5x40x128xf32, #tpu.memory_space<vmem>> -> memref<1x40x128xf32, #tpu.memory_space<vmem>>
      %dma_wait3A_253 = tpu.memref_squeeze %dma_wait3A_252 : memref<1x40x128xf32, #tpu.memory_space<vmem>> -> memref<40x128xf32, #tpu.memory_space<vmem>>
      %dma_wait3A_254 = arith.constant 0 : i32
      %dma_wait3A_255 = tpu.memref_slice %arg5[%add3A_248, %dma_wait3A_254] : memref<125x40xi32, #tpu.memory_space<vmem>> -> memref<1x40xi32, #tpu.memory_space<vmem>>
      %dma_wait3A_256 = tpu.memref_squeeze %dma_wait3A_255 : memref<1x40xi32, #tpu.memory_space<vmem>> -> memref<40xi32, #tpu.memory_space<vmem>>
      %dma_wait3A_257 = arith.constant 0 : i32
      %dma_wait3A_258 = arith.constant 0 : i32
      %dma_wait3A_259 = tpu.memref_slice %arg2[%dma_wait3A_257, %dma_wait3A_258] : memref<10000x128xf32, #tpu.memory_space<hbm>> -> memref<10000x128xf32, #tpu.memory_space<hbm>>
      tpu.wait_indirect_dma semaphore(%arg10 : memref<!tpu.dma_semaphore, #tpu.memory_space<semaphore_mem>>) src(%dma_wait3A_259 : memref<10000x128xf32, #tpu.memory_space<hbm>>) dst(%dma_wait3A_253 : memref<40x128xf32, #tpu.memory_space<vmem>>)
      %mul3A_260 = arith.constant 40 : i32
      %mul3A_261 = arith.muli %add3A_248, %mul3A_260 : i32
      %add3A_262 = arith.addi %multiple_of3A, %mul3A_261 : i32
      %multiple_of3A_263 = tpu.assume_multiple %add3A_262, 40 : i32
      %run_scoped3A_264 = arith.constant 3 : i32
      "tpu.region"() ({
        %run_scoped3A_311 = tpu.sem_alloc : memref<!tpu.dma_semaphore, #tpu.memory_space<semaphore_mem>>
        %dma_start3A_312 = arith.constant 0 : i32
        %dma_start3A_313 = arith.constant 0 : i32
        %dma_start3A_314 = tpu.memref_slice %arg6[%run_scoped3A_264, %dma_start3A_312, %dma_start3A_313] : memref<5x40x128xf32, #tpu.memory_space<vmem>> -> memref<1x40x128xf32, #tpu.memory_space<vmem>>
        %dma_start3A_315 = tpu.memref_squeeze %dma_start3A_314 : memref<1x40x128xf32, #tpu.memory_space<vmem>> -> memref<40x128xf32, #tpu.memory_space<vmem>>
        %dma_start3A_316 = arith.constant 0 : i32
        %dma_start3A_317 = tpu.memref_slice %arg4[%multiple_of3A_263, %dma_start3A_316] : memref<160000x128xf32, #tpu.memory_space<hbm>> -> memref<40x128xf32, #tpu.memory_space<hbm>>
        %dma_start3A_318 = arith.constant 0 : i32
        %dma_start3A_319 = tpu.memref_slice %arg4[%multiple_of3A_263, %dma_start3A_318] : memref<160000x128xf32, #tpu.memory_space<hbm>> -> memref<40x128xf32, #tpu.memory_space<hbm>>
        %dma_start3A_320 = arith.constant 0 : i32
        %dma_start3A_321 = arith.constant 0 : i32
        %dma_start3A_322 = tpu.memref_slice %arg6[%run_scoped3A_264, %dma_start3A_320, %dma_start3A_321] : memref<5x40x128xf32, #tpu.memory_space<vmem>> -> memref<1x40x128xf32, #tpu.memory_space<vmem>>
        %dma_start3A_323 = tpu.memref_squeeze %dma_start3A_322 : memref<1x40x128xf32, #tpu.memory_space<vmem>> -> memref<40x128xf32, #tpu.memory_space<vmem>>
        tpu.enqueue_dma source(%dma_start3A_323 : memref<40x128xf32, #tpu.memory_space<vmem>>) target(%dma_start3A_319 : memref<40x128xf32, #tpu.memory_space<hbm>>) target_semaphore(%run_scoped3A_311 : memref<!tpu.dma_semaphore, #tpu.memory_space<semaphore_mem>>)
        %dma_wait3A_324 = arith.constant 0 : i32
        %dma_wait3A_325 = arith.constant 0 : i32
        %dma_wait3A_326 = tpu.memref_slice %arg6[%run_scoped3A_264, %dma_wait3A_324, %dma_wait3A_325] : memref<5x40x128xf32, #tpu.memory_space<vmem>> -> memref<1x40x128xf32, #tpu.memory_space<vmem>>
        %dma_wait3A_327 = tpu.memref_squeeze %dma_wait3A_326 : memref<1x40x128xf32, #tpu.memory_space<vmem>> -> memref<40x128xf32, #tpu.memory_space<vmem>>
        %dma_wait3A_328 = arith.constant 0 : i32
        %dma_wait3A_329 = tpu.memref_slice %arg4[%multiple_of3A_263, %dma_wait3A_328] : memref<160000x128xf32, #tpu.memory_space<hbm>> -> memref<40x128xf32, #tpu.memory_space<hbm>>
        %dma_wait3A_330 = arith.constant 0 : i32
        %dma_wait3A_331 = tpu.memref_slice %arg4[%multiple_of3A_263, %dma_wait3A_330] : memref<160000x128xf32, #tpu.memory_space<hbm>> -> memref<40x128xf32, #tpu.memory_space<hbm>>
        %dma_wait3A_332 = arith.constant 0 : i32
        %dma_wait3A_333 = arith.constant 0 : i32
        %dma_wait3A_334 = tpu.memref_slice %arg6[%run_scoped3A_264, %dma_wait3A_332, %dma_wait3A_333] : memref<5x40x128xf32, #tpu.memory_space<vmem>> -> memref<1x40x128xf32, #tpu.memory_space<vmem>>
        %dma_wait3A_335 = tpu.memref_squeeze %dma_wait3A_334 : memref<1x40x128xf32, #tpu.memory_space<vmem>> -> memref<40x128xf32, #tpu.memory_space<vmem>>
        tpu.wait_dma2 semaphore(%run_scoped3A_311 : memref<!tpu.dma_semaphore, #tpu.memory_space<semaphore_mem>>) src(%dma_wait3A_335 : memref<40x128xf32, #tpu.memory_space<vmem>>) dst(%dma_wait3A_331 : memref<40x128xf32, #tpu.memory_space<hbm>>)
        tpu.yield
      }) : () -> ()
      %add3A_265 = arith.constant 5 : i32
      %add3A_266 = arith.addi %add3A_248, %add3A_265 : i32
      %dma_start3A_267 = arith.constant 3 : i32
      %dma_start3A_268 = arith.constant 0 : i32
      %dma_start3A_269 = arith.constant 0 : i32
      %dma_start3A_270 = tpu.memref_slice %arg6[%dma_start3A_267, %dma_start3A_268, %dma_start3A_269] : memref<5x40x128xf32, #tpu.memory_space<vmem>> -> memref<1x40x128xf32, #tpu.memory_space<vmem>>
      %dma_start3A_271 = tpu.memref_squeeze %dma_start3A_270 : memref<1x40x128xf32, #tpu.memory_space<vmem>> -> memref<40x128xf32, #tpu.memory_space<vmem>>
      %dma_start3A_272 = arith.constant 0 : i32
      %dma_start3A_273 = tpu.memref_slice %arg5[%add3A_266, %dma_start3A_272] : memref<125x40xi32, #tpu.memory_space<vmem>> -> memref<1x40xi32, #tpu.memory_space<vmem>>
      %dma_start3A_274 = tpu.memref_squeeze %dma_start3A_273 : memref<1x40xi32, #tpu.memory_space<vmem>> -> memref<40xi32, #tpu.memory_space<vmem>>
      %dma_start3A_275 = arith.constant 0 : i32
      %dma_start3A_276 = arith.constant 0 : i32
      %dma_start3A_277 = tpu.memref_slice %arg2[%dma_start3A_275, %dma_start3A_276] : memref<10000x128xf32, #tpu.memory_space<hbm>> -> memref<10000x128xf32, #tpu.memory_space<hbm>>
      tpu.enqueue_indirect_dma source(%dma_start3A_277 : memref<10000x128xf32, #tpu.memory_space<hbm>>) target(%dma_start3A_271 : memref<40x128xf32, #tpu.memory_space<vmem>>) offsets(%dma_start3A_274 : memref<40xi32, #tpu.memory_space<vmem>>) semaphore(%arg10 : memref<!tpu.dma_semaphore, #tpu.memory_space<semaphore_mem>>)
      %mul3A_278 = arith.constant 5 : i32
      %mul3A_279 = arith.muli %mul3A_278, %scan3A_145 : i32
      %add3A_280 = arith.constant 4 : i32
      %add3A_281 = arith.addi %mul3A_279, %add3A_280 : i32
      %dma_wait3A_282 = arith.constant 4 : i32
      %dma_wait3A_283 = arith.constant 0 : i32
      %dma_wait3A_284 = arith.constant 0 : i32
      %dma_wait3A_285 = tpu.memref_slice %arg6[%dma_wait3A_282, %dma_wait3A_283, %dma_wait3A_284] : memref<5x40x128xf32, #tpu.memory_space<vmem>> -> memref<1x40x128xf32, #tpu.memory_space<vmem>>
      %dma_wait3A_286 = tpu.memref_squeeze %dma_wait3A_285 : memref<1x40x128xf32, #tpu.memory_space<vmem>> -> memref<40x128xf32, #tpu.memory_space<vmem>>
      %dma_wait3A_287 = arith.constant 0 : i32
      %dma_wait3A_288 = tpu.memref_slice %arg5[%add3A_281, %dma_wait3A_287] : memref<125x40xi32, #tpu.memory_space<vmem>> -> memref<1x40xi32, #tpu.memory_space<vmem>>
      %dma_wait3A_289 = tpu.memref_squeeze %dma_wait3A_288 : memref<1x40xi32, #tpu.memory_space<vmem>> -> memref<40xi32, #tpu.memory_space<vmem>>
      %dma_wait3A_290 = arith.constant 0 : i32
      %dma_wait3A_291 = arith.constant 0 : i32
      %dma_wait3A_292 = tpu.memref_slice %arg2[%dma_wait3A_290, %dma_wait3A_291] : memref<10000x128xf32, #tpu.memory_space<hbm>> -> memref<10000x128xf32, #tpu.memory_space<hbm>>
      tpu.wait_indirect_dma semaphore(%arg11 : memref<!tpu.dma_semaphore, #tpu.memory_space<semaphore_mem>>) src(%dma_wait3A_292 : memref<10000x128xf32, #tpu.memory_space<hbm>>) dst(%dma_wait3A_286 : memref<40x128xf32, #tpu.memory_space<vmem>>)
      %mul3A_293 = arith.constant 40 : i32
      %mul3A_294 = arith.muli %add3A_281, %mul3A_293 : i32
      %add3A_295 = arith.addi %multiple_of3A, %mul3A_294 : i32
      %multiple_of3A_296 = tpu.assume_multiple %add3A_295, 40 : i32
      %run_scoped3A_297 = arith.constant 4 : i32
      "tpu.region"() ({
        %run_scoped3A_311 = tpu.sem_alloc : memref<!tpu.dma_semaphore, #tpu.memory_space<semaphore_mem>>
        %dma_start3A_312 = arith.constant 0 : i32
        %dma_start3A_313 = arith.constant 0 : i32
        %dma_start3A_314 = tpu.memref_slice %arg6[%run_scoped3A_297, %dma_start3A_312, %dma_start3A_313] : memref<5x40x128xf32, #tpu.memory_space<vmem>> -> memref<1x40x128xf32, #tpu.memory_space<vmem>>
        %dma_start3A_315 = tpu.memref_squeeze %dma_start3A_314 : memref<1x40x128xf32, #tpu.memory_space<vmem>> -> memref<40x128xf32, #tpu.memory_space<vmem>>
        %dma_start3A_316 = arith.constant 0 : i32
        %dma_start3A_317 = tpu.memref_slice %arg4[%multiple_of3A_296, %dma_start3A_316] : memref<160000x128xf32, #tpu.memory_space<hbm>> -> memref<40x128xf32, #tpu.memory_space<hbm>>
        %dma_start3A_318 = arith.constant 0 : i32
        %dma_start3A_319 = tpu.memref_slice %arg4[%multiple_of3A_296, %dma_start3A_318] : memref<160000x128xf32, #tpu.memory_space<hbm>> -> memref<40x128xf32, #tpu.memory_space<hbm>>
        %dma_start3A_320 = arith.constant 0 : i32
        %dma_start3A_321 = arith.constant 0 : i32
        %dma_start3A_322 = tpu.memref_slice %arg6[%run_scoped3A_297, %dma_start3A_320, %dma_start3A_321] : memref<5x40x128xf32, #tpu.memory_space<vmem>> -> memref<1x40x128xf32, #tpu.memory_space<vmem>>
        %dma_start3A_323 = tpu.memref_squeeze %dma_start3A_322 : memref<1x40x128xf32, #tpu.memory_space<vmem>> -> memref<40x128xf32, #tpu.memory_space<vmem>>
        tpu.enqueue_dma source(%dma_start3A_323 : memref<40x128xf32, #tpu.memory_space<vmem>>) target(%dma_start3A_319 : memref<40x128xf32, #tpu.memory_space<hbm>>) target_semaphore(%run_scoped3A_311 : memref<!tpu.dma_semaphore, #tpu.memory_space<semaphore_mem>>)
        %dma_wait3A_324 = arith.constant 0 : i32
        %dma_wait3A_325 = arith.constant 0 : i32
        %dma_wait3A_326 = tpu.memref_slice %arg6[%run_scoped3A_297, %dma_wait3A_324, %dma_wait3A_325] : memref<5x40x128xf32, #tpu.memory_space<vmem>> -> memref<1x40x128xf32, #tpu.memory_space<vmem>>
        %dma_wait3A_327 = tpu.memref_squeeze %dma_wait3A_326 : memref<1x40x128xf32, #tpu.memory_space<vmem>> -> memref<40x128xf32, #tpu.memory_space<vmem>>
        %dma_wait3A_328 = arith.constant 0 : i32
        %dma_wait3A_329 = tpu.memref_slice %arg4[%multiple_of3A_296, %dma_wait3A_328] : memref<160000x128xf32, #tpu.memory_space<hbm>> -> memref<40x128xf32, #tpu.memory_space<hbm>>
        %dma_wait3A_330 = arith.constant 0 : i32
        %dma_wait3A_331 = tpu.memref_slice %arg4[%multiple_of3A_296, %dma_wait3A_330] : memref<160000x128xf32, #tpu.memory_space<hbm>> -> memref<40x128xf32, #tpu.memory_space<hbm>>
        %dma_wait3A_332 = arith.constant 0 : i32
        %dma_wait3A_333 = arith.constant 0 : i32
        %dma_wait3A_334 = tpu.memref_slice %arg6[%run_scoped3A_297, %dma_wait3A_332, %dma_wait3A_333] : memref<5x40x128xf32, #tpu.memory_space<vmem>> -> memref<1x40x128xf32, #tpu.memory_space<vmem>>
        %dma_wait3A_335 = tpu.memref_squeeze %dma_wait3A_334 : memref<1x40x128xf32, #tpu.memory_space<vmem>> -> memref<40x128xf32, #tpu.memory_space<vmem>>
        tpu.wait_dma2 semaphore(%run_scoped3A_311 : memref<!tpu.dma_semaphore, #tpu.memory_space<semaphore_mem>>) src(%dma_wait3A_335 : memref<40x128xf32, #tpu.memory_space<vmem>>) dst(%dma_wait3A_331 : memref<40x128xf32, #tpu.memory_space<hbm>>)
        tpu.yield
      }) : () -> ()
      %add3A_298 = arith.constant 5 : i32
      %add3A_299 = arith.addi %add3A_281, %add3A_298 : i32
      %dma_start3A_300 = arith.constant 4 : i32
      %dma_start3A_301 = arith.constant 0 : i32
      %dma_start3A_302 = arith.constant 0 : i32
      %dma_start3A_303 = tpu.memref_slice %arg6[%dma_start3A_300, %dma_start3A_301, %dma_start3A_302] : memref<5x40x128xf32, #tpu.memory_space<vmem>> -> memref<1x40x128xf32, #tpu.memory_space<vmem>>
      %dma_start3A_304 = tpu.memref_squeeze %dma_start3A_303 : memref<1x40x128xf32, #tpu.memory_space<vmem>> -> memref<40x128xf32, #tpu.memory_space<vmem>>
      %dma_start3A_305 = arith.constant 0 : i32
      %dma_start3A_306 = tpu.memref_slice %arg5[%add3A_299, %dma_start3A_305] : memref<125x40xi32, #tpu.memory_space<vmem>> -> memref<1x40xi32, #tpu.memory_space<vmem>>
      %dma_start3A_307 = tpu.memref_squeeze %dma_start3A_306 : memref<1x40xi32, #tpu.memory_space<vmem>> -> memref<40xi32, #tpu.memory_space<vmem>>
      %dma_start3A_308 = arith.constant 0 : i32
      %dma_start3A_309 = arith.constant 0 : i32
      %dma_start3A_310 = tpu.memref_slice %arg2[%dma_start3A_308, %dma_start3A_309] : memref<10000x128xf32, #tpu.memory_space<hbm>> -> memref<10000x128xf32, #tpu.memory_space<hbm>>
      tpu.enqueue_indirect_dma source(%dma_start3A_310 : memref<10000x128xf32, #tpu.memory_space<hbm>>) target(%dma_start3A_304 : memref<40x128xf32, #tpu.memory_space<vmem>>) offsets(%dma_start3A_307 : memref<40xi32, #tpu.memory_space<vmem>>) semaphore(%arg11 : memref<!tpu.dma_semaphore, #tpu.memory_space<semaphore_mem>>)
    }
    %scan3A_66 = arith.constant 24 : i32
    %dma_wait3A = arith.constant 120 : i32
    %dma_wait3A_67 = arith.constant 0 : i32
    %dma_wait3A_68 = arith.constant 0 : i32
    %dma_wait3A_69 = arith.constant 0 : i32
    %dma_wait3A_70 = tpu.memref_slice %arg6[%dma_wait3A_67, %dma_wait3A_68, %dma_wait3A_69] : memref<5x40x128xf32, #tpu.memory_space<vmem>> -> memref<1x40x128xf32, #tpu.memory_space<vmem>>
    %dma_wait3A_71 = tpu.memref_squeeze %dma_wait3A_70 : memref<1x40x128xf32, #tpu.memory_space<vmem>> -> memref<40x128xf32, #tpu.memory_space<vmem>>
    %dma_wait3A_72 = arith.constant 0 : i32
    %dma_wait3A_73 = tpu.memref_slice %arg5[%dma_wait3A, %dma_wait3A_72] : memref<125x40xi32, #tpu.memory_space<vmem>> -> memref<1x40xi32, #tpu.memory_space<vmem>>
    %dma_wait3A_74 = tpu.memref_squeeze %dma_wait3A_73 : memref<1x40xi32, #tpu.memory_space<vmem>> -> memref<40xi32, #tpu.memory_space<vmem>>
    %dma_wait3A_75 = arith.constant 0 : i32
    %dma_wait3A_76 = arith.constant 0 : i32
    %dma_wait3A_77 = tpu.memref_slice %arg2[%dma_wait3A_75, %dma_wait3A_76] : memref<10000x128xf32, #tpu.memory_space<hbm>> -> memref<10000x128xf32, #tpu.memory_space<hbm>>
    tpu.wait_indirect_dma semaphore(%arg7 : memref<!tpu.dma_semaphore, #tpu.memory_space<semaphore_mem>>) src(%dma_wait3A_77 : memref<10000x128xf32, #tpu.memory_space<hbm>>) dst(%dma_wait3A_71 : memref<40x128xf32, #tpu.memory_space<vmem>>)
    %add3A_78 = arith.constant 4800 : i32
    %add3A_79 = arith.addi %multiple_of3A, %add3A_78 : i32
    %multiple_of3A_80 = tpu.assume_multiple %add3A_79, 40 : i32
    %run_scoped3A = arith.constant 0 : i32
    "tpu.region"() ({
      %run_scoped3A_145 = tpu.sem_alloc : memref<!tpu.dma_semaphore, #tpu.memory_space<semaphore_mem>>
      %dma_start3A_146 = arith.constant 0 : i32
      %dma_start3A_147 = arith.constant 0 : i32
      %dma_start3A_148 = tpu.memref_slice %arg6[%run_scoped3A, %dma_start3A_146, %dma_start3A_147] : memref<5x40x128xf32, #tpu.memory_space<vmem>> -> memref<1x40x128xf32, #tpu.memory_space<vmem>>
      %dma_start3A_149 = tpu.memref_squeeze %dma_start3A_148 : memref<1x40x128xf32, #tpu.memory_space<vmem>> -> memref<40x128xf32, #tpu.memory_space<vmem>>
      %dma_start3A_150 = arith.constant 0 : i32
      %dma_start3A_151 = tpu.memref_slice %arg4[%multiple_of3A_80, %dma_start3A_150] : memref<160000x128xf32, #tpu.memory_space<hbm>> -> memref<40x128xf32, #tpu.memory_space<hbm>>
      %dma_start3A_152 = arith.constant 0 : i32
      %dma_start3A_153 = tpu.memref_slice %arg4[%multiple_of3A_80, %dma_start3A_152] : memref<160000x128xf32, #tpu.memory_space<hbm>> -> memref<40x128xf32, #tpu.memory_space<hbm>>
      %dma_start3A_154 = arith.constant 0 : i32
      %dma_start3A_155 = arith.constant 0 : i32
      %dma_start3A_156 = tpu.memref_slice %arg6[%run_scoped3A, %dma_start3A_154, %dma_start3A_155] : memref<5x40x128xf32, #tpu.memory_space<vmem>> -> memref<1x40x128xf32, #tpu.memory_space<vmem>>
      %dma_start3A_157 = tpu.memref_squeeze %dma_start3A_156 : memref<1x40x128xf32, #tpu.memory_space<vmem>> -> memref<40x128xf32, #tpu.memory_space<vmem>>
      tpu.enqueue_dma source(%dma_start3A_157 : memref<40x128xf32, #tpu.memory_space<vmem>>) target(%dma_start3A_153 : memref<40x128xf32, #tpu.memory_space<hbm>>) target_semaphore(%run_scoped3A_145 : memref<!tpu.dma_semaphore, #tpu.memory_space<semaphore_mem>>)
      %dma_wait3A_158 = arith.constant 0 : i32
      %dma_wait3A_159 = arith.constant 0 : i32
      %dma_wait3A_160 = tpu.memref_slice %arg6[%run_scoped3A, %dma_wait3A_158, %dma_wait3A_159] : memref<5x40x128xf32, #tpu.memory_space<vmem>> -> memref<1x40x128xf32, #tpu.memory_space<vmem>>
      %dma_wait3A_161 = tpu.memref_squeeze %dma_wait3A_160 : memref<1x40x128xf32, #tpu.memory_space<vmem>> -> memref<40x128xf32, #tpu.memory_space<vmem>>
      %dma_wait3A_162 = arith.constant 0 : i32
      %dma_wait3A_163 = tpu.memref_slice %arg4[%multiple_of3A_80, %dma_wait3A_162] : memref<160000x128xf32, #tpu.memory_space<hbm>> -> memref<40x128xf32, #tpu.memory_space<hbm>>
      %dma_wait3A_164 = arith.constant 0 : i32
      %dma_wait3A_165 = tpu.memref_slice %arg4[%multiple_of3A_80, %dma_wait3A_164] : memref<160000x128xf32, #tpu.memory_space<hbm>> -> memref<40x128xf32, #tpu.memory_space<hbm>>
      %dma_wait3A_166 = arith.constant 0 : i32
      %dma_wait3A_167 = arith.constant 0 : i32
      %dma_wait3A_168 = tpu.memref_slice %arg6[%run_scoped3A, %dma_wait3A_166, %dma_wait3A_167] : memref<5x40x128xf32, #tpu.memory_space<vmem>> -> memref<1x40x128xf32, #tpu.memory_space<vmem>>
      %dma_wait3A_169 = tpu.memref_squeeze %dma_wait3A_168 : memref<1x40x128xf32, #tpu.memory_space<vmem>> -> memref<40x128xf32, #tpu.memory_space<vmem>>
      tpu.wait_dma2 semaphore(%run_scoped3A_145 : memref<!tpu.dma_semaphore, #tpu.memory_space<semaphore_mem>>) src(%dma_wait3A_169 : memref<40x128xf32, #tpu.memory_space<vmem>>) dst(%dma_wait3A_165 : memref<40x128xf32, #tpu.memory_space<hbm>>)
      tpu.yield
    }) : () -> ()
    %dma_wait3A_81 = arith.constant 121 : i32
    %dma_wait3A_82 = arith.constant 1 : i32
    %dma_wait3A_83 = arith.constant 0 : i32
    %dma_wait3A_84 = arith.constant 0 : i32
    %dma_wait3A_85 = tpu.memref_slice %arg6[%dma_wait3A_82, %dma_wait3A_83, %dma_wait3A_84] : memref<5x40x128xf32, #tpu.memory_space<vmem>> -> memref<1x40x128xf32, #tpu.memory_space<vmem>>
    %dma_wait3A_86 = tpu.memref_squeeze %dma_wait3A_85 : memref<1x40x128xf32, #tpu.memory_space<vmem>> -> memref<40x128xf32, #tpu.memory_space<vmem>>
    %dma_wait3A_87 = arith.constant 0 : i32
    %dma_wait3A_88 = tpu.memref_slice %arg5[%dma_wait3A_81, %dma_wait3A_87] : memref<125x40xi32, #tpu.memory_space<vmem>> -> memref<1x40xi32, #tpu.memory_space<vmem>>
    %dma_wait3A_89 = tpu.memref_squeeze %dma_wait3A_88 : memref<1x40xi32, #tpu.memory_space<vmem>> -> memref<40xi32, #tpu.memory_space<vmem>>
    %dma_wait3A_90 = arith.constant 0 : i32
    %dma_wait3A_91 = arith.constant 0 : i32
    %dma_wait3A_92 = tpu.memref_slice %arg2[%dma_wait3A_90, %dma_wait3A_91] : memref<10000x128xf32, #tpu.memory_space<hbm>> -> memref<10000x128xf32, #tpu.memory_space<hbm>>
    tpu.wait_indirect_dma semaphore(%arg8 : memref<!tpu.dma_semaphore, #tpu.memory_space<semaphore_mem>>) src(%dma_wait3A_92 : memref<10000x128xf32, #tpu.memory_space<hbm>>) dst(%dma_wait3A_86 : memref<40x128xf32, #tpu.memory_space<vmem>>)
    %add3A_93 = arith.constant 4840 : i32
    %add3A_94 = arith.addi %multiple_of3A, %add3A_93 : i32
    %multiple_of3A_95 = tpu.assume_multiple %add3A_94, 40 : i32
    %run_scoped3A_96 = arith.constant 1 : i32
    "tpu.region"() ({
      %run_scoped3A_145 = tpu.sem_alloc : memref<!tpu.dma_semaphore, #tpu.memory_space<semaphore_mem>>
      %dma_start3A_146 = arith.constant 0 : i32
      %dma_start3A_147 = arith.constant 0 : i32
      %dma_start3A_148 = tpu.memref_slice %arg6[%run_scoped3A_96, %dma_start3A_146, %dma_start3A_147] : memref<5x40x128xf32, #tpu.memory_space<vmem>> -> memref<1x40x128xf32, #tpu.memory_space<vmem>>
      %dma_start3A_149 = tpu.memref_squeeze %dma_start3A_148 : memref<1x40x128xf32, #tpu.memory_space<vmem>> -> memref<40x128xf32, #tpu.memory_space<vmem>>
      %dma_start3A_150 = arith.constant 0 : i32
      %dma_start3A_151 = tpu.memref_slice %arg4[%multiple_of3A_95, %dma_start3A_150] : memref<160000x128xf32, #tpu.memory_space<hbm>> -> memref<40x128xf32, #tpu.memory_space<hbm>>
      %dma_start3A_152 = arith.constant 0 : i32
      %dma_start3A_153 = tpu.memref_slice %arg4[%multiple_of3A_95, %dma_start3A_152] : memref<160000x128xf32, #tpu.memory_space<hbm>> -> memref<40x128xf32, #tpu.memory_space<hbm>>
      %dma_start3A_154 = arith.constant 0 : i32
      %dma_start3A_155 = arith.constant 0 : i32
      %dma_start3A_156 = tpu.memref_slice %arg6[%run_scoped3A_96, %dma_start3A_154, %dma_start3A_155] : memref<5x40x128xf32, #tpu.memory_space<vmem>> -> memref<1x40x128xf32, #tpu.memory_space<vmem>>
      %dma_start3A_157 = tpu.memref_squeeze %dma_start3A_156 : memref<1x40x128xf32, #tpu.memory_space<vmem>> -> memref<40x128xf32, #tpu.memory_space<vmem>>
      tpu.enqueue_dma source(%dma_start3A_157 : memref<40x128xf32, #tpu.memory_space<vmem>>) target(%dma_start3A_153 : memref<40x128xf32, #tpu.memory_space<hbm>>) target_semaphore(%run_scoped3A_145 : memref<!tpu.dma_semaphore, #tpu.memory_space<semaphore_mem>>)
      %dma_wait3A_158 = arith.constant 0 : i32
      %dma_wait3A_159 = arith.constant 0 : i32
      %dma_wait3A_160 = tpu.memref_slice %arg6[%run_scoped3A_96, %dma_wait3A_158, %dma_wait3A_159] : memref<5x40x128xf32, #tpu.memory_space<vmem>> -> memref<1x40x128xf32, #tpu.memory_space<vmem>>
      %dma_wait3A_161 = tpu.memref_squeeze %dma_wait3A_160 : memref<1x40x128xf32, #tpu.memory_space<vmem>> -> memref<40x128xf32, #tpu.memory_space<vmem>>
      %dma_wait3A_162 = arith.constant 0 : i32
      %dma_wait3A_163 = tpu.memref_slice %arg4[%multiple_of3A_95, %dma_wait3A_162] : memref<160000x128xf32, #tpu.memory_space<hbm>> -> memref<40x128xf32, #tpu.memory_space<hbm>>
      %dma_wait3A_164 = arith.constant 0 : i32
      %dma_wait3A_165 = tpu.memref_slice %arg4[%multiple_of3A_95, %dma_wait3A_164] : memref<160000x128xf32, #tpu.memory_space<hbm>> -> memref<40x128xf32, #tpu.memory_space<hbm>>
      %dma_wait3A_166 = arith.constant 0 : i32
      %dma_wait3A_167 = arith.constant 0 : i32
      %dma_wait3A_168 = tpu.memref_slice %arg6[%run_scoped3A_96, %dma_wait3A_166, %dma_wait3A_167] : memref<5x40x128xf32, #tpu.memory_space<vmem>> -> memref<1x40x128xf32, #tpu.memory_space<vmem>>
      %dma_wait3A_169 = tpu.memref_squeeze %dma_wait3A_168 : memref<1x40x128xf32, #tpu.memory_space<vmem>> -> memref<40x128xf32, #tpu.memory_space<vmem>>
      tpu.wait_dma2 semaphore(%run_scoped3A_145 : memref<!tpu.dma_semaphore, #tpu.memory_space<semaphore_mem>>) src(%dma_wait3A_169 : memref<40x128xf32, #tpu.memory_space<vmem>>) dst(%dma_wait3A_165 : memref<40x128xf32, #tpu.memory_space<hbm>>)
      tpu.yield
    }) : () -> ()
    %dma_wait3A_97 = arith.constant 122 : i32
    %dma_wait3A_98 = arith.constant 2 : i32
    %dma_wait3A_99 = arith.constant 0 : i32
    %dma_wait3A_100 = arith.constant 0 : i32
    %dma_wait3A_101 = tpu.memref_slice %arg6[%dma_wait3A_98, %dma_wait3A_99, %dma_wait3A_100] : memref<5x40x128xf32, #tpu.memory_space<vmem>> -> memref<1x40x128xf32, #tpu.memory_space<vmem>>
    %dma_wait3A_102 = tpu.memref_squeeze %dma_wait3A_101 : memref<1x40x128xf32, #tpu.memory_space<vmem>> -> memref<40x128xf32, #tpu.memory_space<vmem>>
    %dma_wait3A_103 = arith.constant 0 : i32
    %dma_wait3A_104 = tpu.memref_slice %arg5[%dma_wait3A_97, %dma_wait3A_103] : memref<125x40xi32, #tpu.memory_space<vmem>> -> memref<1x40xi32, #tpu.memory_space<vmem>>
    %dma_wait3A_105 = tpu.memref_squeeze %dma_wait3A_104 : memref<1x40xi32, #tpu.memory_space<vmem>> -> memref<40xi32, #tpu.memory_space<vmem>>
    %dma_wait3A_106 = arith.constant 0 : i32
    %dma_wait3A_107 = arith.constant 0 : i32
    %dma_wait3A_108 = tpu.memref_slice %arg2[%dma_wait3A_106, %dma_wait3A_107] : memref<10000x128xf32, #tpu.memory_space<hbm>> -> memref<10000x128xf32, #tpu.memory_space<hbm>>
    tpu.wait_indirect_dma semaphore(%arg9 : memref<!tpu.dma_semaphore, #tpu.memory_space<semaphore_mem>>) src(%dma_wait3A_108 : memref<10000x128xf32, #tpu.memory_space<hbm>>) dst(%dma_wait3A_102 : memref<40x128xf32, #tpu.memory_space<vmem>>)
    %add3A_109 = arith.constant 4880 : i32
    %add3A_110 = arith.addi %multiple_of3A, %add3A_109 : i32
    %multiple_of3A_111 = tpu.assume_multiple %add3A_110, 40 : i32
    %run_scoped3A_112 = arith.constant 2 : i32
    "tpu.region"() ({
      %run_scoped3A_145 = tpu.sem_alloc : memref<!tpu.dma_semaphore, #tpu.memory_space<semaphore_mem>>
      %dma_start3A_146 = arith.constant 0 : i32
      %dma_start3A_147 = arith.constant 0 : i32
      %dma_start3A_148 = tpu.memref_slice %arg6[%run_scoped3A_112, %dma_start3A_146, %dma_start3A_147] : memref<5x40x128xf32, #tpu.memory_space<vmem>> -> memref<1x40x128xf32, #tpu.memory_space<vmem>>
      %dma_start3A_149 = tpu.memref_squeeze %dma_start3A_148 : memref<1x40x128xf32, #tpu.memory_space<vmem>> -> memref<40x128xf32, #tpu.memory_space<vmem>>
      %dma_start3A_150 = arith.constant 0 : i32
      %dma_start3A_151 = tpu.memref_slice %arg4[%multiple_of3A_111, %dma_start3A_150] : memref<160000x128xf32, #tpu.memory_space<hbm>> -> memref<40x128xf32, #tpu.memory_space<hbm>>
      %dma_start3A_152 = arith.constant 0 : i32
      %dma_start3A_153 = tpu.memref_slice %arg4[%multiple_of3A_111, %dma_start3A_152] : memref<160000x128xf32, #tpu.memory_space<hbm>> -> memref<40x128xf32, #tpu.memory_space<hbm>>
      %dma_start3A_154 = arith.constant 0 : i32
      %dma_start3A_155 = arith.constant 0 : i32
      %dma_start3A_156 = tpu.memref_slice %arg6[%run_scoped3A_112, %dma_start3A_154, %dma_start3A_155] : memref<5x40x128xf32, #tpu.memory_space<vmem>> -> memref<1x40x128xf32, #tpu.memory_space<vmem>>
      %dma_start3A_157 = tpu.memref_squeeze %dma_start3A_156 : memref<1x40x128xf32, #tpu.memory_space<vmem>> -> memref<40x128xf32, #tpu.memory_space<vmem>>
      tpu.enqueue_dma source(%dma_start3A_157 : memref<40x128xf32, #tpu.memory_space<vmem>>) target(%dma_start3A_153 : memref<40x128xf32, #tpu.memory_space<hbm>>) target_semaphore(%run_scoped3A_145 : memref<!tpu.dma_semaphore, #tpu.memory_space<semaphore_mem>>)
      %dma_wait3A_158 = arith.constant 0 : i32
      %dma_wait3A_159 = arith.constant 0 : i32
      %dma_wait3A_160 = tpu.memref_slice %arg6[%run_scoped3A_112, %dma_wait3A_158, %dma_wait3A_159] : memref<5x40x128xf32, #tpu.memory_space<vmem>> -> memref<1x40x128xf32, #tpu.memory_space<vmem>>
      %dma_wait3A_161 = tpu.memref_squeeze %dma_wait3A_160 : memref<1x40x128xf32, #tpu.memory_space<vmem>> -> memref<40x128xf32, #tpu.memory_space<vmem>>
      %dma_wait3A_162 = arith.constant 0 : i32
      %dma_wait3A_163 = tpu.memref_slice %arg4[%multiple_of3A_111, %dma_wait3A_162] : memref<160000x128xf32, #tpu.memory_space<hbm>> -> memref<40x128xf32, #tpu.memory_space<hbm>>
      %dma_wait3A_164 = arith.constant 0 : i32
      %dma_wait3A_165 = tpu.memref_slice %arg4[%multiple_of3A_111, %dma_wait3A_164] : memref<160000x128xf32, #tpu.memory_space<hbm>> -> memref<40x128xf32, #tpu.memory_space<hbm>>
      %dma_wait3A_166 = arith.constant 0 : i32
      %dma_wait3A_167 = arith.constant 0 : i32
      %dma_wait3A_168 = tpu.memref_slice %arg6[%run_scoped3A_112, %dma_wait3A_166, %dma_wait3A_167] : memref<5x40x128xf32, #tpu.memory_space<vmem>> -> memref<1x40x128xf32, #tpu.memory_space<vmem>>
      %dma_wait3A_169 = tpu.memref_squeeze %dma_wait3A_168 : memref<1x40x128xf32, #tpu.memory_space<vmem>> -> memref<40x128xf32, #tpu.memory_space<vmem>>
      tpu.wait_dma2 semaphore(%run_scoped3A_145 : memref<!tpu.dma_semaphore, #tpu.memory_space<semaphore_mem>>) src(%dma_wait3A_169 : memref<40x128xf32, #tpu.memory_space<vmem>>) dst(%dma_wait3A_165 : memref<40x128xf32, #tpu.memory_space<hbm>>)
      tpu.yield
    }) : () -> ()
    %dma_wait3A_113 = arith.constant 123 : i32
    %dma_wait3A_114 = arith.constant 3 : i32
    %dma_wait3A_115 = arith.constant 0 : i32
    %dma_wait3A_116 = arith.constant 0 : i32
    %dma_wait3A_117 = tpu.memref_slice %arg6[%dma_wait3A_114, %dma_wait3A_115, %dma_wait3A_116] : memref<5x40x128xf32, #tpu.memory_space<vmem>> -> memref<1x40x128xf32, #tpu.memory_space<vmem>>
    %dma_wait3A_118 = tpu.memref_squeeze %dma_wait3A_117 : memref<1x40x128xf32, #tpu.memory_space<vmem>> -> memref<40x128xf32, #tpu.memory_space<vmem>>
    %dma_wait3A_119 = arith.constant 0 : i32
    %dma_wait3A_120 = tpu.memref_slice %arg5[%dma_wait3A_113, %dma_wait3A_119] : memref<125x40xi32, #tpu.memory_space<vmem>> -> memref<1x40xi32, #tpu.memory_space<vmem>>
    %dma_wait3A_121 = tpu.memref_squeeze %dma_wait3A_120 : memref<1x40xi32, #tpu.memory_space<vmem>> -> memref<40xi32, #tpu.memory_space<vmem>>
    %dma_wait3A_122 = arith.constant 0 : i32
    %dma_wait3A_123 = arith.constant 0 : i32
    %dma_wait3A_124 = tpu.memref_slice %arg2[%dma_wait3A_122, %dma_wait3A_123] : memref<10000x128xf32, #tpu.memory_space<hbm>> -> memref<10000x128xf32, #tpu.memory_space<hbm>>
    tpu.wait_indirect_dma semaphore(%arg10 : memref<!tpu.dma_semaphore, #tpu.memory_space<semaphore_mem>>) src(%dma_wait3A_124 : memref<10000x128xf32, #tpu.memory_space<hbm>>) dst(%dma_wait3A_118 : memref<40x128xf32, #tpu.memory_space<vmem>>)
    %add3A_125 = arith.constant 4920 : i32
    %add3A_126 = arith.addi %multiple_of3A, %add3A_125 : i32
    %multiple_of3A_127 = tpu.assume_multiple %add3A_126, 40 : i32
    %run_scoped3A_128 = arith.constant 3 : i32
    "tpu.region"() ({
      %run_scoped3A_145 = tpu.sem_alloc : memref<!tpu.dma_semaphore, #tpu.memory_space<semaphore_mem>>
      %dma_start3A_146 = arith.constant 0 : i32
      %dma_start3A_147 = arith.constant 0 : i32
      %dma_start3A_148 = tpu.memref_slice %arg6[%run_scoped3A_128, %dma_start3A_146, %dma_start3A_147] : memref<5x40x128xf32, #tpu.memory_space<vmem>> -> memref<1x40x128xf32, #tpu.memory_space<vmem>>
      %dma_start3A_149 = tpu.memref_squeeze %dma_start3A_148 : memref<1x40x128xf32, #tpu.memory_space<vmem>> -> memref<40x128xf32, #tpu.memory_space<vmem>>
      %dma_start3A_150 = arith.constant 0 : i32
      %dma_start3A_151 = tpu.memref_slice %arg4[%multiple_of3A_127, %dma_start3A_150] : memref<160000x128xf32, #tpu.memory_space<hbm>> -> memref<40x128xf32, #tpu.memory_space<hbm>>
      %dma_start3A_152 = arith.constant 0 : i32
      %dma_start3A_153 = tpu.memref_slice %arg4[%multiple_of3A_127, %dma_start3A_152] : memref<160000x128xf32, #tpu.memory_space<hbm>> -> memref<40x128xf32, #tpu.memory_space<hbm>>
      %dma_start3A_154 = arith.constant 0 : i32
      %dma_start3A_155 = arith.constant 0 : i32
      %dma_start3A_156 = tpu.memref_slice %arg6[%run_scoped3A_128, %dma_start3A_154, %dma_start3A_155] : memref<5x40x128xf32, #tpu.memory_space<vmem>> -> memref<1x40x128xf32, #tpu.memory_space<vmem>>
      %dma_start3A_157 = tpu.memref_squeeze %dma_start3A_156 : memref<1x40x128xf32, #tpu.memory_space<vmem>> -> memref<40x128xf32, #tpu.memory_space<vmem>>
      tpu.enqueue_dma source(%dma_start3A_157 : memref<40x128xf32, #tpu.memory_space<vmem>>) target(%dma_start3A_153 : memref<40x128xf32, #tpu.memory_space<hbm>>) target_semaphore(%run_scoped3A_145 : memref<!tpu.dma_semaphore, #tpu.memory_space<semaphore_mem>>)
      %dma_wait3A_158 = arith.constant 0 : i32
      %dma_wait3A_159 = arith.constant 0 : i32
      %dma_wait3A_160 = tpu.memref_slice %arg6[%run_scoped3A_128, %dma_wait3A_158, %dma_wait3A_159] : memref<5x40x128xf32, #tpu.memory_space<vmem>> -> memref<1x40x128xf32, #tpu.memory_space<vmem>>
      %dma_wait3A_161 = tpu.memref_squeeze %dma_wait3A_160 : memref<1x40x128xf32, #tpu.memory_space<vmem>> -> memref<40x128xf32, #tpu.memory_space<vmem>>
      %dma_wait3A_162 = arith.constant 0 : i32
      %dma_wait3A_163 = tpu.memref_slice %arg4[%multiple_of3A_127, %dma_wait3A_162] : memref<160000x128xf32, #tpu.memory_space<hbm>> -> memref<40x128xf32, #tpu.memory_space<hbm>>
      %dma_wait3A_164 = arith.constant 0 : i32
      %dma_wait3A_165 = tpu.memref_slice %arg4[%multiple_of3A_127, %dma_wait3A_164] : memref<160000x128xf32, #tpu.memory_space<hbm>> -> memref<40x128xf32, #tpu.memory_space<hbm>>
      %dma_wait3A_166 = arith.constant 0 : i32
      %dma_wait3A_167 = arith.constant 0 : i32
      %dma_wait3A_168 = tpu.memref_slice %arg6[%run_scoped3A_128, %dma_wait3A_166, %dma_wait3A_167] : memref<5x40x128xf32, #tpu.memory_space<vmem>> -> memref<1x40x128xf32, #tpu.memory_space<vmem>>
      %dma_wait3A_169 = tpu.memref_squeeze %dma_wait3A_168 : memref<1x40x128xf32, #tpu.memory_space<vmem>> -> memref<40x128xf32, #tpu.memory_space<vmem>>
      tpu.wait_dma2 semaphore(%run_scoped3A_145 : memref<!tpu.dma_semaphore, #tpu.memory_space<semaphore_mem>>) src(%dma_wait3A_169 : memref<40x128xf32, #tpu.memory_space<vmem>>) dst(%dma_wait3A_165 : memref<40x128xf32, #tpu.memory_space<hbm>>)
      tpu.yield
    }) : () -> ()
    %dma_wait3A_129 = arith.constant 124 : i32
    %dma_wait3A_130 = arith.constant 4 : i32
    %dma_wait3A_131 = arith.constant 0 : i32
    %dma_wait3A_132 = arith.constant 0 : i32
    %dma_wait3A_133 = tpu.memref_slice %arg6[%dma_wait3A_130, %dma_wait3A_131, %dma_wait3A_132] : memref<5x40x128xf32, #tpu.memory_space<vmem>> -> memref<1x40x128xf32, #tpu.memory_space<vmem>>
    %dma_wait3A_134 = tpu.memref_squeeze %dma_wait3A_133 : memref<1x40x128xf32, #tpu.memory_space<vmem>> -> memref<40x128xf32, #tpu.memory_space<vmem>>
    %dma_wait3A_135 = arith.constant 0 : i32
    %dma_wait3A_136 = tpu.memref_slice %arg5[%dma_wait3A_129, %dma_wait3A_135] : memref<125x40xi32, #tpu.memory_space<vmem>> -> memref<1x40xi32, #tpu.memory_space<vmem>>
    %dma_wait3A_137 = tpu.memref_squeeze %dma_wait3A_136 : memref<1x40xi32, #tpu.memory_space<vmem>> -> memref<40xi32, #tpu.memory_space<vmem>>
    %dma_wait3A_138 = arith.constant 0 : i32
    %dma_wait3A_139 = arith.constant 0 : i32
    %dma_wait3A_140 = tpu.memref_slice %arg2[%dma_wait3A_138, %dma_wait3A_139] : memref<10000x128xf32, #tpu.memory_space<hbm>> -> memref<10000x128xf32, #tpu.memory_space<hbm>>
    tpu.wait_indirect_dma semaphore(%arg11 : memref<!tpu.dma_semaphore, #tpu.memory_space<semaphore_mem>>) src(%dma_wait3A_140 : memref<10000x128xf32, #tpu.memory_space<hbm>>) dst(%dma_wait3A_134 : memref<40x128xf32, #tpu.memory_space<vmem>>)
    %add3A_141 = arith.constant 4960 : i32
    %add3A_142 = arith.addi %multiple_of3A, %add3A_141 : i32
    %multiple_of3A_143 = tpu.assume_multiple %add3A_142, 40 : i32
    %run_scoped3A_144 = arith.constant 4 : i32
    "tpu.region"() ({
      %run_scoped3A_145 = tpu.sem_alloc : memref<!tpu.dma_semaphore, #tpu.memory_space<semaphore_mem>>
      %dma_start3A_146 = arith.constant 0 : i32
      %dma_start3A_147 = arith.constant 0 : i32
      %dma_start3A_148 = tpu.memref_slice %arg6[%run_scoped3A_144, %dma_start3A_146, %dma_start3A_147] : memref<5x40x128xf32, #tpu.memory_space<vmem>> -> memref<1x40x128xf32, #tpu.memory_space<vmem>>
      %dma_start3A_149 = tpu.memref_squeeze %dma_start3A_148 : memref<1x40x128xf32, #tpu.memory_space<vmem>> -> memref<40x128xf32, #tpu.memory_space<vmem>>
      %dma_start3A_150 = arith.constant 0 : i32
      %dma_start3A_151 = tpu.memref_slice %arg4[%multiple_of3A_143, %dma_start3A_150] : memref<160000x128xf32, #tpu.memory_space<hbm>> -> memref<40x128xf32, #tpu.memory_space<hbm>>
      %dma_start3A_152 = arith.constant 0 : i32
      %dma_start3A_153 = tpu.memref_slice %arg4[%multiple_of3A_143, %dma_start3A_152] : memref<160000x128xf32, #tpu.memory_space<hbm>> -> memref<40x128xf32, #tpu.memory_space<hbm>>
      %dma_start3A_154 = arith.constant 0 : i32
      %dma_start3A_155 = arith.constant 0 : i32
      %dma_start3A_156 = tpu.memref_slice %arg6[%run_scoped3A_144, %dma_start3A_154, %dma_start3A_155] : memref<5x40x128xf32, #tpu.memory_space<vmem>> -> memref<1x40x128xf32, #tpu.memory_space<vmem>>
      %dma_start3A_157 = tpu.memref_squeeze %dma_start3A_156 : memref<1x40x128xf32, #tpu.memory_space<vmem>> -> memref<40x128xf32, #tpu.memory_space<vmem>>
      tpu.enqueue_dma source(%dma_start3A_157 : memref<40x128xf32, #tpu.memory_space<vmem>>) target(%dma_start3A_153 : memref<40x128xf32, #tpu.memory_space<hbm>>) target_semaphore(%run_scoped3A_145 : memref<!tpu.dma_semaphore, #tpu.memory_space<semaphore_mem>>)
      %dma_wait3A_158 = arith.constant 0 : i32
      %dma_wait3A_159 = arith.constant 0 : i32
      %dma_wait3A_160 = tpu.memref_slice %arg6[%run_scoped3A_144, %dma_wait3A_158, %dma_wait3A_159] : memref<5x40x128xf32, #tpu.memory_space<vmem>> -> memref<1x40x128xf32, #tpu.memory_space<vmem>>
      %dma_wait3A_161 = tpu.memref_squeeze %dma_wait3A_160 : memref<1x40x128xf32, #tpu.memory_space<vmem>> -> memref<40x128xf32, #tpu.memory_space<vmem>>
      %dma_wait3A_162 = arith.constant 0 : i32
      %dma_wait3A_163 = tpu.memref_slice %arg4[%multiple_of3A_143, %dma_wait3A_162] : memref<160000x128xf32, #tpu.memory_space<hbm>> -> memref<40x128xf32, #tpu.memory_space<hbm>>
      %dma_wait3A_164 = arith.constant 0 : i32
      %dma_wait3A_165 = tpu.memref_slice %arg4[%multiple_of3A_143, %dma_wait3A_164] : memref<160000x128xf32, #tpu.memory_space<hbm>> -> memref<40x128xf32, #tpu.memory_space<hbm>>
      %dma_wait3A_166 = arith.constant 0 : i32
      %dma_wait3A_167 = arith.constant 0 : i32
      %dma_wait3A_168 = tpu.memref_slice %arg6[%run_scoped3A_144, %dma_wait3A_166, %dma_wait3A_167] : memref<5x40x128xf32, #tpu.memory_space<vmem>> -> memref<1x40x128xf32, #tpu.memory_space<vmem>>
      %dma_wait3A_169 = tpu.memref_squeeze %dma_wait3A_168 : memref<1x40x128xf32, #tpu.memory_space<vmem>> -> memref<40x128xf32, #tpu.memory_space<vmem>>
      tpu.wait_dma2 semaphore(%run_scoped3A_145 : memref<!tpu.dma_semaphore, #tpu.memory_space<semaphore_mem>>) src(%dma_wait3A_169 : memref<40x128xf32, #tpu.memory_space<vmem>>) dst(%dma_wait3A_165 : memref<40x128xf32, #tpu.memory_space<hbm>>)
      tpu.yield
    }) : () -> ()
    return
  }
}

#map = affine_map<(d0, d1) -> (0, 0)>
#map1 = affine_map<(d0, d1) -> (0, 0, 0)>
module attributes {stable_mosaic.version = 14 : i64} {
  func.func @_gather_k(%arg0: i32, %arg1: i32, %arg2: memref<10000x128xf32, #tpu.memory_space<hbm>>, %arg3: memref<32x125x40xi32, #tpu.memory_space<hbm>>, %arg4: memref<160000x128xf32, #tpu.memory_space<hbm>>, %arg5: memref<125x40xi32, #tpu.memory_space<vmem>>, %arg6: memref<5x40x128xf32, #tpu.memory_space<vmem>>, %arg7: memref<!tpu.dma_semaphore, #tpu.memory_space<semaphore_mem>>, %arg8: memref<!tpu.dma_semaphore, #tpu.memory_space<semaphore_mem>>, %arg9: memref<!tpu.dma_semaphore, #tpu.memory_space<semaphore_mem>>, %arg10: memref<!tpu.dma_semaphore, #tpu.memory_space<semaphore_mem>>, %arg11: memref<!tpu.dma_semaphore, #tpu.memory_space<semaphore_mem>>) attributes {dimension_semantics = [#tpu.dimension_semantics<core_parallel>, #tpu.dimension_semantics<subcore_parallel>], iteration_bounds = array<i64: 2, 16>, scalar_prefetch = 0 : i64, scratch_operands = 7 : i64, tpu.core_type = #tpu.core_type<sc_vector_subcore>, window_params = [{transform_indices = #map}, {transform_indices = #map1}, {transform_indices = #map}]} {
    %mul3A = arith.constant 2 : i32
    %mul3A_0 = arith.muli %arg1, %mul3A : i32
    %add3A = arith.addi %mul3A_0, %arg0 : i32
    %mul3A_1 = arith.constant 5000 : i32
    %mul3A_2 = arith.muli %add3A, %mul3A_1 : i32
    %multiple_of3A = tpu.assume_multiple %mul3A_2, 40 : i32
    "tpu.region"() ({
      %run_scoped3A_145 = tpu.sem_alloc : memref<!tpu.dma_semaphore, #tpu.memory_space<semaphore_mem>>
      %dma_start3A_146 = arith.constant 0 : i32
      %dma_start3A_147 = arith.constant 0 : i32
      %dma_start3A_148 = tpu.memref_slice %arg3[%add3A, %dma_start3A_146, %dma_start3A_147] : memref<32x125x40xi32, #tpu.memory_space<hbm>> -> memref<1x125x40xi32, #tpu.memory_space<hbm>>
      %dma_start3A_149 = tpu.memref_squeeze %dma_start3A_148 : memref<1x125x40xi32, #tpu.memory_space<hbm>> -> memref<125x40xi32, #tpu.memory_space<hbm>>
      %dma_start3A_150 = arith.constant 0 : i32
      %dma_start3A_151 = arith.constant 0 : i32
      %dma_start3A_152 = tpu.memref_slice %arg3[%add3A, %dma_start3A_150, %dma_start3A_151] : memref<32x125x40xi32, #tpu.memory_space<hbm>> -> memref<1x125x40xi32, #tpu.memory_space<hbm>>
      %dma_start3A_153 = tpu.memref_squeeze %dma_start3A_152 : memref<1x125x40xi32, #tpu.memory_space<hbm>> -> memref<125x40xi32, #tpu.memory_space<hbm>>
      tpu.enqueue_dma source(%dma_start3A_153 : memref<125x40xi32, #tpu.memory_space<hbm>>) target(%arg5 : memref<125x40xi32, #tpu.memory_space<vmem>>) target_semaphore(%run_scoped3A_145 : memref<!tpu.dma_semaphore, #tpu.memory_space<semaphore_mem>>)
      %dma_wait3A_154 = arith.constant 0 : i32
      %dma_wait3A_155 = arith.constant 0 : i32
      %dma_wait3A_156 = tpu.memref_slice %arg3[%add3A, %dma_wait3A_154, %dma_wait3A_155] : memref<32x125x40xi32, #tpu.memory_space<hbm>> -> memref<1x125x40xi32, #tpu.memory_space<hbm>>
      %dma_wait3A_157 = tpu.memref_squeeze %dma_wait3A_156 : memref<1x125x40xi32, #tpu.memory_space<hbm>> -> memref<125x40xi32, #tpu.memory_space<hbm>>
      %dma_wait3A_158 = arith.constant 0 : i32
      %dma_wait3A_159 = arith.constant 0 : i32
      %dma_wait3A_160 = tpu.memref_slice %arg3[%add3A, %dma_wait3A_158, %dma_wait3A_159] : memref<32x125x40xi32, #tpu.memory_space<hbm>> -> memref<1x125x40xi32, #tpu.memory_space<hbm>>
      %dma_wait3A_161 = tpu.memref_squeeze %dma_wait3A_160 : memref<1x125x40xi32, #tpu.memory_space<hbm>> -> memref<125x40xi32, #tpu.memory_space<hbm>>
      tpu.wait_dma2 semaphore(%run_scoped3A_145 : memref<!tpu.dma_semaphore, #tpu.memory_space<semaphore_mem>>) src(%dma_wait3A_161 : memref<125x40xi32, #tpu.memory_space<hbm>>) dst(%arg5 : memref<125x40xi32, #tpu.memory_space<vmem>>)
      tpu.yield
    }) : () -> ()
    %dma_start3A = arith.constant 0 : i32
    %dma_start3A_3 = arith.constant 0 : i32
    %dma_start3A_4 = arith.constant 0 : i32
    %dma_start3A_5 = arith.constant 0 : i32
    %dma_start3A_6 = tpu.memref_slice %arg6[%dma_start3A_3, %dma_start3A_4, %dma_start3A_5] : memref<5x40x128xf32, #tpu.memory_space<vmem>> -> memref<1x40x128xf32, #tpu.memory_space<vmem>>
    %dma_start3A_7 = tpu.memref_squeeze %dma_start3A_6 : memref<1x40x128xf32, #tpu.memory_space<vmem>> -> memref<40x128xf32, #tpu.memory_space<vmem>>
    %dma_start3A_8 = arith.constant 0 : i32
    %dma_start3A_9 = tpu.memref_slice %arg5[%dma_start3A, %dma_start3A_8] : memref<125x40xi32, #tpu.memory_space<vmem>> -> memref<1x40xi32, #tpu.memory_space<vmem>>
    %dma_start3A_10 = tpu.memref_squeeze %dma_start3A_9 : memref<1x40xi32, #tpu.memory_space<vmem>> -> memref<40xi32, #tpu.memory_space<vmem>>
    %dma_start3A_11 = arith.constant 0 : i32
    %dma_start3A_12 = arith.constant 0 : i32
    %dma_start3A_13 = tpu.memref_slice %arg2[%dma_start3A_11, %dma_start3A_12] : memref<10000x128xf32, #tpu.memory_space<hbm>> -> memref<10000x128xf32, #tpu.memory_space<hbm>>
    tpu.enqueue_indirect_dma source(%dma_start3A_13 : memref<10000x128xf32, #tpu.memory_space<hbm>>) target(%dma_start3A_7 : memref<40x128xf32, #tpu.memory_space<vmem>>) offsets(%dma_start3A_10 : memref<40xi32, #tpu.memory_space<vmem>>) semaphore(%arg7 : memref<!tpu.dma_semaphore, #tpu.memory_space<semaphore_mem>>)
    %dma_start3A_14 = arith.constant 1 : i32
    %dma_start3A_15 = arith.constant 1 : i32
    %dma_start3A_16 = arith.constant 0 : i32
    %dma_start3A_17 = arith.constant 0 : i32
    %dma_start3A_18 = tpu.memref_slice %arg6[%dma_start3A_15, %dma_start3A_16, %dma_start3A_17] : memref<5x40x128xf32, #tpu.memory_space<vmem>> -> memref<1x40x128xf32, #tpu.memory_space<vmem>>
    %dma_start3A_19 = tpu.memref_squeeze %dma_start3A_18 : memref<1x40x128xf32, #tpu.memory_space<vmem>> -> memref<40x128xf32, #tpu.memory_space<vmem>>
    %dma_start3A_20 = arith.constant 0 : i32
    %dma_start3A_21 = tpu.memref_slice %arg5[%dma_start3A_14, %dma_start3A_20] : memref<125x40xi32, #tpu.memory_space<vmem>> -> memref<1x40xi32, #tpu.memory_space<vmem>>
    %dma_start3A_22 = tpu.memref_squeeze %dma_start3A_21 : memref<1x40xi32, #tpu.memory_space<vmem>> -> memref<40xi32, #tpu.memory_space<vmem>>
    %dma_start3A_23 = arith.constant 0 : i32
    %dma_start3A_24 = arith.constant 0 : i32
    %dma_start3A_25 = tpu.memref_slice %arg2[%dma_start3A_23, %dma_start3A_24] : memref<10000x128xf32, #tpu.memory_space<hbm>> -> memref<10000x128xf32, #tpu.memory_space<hbm>>
    tpu.enqueue_indirect_dma source(%dma_start3A_25 : memref<10000x128xf32, #tpu.memory_space<hbm>>) target(%dma_start3A_19 : memref<40x128xf32, #tpu.memory_space<vmem>>) offsets(%dma_start3A_22 : memref<40xi32, #tpu.memory_space<vmem>>) semaphore(%arg8 : memref<!tpu.dma_semaphore, #tpu.memory_space<semaphore_mem>>)
    %dma_start3A_26 = arith.constant 2 : i32
    %dma_start3A_27 = arith.constant 2 : i32
    %dma_start3A_28 = arith.constant 0 : i32
    %dma_start3A_29 = arith.constant 0 : i32
    %dma_start3A_30 = tpu.memref_slice %arg6[%dma_start3A_27, %dma_start3A_28, %dma_start3A_29] : memref<5x40x128xf32, #tpu.memory_space<vmem>> -> memref<1x40x128xf32, #tpu.memory_space<vmem>>
    %dma_start3A_31 = tpu.memref_squeeze %dma_start3A_30 : memref<1x40x128xf32, #tpu.memory_space<vmem>> -> memref<40x128xf32, #tpu.memory_space<vmem>>
    %dma_start3A_32 = arith.constant 0 : i32
    %dma_start3A_33 = tpu.memref_slice %arg5[%dma_start3A_26, %dma_start3A_32] : memref<125x40xi32, #tpu.memory_space<vmem>> -> memref<1x40xi32, #tpu.memory_space<vmem>>
    %dma_start3A_34 = tpu.memref_squeeze %dma_start3A_33 : memref<1x40xi32, #tpu.memory_space<vmem>> -> memref<40xi32, #tpu.memory_space<vmem>>
    %dma_start3A_35 = arith.constant 0 : i32
    %dma_start3A_36 = arith.constant 0 : i32
    %dma_start3A_37 = tpu.memref_slice %arg2[%dma_start3A_35, %dma_start3A_36] : memref<10000x128xf32, #tpu.memory_space<hbm>> -> memref<10000x128xf32, #tpu.memory_space<hbm>>
    tpu.enqueue_indirect_dma source(%dma_start3A_37 : memref<10000x128xf32, #tpu.memory_space<hbm>>) target(%dma_start3A_31 : memref<40x128xf32, #tpu.memory_space<vmem>>) offsets(%dma_start3A_34 : memref<40xi32, #tpu.memory_space<vmem>>) semaphore(%arg9 : memref<!tpu.dma_semaphore, #tpu.memory_space<semaphore_mem>>)
    %dma_start3A_38 = arith.constant 3 : i32
    %dma_start3A_39 = arith.constant 3 : i32
    %dma_start3A_40 = arith.constant 0 : i32
    %dma_start3A_41 = arith.constant 0 : i32
    %dma_start3A_42 = tpu.memref_slice %arg6[%dma_start3A_39, %dma_start3A_40, %dma_start3A_41] : memref<5x40x128xf32, #tpu.memory_space<vmem>> -> memref<1x40x128xf32, #tpu.memory_space<vmem>>
    %dma_start3A_43 = tpu.memref_squeeze %dma_start3A_42 : memref<1x40x128xf32, #tpu.memory_space<vmem>> -> memref<40x128xf32, #tpu.memory_space<vmem>>
    %dma_start3A_44 = arith.constant 0 : i32
    %dma_start3A_45 = tpu.memref_slice %arg5[%dma_start3A_38, %dma_start3A_44] : memref<125x40xi32, #tpu.memory_space<vmem>> -> memref<1x40xi32, #tpu.memory_space<vmem>>
    %dma_start3A_46 = tpu.memref_squeeze %dma_start3A_45 : memref<1x40xi32, #tpu.memory_space<vmem>> -> memref<40xi32, #tpu.memory_space<vmem>>
    %dma_start3A_47 = arith.constant 0 : i32
    %dma_start3A_48 = arith.constant 0 : i32
    %dma_start3A_49 = tpu.memref_slice %arg2[%dma_start3A_47, %dma_start3A_48] : memref<10000x128xf32, #tpu.memory_space<hbm>> -> memref<10000x128xf32, #tpu.memory_space<hbm>>
    tpu.enqueue_indirect_dma source(%dma_start3A_49 : memref<10000x128xf32, #tpu.memory_space<hbm>>) target(%dma_start3A_43 : memref<40x128xf32, #tpu.memory_space<vmem>>) offsets(%dma_start3A_46 : memref<40xi32, #tpu.memory_space<vmem>>) semaphore(%arg10 : memref<!tpu.dma_semaphore, #tpu.memory_space<semaphore_mem>>)
    %dma_start3A_50 = arith.constant 4 : i32
    %dma_start3A_51 = arith.constant 4 : i32
    %dma_start3A_52 = arith.constant 0 : i32
    %dma_start3A_53 = arith.constant 0 : i32
    %dma_start3A_54 = tpu.memref_slice %arg6[%dma_start3A_51, %dma_start3A_52, %dma_start3A_53] : memref<5x40x128xf32, #tpu.memory_space<vmem>> -> memref<1x40x128xf32, #tpu.memory_space<vmem>>
    %dma_start3A_55 = tpu.memref_squeeze %dma_start3A_54 : memref<1x40x128xf32, #tpu.memory_space<vmem>> -> memref<40x128xf32, #tpu.memory_space<vmem>>
    %dma_start3A_56 = arith.constant 0 : i32
    %dma_start3A_57 = tpu.memref_slice %arg5[%dma_start3A_50, %dma_start3A_56] : memref<125x40xi32, #tpu.memory_space<vmem>> -> memref<1x40xi32, #tpu.memory_space<vmem>>
    %dma_start3A_58 = tpu.memref_squeeze %dma_start3A_57 : memref<1x40xi32, #tpu.memory_space<vmem>> -> memref<40xi32, #tpu.memory_space<vmem>>
    %dma_start3A_59 = arith.constant 0 : i32
    %dma_start3A_60 = arith.constant 0 : i32
    %dma_start3A_61 = tpu.memref_slice %arg2[%dma_start3A_59, %dma_start3A_60] : memref<10000x128xf32, #tpu.memory_space<hbm>> -> memref<10000x128xf32, #tpu.memory_space<hbm>>
    tpu.enqueue_indirect_dma source(%dma_start3A_61 : memref<10000x128xf32, #tpu.memory_space<hbm>>) target(%dma_start3A_55 : memref<40x128xf32, #tpu.memory_space<vmem>>) offsets(%dma_start3A_58 : memref<40xi32, #tpu.memory_space<vmem>>) semaphore(%arg11 : memref<!tpu.dma_semaphore, #tpu.memory_space<semaphore_mem>>)
    %scan3A = arith.constant 0 : i32
    %scan3A_62 = arith.constant 0 : i32
    %scan3A_63 = arith.constant 24 : i32
    %scan3A_64 = arith.addi %scan3A_62, %scan3A_63 : i32
    %scan3A_65 = arith.constant 1 : i32
    scf.for %scan3A_145 = %scan3A_62 to %scan3A_64 step %scan3A_65  : i32 {
      %mul3A_146 = arith.constant 5 : i32
      %mul3A_147 = arith.muli %mul3A_146, %scan3A_145 : i32
      %add3A_148 = arith.constant 0 : i32
      %add3A_149 = arith.addi %mul3A_147, %add3A_148 : i32
      %dma_wait3A_150 = arith.constant 0 : i32
      %dma_wait3A_151 = arith.constant 0 : i32
      %dma_wait3A_152 = arith.constant 0 : i32
      %dma_wait3A_153 = tpu.memref_slice %arg6[%dma_wait3A_150, %dma_wait3A_151, %dma_wait3A_152] : memref<5x40x128xf32, #tpu.memory_space<vmem>> -> memref<1x40x128xf32, #tpu.memory_space<vmem>>
      %dma_wait3A_154 = tpu.memref_squeeze %dma_wait3A_153 : memref<1x40x128xf32, #tpu.memory_space<vmem>> -> memref<40x128xf32, #tpu.memory_space<vmem>>
      %dma_wait3A_155 = arith.constant 0 : i32
      %dma_wait3A_156 = tpu.memref_slice %arg5[%add3A_149, %dma_wait3A_155] : memref<125x40xi32, #tpu.memory_space<vmem>> -> memref<1x40xi32, #tpu.memory_space<vmem>>
      %dma_wait3A_157 = tpu.memref_squeeze %dma_wait3A_156 : memref<1x40xi32, #tpu.memory_space<vmem>> -> memref<40xi32, #tpu.memory_space<vmem>>
      %dma_wait3A_158 = arith.constant 0 : i32
      %dma_wait3A_159 = arith.constant 0 : i32
      %dma_wait3A_160 = tpu.memref_slice %arg2[%dma_wait3A_158, %dma_wait3A_159] : memref<10000x128xf32, #tpu.memory_space<hbm>> -> memref<10000x128xf32, #tpu.memory_space<hbm>>
      tpu.wait_indirect_dma semaphore(%arg7 : memref<!tpu.dma_semaphore, #tpu.memory_space<semaphore_mem>>) src(%dma_wait3A_160 : memref<10000x128xf32, #tpu.memory_space<hbm>>) dst(%dma_wait3A_154 : memref<40x128xf32, #tpu.memory_space<vmem>>)
      %mul3A_161 = arith.constant 40 : i32
      %mul3A_162 = arith.muli %add3A_149, %mul3A_161 : i32
      %add3A_163 = arith.addi %multiple_of3A, %mul3A_162 : i32
      %multiple_of3A_164 = tpu.assume_multiple %add3A_163, 40 : i32
      %run_scoped3A_165 = arith.constant 0 : i32
      "tpu.region"() ({
        %run_scoped3A_311 = tpu.sem_alloc : memref<!tpu.dma_semaphore, #tpu.memory_space<semaphore_mem>>
        %dma_start3A_312 = arith.constant 0 : i32
        %dma_start3A_313 = arith.constant 0 : i32
        %dma_start3A_314 = tpu.memref_slice %arg6[%run_scoped3A_165, %dma_start3A_312, %dma_start3A_313] : memref<5x40x128xf32, #tpu.memory_space<vmem>> -> memref<1x40x128xf32, #tpu.memory_space<vmem>>
        %dma_start3A_315 = tpu.memref_squeeze %dma_start3A_314 : memref<1x40x128xf32, #tpu.memory_space<vmem>> -> memref<40x128xf32, #tpu.memory_space<vmem>>
        %dma_start3A_316 = arith.constant 0 : i32
        %dma_start3A_317 = tpu.memref_slice %arg4[%multiple_of3A_164, %dma_start3A_316] : memref<160000x128xf32, #tpu.memory_space<hbm>> -> memref<40x128xf32, #tpu.memory_space<hbm>>
        %dma_start3A_318 = arith.constant 0 : i32
        %dma_start3A_319 = tpu.memref_slice %arg4[%multiple_of3A_164, %dma_start3A_318] : memref<160000x128xf32, #tpu.memory_space<hbm>> -> memref<40x128xf32, #tpu.memory_space<hbm>>
        %dma_start3A_320 = arith.constant 0 : i32
        %dma_start3A_321 = arith.constant 0 : i32
        %dma_start3A_322 = tpu.memref_slice %arg6[%run_scoped3A_165, %dma_start3A_320, %dma_start3A_321] : memref<5x40x128xf32, #tpu.memory_space<vmem>> -> memref<1x40x128xf32, #tpu.memory_space<vmem>>
        %dma_start3A_323 = tpu.memref_squeeze %dma_start3A_322 : memref<1x40x128xf32, #tpu.memory_space<vmem>> -> memref<40x128xf32, #tpu.memory_space<vmem>>
        tpu.enqueue_dma source(%dma_start3A_323 : memref<40x128xf32, #tpu.memory_space<vmem>>) target(%dma_start3A_319 : memref<40x128xf32, #tpu.memory_space<hbm>>) target_semaphore(%run_scoped3A_311 : memref<!tpu.dma_semaphore, #tpu.memory_space<semaphore_mem>>)
        %dma_wait3A_324 = arith.constant 0 : i32
        %dma_wait3A_325 = arith.constant 0 : i32
        %dma_wait3A_326 = tpu.memref_slice %arg6[%run_scoped3A_165, %dma_wait3A_324, %dma_wait3A_325] : memref<5x40x128xf32, #tpu.memory_space<vmem>> -> memref<1x40x128xf32, #tpu.memory_space<vmem>>
        %dma_wait3A_327 = tpu.memref_squeeze %dma_wait3A_326 : memref<1x40x128xf32, #tpu.memory_space<vmem>> -> memref<40x128xf32, #tpu.memory_space<vmem>>
        %dma_wait3A_328 = arith.constant 0 : i32
        %dma_wait3A_329 = tpu.memref_slice %arg4[%multiple_of3A_164, %dma_wait3A_328] : memref<160000x128xf32, #tpu.memory_space<hbm>> -> memref<40x128xf32, #tpu.memory_space<hbm>>
        %dma_wait3A_330 = arith.constant 0 : i32
        %dma_wait3A_331 = tpu.memref_slice %arg4[%multiple_of3A_164, %dma_wait3A_330] : memref<160000x128xf32, #tpu.memory_space<hbm>> -> memref<40x128xf32, #tpu.memory_space<hbm>>
        %dma_wait3A_332 = arith.constant 0 : i32
        %dma_wait3A_333 = arith.constant 0 : i32
        %dma_wait3A_334 = tpu.memref_slice %arg6[%run_scoped3A_165, %dma_wait3A_332, %dma_wait3A_333] : memref<5x40x128xf32, #tpu.memory_space<vmem>> -> memref<1x40x128xf32, #tpu.memory_space<vmem>>
        %dma_wait3A_335 = tpu.memref_squeeze %dma_wait3A_334 : memref<1x40x128xf32, #tpu.memory_space<vmem>> -> memref<40x128xf32, #tpu.memory_space<vmem>>
        tpu.wait_dma2 semaphore(%run_scoped3A_311 : memref<!tpu.dma_semaphore, #tpu.memory_space<semaphore_mem>>) src(%dma_wait3A_335 : memref<40x128xf32, #tpu.memory_space<vmem>>) dst(%dma_wait3A_331 : memref<40x128xf32, #tpu.memory_space<hbm>>)
        tpu.yield
      }) : () -> ()
      %add3A_166 = arith.constant 5 : i32
      %add3A_167 = arith.addi %add3A_149, %add3A_166 : i32
      %dma_start3A_168 = arith.constant 0 : i32
      %dma_start3A_169 = arith.constant 0 : i32
      %dma_start3A_170 = arith.constant 0 : i32
      %dma_start3A_171 = tpu.memref_slice %arg6[%dma_start3A_168, %dma_start3A_169, %dma_start3A_170] : memref<5x40x128xf32, #tpu.memory_space<vmem>> -> memref<1x40x128xf32, #tpu.memory_space<vmem>>
      %dma_start3A_172 = tpu.memref_squeeze %dma_start3A_171 : memref<1x40x128xf32, #tpu.memory_space<vmem>> -> memref<40x128xf32, #tpu.memory_space<vmem>>
      %dma_start3A_173 = arith.constant 0 : i32
      %dma_start3A_174 = tpu.memref_slice %arg5[%add3A_167, %dma_start3A_173] : memref<125x40xi32, #tpu.memory_space<vmem>> -> memref<1x40xi32, #tpu.memory_space<vmem>>
      %dma_start3A_175 = tpu.memref_squeeze %dma_start3A_174 : memref<1x40xi32, #tpu.memory_space<vmem>> -> memref<40xi32, #tpu.memory_space<vmem>>
      %dma_start3A_176 = arith.constant 0 : i32
      %dma_start3A_177 = arith.constant 0 : i32
      %dma_start3A_178 = tpu.memref_slice %arg2[%dma_start3A_176, %dma_start3A_177] : memref<10000x128xf32, #tpu.memory_space<hbm>> -> memref<10000x128xf32, #tpu.memory_space<hbm>>
      tpu.enqueue_indirect_dma source(%dma_start3A_178 : memref<10000x128xf32, #tpu.memory_space<hbm>>) target(%dma_start3A_172 : memref<40x128xf32, #tpu.memory_space<vmem>>) offsets(%dma_start3A_175 : memref<40xi32, #tpu.memory_space<vmem>>) semaphore(%arg7 : memref<!tpu.dma_semaphore, #tpu.memory_space<semaphore_mem>>)
      %mul3A_179 = arith.constant 5 : i32
      %mul3A_180 = arith.muli %mul3A_179, %scan3A_145 : i32
      %add3A_181 = arith.constant 1 : i32
      %add3A_182 = arith.addi %mul3A_180, %add3A_181 : i32
      %dma_wait3A_183 = arith.constant 1 : i32
      %dma_wait3A_184 = arith.constant 0 : i32
      %dma_wait3A_185 = arith.constant 0 : i32
      %dma_wait3A_186 = tpu.memref_slice %arg6[%dma_wait3A_183, %dma_wait3A_184, %dma_wait3A_185] : memref<5x40x128xf32, #tpu.memory_space<vmem>> -> memref<1x40x128xf32, #tpu.memory_space<vmem>>
      %dma_wait3A_187 = tpu.memref_squeeze %dma_wait3A_186 : memref<1x40x128xf32, #tpu.memory_space<vmem>> -> memref<40x128xf32, #tpu.memory_space<vmem>>
      %dma_wait3A_188 = arith.constant 0 : i32
      %dma_wait3A_189 = tpu.memref_slice %arg5[%add3A_182, %dma_wait3A_188] : memref<125x40xi32, #tpu.memory_space<vmem>> -> memref<1x40xi32, #tpu.memory_space<vmem>>
      %dma_wait3A_190 = tpu.memref_squeeze %dma_wait3A_189 : memref<1x40xi32, #tpu.memory_space<vmem>> -> memref<40xi32, #tpu.memory_space<vmem>>
      %dma_wait3A_191 = arith.constant 0 : i32
      %dma_wait3A_192 = arith.constant 0 : i32
      %dma_wait3A_193 = tpu.memref_slice %arg2[%dma_wait3A_191, %dma_wait3A_192] : memref<10000x128xf32, #tpu.memory_space<hbm>> -> memref<10000x128xf32, #tpu.memory_space<hbm>>
      tpu.wait_indirect_dma semaphore(%arg8 : memref<!tpu.dma_semaphore, #tpu.memory_space<semaphore_mem>>) src(%dma_wait3A_193 : memref<10000x128xf32, #tpu.memory_space<hbm>>) dst(%dma_wait3A_187 : memref<40x128xf32, #tpu.memory_space<vmem>>)
      %mul3A_194 = arith.constant 40 : i32
      %mul3A_195 = arith.muli %add3A_182, %mul3A_194 : i32
      %add3A_196 = arith.addi %multiple_of3A, %mul3A_195 : i32
      %multiple_of3A_197 = tpu.assume_multiple %add3A_196, 40 : i32
      %run_scoped3A_198 = arith.constant 1 : i32
      "tpu.region"() ({
        %run_scoped3A_311 = tpu.sem_alloc : memref<!tpu.dma_semaphore, #tpu.memory_space<semaphore_mem>>
        %dma_start3A_312 = arith.constant 0 : i32
        %dma_start3A_313 = arith.constant 0 : i32
        %dma_start3A_314 = tpu.memref_slice %arg6[%run_scoped3A_198, %dma_start3A_312, %dma_start3A_313] : memref<5x40x128xf32, #tpu.memory_space<vmem>> -> memref<1x40x128xf32, #tpu.memory_space<vmem>>
        %dma_start3A_315 = tpu.memref_squeeze %dma_start3A_314 : memref<1x40x128xf32, #tpu.memory_space<vmem>> -> memref<40x128xf32, #tpu.memory_space<vmem>>
        %dma_start3A_316 = arith.constant 0 : i32
        %dma_start3A_317 = tpu.memref_slice %arg4[%multiple_of3A_197, %dma_start3A_316] : memref<160000x128xf32, #tpu.memory_space<hbm>> -> memref<40x128xf32, #tpu.memory_space<hbm>>
        %dma_start3A_318 = arith.constant 0 : i32
        %dma_start3A_319 = tpu.memref_slice %arg4[%multiple_of3A_197, %dma_start3A_318] : memref<160000x128xf32, #tpu.memory_space<hbm>> -> memref<40x128xf32, #tpu.memory_space<hbm>>
        %dma_start3A_320 = arith.constant 0 : i32
        %dma_start3A_321 = arith.constant 0 : i32
        %dma_start3A_322 = tpu.memref_slice %arg6[%run_scoped3A_198, %dma_start3A_320, %dma_start3A_321] : memref<5x40x128xf32, #tpu.memory_space<vmem>> -> memref<1x40x128xf32, #tpu.memory_space<vmem>>
        %dma_start3A_323 = tpu.memref_squeeze %dma_start3A_322 : memref<1x40x128xf32, #tpu.memory_space<vmem>> -> memref<40x128xf32, #tpu.memory_space<vmem>>
        tpu.enqueue_dma source(%dma_start3A_323 : memref<40x128xf32, #tpu.memory_space<vmem>>) target(%dma_start3A_319 : memref<40x128xf32, #tpu.memory_space<hbm>>) target_semaphore(%run_scoped3A_311 : memref<!tpu.dma_semaphore, #tpu.memory_space<semaphore_mem>>)
        %dma_wait3A_324 = arith.constant 0 : i32
        %dma_wait3A_325 = arith.constant 0 : i32
        %dma_wait3A_326 = tpu.memref_slice %arg6[%run_scoped3A_198, %dma_wait3A_324, %dma_wait3A_325] : memref<5x40x128xf32, #tpu.memory_space<vmem>> -> memref<1x40x128xf32, #tpu.memory_space<vmem>>
        %dma_wait3A_327 = tpu.memref_squeeze %dma_wait3A_326 : memref<1x40x128xf32, #tpu.memory_space<vmem>> -> memref<40x128xf32, #tpu.memory_space<vmem>>
        %dma_wait3A_328 = arith.constant 0 : i32
        %dma_wait3A_329 = tpu.memref_slice %arg4[%multiple_of3A_197, %dma_wait3A_328] : memref<160000x128xf32, #tpu.memory_space<hbm>> -> memref<40x128xf32, #tpu.memory_space<hbm>>
        %dma_wait3A_330 = arith.constant 0 : i32
        %dma_wait3A_331 = tpu.memref_slice %arg4[%multiple_of3A_197, %dma_wait3A_330] : memref<160000x128xf32, #tpu.memory_space<hbm>> -> memref<40x128xf32, #tpu.memory_space<hbm>>
        %dma_wait3A_332 = arith.constant 0 : i32
        %dma_wait3A_333 = arith.constant 0 : i32
        %dma_wait3A_334 = tpu.memref_slice %arg6[%run_scoped3A_198, %dma_wait3A_332, %dma_wait3A_333] : memref<5x40x128xf32, #tpu.memory_space<vmem>> -> memref<1x40x128xf32, #tpu.memory_space<vmem>>
        %dma_wait3A_335 = tpu.memref_squeeze %dma_wait3A_334 : memref<1x40x128xf32, #tpu.memory_space<vmem>> -> memref<40x128xf32, #tpu.memory_space<vmem>>
        tpu.wait_dma2 semaphore(%run_scoped3A_311 : memref<!tpu.dma_semaphore, #tpu.memory_space<semaphore_mem>>) src(%dma_wait3A_335 : memref<40x128xf32, #tpu.memory_space<vmem>>) dst(%dma_wait3A_331 : memref<40x128xf32, #tpu.memory_space<hbm>>)
        tpu.yield
      }) : () -> ()
      %add3A_199 = arith.constant 5 : i32
      %add3A_200 = arith.addi %add3A_182, %add3A_199 : i32
      %dma_start3A_201 = arith.constant 1 : i32
      %dma_start3A_202 = arith.constant 0 : i32
      %dma_start3A_203 = arith.constant 0 : i32
      %dma_start3A_204 = tpu.memref_slice %arg6[%dma_start3A_201, %dma_start3A_202, %dma_start3A_203] : memref<5x40x128xf32, #tpu.memory_space<vmem>> -> memref<1x40x128xf32, #tpu.memory_space<vmem>>
      %dma_start3A_205 = tpu.memref_squeeze %dma_start3A_204 : memref<1x40x128xf32, #tpu.memory_space<vmem>> -> memref<40x128xf32, #tpu.memory_space<vmem>>
      %dma_start3A_206 = arith.constant 0 : i32
      %dma_start3A_207 = tpu.memref_slice %arg5[%add3A_200, %dma_start3A_206] : memref<125x40xi32, #tpu.memory_space<vmem>> -> memref<1x40xi32, #tpu.memory_space<vmem>>
      %dma_start3A_208 = tpu.memref_squeeze %dma_start3A_207 : memref<1x40xi32, #tpu.memory_space<vmem>> -> memref<40xi32, #tpu.memory_space<vmem>>
      %dma_start3A_209 = arith.constant 0 : i32
      %dma_start3A_210 = arith.constant 0 : i32
      %dma_start3A_211 = tpu.memref_slice %arg2[%dma_start3A_209, %dma_start3A_210] : memref<10000x128xf32, #tpu.memory_space<hbm>> -> memref<10000x128xf32, #tpu.memory_space<hbm>>
      tpu.enqueue_indirect_dma source(%dma_start3A_211 : memref<10000x128xf32, #tpu.memory_space<hbm>>) target(%dma_start3A_205 : memref<40x128xf32, #tpu.memory_space<vmem>>) offsets(%dma_start3A_208 : memref<40xi32, #tpu.memory_space<vmem>>) semaphore(%arg8 : memref<!tpu.dma_semaphore, #tpu.memory_space<semaphore_mem>>)
      %mul3A_212 = arith.constant 5 : i32
      %mul3A_213 = arith.muli %mul3A_212, %scan3A_145 : i32
      %add3A_214 = arith.constant 2 : i32
      %add3A_215 = arith.addi %mul3A_213, %add3A_214 : i32
      %dma_wait3A_216 = arith.constant 2 : i32
      %dma_wait3A_217 = arith.constant 0 : i32
      %dma_wait3A_218 = arith.constant 0 : i32
      %dma_wait3A_219 = tpu.memref_slice %arg6[%dma_wait3A_216, %dma_wait3A_217, %dma_wait3A_218] : memref<5x40x128xf32, #tpu.memory_space<vmem>> -> memref<1x40x128xf32, #tpu.memory_space<vmem>>
      %dma_wait3A_220 = tpu.memref_squeeze %dma_wait3A_219 : memref<1x40x128xf32, #tpu.memory_space<vmem>> -> memref<40x128xf32, #tpu.memory_space<vmem>>
      %dma_wait3A_221 = arith.constant 0 : i32
      %dma_wait3A_222 = tpu.memref_slice %arg5[%add3A_215, %dma_wait3A_221] : memref<125x40xi32, #tpu.memory_space<vmem>> -> memref<1x40xi32, #tpu.memory_space<vmem>>
      %dma_wait3A_223 = tpu.memref_squeeze %dma_wait3A_222 : memref<1x40xi32, #tpu.memory_space<vmem>> -> memref<40xi32, #tpu.memory_space<vmem>>
      %dma_wait3A_224 = arith.constant 0 : i32
      %dma_wait3A_225 = arith.constant 0 : i32
      %dma_wait3A_226 = tpu.memref_slice %arg2[%dma_wait3A_224, %dma_wait3A_225] : memref<10000x128xf32, #tpu.memory_space<hbm>> -> memref<10000x128xf32, #tpu.memory_space<hbm>>
      tpu.wait_indirect_dma semaphore(%arg9 : memref<!tpu.dma_semaphore, #tpu.memory_space<semaphore_mem>>) src(%dma_wait3A_226 : memref<10000x128xf32, #tpu.memory_space<hbm>>) dst(%dma_wait3A_220 : memref<40x128xf32, #tpu.memory_space<vmem>>)
      %mul3A_227 = arith.constant 40 : i32
      %mul3A_228 = arith.muli %add3A_215, %mul3A_227 : i32
      %add3A_229 = arith.addi %multiple_of3A, %mul3A_228 : i32
      %multiple_of3A_230 = tpu.assume_multiple %add3A_229, 40 : i32
      %run_scoped3A_231 = arith.constant 2 : i32
      "tpu.region"() ({
        %run_scoped3A_311 = tpu.sem_alloc : memref<!tpu.dma_semaphore, #tpu.memory_space<semaphore_mem>>
        %dma_start3A_312 = arith.constant 0 : i32
        %dma_start3A_313 = arith.constant 0 : i32
        %dma_start3A_314 = tpu.memref_slice %arg6[%run_scoped3A_231, %dma_start3A_312, %dma_start3A_313] : memref<5x40x128xf32, #tpu.memory_space<vmem>> -> memref<1x40x128xf32, #tpu.memory_space<vmem>>
        %dma_start3A_315 = tpu.memref_squeeze %dma_start3A_314 : memref<1x40x128xf32, #tpu.memory_space<vmem>> -> memref<40x128xf32, #tpu.memory_space<vmem>>
        %dma_start3A_316 = arith.constant 0 : i32
        %dma_start3A_317 = tpu.memref_slice %arg4[%multiple_of3A_230, %dma_start3A_316] : memref<160000x128xf32, #tpu.memory_space<hbm>> -> memref<40x128xf32, #tpu.memory_space<hbm>>
        %dma_start3A_318 = arith.constant 0 : i32
        %dma_start3A_319 = tpu.memref_slice %arg4[%multiple_of3A_230, %dma_start3A_318] : memref<160000x128xf32, #tpu.memory_space<hbm>> -> memref<40x128xf32, #tpu.memory_space<hbm>>
        %dma_start3A_320 = arith.constant 0 : i32
        %dma_start3A_321 = arith.constant 0 : i32
        %dma_start3A_322 = tpu.memref_slice %arg6[%run_scoped3A_231, %dma_start3A_320, %dma_start3A_321] : memref<5x40x128xf32, #tpu.memory_space<vmem>> -> memref<1x40x128xf32, #tpu.memory_space<vmem>>
        %dma_start3A_323 = tpu.memref_squeeze %dma_start3A_322 : memref<1x40x128xf32, #tpu.memory_space<vmem>> -> memref<40x128xf32, #tpu.memory_space<vmem>>
        tpu.enqueue_dma source(%dma_start3A_323 : memref<40x128xf32, #tpu.memory_space<vmem>>) target(%dma_start3A_319 : memref<40x128xf32, #tpu.memory_space<hbm>>) target_semaphore(%run_scoped3A_311 : memref<!tpu.dma_semaphore, #tpu.memory_space<semaphore_mem>>)
        %dma_wait3A_324 = arith.constant 0 : i32
        %dma_wait3A_325 = arith.constant 0 : i32
        %dma_wait3A_326 = tpu.memref_slice %arg6[%run_scoped3A_231, %dma_wait3A_324, %dma_wait3A_325] : memref<5x40x128xf32, #tpu.memory_space<vmem>> -> memref<1x40x128xf32, #tpu.memory_space<vmem>>
        %dma_wait3A_327 = tpu.memref_squeeze %dma_wait3A_326 : memref<1x40x128xf32, #tpu.memory_space<vmem>> -> memref<40x128xf32, #tpu.memory_space<vmem>>
        %dma_wait3A_328 = arith.constant 0 : i32
        %dma_wait3A_329 = tpu.memref_slice %arg4[%multiple_of3A_230, %dma_wait3A_328] : memref<160000x128xf32, #tpu.memory_space<hbm>> -> memref<40x128xf32, #tpu.memory_space<hbm>>
        %dma_wait3A_330 = arith.constant 0 : i32
        %dma_wait3A_331 = tpu.memref_slice %arg4[%multiple_of3A_230, %dma_wait3A_330] : memref<160000x128xf32, #tpu.memory_space<hbm>> -> memref<40x128xf32, #tpu.memory_space<hbm>>
        %dma_wait3A_332 = arith.constant 0 : i32
        %dma_wait3A_333 = arith.constant 0 : i32
        %dma_wait3A_334 = tpu.memref_slice %arg6[%run_scoped3A_231, %dma_wait3A_332, %dma_wait3A_333] : memref<5x40x128xf32, #tpu.memory_space<vmem>> -> memref<1x40x128xf32, #tpu.memory_space<vmem>>
        %dma_wait3A_335 = tpu.memref_squeeze %dma_wait3A_334 : memref<1x40x128xf32, #tpu.memory_space<vmem>> -> memref<40x128xf32, #tpu.memory_space<vmem>>
        tpu.wait_dma2 semaphore(%run_scoped3A_311 : memref<!tpu.dma_semaphore, #tpu.memory_space<semaphore_mem>>) src(%dma_wait3A_335 : memref<40x128xf32, #tpu.memory_space<vmem>>) dst(%dma_wait3A_331 : memref<40x128xf32, #tpu.memory_space<hbm>>)
        tpu.yield
      }) : () -> ()
      %add3A_232 = arith.constant 5 : i32
      %add3A_233 = arith.addi %add3A_215, %add3A_232 : i32
      %dma_start3A_234 = arith.constant 2 : i32
      %dma_start3A_235 = arith.constant 0 : i32
      %dma_start3A_236 = arith.constant 0 : i32
      %dma_start3A_237 = tpu.memref_slice %arg6[%dma_start3A_234, %dma_start3A_235, %dma_start3A_236] : memref<5x40x128xf32, #tpu.memory_space<vmem>> -> memref<1x40x128xf32, #tpu.memory_space<vmem>>
      %dma_start3A_238 = tpu.memref_squeeze %dma_start3A_237 : memref<1x40x128xf32, #tpu.memory_space<vmem>> -> memref<40x128xf32, #tpu.memory_space<vmem>>
      %dma_start3A_239 = arith.constant 0 : i32
      %dma_start3A_240 = tpu.memref_slice %arg5[%add3A_233, %dma_start3A_239] : memref<125x40xi32, #tpu.memory_space<vmem>> -> memref<1x40xi32, #tpu.memory_space<vmem>>
      %dma_start3A_241 = tpu.memref_squeeze %dma_start3A_240 : memref<1x40xi32, #tpu.memory_space<vmem>> -> memref<40xi32, #tpu.memory_space<vmem>>
      %dma_start3A_242 = arith.constant 0 : i32
      %dma_start3A_243 = arith.constant 0 : i32
      %dma_start3A_244 = tpu.memref_slice %arg2[%dma_start3A_242, %dma_start3A_243] : memref<10000x128xf32, #tpu.memory_space<hbm>> -> memref<10000x128xf32, #tpu.memory_space<hbm>>
      tpu.enqueue_indirect_dma source(%dma_start3A_244 : memref<10000x128xf32, #tpu.memory_space<hbm>>) target(%dma_start3A_238 : memref<40x128xf32, #tpu.memory_space<vmem>>) offsets(%dma_start3A_241 : memref<40xi32, #tpu.memory_space<vmem>>) semaphore(%arg9 : memref<!tpu.dma_semaphore, #tpu.memory_space<semaphore_mem>>)
      %mul3A_245 = arith.constant 5 : i32
      %mul3A_246 = arith.muli %mul3A_245, %scan3A_145 : i32
      %add3A_247 = arith.constant 3 : i32
      %add3A_248 = arith.addi %mul3A_246, %add3A_247 : i32
      %dma_wait3A_249 = arith.constant 3 : i32
      %dma_wait3A_250 = arith.constant 0 : i32
      %dma_wait3A_251 = arith.constant 0 : i32
      %dma_wait3A_252 = tpu.memref_slice %arg6[%dma_wait3A_249, %dma_wait3A_250, %dma_wait3A_251] : memref<5x40x128xf32, #tpu.memory_space<vmem>> -> memref<1x40x128xf32, #tpu.memory_space<vmem>>
      %dma_wait3A_253 = tpu.memref_squeeze %dma_wait3A_252 : memref<1x40x128xf32, #tpu.memory_space<vmem>> -> memref<40x128xf32, #tpu.memory_space<vmem>>
      %dma_wait3A_254 = arith.constant 0 : i32
      %dma_wait3A_255 = tpu.memref_slice %arg5[%add3A_248, %dma_wait3A_254] : memref<125x40xi32, #tpu.memory_space<vmem>> -> memref<1x40xi32, #tpu.memory_space<vmem>>
      %dma_wait3A_256 = tpu.memref_squeeze %dma_wait3A_255 : memref<1x40xi32, #tpu.memory_space<vmem>> -> memref<40xi32, #tpu.memory_space<vmem>>
      %dma_wait3A_257 = arith.constant 0 : i32
      %dma_wait3A_258 = arith.constant 0 : i32
      %dma_wait3A_259 = tpu.memref_slice %arg2[%dma_wait3A_257, %dma_wait3A_258] : memref<10000x128xf32, #tpu.memory_space<hbm>> -> memref<10000x128xf32, #tpu.memory_space<hbm>>
      tpu.wait_indirect_dma semaphore(%arg10 : memref<!tpu.dma_semaphore, #tpu.memory_space<semaphore_mem>>) src(%dma_wait3A_259 : memref<10000x128xf32, #tpu.memory_space<hbm>>) dst(%dma_wait3A_253 : memref<40x128xf32, #tpu.memory_space<vmem>>)
      %mul3A_260 = arith.constant 40 : i32
      %mul3A_261 = arith.muli %add3A_248, %mul3A_260 : i32
      %add3A_262 = arith.addi %multiple_of3A, %mul3A_261 : i32
      %multiple_of3A_263 = tpu.assume_multiple %add3A_262, 40 : i32
      %run_scoped3A_264 = arith.constant 3 : i32
      "tpu.region"() ({
        %run_scoped3A_311 = tpu.sem_alloc : memref<!tpu.dma_semaphore, #tpu.memory_space<semaphore_mem>>
        %dma_start3A_312 = arith.constant 0 : i32
        %dma_start3A_313 = arith.constant 0 : i32
        %dma_start3A_314 = tpu.memref_slice %arg6[%run_scoped3A_264, %dma_start3A_312, %dma_start3A_313] : memref<5x40x128xf32, #tpu.memory_space<vmem>> -> memref<1x40x128xf32, #tpu.memory_space<vmem>>
        %dma_start3A_315 = tpu.memref_squeeze %dma_start3A_314 : memref<1x40x128xf32, #tpu.memory_space<vmem>> -> memref<40x128xf32, #tpu.memory_space<vmem>>
        %dma_start3A_316 = arith.constant 0 : i32
        %dma_start3A_317 = tpu.memref_slice %arg4[%multiple_of3A_263, %dma_start3A_316] : memref<160000x128xf32, #tpu.memory_space<hbm>> -> memref<40x128xf32, #tpu.memory_space<hbm>>
        %dma_start3A_318 = arith.constant 0 : i32
        %dma_start3A_319 = tpu.memref_slice %arg4[%multiple_of3A_263, %dma_start3A_318] : memref<160000x128xf32, #tpu.memory_space<hbm>> -> memref<40x128xf32, #tpu.memory_space<hbm>>
        %dma_start3A_320 = arith.constant 0 : i32
        %dma_start3A_321 = arith.constant 0 : i32
        %dma_start3A_322 = tpu.memref_slice %arg6[%run_scoped3A_264, %dma_start3A_320, %dma_start3A_321] : memref<5x40x128xf32, #tpu.memory_space<vmem>> -> memref<1x40x128xf32, #tpu.memory_space<vmem>>
        %dma_start3A_323 = tpu.memref_squeeze %dma_start3A_322 : memref<1x40x128xf32, #tpu.memory_space<vmem>> -> memref<40x128xf32, #tpu.memory_space<vmem>>
        tpu.enqueue_dma source(%dma_start3A_323 : memref<40x128xf32, #tpu.memory_space<vmem>>) target(%dma_start3A_319 : memref<40x128xf32, #tpu.memory_space<hbm>>) target_semaphore(%run_scoped3A_311 : memref<!tpu.dma_semaphore, #tpu.memory_space<semaphore_mem>>)
        %dma_wait3A_324 = arith.constant 0 : i32
        %dma_wait3A_325 = arith.constant 0 : i32
        %dma_wait3A_326 = tpu.memref_slice %arg6[%run_scoped3A_264, %dma_wait3A_324, %dma_wait3A_325] : memref<5x40x128xf32, #tpu.memory_space<vmem>> -> memref<1x40x128xf32, #tpu.memory_space<vmem>>
        %dma_wait3A_327 = tpu.memref_squeeze %dma_wait3A_326 : memref<1x40x128xf32, #tpu.memory_space<vmem>> -> memref<40x128xf32, #tpu.memory_space<vmem>>
        %dma_wait3A_328 = arith.constant 0 : i32
        %dma_wait3A_329 = tpu.memref_slice %arg4[%multiple_of3A_263, %dma_wait3A_328] : memref<160000x128xf32, #tpu.memory_space<hbm>> -> memref<40x128xf32, #tpu.memory_space<hbm>>
        %dma_wait3A_330 = arith.constant 0 : i32
        %dma_wait3A_331 = tpu.memref_slice %arg4[%multiple_of3A_263, %dma_wait3A_330] : memref<160000x128xf32, #tpu.memory_space<hbm>> -> memref<40x128xf32, #tpu.memory_space<hbm>>
        %dma_wait3A_332 = arith.constant 0 : i32
        %dma_wait3A_333 = arith.constant 0 : i32
        %dma_wait3A_334 = tpu.memref_slice %arg6[%run_scoped3A_264, %dma_wait3A_332, %dma_wait3A_333] : memref<5x40x128xf32, #tpu.memory_space<vmem>> -> memref<1x40x128xf32, #tpu.memory_space<vmem>>
        %dma_wait3A_335 = tpu.memref_squeeze %dma_wait3A_334 : memref<1x40x128xf32, #tpu.memory_space<vmem>> -> memref<40x128xf32, #tpu.memory_space<vmem>>
        tpu.wait_dma2 semaphore(%run_scoped3A_311 : memref<!tpu.dma_semaphore, #tpu.memory_space<semaphore_mem>>) src(%dma_wait3A_335 : memref<40x128xf32, #tpu.memory_space<vmem>>) dst(%dma_wait3A_331 : memref<40x128xf32, #tpu.memory_space<hbm>>)
        tpu.yield
      }) : () -> ()
      %add3A_265 = arith.constant 5 : i32
      %add3A_266 = arith.addi %add3A_248, %add3A_265 : i32
      %dma_start3A_267 = arith.constant 3 : i32
      %dma_start3A_268 = arith.constant 0 : i32
      %dma_start3A_269 = arith.constant 0 : i32
      %dma_start3A_270 = tpu.memref_slice %arg6[%dma_start3A_267, %dma_start3A_268, %dma_start3A_269] : memref<5x40x128xf32, #tpu.memory_space<vmem>> -> memref<1x40x128xf32, #tpu.memory_space<vmem>>
      %dma_start3A_271 = tpu.memref_squeeze %dma_start3A_270 : memref<1x40x128xf32, #tpu.memory_space<vmem>> -> memref<40x128xf32, #tpu.memory_space<vmem>>
      %dma_start3A_272 = arith.constant 0 : i32
      %dma_start3A_273 = tpu.memref_slice %arg5[%add3A_266, %dma_start3A_272] : memref<125x40xi32, #tpu.memory_space<vmem>> -> memref<1x40xi32, #tpu.memory_space<vmem>>
      %dma_start3A_274 = tpu.memref_squeeze %dma_start3A_273 : memref<1x40xi32, #tpu.memory_space<vmem>> -> memref<40xi32, #tpu.memory_space<vmem>>
      %dma_start3A_275 = arith.constant 0 : i32
      %dma_start3A_276 = arith.constant 0 : i32
      %dma_start3A_277 = tpu.memref_slice %arg2[%dma_start3A_275, %dma_start3A_276] : memref<10000x128xf32, #tpu.memory_space<hbm>> -> memref<10000x128xf32, #tpu.memory_space<hbm>>
      tpu.enqueue_indirect_dma source(%dma_start3A_277 : memref<10000x128xf32, #tpu.memory_space<hbm>>) target(%dma_start3A_271 : memref<40x128xf32, #tpu.memory_space<vmem>>) offsets(%dma_start3A_274 : memref<40xi32, #tpu.memory_space<vmem>>) semaphore(%arg10 : memref<!tpu.dma_semaphore, #tpu.memory_space<semaphore_mem>>)
      %mul3A_278 = arith.constant 5 : i32
      %mul3A_279 = arith.muli %mul3A_278, %scan3A_145 : i32
      %add3A_280 = arith.constant 4 : i32
      %add3A_281 = arith.addi %mul3A_279, %add3A_280 : i32
      %dma_wait3A_282 = arith.constant 4 : i32
      %dma_wait3A_283 = arith.constant 0 : i32
      %dma_wait3A_284 = arith.constant 0 : i32
      %dma_wait3A_285 = tpu.memref_slice %arg6[%dma_wait3A_282, %dma_wait3A_283, %dma_wait3A_284] : memref<5x40x128xf32, #tpu.memory_space<vmem>> -> memref<1x40x128xf32, #tpu.memory_space<vmem>>
      %dma_wait3A_286 = tpu.memref_squeeze %dma_wait3A_285 : memref<1x40x128xf32, #tpu.memory_space<vmem>> -> memref<40x128xf32, #tpu.memory_space<vmem>>
      %dma_wait3A_287 = arith.constant 0 : i32
      %dma_wait3A_288 = tpu.memref_slice %arg5[%add3A_281, %dma_wait3A_287] : memref<125x40xi32, #tpu.memory_space<vmem>> -> memref<1x40xi32, #tpu.memory_space<vmem>>
      %dma_wait3A_289 = tpu.memref_squeeze %dma_wait3A_288 : memref<1x40xi32, #tpu.memory_space<vmem>> -> memref<40xi32, #tpu.memory_space<vmem>>
      %dma_wait3A_290 = arith.constant 0 : i32
      %dma_wait3A_291 = arith.constant 0 : i32
      %dma_wait3A_292 = tpu.memref_slice %arg2[%dma_wait3A_290, %dma_wait3A_291] : memref<10000x128xf32, #tpu.memory_space<hbm>> -> memref<10000x128xf32, #tpu.memory_space<hbm>>
      tpu.wait_indirect_dma semaphore(%arg11 : memref<!tpu.dma_semaphore, #tpu.memory_space<semaphore_mem>>) src(%dma_wait3A_292 : memref<10000x128xf32, #tpu.memory_space<hbm>>) dst(%dma_wait3A_286 : memref<40x128xf32, #tpu.memory_space<vmem>>)
      %mul3A_293 = arith.constant 40 : i32
      %mul3A_294 = arith.muli %add3A_281, %mul3A_293 : i32
      %add3A_295 = arith.addi %multiple_of3A, %mul3A_294 : i32
      %multiple_of3A_296 = tpu.assume_multiple %add3A_295, 40 : i32
      %run_scoped3A_297 = arith.constant 4 : i32
      "tpu.region"() ({
        %run_scoped3A_311 = tpu.sem_alloc : memref<!tpu.dma_semaphore, #tpu.memory_space<semaphore_mem>>
        %dma_start3A_312 = arith.constant 0 : i32
        %dma_start3A_313 = arith.constant 0 : i32
        %dma_start3A_314 = tpu.memref_slice %arg6[%run_scoped3A_297, %dma_start3A_312, %dma_start3A_313] : memref<5x40x128xf32, #tpu.memory_space<vmem>> -> memref<1x40x128xf32, #tpu.memory_space<vmem>>
        %dma_start3A_315 = tpu.memref_squeeze %dma_start3A_314 : memref<1x40x128xf32, #tpu.memory_space<vmem>> -> memref<40x128xf32, #tpu.memory_space<vmem>>
        %dma_start3A_316 = arith.constant 0 : i32
        %dma_start3A_317 = tpu.memref_slice %arg4[%multiple_of3A_296, %dma_start3A_316] : memref<160000x128xf32, #tpu.memory_space<hbm>> -> memref<40x128xf32, #tpu.memory_space<hbm>>
        %dma_start3A_318 = arith.constant 0 : i32
        %dma_start3A_319 = tpu.memref_slice %arg4[%multiple_of3A_296, %dma_start3A_318] : memref<160000x128xf32, #tpu.memory_space<hbm>> -> memref<40x128xf32, #tpu.memory_space<hbm>>
        %dma_start3A_320 = arith.constant 0 : i32
        %dma_start3A_321 = arith.constant 0 : i32
        %dma_start3A_322 = tpu.memref_slice %arg6[%run_scoped3A_297, %dma_start3A_320, %dma_start3A_321] : memref<5x40x128xf32, #tpu.memory_space<vmem>> -> memref<1x40x128xf32, #tpu.memory_space<vmem>>
        %dma_start3A_323 = tpu.memref_squeeze %dma_start3A_322 : memref<1x40x128xf32, #tpu.memory_space<vmem>> -> memref<40x128xf32, #tpu.memory_space<vmem>>
        tpu.enqueue_dma source(%dma_start3A_323 : memref<40x128xf32, #tpu.memory_space<vmem>>) target(%dma_start3A_319 : memref<40x128xf32, #tpu.memory_space<hbm>>) target_semaphore(%run_scoped3A_311 : memref<!tpu.dma_semaphore, #tpu.memory_space<semaphore_mem>>)
        %dma_wait3A_324 = arith.constant 0 : i32
        %dma_wait3A_325 = arith.constant 0 : i32
        %dma_wait3A_326 = tpu.memref_slice %arg6[%run_scoped3A_297, %dma_wait3A_324, %dma_wait3A_325] : memref<5x40x128xf32, #tpu.memory_space<vmem>> -> memref<1x40x128xf32, #tpu.memory_space<vmem>>
        %dma_wait3A_327 = tpu.memref_squeeze %dma_wait3A_326 : memref<1x40x128xf32, #tpu.memory_space<vmem>> -> memref<40x128xf32, #tpu.memory_space<vmem>>
        %dma_wait3A_328 = arith.constant 0 : i32
        %dma_wait3A_329 = tpu.memref_slice %arg4[%multiple_of3A_296, %dma_wait3A_328] : memref<160000x128xf32, #tpu.memory_space<hbm>> -> memref<40x128xf32, #tpu.memory_space<hbm>>
        %dma_wait3A_330 = arith.constant 0 : i32
        %dma_wait3A_331 = tpu.memref_slice %arg4[%multiple_of3A_296, %dma_wait3A_330] : memref<160000x128xf32, #tpu.memory_space<hbm>> -> memref<40x128xf32, #tpu.memory_space<hbm>>
        %dma_wait3A_332 = arith.constant 0 : i32
        %dma_wait3A_333 = arith.constant 0 : i32
        %dma_wait3A_334 = tpu.memref_slice %arg6[%run_scoped3A_297, %dma_wait3A_332, %dma_wait3A_333] : memref<5x40x128xf32, #tpu.memory_space<vmem>> -> memref<1x40x128xf32, #tpu.memory_space<vmem>>
        %dma_wait3A_335 = tpu.memref_squeeze %dma_wait3A_334 : memref<1x40x128xf32, #tpu.memory_space<vmem>> -> memref<40x128xf32, #tpu.memory_space<vmem>>
        tpu.wait_dma2 semaphore(%run_scoped3A_311 : memref<!tpu.dma_semaphore, #tpu.memory_space<semaphore_mem>>) src(%dma_wait3A_335 : memref<40x128xf32, #tpu.memory_space<vmem>>) dst(%dma_wait3A_331 : memref<40x128xf32, #tpu.memory_space<hbm>>)
        tpu.yield
      }) : () -> ()
      %add3A_298 = arith.constant 5 : i32
      %add3A_299 = arith.addi %add3A_281, %add3A_298 : i32
      %dma_start3A_300 = arith.constant 4 : i32
      %dma_start3A_301 = arith.constant 0 : i32
      %dma_start3A_302 = arith.constant 0 : i32
      %dma_start3A_303 = tpu.memref_slice %arg6[%dma_start3A_300, %dma_start3A_301, %dma_start3A_302] : memref<5x40x128xf32, #tpu.memory_space<vmem>> -> memref<1x40x128xf32, #tpu.memory_space<vmem>>
      %dma_start3A_304 = tpu.memref_squeeze %dma_start3A_303 : memref<1x40x128xf32, #tpu.memory_space<vmem>> -> memref<40x128xf32, #tpu.memory_space<vmem>>
      %dma_start3A_305 = arith.constant 0 : i32
      %dma_start3A_306 = tpu.memref_slice %arg5[%add3A_299, %dma_start3A_305] : memref<125x40xi32, #tpu.memory_space<vmem>> -> memref<1x40xi32, #tpu.memory_space<vmem>>
      %dma_start3A_307 = tpu.memref_squeeze %dma_start3A_306 : memref<1x40xi32, #tpu.memory_space<vmem>> -> memref<40xi32, #tpu.memory_space<vmem>>
      %dma_start3A_308 = arith.constant 0 : i32
      %dma_start3A_309 = arith.constant 0 : i32
      %dma_start3A_310 = tpu.memref_slice %arg2[%dma_start3A_308, %dma_start3A_309] : memref<10000x128xf32, #tpu.memory_space<hbm>> -> memref<10000x128xf32, #tpu.memory_space<hbm>>
      tpu.enqueue_indirect_dma source(%dma_start3A_310 : memref<10000x128xf32, #tpu.memory_space<hbm>>) target(%dma_start3A_304 : memref<40x128xf32, #tpu.memory_space<vmem>>) offsets(%dma_start3A_307 : memref<40xi32, #tpu.memory_space<vmem>>) semaphore(%arg11 : memref<!tpu.dma_semaphore, #tpu.memory_space<semaphore_mem>>)
    }
    %scan3A_66 = arith.constant 24 : i32
    %dma_wait3A = arith.constant 120 : i32
    %dma_wait3A_67 = arith.constant 0 : i32
    %dma_wait3A_68 = arith.constant 0 : i32
    %dma_wait3A_69 = arith.constant 0 : i32
    %dma_wait3A_70 = tpu.memref_slice %arg6[%dma_wait3A_67, %dma_wait3A_68, %dma_wait3A_69] : memref<5x40x128xf32, #tpu.memory_space<vmem>> -> memref<1x40x128xf32, #tpu.memory_space<vmem>>
    %dma_wait3A_71 = tpu.memref_squeeze %dma_wait3A_70 : memref<1x40x128xf32, #tpu.memory_space<vmem>> -> memref<40x128xf32, #tpu.memory_space<vmem>>
    %dma_wait3A_72 = arith.constant 0 : i32
    %dma_wait3A_73 = tpu.memref_slice %arg5[%dma_wait3A, %dma_wait3A_72] : memref<125x40xi32, #tpu.memory_space<vmem>> -> memref<1x40xi32, #tpu.memory_space<vmem>>
    %dma_wait3A_74 = tpu.memref_squeeze %dma_wait3A_73 : memref<1x40xi32, #tpu.memory_space<vmem>> -> memref<40xi32, #tpu.memory_space<vmem>>
    %dma_wait3A_75 = arith.constant 0 : i32
    %dma_wait3A_76 = arith.constant 0 : i32
    %dma_wait3A_77 = tpu.memref_slice %arg2[%dma_wait3A_75, %dma_wait3A_76] : memref<10000x128xf32, #tpu.memory_space<hbm>> -> memref<10000x128xf32, #tpu.memory_space<hbm>>
    tpu.wait_indirect_dma semaphore(%arg7 : memref<!tpu.dma_semaphore, #tpu.memory_space<semaphore_mem>>) src(%dma_wait3A_77 : memref<10000x128xf32, #tpu.memory_space<hbm>>) dst(%dma_wait3A_71 : memref<40x128xf32, #tpu.memory_space<vmem>>)
    %add3A_78 = arith.constant 4800 : i32
    %add3A_79 = arith.addi %multiple_of3A, %add3A_78 : i32
    %multiple_of3A_80 = tpu.assume_multiple %add3A_79, 40 : i32
    %run_scoped3A = arith.constant 0 : i32
    "tpu.region"() ({
      %run_scoped3A_145 = tpu.sem_alloc : memref<!tpu.dma_semaphore, #tpu.memory_space<semaphore_mem>>
      %dma_start3A_146 = arith.constant 0 : i32
      %dma_start3A_147 = arith.constant 0 : i32
      %dma_start3A_148 = tpu.memref_slice %arg6[%run_scoped3A, %dma_start3A_146, %dma_start3A_147] : memref<5x40x128xf32, #tpu.memory_space<vmem>> -> memref<1x40x128xf32, #tpu.memory_space<vmem>>
      %dma_start3A_149 = tpu.memref_squeeze %dma_start3A_148 : memref<1x40x128xf32, #tpu.memory_space<vmem>> -> memref<40x128xf32, #tpu.memory_space<vmem>>
      %dma_start3A_150 = arith.constant 0 : i32
      %dma_start3A_151 = tpu.memref_slice %arg4[%multiple_of3A_80, %dma_start3A_150] : memref<160000x128xf32, #tpu.memory_space<hbm>> -> memref<40x128xf32, #tpu.memory_space<hbm>>
      %dma_start3A_152 = arith.constant 0 : i32
      %dma_start3A_153 = tpu.memref_slice %arg4[%multiple_of3A_80, %dma_start3A_152] : memref<160000x128xf32, #tpu.memory_space<hbm>> -> memref<40x128xf32, #tpu.memory_space<hbm>>
      %dma_start3A_154 = arith.constant 0 : i32
      %dma_start3A_155 = arith.constant 0 : i32
      %dma_start3A_156 = tpu.memref_slice %arg6[%run_scoped3A, %dma_start3A_154, %dma_start3A_155] : memref<5x40x128xf32, #tpu.memory_space<vmem>> -> memref<1x40x128xf32, #tpu.memory_space<vmem>>
      %dma_start3A_157 = tpu.memref_squeeze %dma_start3A_156 : memref<1x40x128xf32, #tpu.memory_space<vmem>> -> memref<40x128xf32, #tpu.memory_space<vmem>>
      tpu.enqueue_dma source(%dma_start3A_157 : memref<40x128xf32, #tpu.memory_space<vmem>>) target(%dma_start3A_153 : memref<40x128xf32, #tpu.memory_space<hbm>>) target_semaphore(%run_scoped3A_145 : memref<!tpu.dma_semaphore, #tpu.memory_space<semaphore_mem>>)
      %dma_wait3A_158 = arith.constant 0 : i32
      %dma_wait3A_159 = arith.constant 0 : i32
      %dma_wait3A_160 = tpu.memref_slice %arg6[%run_scoped3A, %dma_wait3A_158, %dma_wait3A_159] : memref<5x40x128xf32, #tpu.memory_space<vmem>> -> memref<1x40x128xf32, #tpu.memory_space<vmem>>
      %dma_wait3A_161 = tpu.memref_squeeze %dma_wait3A_160 : memref<1x40x128xf32, #tpu.memory_space<vmem>> -> memref<40x128xf32, #tpu.memory_space<vmem>>
      %dma_wait3A_162 = arith.constant 0 : i32
      %dma_wait3A_163 = tpu.memref_slice %arg4[%multiple_of3A_80, %dma_wait3A_162] : memref<160000x128xf32, #tpu.memory_space<hbm>> -> memref<40x128xf32, #tpu.memory_space<hbm>>
      %dma_wait3A_164 = arith.constant 0 : i32
      %dma_wait3A_165 = tpu.memref_slice %arg4[%multiple_of3A_80, %dma_wait3A_164] : memref<160000x128xf32, #tpu.memory_space<hbm>> -> memref<40x128xf32, #tpu.memory_space<hbm>>
      %dma_wait3A_166 = arith.constant 0 : i32
      %dma_wait3A_167 = arith.constant 0 : i32
      %dma_wait3A_168 = tpu.memref_slice %arg6[%run_scoped3A, %dma_wait3A_166, %dma_wait3A_167] : memref<5x40x128xf32, #tpu.memory_space<vmem>> -> memref<1x40x128xf32, #tpu.memory_space<vmem>>
      %dma_wait3A_169 = tpu.memref_squeeze %dma_wait3A_168 : memref<1x40x128xf32, #tpu.memory_space<vmem>> -> memref<40x128xf32, #tpu.memory_space<vmem>>
      tpu.wait_dma2 semaphore(%run_scoped3A_145 : memref<!tpu.dma_semaphore, #tpu.memory_space<semaphore_mem>>) src(%dma_wait3A_169 : memref<40x128xf32, #tpu.memory_space<vmem>>) dst(%dma_wait3A_165 : memref<40x128xf32, #tpu.memory_space<hbm>>)
      tpu.yield
    }) : () -> ()
    %dma_wait3A_81 = arith.constant 121 : i32
    %dma_wait3A_82 = arith.constant 1 : i32
    %dma_wait3A_83 = arith.constant 0 : i32
    %dma_wait3A_84 = arith.constant 0 : i32
    %dma_wait3A_85 = tpu.memref_slice %arg6[%dma_wait3A_82, %dma_wait3A_83, %dma_wait3A_84] : memref<5x40x128xf32, #tpu.memory_space<vmem>> -> memref<1x40x128xf32, #tpu.memory_space<vmem>>
    %dma_wait3A_86 = tpu.memref_squeeze %dma_wait3A_85 : memref<1x40x128xf32, #tpu.memory_space<vmem>> -> memref<40x128xf32, #tpu.memory_space<vmem>>
    %dma_wait3A_87 = arith.constant 0 : i32
    %dma_wait3A_88 = tpu.memref_slice %arg5[%dma_wait3A_81, %dma_wait3A_87] : memref<125x40xi32, #tpu.memory_space<vmem>> -> memref<1x40xi32, #tpu.memory_space<vmem>>
    %dma_wait3A_89 = tpu.memref_squeeze %dma_wait3A_88 : memref<1x40xi32, #tpu.memory_space<vmem>> -> memref<40xi32, #tpu.memory_space<vmem>>
    %dma_wait3A_90 = arith.constant 0 : i32
    %dma_wait3A_91 = arith.constant 0 : i32
    %dma_wait3A_92 = tpu.memref_slice %arg2[%dma_wait3A_90, %dma_wait3A_91] : memref<10000x128xf32, #tpu.memory_space<hbm>> -> memref<10000x128xf32, #tpu.memory_space<hbm>>
    tpu.wait_indirect_dma semaphore(%arg8 : memref<!tpu.dma_semaphore, #tpu.memory_space<semaphore_mem>>) src(%dma_wait3A_92 : memref<10000x128xf32, #tpu.memory_space<hbm>>) dst(%dma_wait3A_86 : memref<40x128xf32, #tpu.memory_space<vmem>>)
    %add3A_93 = arith.constant 4840 : i32
    %add3A_94 = arith.addi %multiple_of3A, %add3A_93 : i32
    %multiple_of3A_95 = tpu.assume_multiple %add3A_94, 40 : i32
    %run_scoped3A_96 = arith.constant 1 : i32
    "tpu.region"() ({
      %run_scoped3A_145 = tpu.sem_alloc : memref<!tpu.dma_semaphore, #tpu.memory_space<semaphore_mem>>
      %dma_start3A_146 = arith.constant 0 : i32
      %dma_start3A_147 = arith.constant 0 : i32
      %dma_start3A_148 = tpu.memref_slice %arg6[%run_scoped3A_96, %dma_start3A_146, %dma_start3A_147] : memref<5x40x128xf32, #tpu.memory_space<vmem>> -> memref<1x40x128xf32, #tpu.memory_space<vmem>>
      %dma_start3A_149 = tpu.memref_squeeze %dma_start3A_148 : memref<1x40x128xf32, #tpu.memory_space<vmem>> -> memref<40x128xf32, #tpu.memory_space<vmem>>
      %dma_start3A_150 = arith.constant 0 : i32
      %dma_start3A_151 = tpu.memref_slice %arg4[%multiple_of3A_95, %dma_start3A_150] : memref<160000x128xf32, #tpu.memory_space<hbm>> -> memref<40x128xf32, #tpu.memory_space<hbm>>
      %dma_start3A_152 = arith.constant 0 : i32
      %dma_start3A_153 = tpu.memref_slice %arg4[%multiple_of3A_95, %dma_start3A_152] : memref<160000x128xf32, #tpu.memory_space<hbm>> -> memref<40x128xf32, #tpu.memory_space<hbm>>
      %dma_start3A_154 = arith.constant 0 : i32
      %dma_start3A_155 = arith.constant 0 : i32
      %dma_start3A_156 = tpu.memref_slice %arg6[%run_scoped3A_96, %dma_start3A_154, %dma_start3A_155] : memref<5x40x128xf32, #tpu.memory_space<vmem>> -> memref<1x40x128xf32, #tpu.memory_space<vmem>>
      %dma_start3A_157 = tpu.memref_squeeze %dma_start3A_156 : memref<1x40x128xf32, #tpu.memory_space<vmem>> -> memref<40x128xf32, #tpu.memory_space<vmem>>
      tpu.enqueue_dma source(%dma_start3A_157 : memref<40x128xf32, #tpu.memory_space<vmem>>) target(%dma_start3A_153 : memref<40x128xf32, #tpu.memory_space<hbm>>) target_semaphore(%run_scoped3A_145 : memref<!tpu.dma_semaphore, #tpu.memory_space<semaphore_mem>>)
      %dma_wait3A_158 = arith.constant 0 : i32
      %dma_wait3A_159 = arith.constant 0 : i32
      %dma_wait3A_160 = tpu.memref_slice %arg6[%run_scoped3A_96, %dma_wait3A_158, %dma_wait3A_159] : memref<5x40x128xf32, #tpu.memory_space<vmem>> -> memref<1x40x128xf32, #tpu.memory_space<vmem>>
      %dma_wait3A_161 = tpu.memref_squeeze %dma_wait3A_160 : memref<1x40x128xf32, #tpu.memory_space<vmem>> -> memref<40x128xf32, #tpu.memory_space<vmem>>
      %dma_wait3A_162 = arith.constant 0 : i32
      %dma_wait3A_163 = tpu.memref_slice %arg4[%multiple_of3A_95, %dma_wait3A_162] : memref<160000x128xf32, #tpu.memory_space<hbm>> -> memref<40x128xf32, #tpu.memory_space<hbm>>
      %dma_wait3A_164 = arith.constant 0 : i32
      %dma_wait3A_165 = tpu.memref_slice %arg4[%multiple_of3A_95, %dma_wait3A_164] : memref<160000x128xf32, #tpu.memory_space<hbm>> -> memref<40x128xf32, #tpu.memory_space<hbm>>
      %dma_wait3A_166 = arith.constant 0 : i32
      %dma_wait3A_167 = arith.constant 0 : i32
      %dma_wait3A_168 = tpu.memref_slice %arg6[%run_scoped3A_96, %dma_wait3A_166, %dma_wait3A_167] : memref<5x40x128xf32, #tpu.memory_space<vmem>> -> memref<1x40x128xf32, #tpu.memory_space<vmem>>
      %dma_wait3A_169 = tpu.memref_squeeze %dma_wait3A_168 : memref<1x40x128xf32, #tpu.memory_space<vmem>> -> memref<40x128xf32, #tpu.memory_space<vmem>>
      tpu.wait_dma2 semaphore(%run_scoped3A_145 : memref<!tpu.dma_semaphore, #tpu.memory_space<semaphore_mem>>) src(%dma_wait3A_169 : memref<40x128xf32, #tpu.memory_space<vmem>>) dst(%dma_wait3A_165 : memref<40x128xf32, #tpu.memory_space<hbm>>)
      tpu.yield
    }) : () -> ()
    %dma_wait3A_97 = arith.constant 122 : i32
    %dma_wait3A_98 = arith.constant 2 : i32
    %dma_wait3A_99 = arith.constant 0 : i32
    %dma_wait3A_100 = arith.constant 0 : i32
    %dma_wait3A_101 = tpu.memref_slice %arg6[%dma_wait3A_98, %dma_wait3A_99, %dma_wait3A_100] : memref<5x40x128xf32, #tpu.memory_space<vmem>> -> memref<1x40x128xf32, #tpu.memory_space<vmem>>
    %dma_wait3A_102 = tpu.memref_squeeze %dma_wait3A_101 : memref<1x40x128xf32, #tpu.memory_space<vmem>> -> memref<40x128xf32, #tpu.memory_space<vmem>>
    %dma_wait3A_103 = arith.constant 0 : i32
    %dma_wait3A_104 = tpu.memref_slice %arg5[%dma_wait3A_97, %dma_wait3A_103] : memref<125x40xi32, #tpu.memory_space<vmem>> -> memref<1x40xi32, #tpu.memory_space<vmem>>
    %dma_wait3A_105 = tpu.memref_squeeze %dma_wait3A_104 : memref<1x40xi32, #tpu.memory_space<vmem>> -> memref<40xi32, #tpu.memory_space<vmem>>
    %dma_wait3A_106 = arith.constant 0 : i32
    %dma_wait3A_107 = arith.constant 0 : i32
    %dma_wait3A_108 = tpu.memref_slice %arg2[%dma_wait3A_106, %dma_wait3A_107] : memref<10000x128xf32, #tpu.memory_space<hbm>> -> memref<10000x128xf32, #tpu.memory_space<hbm>>
    tpu.wait_indirect_dma semaphore(%arg9 : memref<!tpu.dma_semaphore, #tpu.memory_space<semaphore_mem>>) src(%dma_wait3A_108 : memref<10000x128xf32, #tpu.memory_space<hbm>>) dst(%dma_wait3A_102 : memref<40x128xf32, #tpu.memory_space<vmem>>)
    %add3A_109 = arith.constant 4880 : i32
    %add3A_110 = arith.addi %multiple_of3A, %add3A_109 : i32
    %multiple_of3A_111 = tpu.assume_multiple %add3A_110, 40 : i32
    %run_scoped3A_112 = arith.constant 2 : i32
    "tpu.region"() ({
      %run_scoped3A_145 = tpu.sem_alloc : memref<!tpu.dma_semaphore, #tpu.memory_space<semaphore_mem>>
      %dma_start3A_146 = arith.constant 0 : i32
      %dma_start3A_147 = arith.constant 0 : i32
      %dma_start3A_148 = tpu.memref_slice %arg6[%run_scoped3A_112, %dma_start3A_146, %dma_start3A_147] : memref<5x40x128xf32, #tpu.memory_space<vmem>> -> memref<1x40x128xf32, #tpu.memory_space<vmem>>
      %dma_start3A_149 = tpu.memref_squeeze %dma_start3A_148 : memref<1x40x128xf32, #tpu.memory_space<vmem>> -> memref<40x128xf32, #tpu.memory_space<vmem>>
      %dma_start3A_150 = arith.constant 0 : i32
      %dma_start3A_151 = tpu.memref_slice %arg4[%multiple_of3A_111, %dma_start3A_150] : memref<160000x128xf32, #tpu.memory_space<hbm>> -> memref<40x128xf32, #tpu.memory_space<hbm>>
      %dma_start3A_152 = arith.constant 0 : i32
      %dma_start3A_153 = tpu.memref_slice %arg4[%multiple_of3A_111, %dma_start3A_152] : memref<160000x128xf32, #tpu.memory_space<hbm>> -> memref<40x128xf32, #tpu.memory_space<hbm>>
      %dma_start3A_154 = arith.constant 0 : i32
      %dma_start3A_155 = arith.constant 0 : i32
      %dma_start3A_156 = tpu.memref_slice %arg6[%run_scoped3A_112, %dma_start3A_154, %dma_start3A_155] : memref<5x40x128xf32, #tpu.memory_space<vmem>> -> memref<1x40x128xf32, #tpu.memory_space<vmem>>
      %dma_start3A_157 = tpu.memref_squeeze %dma_start3A_156 : memref<1x40x128xf32, #tpu.memory_space<vmem>> -> memref<40x128xf32, #tpu.memory_space<vmem>>
      tpu.enqueue_dma source(%dma_start3A_157 : memref<40x128xf32, #tpu.memory_space<vmem>>) target(%dma_start3A_153 : memref<40x128xf32, #tpu.memory_space<hbm>>) target_semaphore(%run_scoped3A_145 : memref<!tpu.dma_semaphore, #tpu.memory_space<semaphore_mem>>)
      %dma_wait3A_158 = arith.constant 0 : i32
      %dma_wait3A_159 = arith.constant 0 : i32
      %dma_wait3A_160 = tpu.memref_slice %arg6[%run_scoped3A_112, %dma_wait3A_158, %dma_wait3A_159] : memref<5x40x128xf32, #tpu.memory_space<vmem>> -> memref<1x40x128xf32, #tpu.memory_space<vmem>>
      %dma_wait3A_161 = tpu.memref_squeeze %dma_wait3A_160 : memref<1x40x128xf32, #tpu.memory_space<vmem>> -> memref<40x128xf32, #tpu.memory_space<vmem>>
      %dma_wait3A_162 = arith.constant 0 : i32
      %dma_wait3A_163 = tpu.memref_slice %arg4[%multiple_of3A_111, %dma_wait3A_162] : memref<160000x128xf32, #tpu.memory_space<hbm>> -> memref<40x128xf32, #tpu.memory_space<hbm>>
      %dma_wait3A_164 = arith.constant 0 : i32
      %dma_wait3A_165 = tpu.memref_slice %arg4[%multiple_of3A_111, %dma_wait3A_164] : memref<160000x128xf32, #tpu.memory_space<hbm>> -> memref<40x128xf32, #tpu.memory_space<hbm>>
      %dma_wait3A_166 = arith.constant 0 : i32
      %dma_wait3A_167 = arith.constant 0 : i32
      %dma_wait3A_168 = tpu.memref_slice %arg6[%run_scoped3A_112, %dma_wait3A_166, %dma_wait3A_167] : memref<5x40x128xf32, #tpu.memory_space<vmem>> -> memref<1x40x128xf32, #tpu.memory_space<vmem>>
      %dma_wait3A_169 = tpu.memref_squeeze %dma_wait3A_168 : memref<1x40x128xf32, #tpu.memory_space<vmem>> -> memref<40x128xf32, #tpu.memory_space<vmem>>
      tpu.wait_dma2 semaphore(%run_scoped3A_145 : memref<!tpu.dma_semaphore, #tpu.memory_space<semaphore_mem>>) src(%dma_wait3A_169 : memref<40x128xf32, #tpu.memory_space<vmem>>) dst(%dma_wait3A_165 : memref<40x128xf32, #tpu.memory_space<hbm>>)
      tpu.yield
    }) : () -> ()
    %dma_wait3A_113 = arith.constant 123 : i32
    %dma_wait3A_114 = arith.constant 3 : i32
    %dma_wait3A_115 = arith.constant 0 : i32
    %dma_wait3A_116 = arith.constant 0 : i32
    %dma_wait3A_117 = tpu.memref_slice %arg6[%dma_wait3A_114, %dma_wait3A_115, %dma_wait3A_116] : memref<5x40x128xf32, #tpu.memory_space<vmem>> -> memref<1x40x128xf32, #tpu.memory_space<vmem>>
    %dma_wait3A_118 = tpu.memref_squeeze %dma_wait3A_117 : memref<1x40x128xf32, #tpu.memory_space<vmem>> -> memref<40x128xf32, #tpu.memory_space<vmem>>
    %dma_wait3A_119 = arith.constant 0 : i32
    %dma_wait3A_120 = tpu.memref_slice %arg5[%dma_wait3A_113, %dma_wait3A_119] : memref<125x40xi32, #tpu.memory_space<vmem>> -> memref<1x40xi32, #tpu.memory_space<vmem>>
    %dma_wait3A_121 = tpu.memref_squeeze %dma_wait3A_120 : memref<1x40xi32, #tpu.memory_space<vmem>> -> memref<40xi32, #tpu.memory_space<vmem>>
    %dma_wait3A_122 = arith.constant 0 : i32
    %dma_wait3A_123 = arith.constant 0 : i32
    %dma_wait3A_124 = tpu.memref_slice %arg2[%dma_wait3A_122, %dma_wait3A_123] : memref<10000x128xf32, #tpu.memory_space<hbm>> -> memref<10000x128xf32, #tpu.memory_space<hbm>>
    tpu.wait_indirect_dma semaphore(%arg10 : memref<!tpu.dma_semaphore, #tpu.memory_space<semaphore_mem>>) src(%dma_wait3A_124 : memref<10000x128xf32, #tpu.memory_space<hbm>>) dst(%dma_wait3A_118 : memref<40x128xf32, #tpu.memory_space<vmem>>)
    %add3A_125 = arith.constant 4920 : i32
    %add3A_126 = arith.addi %multiple_of3A, %add3A_125 : i32
    %multiple_of3A_127 = tpu.assume_multiple %add3A_126, 40 : i32
    %run_scoped3A_128 = arith.constant 3 : i32
    "tpu.region"() ({
      %run_scoped3A_145 = tpu.sem_alloc : memref<!tpu.dma_semaphore, #tpu.memory_space<semaphore_mem>>
      %dma_start3A_146 = arith.constant 0 : i32
      %dma_start3A_147 = arith.constant 0 : i32
      %dma_start3A_148 = tpu.memref_slice %arg6[%run_scoped3A_128, %dma_start3A_146, %dma_start3A_147] : memref<5x40x128xf32, #tpu.memory_space<vmem>> -> memref<1x40x128xf32, #tpu.memory_space<vmem>>
      %dma_start3A_149 = tpu.memref_squeeze %dma_start3A_148 : memref<1x40x128xf32, #tpu.memory_space<vmem>> -> memref<40x128xf32, #tpu.memory_space<vmem>>
      %dma_start3A_150 = arith.constant 0 : i32
      %dma_start3A_151 = tpu.memref_slice %arg4[%multiple_of3A_127, %dma_start3A_150] : memref<160000x128xf32, #tpu.memory_space<hbm>> -> memref<40x128xf32, #tpu.memory_space<hbm>>
      %dma_start3A_152 = arith.constant 0 : i32
      %dma_start3A_153 = tpu.memref_slice %arg4[%multiple_of3A_127, %dma_start3A_152] : memref<160000x128xf32, #tpu.memory_space<hbm>> -> memref<40x128xf32, #tpu.memory_space<hbm>>
      %dma_start3A_154 = arith.constant 0 : i32
      %dma_start3A_155 = arith.constant 0 : i32
      %dma_start3A_156 = tpu.memref_slice %arg6[%run_scoped3A_128, %dma_start3A_154, %dma_start3A_155] : memref<5x40x128xf32, #tpu.memory_space<vmem>> -> memref<1x40x128xf32, #tpu.memory_space<vmem>>
      %dma_start3A_157 = tpu.memref_squeeze %dma_start3A_156 : memref<1x40x128xf32, #tpu.memory_space<vmem>> -> memref<40x128xf32, #tpu.memory_space<vmem>>
      tpu.enqueue_dma source(%dma_start3A_157 : memref<40x128xf32, #tpu.memory_space<vmem>>) target(%dma_start3A_153 : memref<40x128xf32, #tpu.memory_space<hbm>>) target_semaphore(%run_scoped3A_145 : memref<!tpu.dma_semaphore, #tpu.memory_space<semaphore_mem>>)
      %dma_wait3A_158 = arith.constant 0 : i32
      %dma_wait3A_159 = arith.constant 0 : i32
      %dma_wait3A_160 = tpu.memref_slice %arg6[%run_scoped3A_128, %dma_wait3A_158, %dma_wait3A_159] : memref<5x40x128xf32, #tpu.memory_space<vmem>> -> memref<1x40x128xf32, #tpu.memory_space<vmem>>
      %dma_wait3A_161 = tpu.memref_squeeze %dma_wait3A_160 : memref<1x40x128xf32, #tpu.memory_space<vmem>> -> memref<40x128xf32, #tpu.memory_space<vmem>>
      %dma_wait3A_162 = arith.constant 0 : i32
      %dma_wait3A_163 = tpu.memref_slice %arg4[%multiple_of3A_127, %dma_wait3A_162] : memref<160000x128xf32, #tpu.memory_space<hbm>> -> memref<40x128xf32, #tpu.memory_space<hbm>>
      %dma_wait3A_164 = arith.constant 0 : i32
      %dma_wait3A_165 = tpu.memref_slice %arg4[%multiple_of3A_127, %dma_wait3A_164] : memref<160000x128xf32, #tpu.memory_space<hbm>> -> memref<40x128xf32, #tpu.memory_space<hbm>>
      %dma_wait3A_166 = arith.constant 0 : i32
      %dma_wait3A_167 = arith.constant 0 : i32
      %dma_wait3A_168 = tpu.memref_slice %arg6[%run_scoped3A_128, %dma_wait3A_166, %dma_wait3A_167] : memref<5x40x128xf32, #tpu.memory_space<vmem>> -> memref<1x40x128xf32, #tpu.memory_space<vmem>>
      %dma_wait3A_169 = tpu.memref_squeeze %dma_wait3A_168 : memref<1x40x128xf32, #tpu.memory_space<vmem>> -> memref<40x128xf32, #tpu.memory_space<vmem>>
      tpu.wait_dma2 semaphore(%run_scoped3A_145 : memref<!tpu.dma_semaphore, #tpu.memory_space<semaphore_mem>>) src(%dma_wait3A_169 : memref<40x128xf32, #tpu.memory_space<vmem>>) dst(%dma_wait3A_165 : memref<40x128xf32, #tpu.memory_space<hbm>>)
      tpu.yield
    }) : () -> ()
    %dma_wait3A_129 = arith.constant 124 : i32
    %dma_wait3A_130 = arith.constant 4 : i32
    %dma_wait3A_131 = arith.constant 0 : i32
    %dma_wait3A_132 = arith.constant 0 : i32
    %dma_wait3A_133 = tpu.memref_slice %arg6[%dma_wait3A_130, %dma_wait3A_131, %dma_wait3A_132] : memref<5x40x128xf32, #tpu.memory_space<vmem>> -> memref<1x40x128xf32, #tpu.memory_space<vmem>>
    %dma_wait3A_134 = tpu.memref_squeeze %dma_wait3A_133 : memref<1x40x128xf32, #tpu.memory_space<vmem>> -> memref<40x128xf32, #tpu.memory_space<vmem>>
    %dma_wait3A_135 = arith.constant 0 : i32
    %dma_wait3A_136 = tpu.memref_slice %arg5[%dma_wait3A_129, %dma_wait3A_135] : memref<125x40xi32, #tpu.memory_space<vmem>> -> memref<1x40xi32, #tpu.memory_space<vmem>>
    %dma_wait3A_137 = tpu.memref_squeeze %dma_wait3A_136 : memref<1x40xi32, #tpu.memory_space<vmem>> -> memref<40xi32, #tpu.memory_space<vmem>>
    %dma_wait3A_138 = arith.constant 0 : i32
    %dma_wait3A_139 = arith.constant 0 : i32
    %dma_wait3A_140 = tpu.memref_slice %arg2[%dma_wait3A_138, %dma_wait3A_139] : memref<10000x128xf32, #tpu.memory_space<hbm>> -> memref<10000x128xf32, #tpu.memory_space<hbm>>
    tpu.wait_indirect_dma semaphore(%arg11 : memref<!tpu.dma_semaphore, #tpu.memory_space<semaphore_mem>>) src(%dma_wait3A_140 : memref<10000x128xf32, #tpu.memory_space<hbm>>) dst(%dma_wait3A_134 : memref<40x128xf32, #tpu.memory_space<vmem>>)
    %add3A_141 = arith.constant 4960 : i32
    %add3A_142 = arith.addi %multiple_of3A, %add3A_141 : i32
    %multiple_of3A_143 = tpu.assume_multiple %add3A_142, 40 : i32
    %run_scoped3A_144 = arith.constant 4 : i32
    "tpu.region"() ({
      %run_scoped3A_145 = tpu.sem_alloc : memref<!tpu.dma_semaphore, #tpu.memory_space<semaphore_mem>>
      %dma_start3A_146 = arith.constant 0 : i32
      %dma_start3A_147 = arith.constant 0 : i32
      %dma_start3A_148 = tpu.memref_slice %arg6[%run_scoped3A_144, %dma_start3A_146, %dma_start3A_147] : memref<5x40x128xf32, #tpu.memory_space<vmem>> -> memref<1x40x128xf32, #tpu.memory_space<vmem>>
      %dma_start3A_149 = tpu.memref_squeeze %dma_start3A_148 : memref<1x40x128xf32, #tpu.memory_space<vmem>> -> memref<40x128xf32, #tpu.memory_space<vmem>>
      %dma_start3A_150 = arith.constant 0 : i32
      %dma_start3A_151 = tpu.memref_slice %arg4[%multiple_of3A_143, %dma_start3A_150] : memref<160000x128xf32, #tpu.memory_space<hbm>> -> memref<40x128xf32, #tpu.memory_space<hbm>>
      %dma_start3A_152 = arith.constant 0 : i32
      %dma_start3A_153 = tpu.memref_slice %arg4[%multiple_of3A_143, %dma_start3A_152] : memref<160000x128xf32, #tpu.memory_space<hbm>> -> memref<40x128xf32, #tpu.memory_space<hbm>>
      %dma_start3A_154 = arith.constant 0 : i32
      %dma_start3A_155 = arith.constant 0 : i32
      %dma_start3A_156 = tpu.memref_slice %arg6[%run_scoped3A_144, %dma_start3A_154, %dma_start3A_155] : memref<5x40x128xf32, #tpu.memory_space<vmem>> -> memref<1x40x128xf32, #tpu.memory_space<vmem>>
      %dma_start3A_157 = tpu.memref_squeeze %dma_start3A_156 : memref<1x40x128xf32, #tpu.memory_space<vmem>> -> memref<40x128xf32, #tpu.memory_space<vmem>>
      tpu.enqueue_dma source(%dma_start3A_157 : memref<40x128xf32, #tpu.memory_space<vmem>>) target(%dma_start3A_153 : memref<40x128xf32, #tpu.memory_space<hbm>>) target_semaphore(%run_scoped3A_145 : memref<!tpu.dma_semaphore, #tpu.memory_space<semaphore_mem>>)
      %dma_wait3A_158 = arith.constant 0 : i32
      %dma_wait3A_159 = arith.constant 0 : i32
      %dma_wait3A_160 = tpu.memref_slice %arg6[%run_scoped3A_144, %dma_wait3A_158, %dma_wait3A_159] : memref<5x40x128xf32, #tpu.memory_space<vmem>> -> memref<1x40x128xf32, #tpu.memory_space<vmem>>
      %dma_wait3A_161 = tpu.memref_squeeze %dma_wait3A_160 : memref<1x40x128xf32, #tpu.memory_space<vmem>> -> memref<40x128xf32, #tpu.memory_space<vmem>>
      %dma_wait3A_162 = arith.constant 0 : i32
      %dma_wait3A_163 = tpu.memref_slice %arg4[%multiple_of3A_143, %dma_wait3A_162] : memref<160000x128xf32, #tpu.memory_space<hbm>> -> memref<40x128xf32, #tpu.memory_space<hbm>>
      %dma_wait3A_164 = arith.constant 0 : i32
      %dma_wait3A_165 = tpu.memref_slice %arg4[%multiple_of3A_143, %dma_wait3A_164] : memref<160000x128xf32, #tpu.memory_space<hbm>> -> memref<40x128xf32, #tpu.memory_space<hbm>>
      %dma_wait3A_166 = arith.constant 0 : i32
      %dma_wait3A_167 = arith.constant 0 : i32
      %dma_wait3A_168 = tpu.memref_slice %arg6[%run_scoped3A_144, %dma_wait3A_166, %dma_wait3A_167] : memref<5x40x128xf32, #tpu.memory_space<vmem>> -> memref<1x40x128xf32, #tpu.memory_space<vmem>>
      %dma_wait3A_169 = tpu.memref_squeeze %dma_wait3A_168 : memref<1x40x128xf32, #tpu.memory_space<vmem>> -> memref<40x128xf32, #tpu.memory_space<vmem>>
      tpu.wait_dma2 semaphore(%run_scoped3A_145 : memref<!tpu.dma_semaphore, #tpu.memory_space<semaphore_mem>>) src(%dma_wait3A_169 : memref<40x128xf32, #tpu.memory_space<vmem>>) dst(%dma_wait3A_165 : memref<40x128xf32, #tpu.memory_space<hbm>>)
      tpu.yield
    }) : () -> ()
    return
  }
}

module attributes {stable_mosaic.version = 14 : i64} {
  func.func @_x_body(%arg0: i32, %arg1: memref<1000x128xf32, #tpu.memory_space<vmem>>, %arg2: memref<128x128xf32, #tpu.memory_space<vmem>>, %arg3: memref<1000x128xf32, #tpu.memory_space<vmem>>) attributes {dimension_semantics = [#tpu.dimension_semantics<arbitrary>], iteration_bounds = array<i64: 10>, scalar_prefetch = 0 : i64, scratch_operands = 0 : i64, tpu.core_type = #tpu.core_type<tc>, window_params = [{transform_indices = @transform_0, window_bounds = array<i64: 1000, 128>}, {pipeline_mode = #tpu.pipeline_mode<synchronous>, transform_indices = @transform_1, window_bounds = array<i64: 128, 128>}, {transform_indices = @transform_2, window_bounds = array<i64: 1000, 128>}]} {
    %get3A = arith.constant 0 : index
    %get3A_0 = arith.constant 0 : index
    %get3A_1 = vector.load %arg1[%get3A, %get3A_0] : memref<1000x128xf32, #tpu.memory_space<vmem>>, vector<1000x128xf32>
    %get3A_2 = arith.constant 0 : index
    %get3A_3 = arith.constant 0 : index
    %get3A_4 = vector.load %arg2[%get3A_2, %get3A_3] : memref<128x128xf32, #tpu.memory_space<vmem>>, vector<128x128xf32>
    %dot_general3A = arith.constant dense<0.000000e+00> : vector<1000x128xf32>
    %dot_general3A_5 = tpu.matmul %get3A_1, %get3A_4, %dot_general3A {dimension_numbers = #tpu.dot_dimension_numbers<[1], [0], [0], [1], [0, 0, 1, 1], [], []>, transpose_lhs_hint = false} : vector<1000x128xf32>, vector<128x128xf32>, vector<1000x128xf32> -> vector<1000x128xf32>
    %mul3A = arith.constant 0.0883883461 : f32
    %mul3A_6 = vector.broadcast %mul3A : f32 to vector<1000x128xf32>
    %mul3A_7 = arith.mulf %dot_general3A_5, %mul3A_6 : vector<1000x128xf32>
    %swap3A = arith.constant 0 : index
    %swap3A_8 = arith.constant 0 : index
    %swap3A_9 = vector.load %arg3[%swap3A, %swap3A_8] : memref<1000x128xf32, #tpu.memory_space<vmem>>, vector<1000x128xf32>
    tpu.vector_store %arg3[%swap3A, %swap3A_8], %mul3A_7 {strides = array<i32>} : memref<1000x128xf32, #tpu.memory_space<vmem>>, vector<1000x128xf32>,
    return
  }
  func.func @transform_0(%arg0: i32) -> (i32, i32) {
    %c0_i32 = arith.constant 0 : i32
    %c0_i32_0 = arith.constant 0 : i32
    return %arg0, %c0_i32 : i32, i32
  }
  func.func @transform_1(%arg0: i32) -> (i32, i32) {
    %c0_i32 = arith.constant 0 : i32
    %c0_i32_0 = arith.constant 0 : i32
    %c0_i32_1 = arith.constant 0 : i32
    return %c0_i32, %c0_i32_0 : i32, i32
  }
  func.func @transform_2(%arg0: i32) -> (i32, i32) {
    %c0_i32 = arith.constant 0 : i32
    %c0_i32_0 = arith.constant 0 : i32
    return %arg0, %c0_i32 : i32, i32
  }
}

module attributes {stable_mosaic.version = 14 : i64} {
  func.func @_edge_body(%arg0: i32, %arg1: memref<2000x16xf32, #tpu.memory_space<vmem>>, %arg2: memref<2000x1xf32, #tpu.memory_space<vmem>>, %arg3: memref<2000x128xf32, #tpu.memory_space<vmem>>, %arg4: memref<16x8xf32, #tpu.memory_space<vmem>>, %arg5: memref<8x128xf32, #tpu.memory_space<vmem>>, %arg6: memref<128x128xbf16, #tpu.memory_space<vmem>>, %arg7: memref<2000x128xf32, #tpu.memory_space<vmem>>) attributes {dimension_semantics = [#tpu.dimension_semantics<arbitrary>], iteration_bounds = array<i64: 80>, scalar_prefetch = 0 : i64, scratch_operands = 0 : i64, tpu.core_type = #tpu.core_type<tc>, window_params = [{transform_indices = @transform_0, window_bounds = array<i64: 2000, 16>}, {transform_indices = @transform_1, window_bounds = array<i64: 2000, 1>}, {transform_indices = @transform_2, window_bounds = array<i64: 2000, 128>}, {pipeline_mode = #tpu.pipeline_mode<synchronous>, transform_indices = @transform_3, window_bounds = array<i64: 16, 8>}, {pipeline_mode = #tpu.pipeline_mode<synchronous>, transform_indices = @transform_4, window_bounds = array<i64: 8, 128>}, {pipeline_mode = #tpu.pipeline_mode<synchronous>, transform_indices = @transform_5, window_bounds = array<i64: 128, 128>}, {transform_indices = @transform_6, window_bounds = array<i64: 2000, 128>}]} {
    %get3A = arith.constant 0 : index
    %get3A_0 = arith.constant 0 : index
    %get3A_1 = vector.load %arg1[%get3A, %get3A_0] : memref<2000x16xf32, #tpu.memory_space<vmem>>, vector<2000x16xf32>
    %get3A_2 = arith.constant 0 : index
    %get3A_3 = arith.constant 0 : index
    %get3A_4 = vector.load %arg4[%get3A_2, %get3A_3] : memref<16x8xf32, #tpu.memory_space<vmem>>, vector<16x8xf32>
    %dot_general3A = arith.constant dense<0.000000e+00> : vector<2000x8xf32>
    %dot_general3A_5 = tpu.matmul %get3A_1, %get3A_4, %dot_general3A {dimension_numbers = #tpu.dot_dimension_numbers<[1], [0], [0], [1], [0, 0, 1, 1], [], []>, transpose_lhs_hint = false} : vector<2000x16xf32>, vector<16x8xf32>, vector<2000x8xf32> -> vector<2000x8xf32>
    %mul3A = arith.constant 2.500000e-01 : f32
    %mul3A_6 = vector.broadcast %mul3A : f32 to vector<2000x8xf32>
    %mul3A_7 = arith.mulf %dot_general3A_5, %mul3A_6 : vector<2000x8xf32>
    %logistic3A = arith.negf %mul3A_7 : vector<2000x8xf32>
    %logistic3A_8 = math.exp %logistic3A : vector<2000x8xf32>
    %logistic3A_9 = arith.constant 1.000000e+00 : f32
    %logistic3A_10 = vector.broadcast %logistic3A_9 : f32 to vector<2000x8xf32>
    %logistic3A_11 = arith.addf %logistic3A_10, %logistic3A_8 : vector<2000x8xf32>
    %logistic3A_12 = arith.divf %logistic3A_10, %logistic3A_11 : vector<2000x8xf32>
    %mul3A_13 = arith.mulf %mul3A_7, %logistic3A_12 : vector<2000x8xf32>
    %get3A_14 = arith.constant 0 : index
    %get3A_15 = arith.constant 0 : index
    %get3A_16 = vector.load %arg5[%get3A_14, %get3A_15] : memref<8x128xf32, #tpu.memory_space<vmem>>, vector<8x128xf32>
    %dot_general3A_17 = arith.constant dense<0.000000e+00> : vector<2000x128xf32>
    %dot_general3A_18 = tpu.matmul %mul3A_13, %get3A_16, %dot_general3A_17 {dimension_numbers = #tpu.dot_dimension_numbers<[1], [0], [0], [1], [0, 0, 1, 1], [], []>, transpose_lhs_hint = false} : vector<2000x8xf32>, vector<8x128xf32>, vector<2000x128xf32> -> vector<2000x128xf32>
    %mul3A_19 = arith.constant 0.353553385 : f32
    %mul3A_20 = vector.broadcast %mul3A_19 : f32 to vector<2000x128xf32>
    %mul3A_21 = arith.mulf %dot_general3A_18, %mul3A_20 : vector<2000x128xf32>
    %get3A_22 = arith.constant 0 : index
    %get3A_23 = arith.constant 0 : index
    %get3A_24 = vector.load %arg3[%get3A_22, %get3A_23] : memref<2000x128xf32, #tpu.memory_space<vmem>>, vector<2000x128xf32>
    %get3A_25 = arith.constant 0 : index
    %get3A_26 = arith.constant 0 : index
    %get3A_27 = vector.load %arg2[%get3A_25, %get3A_26] : memref<2000x1xf32, #tpu.memory_space<vmem>>, vector<2000x1xf32>
    %mul3A_28 = vector.broadcast %get3A_27 : vector<2000x1xf32> to vector<2000x128xf32>
    %mul3A_29 = arith.mulf %get3A_24, %mul3A_28 : vector<2000x128xf32>
    %mul3A_30 = arith.mulf %mul3A_29, %mul3A_21 : vector<2000x128xf32>
    %convert_element_type3A = arith.truncf %mul3A_30 : vector<2000x128xf32> to vector<2000x128xbf16>
    %get3A_31 = arith.constant 0 : index
    %get3A_32 = arith.constant 0 : index
    %get3A_33 = vector.load %arg6[%get3A_31, %get3A_32] : memref<128x128xbf16, #tpu.memory_space<vmem>>, vector<128x128xbf16>
    %dot_general3A_34 = arith.constant dense<0.000000e+00> : vector<2000x128xf32>
    %dot_general3A_35 = tpu.matmul %convert_element_type3A, %get3A_33, %dot_general3A_34 {dimension_numbers = #tpu.dot_dimension_numbers<[1], [0], [0], [1], [0, 0, 1, 1], [], []>, transpose_lhs_hint = false} : vector<2000x128xbf16>, vector<128x128xbf16>, vector<2000x128xf32> -> vector<2000x128xf32>
    %mul3A_36 = arith.constant 0.0883883461 : f32
    %mul3A_37 = vector.broadcast %mul3A_36 : f32 to vector<2000x128xf32>
    %mul3A_38 = arith.mulf %dot_general3A_35, %mul3A_37 : vector<2000x128xf32>
    %logistic3A_39 = arith.negf %mul3A_38 : vector<2000x128xf32>
    %logistic3A_40 = math.exp %logistic3A_39 : vector<2000x128xf32>
    %logistic3A_41 = arith.constant 1.000000e+00 : f32
    %logistic3A_42 = vector.broadcast %logistic3A_41 : f32 to vector<2000x128xf32>
    %logistic3A_43 = arith.addf %logistic3A_42, %logistic3A_40 : vector<2000x128xf32>
    %logistic3A_44 = arith.divf %logistic3A_42, %logistic3A_43 : vector<2000x128xf32>
    %mul3A_45 = arith.mulf %mul3A_38, %logistic3A_44 : vector<2000x128xf32>
    %swap3A = arith.constant 0 : index
    %swap3A_46 = arith.constant 0 : index
    %swap3A_47 = vector.load %arg7[%swap3A, %swap3A_46] : memref<2000x128xf32, #tpu.memory_space<vmem>>, vector<2000x128xf32>
    tpu.vector_store %arg7[%swap3A, %swap3A_46], %mul3A_45 {strides = array<i32>} : memref<2000x128xf32, #tpu.memory_space<vmem>>, vector<2000x128xf32>,
    return
  }
  func.func @transform_0(%arg0: i32) -> (i32, i32) {
    %add3A = arith.constant 80 : i32
    %add3A_0 = arith.addi %arg0, %add3A : i32
    %c0_i32 = arith.constant 0 : i32
    %c0_i32_1 = arith.constant 0 : i32
    return %add3A_0, %c0_i32 : i32, i32
  }
  func.func @transform_1(%arg0: i32) -> (i32, i32) {
    %add3A = arith.constant 80 : i32
    %add3A_0 = arith.addi %arg0, %add3A : i32
    %c0_i32 = arith.constant 0 : i32
    %c0_i32_1 = arith.constant 0 : i32
    return %add3A_0, %c0_i32 : i32, i32
  }
  func.func @transform_2(%arg0: i32) -> (i32, i32) {
    %c0_i32 = arith.constant 0 : i32
    %c0_i32_0 = arith.constant 0 : i32
    return %arg0, %c0_i32 : i32, i32
  }
  func.func @transform_3(%arg0: i32) -> (i32, i32) {
    %c0_i32 = arith.constant 0 : i32
    %c0_i32_0 = arith.constant 0 : i32
    %c0_i32_1 = arith.constant 0 : i32
    return %c0_i32, %c0_i32_0 : i32, i32
  }
  func.func @transform_4(%arg0: i32) -> (i32, i32) {
    %c0_i32 = arith.constant 0 : i32
    %c0_i32_0 = arith.constant 0 : i32
    %c0_i32_1 = arith.constant 0 : i32
    return %c0_i32, %c0_i32_0 : i32, i32
  }
  func.func @transform_5(%arg0: i32) -> (i32, i32) {
    %c0_i32 = arith.constant 0 : i32
    %c0_i32_0 = arith.constant 0 : i32
    %c0_i32_1 = arith.constant 0 : i32
    return %c0_i32, %c0_i32_0 : i32, i32
  }
  func.func @transform_6(%arg0: i32) -> (i32, i32) {
    %c0_i32 = arith.constant 0 : i32
    %c0_i32_0 = arith.constant 0 : i32
    return %arg0, %c0_i32 : i32, i32
  }
}

module attributes {stable_mosaic.version = 14 : i64} {
  func.func @_edge_body(%arg0: i32, %arg1: memref<2000x16xf32, #tpu.memory_space<vmem>>, %arg2: memref<2000x1xf32, #tpu.memory_space<vmem>>, %arg3: memref<2000x128xf32, #tpu.memory_space<vmem>>, %arg4: memref<16x8xf32, #tpu.memory_space<vmem>>, %arg5: memref<8x128xf32, #tpu.memory_space<vmem>>, %arg6: memref<128x128xbf16, #tpu.memory_space<vmem>>, %arg7: memref<2000x128xf32, #tpu.memory_space<vmem>>) attributes {dimension_semantics = [#tpu.dimension_semantics<arbitrary>], iteration_bounds = array<i64: 80>, scalar_prefetch = 0 : i64, scratch_operands = 0 : i64, tpu.core_type = #tpu.core_type<tc>, window_params = [{transform_indices = @transform_0, window_bounds = array<i64: 2000, 16>}, {transform_indices = @transform_1, window_bounds = array<i64: 2000, 1>}, {transform_indices = @transform_2, window_bounds = array<i64: 2000, 128>}, {pipeline_mode = #tpu.pipeline_mode<synchronous>, transform_indices = @transform_3, window_bounds = array<i64: 16, 8>}, {pipeline_mode = #tpu.pipeline_mode<synchronous>, transform_indices = @transform_4, window_bounds = array<i64: 8, 128>}, {pipeline_mode = #tpu.pipeline_mode<synchronous>, transform_indices = @transform_5, window_bounds = array<i64: 128, 128>}, {transform_indices = @transform_6, window_bounds = array<i64: 2000, 128>}]} {
    %get3A = arith.constant 0 : index
    %get3A_0 = arith.constant 0 : index
    %get3A_1 = vector.load %arg1[%get3A, %get3A_0] : memref<2000x16xf32, #tpu.memory_space<vmem>>, vector<2000x16xf32>
    %get3A_2 = arith.constant 0 : index
    %get3A_3 = arith.constant 0 : index
    %get3A_4 = vector.load %arg4[%get3A_2, %get3A_3] : memref<16x8xf32, #tpu.memory_space<vmem>>, vector<16x8xf32>
    %dot_general3A = arith.constant dense<0.000000e+00> : vector<2000x8xf32>
    %dot_general3A_5 = tpu.matmul %get3A_1, %get3A_4, %dot_general3A {dimension_numbers = #tpu.dot_dimension_numbers<[1], [0], [0], [1], [0, 0, 1, 1], [], []>, transpose_lhs_hint = false} : vector<2000x16xf32>, vector<16x8xf32>, vector<2000x8xf32> -> vector<2000x8xf32>
    %mul3A = arith.constant 2.500000e-01 : f32
    %mul3A_6 = vector.broadcast %mul3A : f32 to vector<2000x8xf32>
    %mul3A_7 = arith.mulf %dot_general3A_5, %mul3A_6 : vector<2000x8xf32>
    %logistic3A = arith.negf %mul3A_7 : vector<2000x8xf32>
    %logistic3A_8 = math.exp %logistic3A : vector<2000x8xf32>
    %logistic3A_9 = arith.constant 1.000000e+00 : f32
    %logistic3A_10 = vector.broadcast %logistic3A_9 : f32 to vector<2000x8xf32>
    %logistic3A_11 = arith.addf %logistic3A_10, %logistic3A_8 : vector<2000x8xf32>
    %logistic3A_12 = arith.divf %logistic3A_10, %logistic3A_11 : vector<2000x8xf32>
    %mul3A_13 = arith.mulf %mul3A_7, %logistic3A_12 : vector<2000x8xf32>
    %get3A_14 = arith.constant 0 : index
    %get3A_15 = arith.constant 0 : index
    %get3A_16 = vector.load %arg5[%get3A_14, %get3A_15] : memref<8x128xf32, #tpu.memory_space<vmem>>, vector<8x128xf32>
    %dot_general3A_17 = arith.constant dense<0.000000e+00> : vector<2000x128xf32>
    %dot_general3A_18 = tpu.matmul %mul3A_13, %get3A_16, %dot_general3A_17 {dimension_numbers = #tpu.dot_dimension_numbers<[1], [0], [0], [1], [0, 0, 1, 1], [], []>, transpose_lhs_hint = false} : vector<2000x8xf32>, vector<8x128xf32>, vector<2000x128xf32> -> vector<2000x128xf32>
    %mul3A_19 = arith.constant 0.353553385 : f32
    %mul3A_20 = vector.broadcast %mul3A_19 : f32 to vector<2000x128xf32>
    %mul3A_21 = arith.mulf %dot_general3A_18, %mul3A_20 : vector<2000x128xf32>
    %get3A_22 = arith.constant 0 : index
    %get3A_23 = arith.constant 0 : index
    %get3A_24 = vector.load %arg3[%get3A_22, %get3A_23] : memref<2000x128xf32, #tpu.memory_space<vmem>>, vector<2000x128xf32>
    %get3A_25 = arith.constant 0 : index
    %get3A_26 = arith.constant 0 : index
    %get3A_27 = vector.load %arg2[%get3A_25, %get3A_26] : memref<2000x1xf32, #tpu.memory_space<vmem>>, vector<2000x1xf32>
    %mul3A_28 = vector.broadcast %get3A_27 : vector<2000x1xf32> to vector<2000x128xf32>
    %mul3A_29 = arith.mulf %get3A_24, %mul3A_28 : vector<2000x128xf32>
    %mul3A_30 = arith.mulf %mul3A_29, %mul3A_21 : vector<2000x128xf32>
    %convert_element_type3A = arith.truncf %mul3A_30 : vector<2000x128xf32> to vector<2000x128xbf16>
    %get3A_31 = arith.constant 0 : index
    %get3A_32 = arith.constant 0 : index
    %get3A_33 = vector.load %arg6[%get3A_31, %get3A_32] : memref<128x128xbf16, #tpu.memory_space<vmem>>, vector<128x128xbf16>
    %dot_general3A_34 = arith.constant dense<0.000000e+00> : vector<2000x128xf32>
    %dot_general3A_35 = tpu.matmul %convert_element_type3A, %get3A_33, %dot_general3A_34 {dimension_numbers = #tpu.dot_dimension_numbers<[1], [0], [0], [1], [0, 0, 1, 1], [], []>, transpose_lhs_hint = false} : vector<2000x128xbf16>, vector<128x128xbf16>, vector<2000x128xf32> -> vector<2000x128xf32>
    %mul3A_36 = arith.constant 0.0883883461 : f32
    %mul3A_37 = vector.broadcast %mul3A_36 : f32 to vector<2000x128xf32>
    %mul3A_38 = arith.mulf %dot_general3A_35, %mul3A_37 : vector<2000x128xf32>
    %logistic3A_39 = arith.negf %mul3A_38 : vector<2000x128xf32>
    %logistic3A_40 = math.exp %logistic3A_39 : vector<2000x128xf32>
    %logistic3A_41 = arith.constant 1.000000e+00 : f32
    %logistic3A_42 = vector.broadcast %logistic3A_41 : f32 to vector<2000x128xf32>
    %logistic3A_43 = arith.addf %logistic3A_42, %logistic3A_40 : vector<2000x128xf32>
    %logistic3A_44 = arith.divf %logistic3A_42, %logistic3A_43 : vector<2000x128xf32>
    %mul3A_45 = arith.mulf %mul3A_38, %logistic3A_44 : vector<2000x128xf32>
    %swap3A = arith.constant 0 : index
    %swap3A_46 = arith.constant 0 : index
    %swap3A_47 = vector.load %arg7[%swap3A, %swap3A_46] : memref<2000x128xf32, #tpu.memory_space<vmem>>, vector<2000x128xf32>
    tpu.vector_store %arg7[%swap3A, %swap3A_46], %mul3A_45 {strides = array<i32>} : memref<2000x128xf32, #tpu.memory_space<vmem>>, vector<2000x128xf32>,
    return
  }
  func.func @transform_0(%arg0: i32) -> (i32, i32) {
    %add3A = arith.constant 0 : i32
    %add3A_0 = arith.addi %arg0, %add3A : i32
    %c0_i32 = arith.constant 0 : i32
    %c0_i32_1 = arith.constant 0 : i32
    return %add3A_0, %c0_i32 : i32, i32
  }
  func.func @transform_1(%arg0: i32) -> (i32, i32) {
    %add3A = arith.constant 0 : i32
    %add3A_0 = arith.addi %arg0, %add3A : i32
    %c0_i32 = arith.constant 0 : i32
    %c0_i32_1 = arith.constant 0 : i32
    return %add3A_0, %c0_i32 : i32, i32
  }
  func.func @transform_2(%arg0: i32) -> (i32, i32) {
    %c0_i32 = arith.constant 0 : i32
    %c0_i32_0 = arith.constant 0 : i32
    return %arg0, %c0_i32 : i32, i32
  }
  func.func @transform_3(%arg0: i32) -> (i32, i32) {
    %c0_i32 = arith.constant 0 : i32
    %c0_i32_0 = arith.constant 0 : i32
    %c0_i32_1 = arith.constant 0 : i32
    return %c0_i32, %c0_i32_0 : i32, i32
  }
  func.func @transform_4(%arg0: i32) -> (i32, i32) {
    %c0_i32 = arith.constant 0 : i32
    %c0_i32_0 = arith.constant 0 : i32
    %c0_i32_1 = arith.constant 0 : i32
    return %c0_i32, %c0_i32_0 : i32, i32
  }
  func.func @transform_5(%arg0: i32) -> (i32, i32) {
    %c0_i32 = arith.constant 0 : i32
    %c0_i32_0 = arith.constant 0 : i32
    %c0_i32_1 = arith.constant 0 : i32
    return %c0_i32, %c0_i32_0 : i32, i32
  }
  func.func @transform_6(%arg0: i32) -> (i32, i32) {
    %c0_i32 = arith.constant 0 : i32
    %c0_i32_0 = arith.constant 0 : i32
    return %arg0, %c0_i32 : i32, i32
  }
}

module attributes {stable_mosaic.version = 14 : i64} {
  func.func @_upd_body(%arg0: i32, %arg1: memref<2x1000x128xf32, #tpu.memory_space<vmem>>, %arg2: memref<2x1000x128xf32, #tpu.memory_space<vmem>>, %arg3: memref<1000x16xf32, #tpu.memory_space<vmem>>, %arg4: memref<1000x128xf32, #tpu.memory_space<vmem>>, %arg5: memref<16x128xf32, #tpu.memory_space<vmem>>, %arg6: memref<128x128xbf16, #tpu.memory_space<vmem>>, %arg7: memref<128x2048xbf16, #tpu.memory_space<vmem>>, %arg8: memref<1000x128xf32, #tpu.memory_space<vmem>>) attributes {dimension_semantics = [#tpu.dimension_semantics<arbitrary>], iteration_bounds = array<i64: 10>, scalar_prefetch = 0 : i64, scratch_operands = 0 : i64, tpu.core_type = #tpu.core_type<tc>, window_params = [{transform_indices = @transform_0, window_bounds = array<i64: 2, 1000, 128>}, {transform_indices = @transform_1, window_bounds = array<i64: 2, 1000, 128>}, {transform_indices = @transform_2, window_bounds = array<i64: 1000, 16>}, {transform_indices = @transform_3, window_bounds = array<i64: 1000, 128>}, {pipeline_mode = #tpu.pipeline_mode<synchronous>, transform_indices = @transform_4, window_bounds = array<i64: 16, 128>}, {pipeline_mode = #tpu.pipeline_mode<synchronous>, transform_indices = @transform_5, window_bounds = array<i64: 128, 128>}, {pipeline_mode = #tpu.pipeline_mode<synchronous>, transform_indices = @transform_6, window_bounds = array<i64: 128, 2048>}, {transform_indices = @transform_7, window_bounds = array<i64: 1000, 128>}]} {
    %get3A = arith.constant 0 : index
    %get3A_0 = arith.constant 0 : index
    %get3A_1 = vector.load %arg3[%get3A, %get3A_0] : memref<1000x16xf32, #tpu.memory_space<vmem>>, vector<1000x16xf32>
    %get3A_2 = arith.constant 0 : index
    %get3A_3 = arith.constant 0 : index
    %get3A_4 = arith.constant 0 : index
    %get3A_5 = vector.load %arg1[%get3A_2, %get3A_3, %get3A_4] : memref<2x1000x128xf32, #tpu.memory_space<vmem>>, vector<1x1000x128xf32>
    %get3A_6 = vector.shape_cast %get3A_5 : vector<1x1000x128xf32> to vector<1000x128xf32>
    %get3A_7 = arith.constant 1 : index
    %get3A_8 = arith.constant 0 : index
    %get3A_9 = arith.constant 0 : index
    %get3A_10 = vector.load %arg1[%get3A_7, %get3A_8, %get3A_9] : memref<2x1000x128xf32, #tpu.memory_space<vmem>>, vector<1x1000x128xf32>
    %get3A_11 = vector.shape_cast %get3A_10 : vector<1x1000x128xf32> to vector<1000x128xf32>
    %add3A = arith.addf %get3A_6, %get3A_11 : vector<1000x128xf32>
    %get3A_12 = arith.constant 0 : index
    %get3A_13 = arith.constant 0 : index
    %get3A_14 = arith.constant 0 : index
    %get3A_15 = vector.load %arg2[%get3A_12, %get3A_13, %get3A_14] : memref<2x1000x128xf32, #tpu.memory_space<vmem>>, vector<1x1000x128xf32>
    %get3A_16 = vector.shape_cast %get3A_15 : vector<1x1000x128xf32> to vector<1000x128xf32>
    %get3A_17 = arith.constant 1 : index
    %get3A_18 = arith.constant 0 : index
    %get3A_19 = arith.constant 0 : index
    %get3A_20 = vector.load %arg2[%get3A_17, %get3A_18, %get3A_19] : memref<2x1000x128xf32, #tpu.memory_space<vmem>>, vector<1x1000x128xf32>
    %get3A_21 = vector.shape_cast %get3A_20 : vector<1x1000x128xf32> to vector<1000x128xf32>
    %add3A_22 = arith.addf %get3A_16, %get3A_21 : vector<1000x128xf32>
    %add3A_23 = arith.addf %add3A, %add3A_22 : vector<1000x128xf32>
    %mul3A = arith.constant 0.176776692 : f32
    %mul3A_24 = vector.broadcast %mul3A : f32 to vector<1000x128xf32>
    %mul3A_25 = arith.mulf %add3A_23, %mul3A_24 : vector<1000x128xf32>
    %get3A_26 = arith.constant 0 : index
    %get3A_27 = arith.constant 0 : index
    %get3A_28 = vector.load %arg5[%get3A_26, %get3A_27] : memref<16x128xf32, #tpu.memory_space<vmem>>, vector<16x128xf32>
    %dot_general3A = arith.constant dense<0.000000e+00> : vector<1000x128xf32>
    %dot_general3A_29 = tpu.matmul %get3A_1, %get3A_28, %dot_general3A {dimension_numbers = #tpu.dot_dimension_numbers<[1], [0], [0], [1], [0, 0, 1, 1], [], []>, transpose_lhs_hint = false} : vector<1000x16xf32>, vector<16x128xf32>, vector<1000x128xf32> -> vector<1000x128xf32>
    %mul3A_30 = arith.mulf %mul3A_25, %dot_general3A_29 : vector<1000x128xf32>
    %mul3A_31 = arith.constant 2.500000e-01 : f32
    %mul3A_32 = vector.broadcast %mul3A_31 : f32 to vector<1000x128xf32>
    %mul3A_33 = arith.mulf %mul3A_30, %mul3A_32 : vector<1000x128xf32>
    %convert_element_type3A = arith.truncf %mul3A_33 : vector<1000x128xf32> to vector<1000x128xbf16>
    %get3A_34 = arith.constant 0 : index
    %get3A_35 = arith.constant 0 : index
    %get3A_36 = vector.load %arg6[%get3A_34, %get3A_35] : memref<128x128xbf16, #tpu.memory_space<vmem>>, vector<128x128xbf16>
    %dot_general3A_37 = arith.constant dense<0.000000e+00> : vector<1000x128xf32>
    %dot_general3A_38 = tpu.matmul %convert_element_type3A, %get3A_36, %dot_general3A_37 {dimension_numbers = #tpu.dot_dimension_numbers<[1], [0], [0], [1], [0, 0, 1, 1], [], []>, transpose_lhs_hint = false} : vector<1000x128xbf16>, vector<128x128xbf16>, vector<1000x128xf32> -> vector<1000x128xf32>
    %mul3A_39 = arith.constant 0.0883883461 : f32
    %mul3A_40 = vector.broadcast %mul3A_39 : f32 to vector<1000x128xf32>
    %mul3A_41 = arith.mulf %dot_general3A_38, %mul3A_40 : vector<1000x128xf32>
    %logistic3A = arith.negf %mul3A_41 : vector<1000x128xf32>
    %logistic3A_42 = math.exp %logistic3A : vector<1000x128xf32>
    %logistic3A_43 = arith.constant 1.000000e+00 : f32
    %logistic3A_44 = vector.broadcast %logistic3A_43 : f32 to vector<1000x128xf32>
    %logistic3A_45 = arith.addf %logistic3A_44, %logistic3A_42 : vector<1000x128xf32>
    %logistic3A_46 = arith.divf %logistic3A_44, %logistic3A_45 : vector<1000x128xf32>
    %mul3A_47 = arith.mulf %mul3A_41, %logistic3A_46 : vector<1000x128xf32>
    %get3A_48 = arith.constant 0 : index
    %get3A_49 = arith.constant 0 : index
    %get3A_50 = vector.load %arg4[%get3A_48, %get3A_49] : memref<1000x128xf32, #tpu.memory_space<vmem>>, vector<1000x128xf32>
    %convert_element_type3A_51 = arith.truncf %get3A_50 : vector<1000x128xf32> to vector<1000x128xbf16>
    %get3A_52 = arith.constant 0 : index
    %get3A_53 = arith.constant 0 : index
    %get3A_54 = vector.load %arg7[%get3A_52, %get3A_53] : memref<128x2048xbf16, #tpu.memory_space<vmem>>, vector<128x2048xbf16>
    %dot_general3A_55 = arith.constant dense<0.000000e+00> : vector<1000x2048xf32>
    %dot_general3A_56 = tpu.matmul %convert_element_type3A_51, %get3A_54, %dot_general3A_55 {dimension_numbers = #tpu.dot_dimension_numbers<[1], [0], [0], [1], [0, 0, 1, 1], [], []>, transpose_lhs_hint = false} : vector<1000x128xbf16>, vector<128x2048xbf16>, vector<1000x2048xf32> -> vector<1000x2048xf32>
    %slice3A = vector.extract_strided_slice %get3A_1 {offsets = [0, 0], sizes = [1000, 1], strides = [1, 1]} : vector<1000x16xf32> to vector<1000x1xf32>
    %slice3A_57 = vector.extract_strided_slice %dot_general3A_56 {offsets = [0, 0], sizes = [1000, 128], strides = [1, 1]} : vector<1000x2048xf32> to vector<1000x128xf32>
    %mul3A_58 = vector.broadcast %slice3A : vector<1000x1xf32> to vector<1000x128xf32>
    %mul3A_59 = arith.mulf %mul3A_58, %slice3A_57 : vector<1000x128xf32>
    %slice3A_60 = vector.extract_strided_slice %get3A_1 {offsets = [0, 1], sizes = [1000, 1], strides = [1, 1]} : vector<1000x16xf32> to vector<1000x1xf32>
    %slice3A_61 = vector.extract_strided_slice %dot_general3A_56 {offsets = [0, 128], sizes = [1000, 128], strides = [1, 1]} : vector<1000x2048xf32> to vector<1000x128xf32>
    %mul3A_62 = vector.broadcast %slice3A_60 : vector<1000x1xf32> to vector<1000x128xf32>
    %mul3A_63 = arith.mulf %mul3A_62, %slice3A_61 : vector<1000x128xf32>
    %add3A_64 = arith.addf %mul3A_59, %mul3A_63 : vector<1000x128xf32>
    %slice3A_65 = vector.extract_strided_slice %get3A_1 {offsets = [0, 2], sizes = [1000, 1], strides = [1, 1]} : vector<1000x16xf32> to vector<1000x1xf32>
    %slice3A_66 = vector.extract_strided_slice %dot_general3A_56 {offsets = [0, 256], sizes = [1000, 128], strides = [1, 1]} : vector<1000x2048xf32> to vector<1000x128xf32>
    %mul3A_67 = vector.broadcast %slice3A_65 : vector<1000x1xf32> to vector<1000x128xf32>
    %mul3A_68 = arith.mulf %mul3A_67, %slice3A_66 : vector<1000x128xf32>
    %add3A_69 = arith.addf %add3A_64, %mul3A_68 : vector<1000x128xf32>
    %slice3A_70 = vector.extract_strided_slice %get3A_1 {offsets = [0, 3], sizes = [1000, 1], strides = [1, 1]} : vector<1000x16xf32> to vector<1000x1xf32>
    %slice3A_71 = vector.extract_strided_slice %dot_general3A_56 {offsets = [0, 384], sizes = [1000, 128], strides = [1, 1]} : vector<1000x2048xf32> to vector<1000x128xf32>
    %mul3A_72 = vector.broadcast %slice3A_70 : vector<1000x1xf32> to vector<1000x128xf32>
    %mul3A_73 = arith.mulf %mul3A_72, %slice3A_71 : vector<1000x128xf32>
    %add3A_74 = arith.addf %add3A_69, %mul3A_73 : vector<1000x128xf32>
    %slice3A_75 = vector.extract_strided_slice %get3A_1 {offsets = [0, 4], sizes = [1000, 1], strides = [1, 1]} : vector<1000x16xf32> to vector<1000x1xf32>
    %slice3A_76 = vector.extract_strided_slice %dot_general3A_56 {offsets = [0, 512], sizes = [1000, 128], strides = [1, 1]} : vector<1000x2048xf32> to vector<1000x128xf32>
    %mul3A_77 = vector.broadcast %slice3A_75 : vector<1000x1xf32> to vector<1000x128xf32>
    %mul3A_78 = arith.mulf %mul3A_77, %slice3A_76 : vector<1000x128xf32>
    %add3A_79 = arith.addf %add3A_74, %mul3A_78 : vector<1000x128xf32>
    %slice3A_80 = vector.extract_strided_slice %get3A_1 {offsets = [0, 5], sizes = [1000, 1], strides = [1, 1]} : vector<1000x16xf32> to vector<1000x1xf32>
    %slice3A_81 = vector.extract_strided_slice %dot_general3A_56 {offsets = [0, 640], sizes = [1000, 128], strides = [1, 1]} : vector<1000x2048xf32> to vector<1000x128xf32>
    %mul3A_82 = vector.broadcast %slice3A_80 : vector<1000x1xf32> to vector<1000x128xf32>
    %mul3A_83 = arith.mulf %mul3A_82, %slice3A_81 : vector<1000x128xf32>
    %add3A_84 = arith.addf %add3A_79, %mul3A_83 : vector<1000x128xf32>
    %slice3A_85 = vector.extract_strided_slice %get3A_1 {offsets = [0, 6], sizes = [1000, 1], strides = [1, 1]} : vector<1000x16xf32> to vector<1000x1xf32>
    %slice3A_86 = vector.extract_strided_slice %dot_general3A_56 {offsets = [0, 768], sizes = [1000, 128], strides = [1, 1]} : vector<1000x2048xf32> to vector<1000x128xf32>
    %mul3A_87 = vector.broadcast %slice3A_85 : vector<1000x1xf32> to vector<1000x128xf32>
    %mul3A_88 = arith.mulf %mul3A_87, %slice3A_86 : vector<1000x128xf32>
    %add3A_89 = arith.addf %add3A_84, %mul3A_88 : vector<1000x128xf32>
    %slice3A_90 = vector.extract_strided_slice %get3A_1 {offsets = [0, 7], sizes = [1000, 1], strides = [1, 1]} : vector<1000x16xf32> to vector<1000x1xf32>
    %slice3A_91 = vector.extract_strided_slice %dot_general3A_56 {offsets = [0, 896], sizes = [1000, 128], strides = [1, 1]} : vector<1000x2048xf32> to vector<1000x128xf32>
    %mul3A_92 = vector.broadcast %slice3A_90 : vector<1000x1xf32> to vector<1000x128xf32>
    %mul3A_93 = arith.mulf %mul3A_92, %slice3A_91 : vector<1000x128xf32>
    %add3A_94 = arith.addf %add3A_89, %mul3A_93 : vector<1000x128xf32>
    %slice3A_95 = vector.extract_strided_slice %get3A_1 {offsets = [0, 8], sizes = [1000, 1], strides = [1, 1]} : vector<1000x16xf32> to vector<1000x1xf32>
    %slice3A_96 = vector.extract_strided_slice %dot_general3A_56 {offsets = [0, 1024], sizes = [1000, 128], strides = [1, 1]} : vector<1000x2048xf32> to vector<1000x128xf32>
    %mul3A_97 = vector.broadcast %slice3A_95 : vector<1000x1xf32> to vector<1000x128xf32>
    %mul3A_98 = arith.mulf %mul3A_97, %slice3A_96 : vector<1000x128xf32>
    %add3A_99 = arith.addf %add3A_94, %mul3A_98 : vector<1000x128xf32>
    %slice3A_100 = vector.extract_strided_slice %get3A_1 {offsets = [0, 9], sizes = [1000, 1], strides = [1, 1]} : vector<1000x16xf32> to vector<1000x1xf32>
    %slice3A_101 = vector.extract_strided_slice %dot_general3A_56 {offsets = [0, 1152], sizes = [1000, 128], strides = [1, 1]} : vector<1000x2048xf32> to vector<1000x128xf32>
    %mul3A_102 = vector.broadcast %slice3A_100 : vector<1000x1xf32> to vector<1000x128xf32>
    %mul3A_103 = arith.mulf %mul3A_102, %slice3A_101 : vector<1000x128xf32>
    %add3A_104 = arith.addf %add3A_99, %mul3A_103 : vector<1000x128xf32>
    %slice3A_105 = vector.extract_strided_slice %get3A_1 {offsets = [0, 10], sizes = [1000, 1], strides = [1, 1]} : vector<1000x16xf32> to vector<1000x1xf32>
    %slice3A_106 = vector.extract_strided_slice %dot_general3A_56 {offsets = [0, 1280], sizes = [1000, 128], strides = [1, 1]} : vector<1000x2048xf32> to vector<1000x128xf32>
    %mul3A_107 = vector.broadcast %slice3A_105 : vector<1000x1xf32> to vector<1000x128xf32>
    %mul3A_108 = arith.mulf %mul3A_107, %slice3A_106 : vector<1000x128xf32>
    %add3A_109 = arith.addf %add3A_104, %mul3A_108 : vector<1000x128xf32>
    %slice3A_110 = vector.extract_strided_slice %get3A_1 {offsets = [0, 11], sizes = [1000, 1], strides = [1, 1]} : vector<1000x16xf32> to vector<1000x1xf32>
    %slice3A_111 = vector.extract_strided_slice %dot_general3A_56 {offsets = [0, 1408], sizes = [1000, 128], strides = [1, 1]} : vector<1000x2048xf32> to vector<1000x128xf32>
    %mul3A_112 = vector.broadcast %slice3A_110 : vector<1000x1xf32> to vector<1000x128xf32>
    %mul3A_113 = arith.mulf %mul3A_112, %slice3A_111 : vector<1000x128xf32>
    %add3A_114 = arith.addf %add3A_109, %mul3A_113 : vector<1000x128xf32>
    %slice3A_115 = vector.extract_strided_slice %get3A_1 {offsets = [0, 12], sizes = [1000, 1], strides = [1, 1]} : vector<1000x16xf32> to vector<1000x1xf32>
    %slice3A_116 = vector.extract_strided_slice %dot_general3A_56 {offsets = [0, 1536], sizes = [1000, 128], strides = [1, 1]} : vector<1000x2048xf32> to vector<1000x128xf32>
    %mul3A_117 = vector.broadcast %slice3A_115 : vector<1000x1xf32> to vector<1000x128xf32>
    %mul3A_118 = arith.mulf %mul3A_117, %slice3A_116 : vector<1000x128xf32>
    %add3A_119 = arith.addf %add3A_114, %mul3A_118 : vector<1000x128xf32>
    %slice3A_120 = vector.extract_strided_slice %get3A_1 {offsets = [0, 13], sizes = [1000, 1], strides = [1, 1]} : vector<1000x16xf32> to vector<1000x1xf32>
    %slice3A_121 = vector.extract_strided_slice %dot_general3A_56 {offsets = [0, 1664], sizes = [1000, 128], strides = [1, 1]} : vector<1000x2048xf32> to vector<1000x128xf32>
    %mul3A_122 = vector.broadcast %slice3A_120 : vector<1000x1xf32> to vector<1000x128xf32>
    %mul3A_123 = arith.mulf %mul3A_122, %slice3A_121 : vector<1000x128xf32>
    %add3A_124 = arith.addf %add3A_119, %mul3A_123 : vector<1000x128xf32>
    %slice3A_125 = vector.extract_strided_slice %get3A_1 {offsets = [0, 14], sizes = [1000, 1], strides = [1, 1]} : vector<1000x16xf32> to vector<1000x1xf32>
    %slice3A_126 = vector.extract_strided_slice %dot_general3A_56 {offsets = [0, 1792], sizes = [1000, 128], strides = [1, 1]} : vector<1000x2048xf32> to vector<1000x128xf32>
    %mul3A_127 = vector.broadcast %slice3A_125 : vector<1000x1xf32> to vector<1000x128xf32>
    %mul3A_128 = arith.mulf %mul3A_127, %slice3A_126 : vector<1000x128xf32>
    %add3A_129 = arith.addf %add3A_124, %mul3A_128 : vector<1000x128xf32>
    %slice3A_130 = vector.extract_strided_slice %get3A_1 {offsets = [0, 15], sizes = [1000, 1], strides = [1, 1]} : vector<1000x16xf32> to vector<1000x1xf32>
    %slice3A_131 = vector.extract_strided_slice %dot_general3A_56 {offsets = [0, 1920], sizes = [1000, 128], strides = [1, 1]} : vector<1000x2048xf32> to vector<1000x128xf32>
    %mul3A_132 = vector.broadcast %slice3A_130 : vector<1000x1xf32> to vector<1000x128xf32>
    %mul3A_133 = arith.mulf %mul3A_132, %slice3A_131 : vector<1000x128xf32>
    %add3A_134 = arith.addf %add3A_129, %mul3A_133 : vector<1000x128xf32>
    %mul3A_135 = arith.constant 0.0220970865 : f32
    %mul3A_136 = vector.broadcast %mul3A_135 : f32 to vector<1000x128xf32>
    %mul3A_137 = arith.mulf %add3A_134, %mul3A_136 : vector<1000x128xf32>
    %add3A_138 = arith.addf %mul3A_47, %mul3A_137 : vector<1000x128xf32>
    %swap3A = arith.constant 0 : index
    %swap3A_139 = arith.constant 0 : index
    %swap3A_140 = vector.load %arg8[%swap3A, %swap3A_139] : memref<1000x128xf32, #tpu.memory_space<vmem>>, vector<1000x128xf32>
    tpu.vector_store %arg8[%swap3A, %swap3A_139], %add3A_138 {strides = array<i32>} : memref<1000x128xf32, #tpu.memory_space<vmem>>, vector<1000x128xf32>,
    return
  }
  func.func @transform_0(%arg0: i32) -> (i32, i32, i32) {
    %c0_i32 = arith.constant 0 : i32
    %c0_i32_0 = arith.constant 0 : i32
    %c0_i32_1 = arith.constant 0 : i32
    return %c0_i32, %arg0, %c0_i32_0 : i32, i32, i32
  }
  func.func @transform_1(%arg0: i32) -> (i32, i32, i32) {
    %c0_i32 = arith.constant 0 : i32
    %c0_i32_0 = arith.constant 0 : i32
    %c0_i32_1 = arith.constant 0 : i32
    return %c0_i32, %arg0, %c0_i32_0 : i32, i32, i32
  }
  func.func @transform_2(%arg0: i32) -> (i32, i32) {
    %c0_i32 = arith.constant 0 : i32
    %c0_i32_0 = arith.constant 0 : i32
    return %arg0, %c0_i32 : i32, i32
  }
  func.func @transform_3(%arg0: i32) -> (i32, i32) {
    %c0_i32 = arith.constant 0 : i32
    %c0_i32_0 = arith.constant 0 : i32
    return %arg0, %c0_i32 : i32, i32
  }
  func.func @transform_4(%arg0: i32) -> (i32, i32) {
    %c0_i32 = arith.constant 0 : i32
    %c0_i32_0 = arith.constant 0 : i32
    %c0_i32_1 = arith.constant 0 : i32
    return %c0_i32, %c0_i32_0 : i32, i32
  }
  func.func @transform_5(%arg0: i32) -> (i32, i32) {
    %c0_i32 = arith.constant 0 : i32
    %c0_i32_0 = arith.constant 0 : i32
    %c0_i32_1 = arith.constant 0 : i32
    return %c0_i32, %c0_i32_0 : i32, i32
  }
  func.func @transform_6(%arg0: i32) -> (i32, i32) {
    %c0_i32 = arith.constant 0 : i32
    %c0_i32_0 = arith.constant 0 : i32
    %c0_i32_1 = arith.constant 0 : i32
    return %c0_i32, %c0_i32_0 : i32, i32
  }
  func.func @transform_7(%arg0: i32) -> (i32, i32) {
    %c0_i32 = arith.constant 0 : i32
    %c0_i32_0 = arith.constant 0 : i32
    return %arg0, %c0_i32 : i32, i32
  }
}

</mosaic_0001>

<sc_bundles>
// kernel: kernel.10.cloned.1.call-start
scs
__scs_entry_jumppad:
0x0: {  	(pc) =	sbr.rel $0x88, $3  }
0x1: {  	(tag) =	ssettag $0x0;
	lr =	simm.s32 $0x1  }
0x2: {  	[smem:$0x3F95] =	sst lr;
	_ =	strace $0xD0000000  }
0x3: {  	_ = 	snop  }
0x4: {  	_ = 	snop  }
0x5: {  	_ = 	snop  }
0x6: {  	_ = 	snop  }
0x7: {  	_ = 	snop  }
__scs_overlays_trampoline_lowered:
0x8: {  	[smem:$0x3FA4] =	sst s0  }
0x9: {  	[smem:$0x3FA5] =	sst s1  }
0xa: {  	[smem:$0x3FA6] =	sst s2  }
0xb: {  	[smem:$0x3FA7] =	sst s3  }
0xc: {  	[smem:$0x3FA8] =	sst s4  }
0xd: {  	[smem:$0x3FA9] =	sst s5  }
0xe: {  	[smem:$0x3FAA] =	sst s6  }
0xf: {  	[smem:$0x3FAB] =	sst s7  }
0x10: {  	[smem:$0x3FAC] =	sst s8  }
0x11: {  	[smem:$0x3FAD] =	sst s9;
	s0 =	simm.s32 @!p0 $0x0  }
0x12: {  	s1 =	sld [smem:$0x3F93];
	s0 =	simm.s32 @p0 $0x1  }
0x13: {  	[smem:$0x3FAE] =	sst s0;
	s0 =	simm.s32 @!p1 $0x0  }
0x14: {  	s2 =	sld [smem:$0x3F92];
	s0 =	simm.s32 @p1 $0x1  }
0x15: {  	[smem:$0x3FAF] =	sst s0;
	s0 =	simm.s32 @!p2 $0x0  }
0x16: {  	s3 =	sld [smem:$0x3FDB];
	s0 =	simm.s32 @p2 $0x1  }
0x17: {  	s4 =	simm.s32 $0x1BF5;
	[smem:$0x3FB1] =	sst s0  }
0x18: {  	s0 =	sld [smem:$0x3F94];
	_ =	swait.ge [sflag:s4], $0x0  }
0x19: {  	s7 =	sld [smem:$0x3F95]  }
0x1a: {  	s8 =	sadd.s32 $0xFFFFE003, lr  }
0x1b: {  	s9 =	sadd.s32 $0xFFFFFEF7, lr;
	s5 =	simm.s32 $0xFFFFFFFF;
	p2 =	slt.u32 s8, $0xFFFFF086  }
0x1c: {  	p1 =	slt.u32 s9, $0xF7A;
	s5 =	simm.s32 @!p2 $0x0  }
0x1d: {  	s5 =	simm.s32 @p1 $0x1;
	p0 =	seq.s32 s7, s2  }
0x1e: {  	s7 =	smul.u32 @!p0 $0xF7A, s2;
	p2 =	seq.s32 @!p0 s5, $0x0  }
0x1f: {  	s9 =	smul.u32 $0xF7A, s1;
	s8 =	simm.s32 @!p0 $0x1BF5;
	p2 =	por !p2, p0  }
0x20: {  	[sflag:s8] =	ssyncset.s32 @!p0 $0xFFFFF086;
	s6 =	sadd.s32 @!p0 s3, s7;
	s7 =	simm.s32 @!p0 $0x108  }
0x21: {  	s3 =	sadd.s32 s3, s9;
	s6 =	sadd.s32 @!p0 $0x88, s6;
	s7 =	simm.s32 @p2 $0x1082  }
0x22: {  	[simem:s7], [sflag:s8] =	dma.local @!p0 [hbm:s6], $0xF7A  }
0x23: {  	s9 =	sor.u32 $0xD0000000, s2;
	s6 =	simm.s32 $0x108;
	_ =	swait.ge @!p0 [sflag:s8], $0x0  }
0x24: {  	s3 =	sadd.s32 $0x88, s3;
	s6 =	simm.s32 @!p1 $0x1082;
	[sflag:s4] =	ssyncset.s32 $0xFFFFF086  }
0x25: {  	[simem:s6], [sflag:s4] =	dma.local [hbm:s3], $0xF7A  }
0x26: {  	[smem:$0x3F95] =	sst s1;
	(tag) =	ssettag s2;
	_ =	strace s9  }
0x27: {  	s1 =	sld [smem:$0x3FA5]  }
0x28: {  	s2 =	sld [smem:$0x3FA6]  }
0x29: {  	s4 =	sld [smem:$0x3FA8]  }
0x2a: {  	p0 =	seq.s32 s5, $0x0;
	s5 =	sld [smem:$0x3FA9]  }
0x2b: {  	s6 =	sld [smem:$0x3FAA]  }
0x2c: {  	s7 =	sld [smem:$0x3FAB]  }
0x2d: {  	s3 =	simm.s32 $0x108;
	s8 =	sld [smem:$0x3FAC]  }
0x2e: {  	s3 =	simm.s32 @!p0 $0x1082;
	s9 =	sld [smem:$0x3FAD]  }
0x2f: {  	lr =	sadd.s32 s0, s3;
	s0 =	sld [smem:$0x3FA4]  }
0x30: {  	s3 =	sld [smem:$0x3FA7]  }
0x31: {  	[smem:$0x3FB0] =	sst s10  }
0x32: {  	s10 =	sld [smem:$0x3FAE];
	_ =	sdelay $0x3  }
0x33: {  	p0 =	seq.s32 s10, $0x1;
	s10 =	sld [smem:$0x3FB0];
	_ =	sdelay $0x3  }
0x34: {  	[smem:$0x3FB0] =	sst s10  }
0x35: {  	s10 =	sld [smem:$0x3FAF];
	_ =	sdelay $0x3  }
0x36: {  	p1 =	seq.s32 s10, $0x1;
	s10 =	sld [smem:$0x3FB0];
	_ =	sdelay $0x3  }
0x37: {  	[smem:$0x3FB0] =	sst s10  }
0x38: {  	s10 =	sld [smem:$0x3FB1]  }
0x39: {  	_ = 	snop;
	(pc) =	sbr.ind lr, $3  }
0x3a: {  	_ = 	snop  }
0x3b: {  	_ = 	snop  }
0x3c: {  	p2 =	seq.s32 s10, $0x1;
	s10 =	sld [smem:$0x3FB0]  }
0x3d: {  	_ =	shalt  }
0x3e: {  	_ =	shalt  }
0x3f: {  	_ =	shalt  }
0x40: {  	_ =	shalt  }
0x41: {  	_ =	shalt  }
0x42: {  	_ =	shalt  }
0x43: {  	_ =	shalt  }
0x44: {  	_ =	shalt  }
0x45: {  	_ =	shalt  }
0x46: {  	_ =	shalt  }
0x47: {  	_ =	shalt  }
0x48: {  	_ =	shalt  }
0x49: {  	_ =	shalt  }
0x4a: {  	_ =	shalt  }
0x4b: {  	_ =	shalt  }
0x4c: {  	_ =	shalt  }
0x4d: {  	_ =	shalt  }
0x4e: {  	_ =	shalt  }
0x4f: {  	_ =	shalt  }
0x50: {  	_ =	shalt  }
0x51: {  	_ =	shalt  }
0x52: {  	_ =	shalt  }
0x53: {  	_ =	shalt  }
0x54: {  	_ =	shalt  }
0x55: {  	_ =	shalt  }
0x56: {  	_ =	shalt  }
0x57: {  	_ =	shalt  }
0x58: {  	_ =	shalt  }
0x59: {  	_ =	shalt  }
0x5a: {  	_ =	shalt  }
0x5b: {  	_ =	shalt  }
0x5c: {  	_ =	shalt  }
0x5d: {  	_ =	shalt  }
0x5e: {  	_ =	shalt  }
0x5f: {  	_ =	shalt  }
0x60: {  	_ =	shalt  }
0x61: {  	_ =	shalt  }
0x62: {  	_ =	shalt  }
0x63: {  	_ =	shalt  }
0x64: {  	_ =	shalt  }
0x65: {  	_ =	shalt  }
0x66: {  	_ =	shalt  }
0x67: {  	_ =	shalt  }
0x68: {  	_ =	shalt  }
0x69: {  	_ =	shalt  }
0x6a: {  	_ =	shalt  }
0x6b: {  	_ =	shalt  }
0x6c: {  	_ =	shalt  }
0x6d: {  	_ =	shalt  }
0x6e: {  	_ =	shalt  }
0x6f: {  	_ =	shalt  }
0x70: {  	_ =	shalt  }
0x71: {  	_ =	shalt  }
0x72: {  	_ =	shalt  }
0x73: {  	_ =	shalt  }
0x74: {  	_ =	shalt  }
0x75: {  	_ =	shalt  }
0x76: {  	_ =	shalt  }
0x77: {  	_ =	shalt  }
0x78: {  	_ =	shalt  }
0x79: {  	_ =	shalt  }
0x7a: {  	_ =	shalt  }
0x7b: {  	_ =	shalt  }
0x7c: {  	_ =	shalt  }
0x7d: {  	_ =	shalt  }
0x7e: {  	_ =	shalt  }
0x7f: {  	_ =	shalt  }
0x80: {  	_ =	shalt  }
0x81: {  	_ =	shalt  }
0x82: {  	_ =	shalt  }
0x83: {  	_ =	shalt  }
0x84: {  	_ =	shalt  }
0x85: {  	_ =	shalt  }
0x86: {  	_ =	shalt  }
0x87: {  	_ =	shalt  }
.Lfunc_end0:
.L_simem_size_0:
called_computation_lowered:
.L_overlay_start_0:
0x88: {  	s2 =	sld [smem:$0x3FD9]  }
0x89: {  	s3 =	sld [smem:$0x3FFE];
	_ =	sdelay $0x1  }
0x8a: {  	s1 =	srdreg.scid  }
0x8b: {  	s0 =	sand.u32 $0x1, s1  }
0x8c: {  	s17 =	sshll.u32 s0, $0xA;
	s2 =	sadd.s32 s3, s2  }
0x8d: {  	s2 =	sadd.s32 s2, s17  }
0x8e: {  	[smem:$0x3FBC] =	sst s2  }
0x8f: {  	_ = 	snop  }
0x90: {  	s18 =	sld [smem:$0x3FD0];
	(tm) =	ssettm $0x1  }
0x91: {  	s19 =	sld [smem:$0x3FFB];
	_ =	sdelay $0x3  }
0x92: {  	_ =	strace s19  }
0x93: {  	s2 =	sld [smem:$0x3FFC];
	_ =	sdelay $0x3  }
0x94: {  	_ =	strace s2  }
0x95: {  	s2 =	sld [smem:$0x3FFD];
	_ =	sdelay $0x3  }
0x96: {  	_ =	strace s2  }
0x97: {  	_ =	strace $0x8FFFFFFF  }
0x98: {  	s20 =	sld [smem:$0x3FDB];
	_ =	sdelay $0x1  }
0x99: {  	s4 =	simm.s32 $_scs_section_size  }
0x9a: {  	s5 =	simm.s32 $_size__tile_overlayer_lowered;
	s6 =	simm.s32 $_tile_overlayer_lowered  }
0x9b: {  	s7 =	simm.s32 $0x1BFF;
	s21 =	sshll.u32 s6, $0x1;
	s4 =	sadd.s32 s4, s20  }
0x9c: {  	s22 =	simm.s32 $0x0;
	s5 =	sshll.u32 s5, $0x1;
	s6 =	sadd.s32 s21, s4  }
0x9d: {  	[timem:s22], [sflag:s7] =	dma.local [hbm:s6], s5  }
0x9e: {  	_ =	swait.ge [sflag:s7], s5  }
0x9f: {  	s5 =	ssub.s32 $0x0, s5;
	[sflag:s7] =	ssyncset.done $0x0  }
0xa0: {  	[sflag:s7] =	ssyncadd.s32 s5;
	_ =	sdelay $0x1  }
0xa1: {  	s23 =	simm.s32 $0x1B8B  }
0xa2: {  	_ =	swait.ge [sflag:s23], $0x1  }
0xa3: {  	[sflag:s23] =	ssyncset.done $0x0  }
0xa4: {  	[sflag:s23] =	ssyncadd.s32 $0xFFFFFFFF  }
0xa5: {  	s5 =	sld [smem:$0x0]  }
0xa6: {  	s6 =	sand.u32 $0xFFFFFFFE, s1  }
0xa7: {  	p0 =	sne.s32 s1, s6  }
0xa8: {  	s6 =	sshll.u32 @p0 s6, $0xE  }
0xa9: {  	s6 =	sadd.s32 @p0 $0x11B8D, s6;
	s7 =	sshll.u32 @p0 s5, $0x11  }
0xaa: {  	s6 =	sor.u32 @p0 s7, s6  }
0xab: {  	[sflag:s6] =	ssyncadd.remote.s32 @p0 $0x1;
	_ =	sdelay $0x1  }
0xac: {  	s6 =	simm.s32 @p0 $0x1B8D  }
0xad: {  	_ =	swait.eq @p0 [sflag:s6], $0x1  }
0xae: {  	[sflag:s6] =	ssyncadd.s32 @p0 $0xFFFFFFFF  }
0xaf: {  	s7 =	sshll.u32 @!p0 s1, $0xE  }
0xb0: {  	s7 =	sor.u32 @!p0 $0x4000, s7;
	s6 =	simm.s32 @!p0 $0x1B8D  }
0xb1: {  	s5 =	sshll.u32 @!p0 s5, $0x11;
	s7 =	sadd.s32 @!p0 $0x11B8D, s7;
	_ =	swait.eq @!p0 [sflag:s6], $0x1  }
0xb2: {  	s5 =	sor.u32 @!p0 s5, s7;
	[sflag:s6] =	ssyncadd.s32 @!p0 $0xFFFFFFFF  }
0xb3: {  	s25 =	simm.s32 $0x1B8E;
	s24 =	sld [smem:$0x3FFE];
	[sflag:s5] =	ssyncadd.remote.s32 @!p0 $0x1  }
0xb4: {  	s26 =	simm.s32 $execute0_lowered;
	[smem:$0x3FD2] =	sst s25  }
0xb5: {  	s6 =	sshll.u32 s26, $0x1;
	_ =	strace $0x80000049;
	[dreg:$0x1] =	wrdreg $0xFFFFFFFF  }
0xb6: {  	s28 =	simm.s32 $_size_execute0_lowered;
	s4 =	sadd.s32 s4, s6;
	[dreg:$0x0] =	wrdreg $0x0  }
0xb7: {  	s6 =	sshll.u32 s28, $0x1;
	[dreg:$0x2] =	wrdreg s4  }
0xb8: {  	[dreg:$0x3] =	wrdreg s6  }
0xb9: {  	[dreg:$0x4] =	wrdreg $0xC0  }
0xba: {  	_ =	task [dreg:s22], $0x5FFFF  }
0xbb: {  	[dreg:$0x1] =	wrdreg $0xFFFFFFFF  }
0xbc: {  	[dreg:$0x0] =	wrdreg $0x60  }
0xbd: {  	[dreg:$0x2] =	wrdreg s18  }
0xbe: {  	[dreg:$0x3] =	wrdreg s24  }
0xbf: {  	[dreg:$0x4] =	wrdreg $0x9  }
0xc0: {  	_ =	task.clear_ibuf [dreg:s22], $0x5FFFF;
	_ =	strace $0x90000049  }
0xc1: {  	s29 =	simm.s32 $0x9;
	_ =	strace $0x8000004B  }
0xc2: {  	_ =	swait.ge [sflag:s29], $0x1  }
0xc3: {  	[sflag:s29] =	ssyncadd.s32 $0xFFFFFFFF  }
0xc4: {  	_ =	strace $0x9000004B  }
0xc5: {  	_ =	sfence  }
0xc6: {  	s30 =	sld [smem:$0x0];
	_ =	sdelay $0x2  }
0xc7: {  	s31 =	sshll.u32 s1, $0xD;
	s1 =	sshrl.u32 s1, $0x2  }
0xc8: {  	s4 =	sand.u32 $0x4000, s31;
	s1 =	sadd.s32 s1, s30  }
0xc9: {  	s0 =	sor.u32 s4, s0;
	s1 =	sshll.u32 s1, $0x11  }
0xca: {  	s0 =	sor.u32 s1, s0  }
0xcb: {  	s0 =	sadd.s32 $0x8F2B, s0  }
0xcc: {  	[sflag:s0] =	ssyncadd.remote.s32 $0x1  }
0xcd: {  	_ =	sfence.sel $0xFFFF  }
0xce: {  	[dreg:$0x0] =	wrdreg $0xFFFFFFFF;
	(pc) =	sbr.abs _section_cstart, $3  }
0xcf: {  	[dreg:$0x1] =	wrdreg $0xFFFFFFFF  }
0xd0: {  	_ =	task.clear_ibuf [dreg:s22], $0x2FFFF;
	_ =	strace $0x9FFFFFFF  }
0xd1: {  	(tm) =	ssettm $0x7FFFFFFF  }
tec
execute0_lowered:
.L_overlay_start_1:
0x0: {  	(tag) =	ssettag $0x1  }
0x1: {  	s1 =	rddreg [dreg:$0x0]  }
0x2: {  	s0 =	rddreg [dreg:$0x1]  }
0x3: {  	s3 =	simm.s32 $0x0;
	s4 =	srdreg.scid;
	s2 =	stileid.u32  }
0x4: {  	s13 =	simm.s32 $0x28;
	s14 =	simm.s32 $0x4000;
	s15 =	simm.s32 $0x80  }
0x5: {  	s16 =	simm.s32 $0x5400;
	s17 =	simm.s32 $0x100;
	s18 =	simm.s32 $0x6800  }
0x6: {  	s19 =	simm.s32 $0x180;
	s20 =	simm.s32 $0x7C00;
	s21 =	simm.s32 $0x200  }
0x7: {  	s22 =	simm.s32 $0x9000;
	s23 =	simm.s32 $0x1;
	s24 =	simm.s32 $0x2  }
0x8: {  	s25 =	simm.s32 $0x3;
	s26 =	simm.s32 $0x4;
	s28 =	simm.s32 $0x5  }
0x9: {  	s29 =	simm.s32 $0x0;
	[smem:$0x7FF] =	sst s3;
	s7 =	sand.u32 $0x1, s4  }
0xa: {  	s30 =	sshll.u32 s2, $0x1;
	s11 =	smul.u32 $0x27100, s2;
	_ =	strace $0x8000004A  }
0xb: {  	s4 =	sor.u32 s7, s30;
	s5 =	ssub.s32 $0x2, s7;
	s12 =	smul.u32 $0x13880, s7  }
0xc: {  	s6 =	sshll.u32 s4, $0xB;
	s8 =	sshrl.u32 s5, $0x1;
	s9 =	smul.u32 $0x13880, s4  }
0xd: {  	s31 =	sadd.s32 s6, s0;
	s0 =	sadd.s32 $0x2A3C00, s0;
	s10 =	ssub.s32 s5, s8  }
0xe: {  	s4 =	sadd.s32 $0x293C00, s31;
	s9 =	sadd.s32 s0, s9;
	s0 =	sadd.s32 s11, s0  }
0xf: {  	s10 =	smax.u32 s10, $0x1;
	s5 =	sadd.s32 $0x12C00, s9;
	s6 =	sadd.s32 $0x12E80, s9  }
0x10: {  	s7 =	sadd.s32 $0x13100, s9;
	s8 =	sadd.s32 $0x13380, s9;
	s0 =	sadd.s32 s12, s0  }
0x11: {  	s9 =	sadd.s32 $0x13600, s9;
	s12 =	simm.s32 $0x6;
	s11 =	sadd.s32 $0xA00, s0  }
.LBB2_1:
0x12: {  	[tilespmem:s3], [sflag:$0x6] =	stream.linear.gather [hbm4b:s4+s3], $0x3E80, $0x38;
	[tilespmem:$0xA400] =	vst v63  }
0x13: {  	_ =	swait.ge [sflag:s12], $0x3E80  }
0x14: {  	[sflag:s12] =	ssyncset.done $0x0  }
0x15: {  	[sflag:s12] =	ssyncadd.s32 $0xFFFFC180  }
0x16: {  	[tilespmem:s14], [sflag:$0x1] =	stream.indirect.gather [hbm4b:s1+s13], $0x80, s3, s13, $0xb8;
	[tilespmem:$0xA400] =	vst v63  }
0x17: {  	_ = 	snop  }
0x18: {  	[tilespmem:s16], [sflag:$0x2] =	stream.indirect.gather [hbm4b:s1+s13], $0x80, s15, s13, $0xb8;
	[tilespmem:$0xA400] =	vst v63  }
0x19: {  	_ = 	snop  }
0x1a: {  	[tilespmem:s18], [sflag:$0x3] =	stream.indirect.gather [hbm4b:s1+s13], $0x80, s17, s13, $0xb8;
	[tilespmem:$0xA400] =	vst v63  }
0x1b: {  	_ = 	snop  }
0x1c: {  	[tilespmem:s20], [sflag:$0x4] =	stream.indirect.gather [hbm4b:s1+s13], $0x80, s19, s13, $0xb8;
	[tilespmem:$0xA400] =	vst v63  }
0x1d: {  	_ = 	snop  }
0x1e: {  	[tilespmem:s22], [sflag:$0x5] =	stream.indirect.gather [hbm4b:s1+s13], $0x80, s21, s13, $0xb8;
	[tilespmem:$0xA400] =	vst v63  }
0x1f: {  	_ =	swait.ge [sflag:s23], $0x1400  }
0x20: {  	[sflag:s23] =	ssyncset.done $0x0  }
0x21: {  	s0 =	sadd.s32 $0xFFFFF600, s11;
	[sflag:s23] =	ssyncadd.s32 $0xFFFFEC00  }
0x22: {  	[hbm4b:s0+s3] =	stream.linear.scatter [tilespmem:s14], [sflag:$0x6], $0x1400, $0x38;
	[tilespmem:$0xA400] =	vst v63  }
0x23: {  	_ =	swait.ge [sflag:s12], $0x1400  }
0x24: {  	[sflag:s12] =	ssyncset.done $0x0  }
0x25: {  	s2 =	simm.s32 $0x280;
	[sflag:s12] =	ssyncadd.s32 $0xFFFFEC00  }
0x26: {  	[tilespmem:s14], [sflag:$0x1] =	stream.indirect.gather [hbm4b:s1+s13], $0x80, s2, s13, $0xb8;
	[tilespmem:$0xA400] =	vst v63  }
0x27: {  	_ =	swait.ge [sflag:s24], $0x1400  }
0x28: {  	[sflag:s24] =	ssyncset.done $0x0  }
0x29: {  	s2 =	sadd.s32 $0xFFFFF880, s11;
	[sflag:s24] =	ssyncadd.s32 $0xFFFFEC00  }
0x2a: {  	[hbm4b:s2+s3] =	stream.linear.scatter [tilespmem:s16], [sflag:$0x6], $0x1400, $0x38;
	[tilespmem:$0xA400] =	vst v63  }
0x2b: {  	_ =	swait.ge [sflag:s12], $0x1400  }
0x2c: {  	[sflag:s12] =	ssyncset.done $0x0  }
0x2d: {  	s2 =	simm.s32 $0x300;
	[sflag:s12] =	ssyncadd.s32 $0xFFFFEC00  }
0x2e: {  	[tilespmem:s16], [sflag:$0x2] =	stream.indirect.gather [hbm4b:s1+s13], $0x80, s2, s13, $0xb8;
	[tilespmem:$0xA400] =	vst v63  }
0x2f: {  	_ =	swait.ge [sflag:s25], $0x1400  }
0x30: {  	[sflag:s25] =	ssyncset.done $0x0  }
0x31: {  	s2 =	sadd.s32 $0xFFFFFB00, s11;
	[sflag:s25] =	ssyncadd.s32 $0xFFFFEC00  }
0x32: {  	[hbm4b:s2+s3] =	stream.linear.scatter [tilespmem:s18], [sflag:$0x6], $0x1400, $0x38;
	[tilespmem:$0xA400] =	vst v63  }
0x33: {  	_ =	swait.ge [sflag:s12], $0x1400  }
0x34: {  	[sflag:s12] =	ssyncset.done $0x0  }
0x35: {  	s2 =	simm.s32 $0x380;
	[sflag:s12] =	ssyncadd.s32 $0xFFFFEC00  }
0x36: {  	[tilespmem:s18], [sflag:$0x3] =	stream.indirect.gather [hbm4b:s1+s13], $0x80, s2, s13, $0xb8;
	[tilespmem:$0xA400] =	vst v63  }
0x37: {  	_ =	swait.ge [sflag:s26], $0x1400  }
0x38: {  	[sflag:s26] =	ssyncset.done $0x0  }
0x39: {  	s2 =	sadd.s32 $0xFFFFFD80, s11;
	[sflag:s26] =	ssyncadd.s32 $0xFFFFEC00  }
0x3a: {  	[hbm4b:s2+s3] =	stream.linear.scatter [tilespmem:s20], [sflag:$0x6], $0x1400, $0x38;
	[tilespmem:$0xA400] =	vst v63  }
0x3b: {  	_ =	swait.ge [sflag:s12], $0x1400  }
0x3c: {  	[sflag:s12] =	ssyncset.done $0x0  }
0x3d: {  	s2 =	simm.s32 $0x400;
	[sflag:s12] =	ssyncadd.s32 $0xFFFFEC00  }
0x3e: {  	[tilespmem:s20], [sflag:$0x4] =	stream.indirect.gather [hbm4b:s1+s13], $0x80, s2, s13, $0xb8;
	[tilespmem:$0xA400] =	vst v63  }
0x3f: {  	_ =	swait.ge [sflag:s28], $0x1400  }
0x40: {  	[sflag:s28] =	ssyncset.done $0x0  }
0x41: {  	[sflag:s28] =	ssyncadd.s32 $0xFFFFEC00  }
0x42: {  	[hbm4b:s11+s3] =	stream.linear.scatter [tilespmem:s22], [sflag:$0x6], $0x1400, $0x38;
	[tilespmem:$0xA400] =	vst v63  }
0x43: {  	_ =	swait.ge [sflag:s12], $0x1400  }
0x44: {  	s30 =	simm.s32 $0xA00;
	[sflag:s12] =	ssyncset.done $0x0  }
0x45: {  	s31 =	sadd.s32 $0xC80, s11;
	s0 =	simm.s32 $0x480;
	[sflag:s12] =	ssyncadd.s32 $0xFFFFEC00  }
.LBB2_2:
0x46: {  	[tilespmem:s22], [sflag:$0x5] =	stream.indirect.gather [hbm4b:s1+s13], $0x80, s0, s13, $0xb8;
	[tilespmem:$0xA400] =	vst v63  }
0x47: {  	s0 =	smov.u32 s30  }
0x48: {  	p0 =	sne.s32 s30, $0xE600;
	s30 =	sadd.s32 $0xA00, s30;
	_ =	swait.ge [sflag:s23], $0x1400  }
0x49: {  	[sflag:s23] =	ssyncset.done $0x0  }
0x4a: {  	s2 =	sadd.s32 $0xFFFFF600, s31;
	[sflag:s23] =	ssyncadd.s32 $0xFFFFEC00  }
0x4b: {  	[hbm4b:s2+s3] =	stream.linear.scatter [tilespmem:s14], [sflag:$0x6], $0x1400, $0x38;
	[tilespmem:$0xA400] =	vst v63  }
0x4c: {  	_ =	swait.ge [sflag:s12], $0x1400  }
0x4d: {  	s0 =	sshra.s32 s0, $0x2;
	[sflag:s12] =	ssyncset.done $0x0  }
0x4e: {  	s2 =	sadd.s32 $0x280, s0;
	[sflag:s12] =	ssyncadd.s32 $0xFFFFEC00  }
0x4f: {  	[tilespmem:s14], [sflag:$0x1] =	stream.indirect.gather [hbm4b:s1+s13], $0x80, s2, s13, $0xb8;
	[tilespmem:$0xA400] =	vst v63  }
0x50: {  	_ =	swait.ge [sflag:s24], $0x1400  }
0x51: {  	[sflag:s24] =	ssyncset.done $0x0  }
0x52: {  	s2 =	sadd.s32 $0xFFFFF880, s31;
	[sflag:s24] =	ssyncadd.s32 $0xFFFFEC00  }
0x53: {  	[hbm4b:s2+s3] =	stream.linear.scatter [tilespmem:s16], [sflag:$0x6], $0x1400, $0x38;
	[tilespmem:$0xA400] =	vst v63  }
0x54: {  	_ =	swait.ge [sflag:s12], $0x1400  }
0x55: {  	[sflag:s12] =	ssyncset.done $0x0  }
0x56: {  	s2 =	sadd.s32 $0x300, s0;
	[sflag:s12] =	ssyncadd.s32 $0xFFFFEC00  }
0x57: {  	[tilespmem:s16], [sflag:$0x2] =	stream.indirect.gather [hbm4b:s1+s13], $0x80, s2, s13, $0xb8;
	[tilespmem:$0xA400] =	vst v63  }
0x58: {  	_ =	swait.ge [sflag:s25], $0x1400  }
0x59: {  	[sflag:s25] =	ssyncset.done $0x0  }
0x5a: {  	s2 =	sadd.s32 $0xFFFFFB00, s31;
	[sflag:s25] =	ssyncadd.s32 $0xFFFFEC00  }
0x5b: {  	[hbm4b:s2+s3] =	stream.linear.scatter [tilespmem:s18], [sflag:$0x6], $0x1400, $0x38;
	[tilespmem:$0xA400] =	vst v63  }
0x5c: {  	_ =	swait.ge [sflag:s12], $0x1400  }
0x5d: {  	[sflag:s12] =	ssyncset.done $0x0  }
0x5e: {  	s2 =	sadd.s32 $0x380, s0;
	[sflag:s12] =	ssyncadd.s32 $0xFFFFEC00  }
0x5f: {  	[tilespmem:s18], [sflag:$0x3] =	stream.indirect.gather [hbm4b:s1+s13], $0x80, s2, s13, $0xb8;
	[tilespmem:$0xA400] =	vst v63  }
0x60: {  	_ =	swait.ge [sflag:s26], $0x1400  }
0x61: {  	[sflag:s26] =	ssyncset.done $0x0  }
0x62: {  	s2 =	sadd.s32 $0xFFFFFD80, s31;
	[sflag:s26] =	ssyncadd.s32 $0xFFFFEC00  }
0x63: {  	[hbm4b:s2+s3] =	stream.linear.scatter [tilespmem:s20], [sflag:$0x6], $0x1400, $0x38;
	[tilespmem:$0xA400] =	vst v63  }
0x64: {  	_ =	swait.ge [sflag:s12], $0x1400  }
0x65: {  	[sflag:s12] =	ssyncset.done $0x0  }
0x66: {  	s2 =	sadd.s32 $0x400, s0;
	[sflag:s12] =	ssyncadd.s32 $0xFFFFEC00  }
0x67: {  	[tilespmem:s20], [sflag:$0x4] =	stream.indirect.gather [hbm4b:s1+s13], $0x80, s2, s13, $0xb8;
	[tilespmem:$0xA400] =	vst v63  }
0x68: {  	_ =	swait.ge [sflag:s28], $0x1400  }
0x69: {  	[sflag:s28] =	ssyncset.done $0x0  }
.Ltmp0:
0x6a: {  	[sflag:s28] =	ssyncadd.s32 $0xFFFFEC00;
	(pc) =	sbr.rel @p0 .LBB2_2-.Ltmp0, $4  }
0x6b: {  	[hbm4b:s31+s3] =	stream.linear.scatter [tilespmem:s22], [sflag:$0x6], $0x1400, $0x38;
	[tilespmem:$0xA400] =	vst v63  }
0x6c: {  	_ =	swait.ge [sflag:s12], $0x1400  }
0x6d: {  	[sflag:s12] =	ssyncset.done $0x0  }
0x6e: {  	s0 =	sadd.s32 $0x480, s0;
	s31 =	sadd.s32 $0xC80, s31;
	[sflag:s12] =	ssyncadd.s32 $0xFFFFEC00  }
0x6f: {  	[tilespmem:s22], [sflag:$0x5] =	stream.indirect.gather [hbm4b:s1+s13], $0x80, s0, s13, $0xb8;
	[tilespmem:$0xA400] =	vst v63  }
0x70: {  	_ =	swait.ge [sflag:s23], $0x1400  }
0x71: {  	[sflag:s23] =	ssyncset.done $0x0  }
0x72: {  	[sflag:s23] =	ssyncadd.s32 $0xFFFFEC00  }
0x73: {  	[hbm4b:s5+s3] =	stream.linear.scatter [tilespmem:s14], [sflag:$0x6], $0x1400, $0x38;
	[tilespmem:$0xA400] =	vst v63  }
0x74: {  	_ =	swait.ge [sflag:s12], $0x1400  }
0x75: {  	[sflag:s12] =	ssyncset.done $0x0  }
0x76: {  	[sflag:s12] =	ssyncadd.s32 $0xFFFFEC00  }
0x77: {  	_ =	swait.ge [sflag:s24], $0x1400  }
0x78: {  	[sflag:s24] =	ssyncset.done $0x0  }
0x79: {  	[sflag:s24] =	ssyncadd.s32 $0xFFFFEC00  }
0x7a: {  	[hbm4b:s6+s3] =	stream.linear.scatter [tilespmem:s16], [sflag:$0x6], $0x1400, $0x38;
	[tilespmem:$0xA400] =	vst v63  }
0x7b: {  	_ =	swait.ge [sflag:s12], $0x1400  }
0x7c: {  	[sflag:s12] =	ssyncset.done $0x0  }
0x7d: {  	[sflag:s12] =	ssyncadd.s32 $0xFFFFEC00  }
0x7e: {  	_ =	swait.ge [sflag:s25], $0x1400  }
0x7f: {  	[sflag:s25] =	ssyncset.done $0x0  }
0x80: {  	[sflag:s25] =	ssyncadd.s32 $0xFFFFEC00  }
0x81: {  	[hbm4b:s7+s3] =	stream.linear.scatter [tilespmem:s18], [sflag:$0x6], $0x1400, $0x38;
	[tilespmem:$0xA400] =	vst v63  }
0x82: {  	_ =	swait.ge [sflag:s12], $0x1400  }
0x83: {  	[sflag:s12] =	ssyncset.done $0x0  }
0x84: {  	[sflag:s12] =	ssyncadd.s32 $0xFFFFEC00  }
0x85: {  	_ =	swait.ge [sflag:s26], $0x1400  }
0x86: {  	[sflag:s26] =	ssyncset.done $0x0  }
0x87: {  	[sflag:s26] =	ssyncadd.s32 $0xFFFFEC00  }
0x88: {  	[hbm4b:s8+s3] =	stream.linear.scatter [tilespmem:s20], [sflag:$0x6], $0x1400, $0x38;
	[tilespmem:$0xA400] =	vst v63  }
0x89: {  	_ =	swait.ge [sflag:s12], $0x1400  }
0x8a: {  	[sflag:s12] =	ssyncset.done $0x0  }
0x8b: {  	[sflag:s12] =	ssyncadd.s32 $0xFFFFEC00  }
0x8c: {  	s29 =	sadd.s32 $0x1, s29;
	_ =	swait.ge [sflag:s28], $0x1400  }
0x8d: {  	p0 =	sne.s32 s29, s10;
	[sflag:s28] =	ssyncset.done $0x0  }
.Ltmp1:
0x8e: {  	[sflag:s28] =	ssyncadd.s32 $0xFFFFEC00;
	(pc) =	sbr.rel @p0 .LBB2_1-.Ltmp1, $4  }
0x8f: {  	[hbm4b:s9+s3] =	stream.linear.scatter [tilespmem:s22], [sflag:$0x6], $0x1400, $0x38;
	[tilespmem:$0xA400] =	vst v63  }
0x90: {  	_ =	swait.ge [sflag:s12], $0x1400  }
0x91: {  	[sflag:s12] =	ssyncset.done $0x0  }
0x92: {  	[sflag:s12] =	ssyncadd.s32 $0xFFFFEC00  }
0x93: {  	_ =	sfence.sel $0x180000  }
0x94: {  	[bflag:$0x0] =	sbarrier.arrive $0xFFFF  }
0x95: {  	_ =	strace $0x9000004A  }
0x96: {  	s0 =	stileid.u32;
	[bflag:$0x2] =	sbarrier.arrive $0xFFFF  }
0x97: {  	p0 =	sne.s32 s0, $0x0;
	s0 =	rddreg [dreg:$0x2]  }
0x98: {  	s0 =	sadd.s32 @!p0 $0x100000, s0  }
0x99: {  	[sflag:s0] =	ssyncadd.tile.s32 @!p0 $0x1;
	_ =	shalt  }
.Lfunc_end2:
_tile_overlayer_lowered:
.L_overlay_start_2:
0x9a: {  	(tag) =	ssettag $0x2  }
0x9b: {  	s0 =	rddreg [dreg:$0x0];
	s2 =	stileid.u32  }
0x9c: {  	s1 =	rddreg [dreg:$0x1];
	p0 =	sne.s32 s2, $0x0  }
0x9d: {  	s3 =	rddreg [dreg:$0x2];
	[bflag:$0x3] =	sbarrier.arrive $0xFFFF;
	s2 =	simm.s32 @!p0 $0x1C06  }
0x9e: {  	[timem:s3], [sflag:s2] =	dma.local @!p0 [hbm:s0], s1  }
0x9f: {  	s0 =	simm.s32 @!p0 $0x6  }
0xa0: {  	_ =	swait.ge @!p0 [sflag:s0], s1  }
0xa1: {  	s1 =	ssub.s32 @!p0 $0x0, s1;
	[sflag:s0] =	ssyncset.done @!p0 $0x0  }
0xa2: {  	[sflag:s0] =	ssyncadd.s32 @!p0 s1  }
0xa3: {  	[bflag:$0x3] =	sbarrier.arrive $0xFFFF  }
0xa4: {  	_ =	shalt  }

// kernel: kernel.13.cloned.1.call-start
scs
__scs_entry_jumppad:
0x0: {  	(pc) =	sbr.rel $0x88, $3  }
0x1: {  	(tag) =	ssettag $0x0;
	lr =	simm.s32 $0x1  }
0x2: {  	[smem:$0x3F95] =	sst lr;
	_ =	strace $0xD0000000  }
0x3: {  	_ = 	snop  }
0x4: {  	_ = 	snop  }
0x5: {  	_ = 	snop  }
0x6: {  	_ = 	snop  }
0x7: {  	_ = 	snop  }
__scs_overlays_trampoline_lowered:
0x8: {  	[smem:$0x3FA4] =	sst s0  }
0x9: {  	[smem:$0x3FA5] =	sst s1  }
0xa: {  	[smem:$0x3FA6] =	sst s2  }
0xb: {  	[smem:$0x3FA7] =	sst s3  }
0xc: {  	[smem:$0x3FA8] =	sst s4  }
0xd: {  	[smem:$0x3FA9] =	sst s5  }
0xe: {  	[smem:$0x3FAA] =	sst s6  }
0xf: {  	[smem:$0x3FAB] =	sst s7  }
0x10: {  	[smem:$0x3FAC] =	sst s8  }
0x11: {  	[smem:$0x3FAD] =	sst s9;
	s0 =	simm.s32 @!p0 $0x0  }
0x12: {  	s1 =	sld [smem:$0x3F93];
	s0 =	simm.s32 @p0 $0x1  }
0x13: {  	[smem:$0x3FAE] =	sst s0;
	s0 =	simm.s32 @!p1 $0x0  }
0x14: {  	s2 =	sld [smem:$0x3F92];
	s0 =	simm.s32 @p1 $0x1  }
0x15: {  	[smem:$0x3FAF] =	sst s0;
	s0 =	simm.s32 @!p2 $0x0  }
0x16: {  	s3 =	sld [smem:$0x3FDB];
	s0 =	simm.s32 @p2 $0x1  }
0x17: {  	s4 =	simm.s32 $0x1BF5;
	[smem:$0x3FB1] =	sst s0  }
0x18: {  	s0 =	sld [smem:$0x3F94];
	_ =	swait.ge [sflag:s4], $0x0  }
0x19: {  	s7 =	sld [smem:$0x3F95]  }
0x1a: {  	s8 =	sadd.s32 $0xFFFFE003, lr  }
0x1b: {  	s9 =	sadd.s32 $0xFFFFFEF7, lr;
	s5 =	simm.s32 $0xFFFFFFFF;
	p2 =	slt.u32 s8, $0xFFFFF086  }
0x1c: {  	p1 =	slt.u32 s9, $0xF7A;
	s5 =	simm.s32 @!p2 $0x0  }
0x1d: {  	s5 =	simm.s32 @p1 $0x1;
	p0 =	seq.s32 s7, s2  }
0x1e: {  	s7 =	smul.u32 @!p0 $0xF7A, s2;
	p2 =	seq.s32 @!p0 s5, $0x0  }
0x1f: {  	s9 =	smul.u32 $0xF7A, s1;
	s8 =	simm.s32 @!p0 $0x1BF5;
	p2 =	por !p2, p0  }
0x20: {  	[sflag:s8] =	ssyncset.s32 @!p0 $0xFFFFF086;
	s6 =	sadd.s32 @!p0 s3, s7;
	s7 =	simm.s32 @!p0 $0x108  }
0x21: {  	s3 =	sadd.s32 s3, s9;
	s6 =	sadd.s32 @!p0 $0x88, s6;
	s7 =	simm.s32 @p2 $0x1082  }
0x22: {  	[simem:s7], [sflag:s8] =	dma.local @!p0 [hbm:s6], $0xF7A  }
0x23: {  	s9 =	sor.u32 $0xD0000000, s2;
	s6 =	simm.s32 $0x108;
	_ =	swait.ge @!p0 [sflag:s8], $0x0  }
0x24: {  	s3 =	sadd.s32 $0x88, s3;
	s6 =	simm.s32 @!p1 $0x1082;
	[sflag:s4] =	ssyncset.s32 $0xFFFFF086  }
0x25: {  	[simem:s6], [sflag:s4] =	dma.local [hbm:s3], $0xF7A  }
0x26: {  	[smem:$0x3F95] =	sst s1;
	(tag) =	ssettag s2;
	_ =	strace s9  }
0x27: {  	s1 =	sld [smem:$0x3FA5]  }
0x28: {  	s2 =	sld [smem:$0x3FA6]  }
0x29: {  	s4 =	sld [smem:$0x3FA8]  }
0x2a: {  	p0 =	seq.s32 s5, $0x0;
	s5 =	sld [smem:$0x3FA9]  }
0x2b: {  	s6 =	sld [smem:$0x3FAA]  }
0x2c: {  	s7 =	sld [smem:$0x3FAB]  }
0x2d: {  	s3 =	simm.s32 $0x108;
	s8 =	sld [smem:$0x3FAC]  }
0x2e: {  	s3 =	simm.s32 @!p0 $0x1082;
	s9 =	sld [smem:$0x3FAD]  }
0x2f: {  	lr =	sadd.s32 s0, s3;
	s0 =	sld [smem:$0x3FA4]  }
0x30: {  	s3 =	sld [smem:$0x3FA7]  }
0x31: {  	[smem:$0x3FB0] =	sst s10  }
0x32: {  	s10 =	sld [smem:$0x3FAE];
	_ =	sdelay $0x3  }
0x33: {  	p0 =	seq.s32 s10, $0x1;
	s10 =	sld [smem:$0x3FB0];
	_ =	sdelay $0x3  }
0x34: {  	[smem:$0x3FB0] =	sst s10  }
0x35: {  	s10 =	sld [smem:$0x3FAF];
	_ =	sdelay $0x3  }
0x36: {  	p1 =	seq.s32 s10, $0x1;
	s10 =	sld [smem:$0x3FB0];
	_ =	sdelay $0x3  }
0x37: {  	[smem:$0x3FB0] =	sst s10  }
0x38: {  	s10 =	sld [smem:$0x3FB1]  }
0x39: {  	_ = 	snop;
	(pc) =	sbr.ind lr, $3  }
0x3a: {  	_ = 	snop  }
0x3b: {  	_ = 	snop  }
0x3c: {  	p2 =	seq.s32 s10, $0x1;
	s10 =	sld [smem:$0x3FB0]  }
0x3d: {  	_ =	shalt  }
0x3e: {  	_ =	shalt  }
0x3f: {  	_ =	shalt  }
0x40: {  	_ =	shalt  }
0x41: {  	_ =	shalt  }
0x42: {  	_ =	shalt  }
0x43: {  	_ =	shalt  }
0x44: {  	_ =	shalt  }
0x45: {  	_ =	shalt  }
0x46: {  	_ =	shalt  }
0x47: {  	_ =	shalt  }
0x48: {  	_ =	shalt  }
0x49: {  	_ =	shalt  }
0x4a: {  	_ =	shalt  }
0x4b: {  	_ =	shalt  }
0x4c: {  	_ =	shalt  }
0x4d: {  	_ =	shalt  }
0x4e: {  	_ =	shalt  }
0x4f: {  	_ =	shalt  }
0x50: {  	_ =	shalt  }
0x51: {  	_ =	shalt  }
0x52: {  	_ =	shalt  }
0x53: {  	_ =	shalt  }
0x54: {  	_ =	shalt  }
0x55: {  	_ =	shalt  }
0x56: {  	_ =	shalt  }
0x57: {  	_ =	shalt  }
0x58: {  	_ =	shalt  }
0x59: {  	_ =	shalt  }
0x5a: {  	_ =	shalt  }
0x5b: {  	_ =	shalt  }
0x5c: {  	_ =	shalt  }
0x5d: {  	_ =	shalt  }
0x5e: {  	_ =	shalt  }
0x5f: {  	_ =	shalt  }
0x60: {  	_ =	shalt  }
0x61: {  	_ =	shalt  }
0x62: {  	_ =	shalt  }
0x63: {  	_ =	shalt  }
0x64: {  	_ =	shalt  }
0x65: {  	_ =	shalt  }
0x66: {  	_ =	shalt  }
0x67: {  	_ =	shalt  }
0x68: {  	_ =	shalt  }
0x69: {  	_ =	shalt  }
0x6a: {  	_ =	shalt  }
0x6b: {  	_ =	shalt  }
0x6c: {  	_ =	shalt  }
0x6d: {  	_ =	shalt  }
0x6e: {  	_ =	shalt  }
0x6f: {  	_ =	shalt  }
0x70: {  	_ =	shalt  }
0x71: {  	_ =	shalt  }
0x72: {  	_ =	shalt  }
0x73: {  	_ =	shalt  }
0x74: {  	_ =	shalt  }
0x75: {  	_ =	shalt  }
0x76: {  	_ =	shalt  }
0x77: {  	_ =	shalt  }
0x78: {  	_ =	shalt  }
0x79: {  	_ =	shalt  }
0x7a: {  	_ =	shalt  }
0x7b: {  	_ =	shalt  }
0x7c: {  	_ =	shalt  }
0x7d: {  	_ =	shalt  }
0x7e: {  	_ =	shalt  }
0x7f: {  	_ =	shalt  }
0x80: {  	_ =	shalt  }
0x81: {  	_ =	shalt  }
0x82: {  	_ =	shalt  }
0x83: {  	_ =	shalt  }
0x84: {  	_ =	shalt  }
0x85: {  	_ =	shalt  }
0x86: {  	_ =	shalt  }
0x87: {  	_ =	shalt  }
.Lfunc_end0:
.L_simem_size_0:
called_computation.1_lowered:
.L_overlay_start_0:
0x88: {  	s2 =	sld [smem:$0x3FD9]  }
0x89: {  	s3 =	sld [smem:$0x3FFE];
	_ =	sdelay $0x1  }
0x8a: {  	s1 =	srdreg.scid  }
0x8b: {  	s0 =	sand.u32 $0x1, s1  }
0x8c: {  	s17 =	sshll.u32 s0, $0xA;
	s2 =	sadd.s32 s3, s2  }
0x8d: {  	s2 =	sadd.s32 s2, s17  }
0x8e: {  	[smem:$0x3FBC] =	sst s2  }
0x8f: {  	_ = 	snop  }
0x90: {  	(tm) =	ssettm $0x1  }
0x91: {  	s18 =	sld [smem:$0x3FFB];
	_ =	sdelay $0x3  }
0x92: {  	_ =	strace s18  }
0x93: {  	s2 =	sld [smem:$0x3FFC];
	_ =	sdelay $0x3  }
0x94: {  	_ =	strace s2  }
0x95: {  	s2 =	sld [smem:$0x3FFD];
	_ =	sdelay $0x3  }
0x96: {  	_ =	strace s2  }
0x97: {  	_ =	strace $0x8FFFFFFF  }
0x98: {  	s19 =	sld [smem:$0x3FDB];
	_ =	sdelay $0x1  }
0x99: {  	s20 =	simm.s32 $_scs_section_size  }
0x9a: {  	s4 =	simm.s32 $_size__tile_overlayer_lowered;
	s5 =	simm.s32 $_tile_overlayer_lowered  }
0x9b: {  	s6 =	simm.s32 $0x1BFF;
	s21 =	sshll.u32 s5, $0x1;
	s3 =	sadd.s32 s20, s19  }
0x9c: {  	s22 =	simm.s32 $0x0;
	s4 =	sshll.u32 s4, $0x1;
	s5 =	sadd.s32 s21, s3  }
0x9d: {  	[timem:s22], [sflag:s6] =	dma.local [hbm:s5], s4  }
0x9e: {  	_ =	swait.ge [sflag:s6], s4  }
0x9f: {  	s4 =	ssub.s32 $0x0, s4;
	[sflag:s6] =	ssyncset.done $0x0  }
0xa0: {  	[sflag:s6] =	ssyncadd.s32 s4;
	_ =	sdelay $0x1  }
0xa1: {  	s23 =	simm.s32 $0x1B8B  }
0xa2: {  	_ =	swait.ge [sflag:s23], $0x1  }
0xa3: {  	[sflag:s23] =	ssyncset.done $0x0  }
0xa4: {  	[sflag:s23] =	ssyncadd.s32 $0xFFFFFFFF  }
0xa5: {  	s4 =	sld [smem:$0x0]  }
0xa6: {  	s5 =	sand.u32 $0xFFFFFFFE, s1  }
0xa7: {  	p0 =	sne.s32 s1, s5  }
0xa8: {  	s5 =	sshll.u32 @p0 s5, $0xE  }
0xa9: {  	s5 =	sadd.s32 @p0 $0x11B8D, s5;
	s6 =	sshll.u32 @p0 s4, $0x11  }
0xaa: {  	s5 =	sor.u32 @p0 s6, s5  }
0xab: {  	[sflag:s5] =	ssyncadd.remote.s32 @p0 $0x1;
	_ =	sdelay $0x1  }
0xac: {  	s5 =	simm.s32 @p0 $0x1B8D  }
0xad: {  	_ =	swait.eq @p0 [sflag:s5], $0x1  }
0xae: {  	[sflag:s5] =	ssyncadd.s32 @p0 $0xFFFFFFFF  }
0xaf: {  	s6 =	sshll.u32 @!p0 s1, $0xE  }
0xb0: {  	s6 =	sor.u32 @!p0 $0x4000, s6;
	s5 =	simm.s32 @!p0 $0x1B8D  }
0xb1: {  	s4 =	sshll.u32 @!p0 s4, $0x11;
	s6 =	sadd.s32 @!p0 $0x11B8D, s6;
	_ =	swait.eq @!p0 [sflag:s5], $0x1  }
0xb2: {  	s4 =	sor.u32 @!p0 s4, s6;
	[sflag:s5] =	ssyncadd.s32 @!p0 $0xFFFFFFFF  }
0xb3: {  	s25 =	simm.s32 $0x1B8E;
	s24 =	sld [smem:$0x3FFE];
	[sflag:s4] =	ssyncadd.remote.s32 @!p0 $0x1  }
0xb4: {  	s26 =	simm.s32 $execute0_lowered;
	[smem:$0x3FD2] =	sst s25  }
0xb5: {  	s5 =	sshll.u32 s26, $0x1;
	_ =	strace $0x8000004F;
	[dreg:$0x1] =	wrdreg $0xFFFFFFFF  }
0xb6: {  	s28 =	simm.s32 $_size_execute0_lowered;
	s3 =	sadd.s32 s3, s5;
	[dreg:$0x0] =	wrdreg $0x0  }
0xb7: {  	s5 =	sshll.u32 s28, $0x1;
	[dreg:$0x2] =	wrdreg s3  }
0xb8: {  	[dreg:$0x3] =	wrdreg s5  }
0xb9: {  	[dreg:$0x4] =	wrdreg $0xC0  }
0xba: {  	_ =	task [dreg:s22], $0x5FFFF  }
0xbb: {  	[dreg:$0x1] =	wrdreg $0xFFFFFFFF  }
0xbc: {  	[dreg:$0x0] =	wrdreg $0x60  }
0xbd: {  	[dreg:$0x2] =	wrdreg s24  }
0xbe: {  	[dreg:$0x3] =	wrdreg $0xA4000  }
0xbf: {  	[dreg:$0x4] =	wrdreg $0x9  }
0xc0: {  	_ =	task.clear_ibuf [dreg:s22], $0x5FFFF;
	_ =	strace $0x9000004F  }
0xc1: {  	s29 =	simm.s32 $0x9;
	_ =	strace $0x80000051  }
0xc2: {  	_ =	swait.ge [sflag:s29], $0x1  }
0xc3: {  	[sflag:s29] =	ssyncadd.s32 $0xFFFFFFFF  }
0xc4: {  	_ =	strace $0x90000051  }
0xc5: {  	_ =	sfence  }
0xc6: {  	s30 =	sld [smem:$0x0];
	_ =	sdelay $0x2  }
0xc7: {  	s31 =	sshll.u32 s1, $0xD;
	s1 =	sshrl.u32 s1, $0x2  }
0xc8: {  	s4 =	sand.u32 $0x4000, s31;
	s1 =	sadd.s32 s1, s30  }
0xc9: {  	s0 =	sor.u32 s4, s0;
	s1 =	sshll.u32 s1, $0x11  }
0xca: {  	s0 =	sor.u32 s1, s0  }
0xcb: {  	s0 =	sadd.s32 $0x8F2B, s0  }
0xcc: {  	[sflag:s0] =	ssyncadd.remote.s32 $0x1  }
0xcd: {  	_ =	sfence.sel $0xFFFF  }
0xce: {  	[dreg:$0x0] =	wrdreg $0xFFFFFFFF;
	(pc) =	sbr.abs _section_cstart, $3  }
0xcf: {  	[dreg:$0x1] =	wrdreg $0xFFFFFFFF  }
0xd0: {  	_ =	task.clear_ibuf [dreg:s22], $0x2FFFF;
	_ =	strace $0x9FFFFFFF  }
0xd1: {  	(tm) =	ssettm $0x7FFFFFFF  }
tec
execute0_lowered:
.L_overlay_start_1:
0x0: {  	(tag) =	ssettag $0x1  }
0x1: {  	s0 =	rddreg [dreg:$0x0]  }
0x2: {  	s2 =	rddreg [dreg:$0x1]  }
0x3: {  	s1 =	srdreg.scid;
	s15 =	stileid.u32;
	s3 =	simm.s32 $0x0  }
0x4: {  	s17 =	simm.s32 $0x4000;
	s18 =	simm.s32 $0x5400;
	s19 =	simm.s32 $0x6800  }
0x5: {  	s20 =	simm.s32 $0x7C00;
	s21 =	simm.s32 $0x9000;
	s22 =	simm.s32 $0x1  }
0x6: {  	s23 =	simm.s32 $0x28;
	s24 =	simm.s32 $0x2;
	s28 =	simm.s32 $0x5  }
0x7: {  	s29 =	simm.s32 $0x0;
	s1 =	sand.u32 $0x1, s1;
	s5 =	smul.u32 $0x14000, s15  }
0x8: {  	s4 =	sshll.u32 s15, $0x1;
	[smem:$0x7FF] =	sst s3;
	s9 =	smul.u32 $0x50000, s15  }
0x9: {  	s13 =	sadd.s32 $0x1159C00, s0;
	s14 =	smul.u32 $0x27100, s15;
	s15 =	sshll.u32 s15, $0x6  }
0xa: {  	s4 =	sor.u32 s1, s4;
	_ =	strace $0x80000050;
	s7 =	smul.u32 $0x140000, s1  }
0xb: {  	s25 =	ssub.s32 $0x2, s1;
	s30 =	smul.u32 $0x13880, s1;
	s15 =	sor.u32 $0x1C06, s15  }
0xc: {  	s6 =	sshll.u32 s4, $0xB;
	s8 =	sshrl.u32 s5, $0x3;
	s10 =	sshrl.u32 s25, $0x1  }
0xd: {  	s11 =	smul.u32 $0x13880, s4;
	s26 =	sshrl.u32 s9, $0x2;
	s31 =	sadd.s32 s14, s13  }
0xe: {  	s14 =	simm.s32 $0x6;
	s6 =	sadd.s32 s6, s0;
	s5 =	sadd.s32 s5, s7  }
0xf: {  	s8 =	sadd.s32 s8, s0;
	s12 =	ssub.s32 s25, s10;
	s16 =	sadd.s32 s26, s2  }
0x10: {  	s25 =	simm.s32 $0x3;
	s26 =	simm.s32 $0x4;
	s5 =	sshrl.u32 s5, $0x3  }
0x11: {  	s4 =	sadd.s32 $0x7BE00, s6;
	s6 =	sadd.s32 $0x3E00, s8;
	s12 =	smax.u32 s12, $0x1  }
0x12: {  	s16 =	sshrl.u32 s16, $0x3;
	s0 =	sadd.s32 s5, s0;
	s5 =	sadd.s32 s13, s11  }
0x13: {  	s13 =	sadd.s32 s30, s31;
	s7 =	sadd.s32 $0x280, s5;
	s8 =	sadd.s32 $0x500, s5  }
0x14: {  	s9 =	sadd.s32 $0x780, s5;
	s10 =	sadd.s32 $0xA00, s5;
	s11 =	sadd.s32 $0x8BE00, s0  }
.LBB2_1:
0x15: {  	[tilespmem:s3], [sflag:$0x6] =	stream.linear.gather [hbm4b:s4+s3], $0x3E80, $0x38;
	[tilespmem:$0x1E400] =	vst v63  }
0x16: {  	_ =	swait.ge [sflag:s14], $0x3E80  }
0x17: {  	[sflag:s14] =	ssyncset.done $0x0  }
0x18: {  	[sflag:s14] =	ssyncadd.s32 $0xFFFFC180  }
0x19: {  	[spmem:s16], [sflag:s15] =	dma.local [hbm:s6], $0x2800  }
0x1a: {  	_ =	swait.ge [sflag:s14], $0x2800  }
0x1b: {  	[sflag:s14] =	ssyncset.done $0x0  }
0x1c: {  	[sflag:s14] =	ssyncadd.s32 $0xFFFFD800  }
0x1d: {  	[bflag:$0x0] =	sbarrier.arrive $0xFFFF  }
0x1e: {  	[tilespmem:s17], [sflag:$0x1] =	stream.linear.gather [hbm4b:s5+s3], $0x1400, $0x38;
	[tilespmem:$0x1E400] =	vst v63  }
0x1f: {  	_ = 	snop  }
0x20: {  	[tilespmem:s18], [sflag:$0x2] =	stream.linear.gather [hbm4b:s7+s3], $0x1400, $0x38;
	[tilespmem:$0x1E400] =	vst v63  }
0x21: {  	_ = 	snop  }
0x22: {  	[tilespmem:s19], [sflag:$0x3] =	stream.linear.gather [hbm4b:s8+s3], $0x1400, $0x38;
	[tilespmem:$0x1E400] =	vst v63  }
0x23: {  	_ = 	snop  }
0x24: {  	[tilespmem:s20], [sflag:$0x4] =	stream.linear.gather [hbm4b:s9+s3], $0x1400, $0x38;
	[tilespmem:$0x1E400] =	vst v63  }
0x25: {  	_ = 	snop  }
0x26: {  	[tilespmem:s21], [sflag:$0x5] =	stream.linear.gather [hbm4b:s10+s3], $0x1400, $0x38;
	[tilespmem:$0x1E400] =	vst v63  }
0x27: {  	_ =	swait.ge [sflag:s22], $0x1400  }
0x28: {  	[sflag:s22] =	ssyncset.done $0x0  }
0x29: {  	s0 =	simm.s32 $0x0;
	[sflag:s22] =	ssyncadd.s32 $0xFFFFEC00  }
0x2a: {  	[spmem:s2] =	stream.indirect.scatter.add.f32 [tilespmem:s17], [sflag:$0x6], $0x80, s0, s23, $0xb8;
	[tilespmem:$0x1E400] =	vst v63  }
0x2b: {  	_ =	swait.ge [sflag:s14], $0x1400  }
0x2c: {  	s1 =	sadd.s32 $0x0, s13;
	[sflag:s14] =	ssyncset.done $0x0  }
0x2d: {  	s30 =	sadd.s32 $0xC80, s1;
	[sflag:s14] =	ssyncadd.s32 $0xFFFFEC00  }
0x2e: {  	[tilespmem:s17], [sflag:$0x1] =	stream.linear.gather [hbm4b:s30+s3], $0x1400, $0x38;
	[tilespmem:$0x1E400] =	vst v63  }
0x2f: {  	_ =	swait.ge [sflag:s24], $0x1400  }
0x30: {  	[sflag:s24] =	ssyncset.done $0x0  }
0x31: {  	s30 =	simm.s32 $0x80;
	[sflag:s24] =	ssyncadd.s32 $0xFFFFEC00  }
0x32: {  	[spmem:s2] =	stream.indirect.scatter.add.f32 [tilespmem:s18], [sflag:$0x6], $0x80, s30, s23, $0xb8;
	[tilespmem:$0x1E400] =	vst v63  }
0x33: {  	_ =	swait.ge [sflag:s14], $0x1400  }
0x34: {  	[sflag:s14] =	ssyncset.done $0x0  }
0x35: {  	s30 =	sadd.s32 $0xF00, s1;
	[sflag:s14] =	ssyncadd.s32 $0xFFFFEC00  }
0x36: {  	[tilespmem:s18], [sflag:$0x2] =	stream.linear.gather [hbm4b:s30+s3], $0x1400, $0x38;
	[tilespmem:$0x1E400] =	vst v63  }
0x37: {  	_ =	swait.ge [sflag:s25], $0x1400  }
0x38: {  	[sflag:s25] =	ssyncset.done $0x0  }
0x39: {  	s30 =	simm.s32 $0x100;
	[sflag:s25] =	ssyncadd.s32 $0xFFFFEC00  }
0x3a: {  	[spmem:s2] =	stream.indirect.scatter.add.f32 [tilespmem:s19], [sflag:$0x6], $0x80, s30, s23, $0xb8;
	[tilespmem:$0x1E400] =	vst v63  }
0x3b: {  	_ =	swait.ge [sflag:s14], $0x1400  }
0x3c: {  	[sflag:s14] =	ssyncset.done $0x0  }
0x3d: {  	s30 =	sadd.s32 $0x1180, s1;
	[sflag:s14] =	ssyncadd.s32 $0xFFFFEC00  }
0x3e: {  	[tilespmem:s19], [sflag:$0x3] =	stream.linear.gather [hbm4b:s30+s3], $0x1400, $0x38;
	[tilespmem:$0x1E400] =	vst v63  }
0x3f: {  	_ =	swait.ge [sflag:s26], $0x1400  }
0x40: {  	[sflag:s26] =	ssyncset.done $0x0  }
0x41: {  	s30 =	simm.s32 $0x180;
	[sflag:s26] =	ssyncadd.s32 $0xFFFFEC00  }
0x42: {  	[spmem:s2] =	stream.indirect.scatter.add.f32 [tilespmem:s20], [sflag:$0x6], $0x80, s30, s23, $0xb8;
	[tilespmem:$0x1E400] =	vst v63  }
0x43: {  	_ =	swait.ge [sflag:s14], $0x1400  }
0x44: {  	[sflag:s14] =	ssyncset.done $0x0  }
0x45: {  	s30 =	sadd.s32 $0x1400, s1;
	[sflag:s14] =	ssyncadd.s32 $0xFFFFEC00  }
0x46: {  	[tilespmem:s20], [sflag:$0x4] =	stream.linear.gather [hbm4b:s30+s3], $0x1400, $0x38;
	[tilespmem:$0x1E400] =	vst v63  }
0x47: {  	_ =	swait.ge [sflag:s28], $0x1400  }
0x48: {  	[sflag:s28] =	ssyncset.done $0x0  }
0x49: {  	s30 =	simm.s32 $0x200;
	[sflag:s28] =	ssyncadd.s32 $0xFFFFEC00  }
0x4a: {  	[spmem:s2] =	stream.indirect.scatter.add.f32 [tilespmem:s21], [sflag:$0x6], $0x80, s30, s23, $0xb8;
	[tilespmem:$0x1E400] =	vst v63  }
0x4b: {  	_ =	swait.ge [sflag:s14], $0x1400  }
0x4c: {  	s31 =	simm.s32 $0x480;
	[sflag:s14] =	ssyncset.done $0x0  }
0x4d: {  	s0 =	sadd.s32 $0x1680, s1;
	s30 =	simm.s32 $0xC80;
	[sflag:s14] =	ssyncadd.s32 $0xFFFFEC00  }
.LBB2_2:
0x4e: {  	[tilespmem:s21], [sflag:$0x5] =	stream.linear.gather [hbm4b:s0+s3], $0x1400, $0x38;
	[tilespmem:$0x1E400] =	vst v63  }
0x4f: {  	s0 =	smov.u32 s30  }
0x50: {  	p0 =	sne.s32 s30, $0x11F80;
	s30 =	sadd.s32 $0xC80, s30;
	_ =	swait.ge [sflag:s22], $0x1400  }
0x51: {  	[sflag:s22] =	ssyncset.done $0x0  }
0x52: {  	s1 =	sadd.s32 $0xFFFFFE00, s31;
	[sflag:s22] =	ssyncadd.s32 $0xFFFFEC00  }
0x53: {  	[spmem:s2] =	stream.indirect.scatter.add.f32 [tilespmem:s17], [sflag:$0x6], $0x80, s1, s23, $0xb8;
	[tilespmem:$0x1E400] =	vst v63  }
0x54: {  	_ =	swait.ge [sflag:s14], $0x1400  }
0x55: {  	s0 =	sadd.s32 s0, s13;
	[sflag:s14] =	ssyncset.done $0x0  }
0x56: {  	s1 =	sadd.s32 $0xC80, s0;
	[sflag:s14] =	ssyncadd.s32 $0xFFFFEC00  }
0x57: {  	[tilespmem:s17], [sflag:$0x1] =	stream.linear.gather [hbm4b:s1+s3], $0x1400, $0x38;
	[tilespmem:$0x1E400] =	vst v63  }
0x58: {  	_ =	swait.ge [sflag:s24], $0x1400  }
0x59: {  	[sflag:s24] =	ssyncset.done $0x0  }
0x5a: {  	s1 =	sadd.s32 $0xFFFFFE80, s31;
	[sflag:s24] =	ssyncadd.s32 $0xFFFFEC00  }
0x5b: {  	[spmem:s2] =	stream.indirect.scatter.add.f32 [tilespmem:s18], [sflag:$0x6], $0x80, s1, s23, $0xb8;
	[tilespmem:$0x1E400] =	vst v63  }
0x5c: {  	_ =	swait.ge [sflag:s14], $0x1400  }
0x5d: {  	[sflag:s14] =	ssyncset.done $0x0  }
0x5e: {  	s1 =	sadd.s32 $0xF00, s0;
	[sflag:s14] =	ssyncadd.s32 $0xFFFFEC00  }
0x5f: {  	[tilespmem:s18], [sflag:$0x2] =	stream.linear.gather [hbm4b:s1+s3], $0x1400, $0x38;
	[tilespmem:$0x1E400] =	vst v63  }
0x60: {  	_ =	swait.ge [sflag:s25], $0x1400  }
0x61: {  	[sflag:s25] =	ssyncset.done $0x0  }
0x62: {  	s1 =	sadd.s32 $0xFFFFFF00, s31;
	[sflag:s25] =	ssyncadd.s32 $0xFFFFEC00  }
0x63: {  	[spmem:s2] =	stream.indirect.scatter.add.f32 [tilespmem:s19], [sflag:$0x6], $0x80, s1, s23, $0xb8;
	[tilespmem:$0x1E400] =	vst v63  }
0x64: {  	_ =	swait.ge [sflag:s14], $0x1400  }
0x65: {  	[sflag:s14] =	ssyncset.done $0x0  }
0x66: {  	s1 =	sadd.s32 $0x1180, s0;
	[sflag:s14] =	ssyncadd.s32 $0xFFFFEC00  }
0x67: {  	[tilespmem:s19], [sflag:$0x3] =	stream.linear.gather [hbm4b:s1+s3], $0x1400, $0x38;
	[tilespmem:$0x1E400] =	vst v63  }
0x68: {  	_ =	swait.ge [sflag:s26], $0x1400  }
0x69: {  	[sflag:s26] =	ssyncset.done $0x0  }
0x6a: {  	s1 =	sadd.s32 $0xFFFFFF80, s31;
	[sflag:s26] =	ssyncadd.s32 $0xFFFFEC00  }
0x6b: {  	[spmem:s2] =	stream.indirect.scatter.add.f32 [tilespmem:s20], [sflag:$0x6], $0x80, s1, s23, $0xb8;
	[tilespmem:$0x1E400] =	vst v63  }
0x6c: {  	_ =	swait.ge [sflag:s14], $0x1400  }
0x6d: {  	[sflag:s14] =	ssyncset.done $0x0  }
0x6e: {  	s1 =	sadd.s32 $0x1400, s0;
	[sflag:s14] =	ssyncadd.s32 $0xFFFFEC00  }
0x6f: {  	[tilespmem:s20], [sflag:$0x4] =	stream.linear.gather [hbm4b:s1+s3], $0x1400, $0x38;
	[tilespmem:$0x1E400] =	vst v63  }
0x70: {  	_ =	swait.ge [sflag:s28], $0x1400  }
0x71: {  	[sflag:s28] =	ssyncset.done $0x0  }
.Ltmp0:
0x72: {  	[sflag:s28] =	ssyncadd.s32 $0xFFFFEC00;
	(pc) =	sbr.rel @p0 .LBB2_2-.Ltmp0, $4  }
0x73: {  	[spmem:s2] =	stream.indirect.scatter.add.f32 [tilespmem:s21], [sflag:$0x6], $0x80, s31, s23, $0xb8;
	[tilespmem:$0x1E400] =	vst v63  }
0x74: {  	_ =	swait.ge [sflag:s14], $0x1400  }
0x75: {  	[sflag:s14] =	ssyncset.done $0x0  }
0x76: {  	s0 =	sadd.s32 $0x1680, s0;
	s31 =	sadd.s32 $0x280, s31;
	[sflag:s14] =	ssyncadd.s32 $0xFFFFEC00  }
0x77: {  	[tilespmem:s21], [sflag:$0x5] =	stream.linear.gather [hbm4b:s0+s3], $0x1400, $0x38;
	[tilespmem:$0x1E400] =	vst v63  }
0x78: {  	_ =	swait.ge [sflag:s22], $0x1400  }
0x79: {  	[sflag:s22] =	ssyncset.done $0x0  }
0x7a: {  	s30 =	simm.s32 $0x3C00;
	[sflag:s22] =	ssyncadd.s32 $0xFFFFEC00  }
0x7b: {  	[spmem:s2] =	stream.indirect.scatter.add.f32 [tilespmem:s17], [sflag:$0x6], $0x80, s30, s23, $0xb8;
	[tilespmem:$0x1E400] =	vst v63  }
0x7c: {  	_ =	swait.ge [sflag:s14], $0x1400  }
0x7d: {  	[sflag:s14] =	ssyncset.done $0x0  }
0x7e: {  	[sflag:s14] =	ssyncadd.s32 $0xFFFFEC00  }
0x7f: {  	_ =	swait.ge [sflag:s24], $0x1400  }
0x80: {  	[sflag:s24] =	ssyncset.done $0x0  }
0x81: {  	s31 =	simm.s32 $0x3C80;
	[sflag:s24] =	ssyncadd.s32 $0xFFFFEC00  }
0x82: {  	[spmem:s2] =	stream.indirect.scatter.add.f32 [tilespmem:s18], [sflag:$0x6], $0x80, s31, s23, $0xb8;
	[tilespmem:$0x1E400] =	vst v63  }
0x83: {  	_ =	swait.ge [sflag:s14], $0x1400  }
0x84: {  	[sflag:s14] =	ssyncset.done $0x0  }
0x85: {  	[sflag:s14] =	ssyncadd.s32 $0xFFFFEC00  }
0x86: {  	_ =	swait.ge [sflag:s25], $0x1400  }
0x87: {  	[sflag:s25] =	ssyncset.done $0x0  }
0x88: {  	s1 =	simm.s32 $0x3D00;
	[sflag:s25] =	ssyncadd.s32 $0xFFFFEC00  }
0x89: {  	[spmem:s2] =	stream.indirect.scatter.add.f32 [tilespmem:s19], [sflag:$0x6], $0x80, s1, s23, $0xb8;
	[tilespmem:$0x1E400] =	vst v63  }
0x8a: {  	_ =	swait.ge [sflag:s14], $0x1400  }
0x8b: {  	[sflag:s14] =	ssyncset.done $0x0  }
0x8c: {  	[sflag:s14] =	ssyncadd.s32 $0xFFFFEC00  }
0x8d: {  	_ =	swait.ge [sflag:s26], $0x1400  }
0x8e: {  	[sflag:s26] =	ssyncset.done $0x0  }
0x8f: {  	s30 =	simm.s32 $0x3D80;
	[sflag:s26] =	ssyncadd.s32 $0xFFFFEC00  }
0x90: {  	[spmem:s2] =	stream.indirect.scatter.add.f32 [tilespmem:s20], [sflag:$0x6], $0x80, s30, s23, $0xb8;
	[tilespmem:$0x1E400] =	vst v63  }
0x91: {  	_ =	swait.ge [sflag:s14], $0x1400  }
0x92: {  	[sflag:s14] =	ssyncset.done $0x0  }
0x93: {  	[sflag:s14] =	ssyncadd.s32 $0xFFFFEC00  }
0x94: {  	_ =	swait.ge [sflag:s28], $0x1400  }
0x95: {  	[sflag:s28] =	ssyncset.done $0x0  }
0x96: {  	s31 =	simm.s32 $0x3E00;
	[sflag:s28] =	ssyncadd.s32 $0xFFFFEC00  }
0x97: {  	[spmem:s2] =	stream.indirect.scatter.add.f32 [tilespmem:s21], [sflag:$0x6], $0x80, s31, s23, $0xb8;
	[tilespmem:$0x1E400] =	vst v63  }
0x98: {  	_ =	swait.ge [sflag:s14], $0x1400  }
0x99: {  	s29 =	sadd.s32 $0x1, s29;
	[sflag:s14] =	ssyncset.done $0x0  }
0x9a: {  	p0 =	sne.s32 s29, s12;
	[sflag:s14] =	ssyncadd.s32 $0xFFFFEC00  }
.Ltmp1:
0x9b: {  	[bflag:$0x0] =	sbarrier.arrive $0xFFFF;
	(pc) =	sbr.rel @p0 .LBB2_1-.Ltmp1, $4  }
0x9c: {  	[hbm:s11], [sflag:s15] =	dma.local [spmem:s16], $0x2800  }
0x9d: {  	_ =	swait.ge [sflag:s14], $0x2800  }
0x9e: {  	[sflag:s14] =	ssyncset.done $0x0  }
0x9f: {  	[sflag:s14] =	ssyncadd.s32 $0xFFFFD800  }
0xa0: {  	_ =	sfence.sel $0x180000  }
0xa1: {  	[bflag:$0x0] =	sbarrier.arrive $0xFFFF  }
0xa2: {  	_ =	strace $0x90000050  }
0xa3: {  	s0 =	stileid.u32;
	[bflag:$0x2] =	sbarrier.arrive $0xFFFF  }
0xa4: {  	p0 =	sne.s32 s0, $0x0;
	s0 =	rddreg [dreg:$0x2]  }
0xa5: {  	s0 =	sadd.s32 @!p0 $0x100000, s0  }
0xa6: {  	[sflag:s0] =	ssyncadd.tile.s32 @!p0 $0x1;
	_ =	shalt  }
.Lfunc_end2:
_tile_overlayer_lowered:
.L_overlay_start_2:
0xa7: {  	(tag) =	ssettag $0x2  }
0xa8: {  	s0 =	rddreg [dreg:$0x0];
	s2 =	stileid.u32  }
0xa9: {  	s1 =	rddreg [dreg:$0x1];
	p0 =	sne.s32 s2, $0x0  }
0xaa: {  	s3 =	rddreg [dreg:$0x2];
	[bflag:$0x3] =	sbarrier.arrive $0xFFFF;
	s2 =	simm.s32 @!p0 $0x1C06  }
0xab: {  	[timem:s3], [sflag:s2] =	dma.local @!p0 [hbm:s0], s1  }
0xac: {  	s0 =	simm.s32 @!p0 $0x6  }
0xad: {  	_ =	swait.ge @!p0 [sflag:s0], s1  }
0xae: {  	s1 =	ssub.s32 @!p0 $0x0, s1;
	[sflag:s0] =	ssyncset.done @!p0 $0x0  }
0xaf: {  	[sflag:s0] =	ssyncadd.s32 @!p0 s1  }
0xb0: {  	[bflag:$0x3] =	sbarrier.arrive $0xFFFF  }
0xb1: {  	_ =	shalt  }

// kernel: kernel.16.cloned.1.call-start
scs
__scs_entry_jumppad:
0x0: {  	(pc) =	sbr.rel $0x88, $3  }
0x1: {  	(tag) =	ssettag $0x0;
	lr =	simm.s32 $0x1  }
0x2: {  	[smem:$0x3F95] =	sst lr;
	_ =	strace $0xD0000000  }
0x3: {  	_ = 	snop  }
0x4: {  	_ = 	snop  }
0x5: {  	_ = 	snop  }
0x6: {  	_ = 	snop  }
0x7: {  	_ = 	snop  }
__scs_overlays_trampoline_lowered:
0x8: {  	[smem:$0x3FA4] =	sst s0  }
0x9: {  	[smem:$0x3FA5] =	sst s1  }
0xa: {  	[smem:$0x3FA6] =	sst s2  }
0xb: {  	[smem:$0x3FA7] =	sst s3  }
0xc: {  	[smem:$0x3FA8] =	sst s4  }
0xd: {  	[smem:$0x3FA9] =	sst s5  }
0xe: {  	[smem:$0x3FAA] =	sst s6  }
0xf: {  	[smem:$0x3FAB] =	sst s7  }
0x10: {  	[smem:$0x3FAC] =	sst s8  }
0x11: {  	[smem:$0x3FAD] =	sst s9;
	s0 =	simm.s32 @!p0 $0x0  }
0x12: {  	s1 =	sld [smem:$0x3F93];
	s0 =	simm.s32 @p0 $0x1  }
0x13: {  	[smem:$0x3FAE] =	sst s0;
	s0 =	simm.s32 @!p1 $0x0  }
0x14: {  	s2 =	sld [smem:$0x3F92];
	s0 =	simm.s32 @p1 $0x1  }
0x15: {  	[smem:$0x3FAF] =	sst s0;
	s0 =	simm.s32 @!p2 $0x0  }
0x16: {  	s3 =	sld [smem:$0x3FDB];
	s0 =	simm.s32 @p2 $0x1  }
0x17: {  	s4 =	simm.s32 $0x1BF5;
	[smem:$0x3FB1] =	sst s0  }
0x18: {  	s0 =	sld [smem:$0x3F94];
	_ =	swait.ge [sflag:s4], $0x0  }
0x19: {  	s7 =	sld [smem:$0x3F95]  }
0x1a: {  	s8 =	sadd.s32 $0xFFFFE003, lr  }
0x1b: {  	s9 =	sadd.s32 $0xFFFFFEF7, lr;
	s5 =	simm.s32 $0xFFFFFFFF;
	p2 =	slt.u32 s8, $0xFFFFF086  }
0x1c: {  	p1 =	slt.u32 s9, $0xF7A;
	s5 =	simm.s32 @!p2 $0x0  }
0x1d: {  	s5 =	simm.s32 @p1 $0x1;
	p0 =	seq.s32 s7, s2  }
0x1e: {  	s7 =	smul.u32 @!p0 $0xF7A, s2;
	p2 =	seq.s32 @!p0 s5, $0x0  }
0x1f: {  	s9 =	smul.u32 $0xF7A, s1;
	s8 =	simm.s32 @!p0 $0x1BF5;
	p2 =	por !p2, p0  }
0x20: {  	[sflag:s8] =	ssyncset.s32 @!p0 $0xFFFFF086;
	s6 =	sadd.s32 @!p0 s3, s7;
	s7 =	simm.s32 @!p0 $0x108  }
0x21: {  	s3 =	sadd.s32 s3, s9;
	s6 =	sadd.s32 @!p0 $0x88, s6;
	s7 =	simm.s32 @p2 $0x1082  }
0x22: {  	[simem:s7], [sflag:s8] =	dma.local @!p0 [hbm:s6], $0xF7A  }
0x23: {  	s9 =	sor.u32 $0xD0000000, s2;
	s6 =	simm.s32 $0x108;
	_ =	swait.ge @!p0 [sflag:s8], $0x0  }
0x24: {  	s3 =	sadd.s32 $0x88, s3;
	s6 =	simm.s32 @!p1 $0x1082;
	[sflag:s4] =	ssyncset.s32 $0xFFFFF086  }
0x25: {  	[simem:s6], [sflag:s4] =	dma.local [hbm:s3], $0xF7A  }
0x26: {  	[smem:$0x3F95] =	sst s1;
	(tag) =	ssettag s2;
	_ =	strace s9  }
0x27: {  	s1 =	sld [smem:$0x3FA5]  }
0x28: {  	s2 =	sld [smem:$0x3FA6]  }
0x29: {  	s4 =	sld [smem:$0x3FA8]  }
0x2a: {  	p0 =	seq.s32 s5, $0x0;
	s5 =	sld [smem:$0x3FA9]  }
0x2b: {  	s6 =	sld [smem:$0x3FAA]  }
0x2c: {  	s7 =	sld [smem:$0x3FAB]  }
0x2d: {  	s3 =	simm.s32 $0x108;
	s8 =	sld [smem:$0x3FAC]  }
0x2e: {  	s3 =	simm.s32 @!p0 $0x1082;
	s9 =	sld [smem:$0x3FAD]  }
0x2f: {  	lr =	sadd.s32 s0, s3;
	s0 =	sld [smem:$0x3FA4]  }
0x30: {  	s3 =	sld [smem:$0x3FA7]  }
0x31: {  	[smem:$0x3FB0] =	sst s10  }
0x32: {  	s10 =	sld [smem:$0x3FAE];
	_ =	sdelay $0x3  }
0x33: {  	p0 =	seq.s32 s10, $0x1;
	s10 =	sld [smem:$0x3FB0];
	_ =	sdelay $0x3  }
0x34: {  	[smem:$0x3FB0] =	sst s10  }
0x35: {  	s10 =	sld [smem:$0x3FAF];
	_ =	sdelay $0x3  }
0x36: {  	p1 =	seq.s32 s10, $0x1;
	s10 =	sld [smem:$0x3FB0];
	_ =	sdelay $0x3  }
0x37: {  	[smem:$0x3FB0] =	sst s10  }
0x38: {  	s10 =	sld [smem:$0x3FB1]  }
0x39: {  	_ = 	snop;
	(pc) =	sbr.ind lr, $3  }
0x3a: {  	_ = 	snop  }
0x3b: {  	_ = 	snop  }
0x3c: {  	p2 =	seq.s32 s10, $0x1;
	s10 =	sld [smem:$0x3FB0]  }
0x3d: {  	_ =	shalt  }
0x3e: {  	_ =	shalt  }
0x3f: {  	_ =	shalt  }
0x40: {  	_ =	shalt  }
0x41: {  	_ =	shalt  }
0x42: {  	_ =	shalt  }
0x43: {  	_ =	shalt  }
0x44: {  	_ =	shalt  }
0x45: {  	_ =	shalt  }
0x46: {  	_ =	shalt  }
0x47: {  	_ =	shalt  }
0x48: {  	_ =	shalt  }
0x49: {  	_ =	shalt  }
0x4a: {  	_ =	shalt  }
0x4b: {  	_ =	shalt  }
0x4c: {  	_ =	shalt  }
0x4d: {  	_ =	shalt  }
0x4e: {  	_ =	shalt  }
0x4f: {  	_ =	shalt  }
0x50: {  	_ =	shalt  }
0x51: {  	_ =	shalt  }
0x52: {  	_ =	shalt  }
0x53: {  	_ =	shalt  }
0x54: {  	_ =	shalt  }
0x55: {  	_ =	shalt  }
0x56: {  	_ =	shalt  }
0x57: {  	_ =	shalt  }
0x58: {  	_ =	shalt  }
0x59: {  	_ =	shalt  }
0x5a: {  	_ =	shalt  }
0x5b: {  	_ =	shalt  }
0x5c: {  	_ =	shalt  }
0x5d: {  	_ =	shalt  }
0x5e: {  	_ =	shalt  }
0x5f: {  	_ =	shalt  }
0x60: {  	_ =	shalt  }
0x61: {  	_ =	shalt  }
0x62: {  	_ =	shalt  }
0x63: {  	_ =	shalt  }
0x64: {  	_ =	shalt  }
0x65: {  	_ =	shalt  }
0x66: {  	_ =	shalt  }
0x67: {  	_ =	shalt  }
0x68: {  	_ =	shalt  }
0x69: {  	_ =	shalt  }
0x6a: {  	_ =	shalt  }
0x6b: {  	_ =	shalt  }
0x6c: {  	_ =	shalt  }
0x6d: {  	_ =	shalt  }
0x6e: {  	_ =	shalt  }
0x6f: {  	_ =	shalt  }
0x70: {  	_ =	shalt  }
0x71: {  	_ =	shalt  }
0x72: {  	_ =	shalt  }
0x73: {  	_ =	shalt  }
0x74: {  	_ =	shalt  }
0x75: {  	_ =	shalt  }
0x76: {  	_ =	shalt  }
0x77: {  	_ =	shalt  }
0x78: {  	_ =	shalt  }
0x79: {  	_ =	shalt  }
0x7a: {  	_ =	shalt  }
0x7b: {  	_ =	shalt  }
0x7c: {  	_ =	shalt  }
0x7d: {  	_ =	shalt  }
0x7e: {  	_ =	shalt  }
0x7f: {  	_ =	shalt  }
0x80: {  	_ =	shalt  }
0x81: {  	_ =	shalt  }
0x82: {  	_ =	shalt  }
0x83: {  	_ =	shalt  }
0x84: {  	_ =	shalt  }
0x85: {  	_ =	shalt  }
0x86: {  	_ =	shalt  }
0x87: {  	_ =	shalt  }
.Lfunc_end0:
.L_simem_size_0:
called_computation.2_lowered:
.L_overlay_start_0:
0x88: {  	s2 =	sld [smem:$0x3FD9]  }
0x89: {  	s3 =	sld [smem:$0x3FFE];
	_ =	sdelay $0x1  }
0x8a: {  	s1 =	srdreg.scid  }
0x8b: {  	s0 =	sand.u32 $0x1, s1  }
0x8c: {  	s17 =	sshll.u32 s0, $0xA;
	s2 =	sadd.s32 s3, s2  }
0x8d: {  	s2 =	sadd.s32 s2, s17  }
0x8e: {  	[smem:$0x3FBC] =	sst s2  }
0x8f: {  	_ = 	snop  }
0x90: {  	s2 =	sld [smem:$0x3FD0];
	(tm) =	ssettm $0x1  }
0x91: {  	s18 =	sld [smem:$0x3FFB];
	_ =	sdelay $0x3  }
0x92: {  	_ =	strace s18  }
0x93: {  	s3 =	sld [smem:$0x3FFC];
	_ =	sdelay $0x3  }
0x94: {  	_ =	strace s3  }
0x95: {  	s3 =	sld [smem:$0x3FFD];
	_ =	sdelay $0x3  }
0x96: {  	_ =	strace s3  }
0x97: {  	_ =	strace $0x8FFFFFFF  }
0x98: {  	s19 =	sld [smem:$0x3FDB];
	_ =	sdelay $0x1  }
0x99: {  	s4 =	simm.s32 $_scs_section_size  }
0x9a: {  	s5 =	simm.s32 $_size__tile_overlayer_lowered;
	s6 =	simm.s32 $_tile_overlayer_lowered  }
0x9b: {  	s22 =	simm.s32 $0x1BFF;
	s21 =	sshll.u32 s6, $0x1;
	s3 =	sadd.s32 s4, s19  }
0x9c: {  	s7 =	simm.s32 $0x0;
	s20 =	sshll.u32 s5, $0x1;
	s5 =	sadd.s32 s21, s3  }
0x9d: {  	[timem:s7], [sflag:s22] =	dma.local [hbm:s5], s20  }
0x9e: {  	_ =	swait.ge [sflag:s22], s20  }
0x9f: {  	s4 =	ssub.s32 $0x0, s20;
	[sflag:s22] =	ssyncset.done $0x0  }
0xa0: {  	[sflag:s22] =	ssyncadd.s32 s4;
	_ =	sdelay $0x1  }
0xa1: {  	s23 =	simm.s32 $0x1B8B  }
0xa2: {  	_ =	swait.ge [sflag:s23], $0x1  }
0xa3: {  	[sflag:s23] =	ssyncset.done $0x0  }
0xa4: {  	s25 =	simm.s32 $0x1B8E;
	s24 =	sld [smem:$0x3FFE];
	[sflag:s23] =	ssyncadd.s32 $0xFFFFFFFF  }
0xa5: {  	s26 =	simm.s32 $execute0_lowered;
	[smem:$0x3FD2] =	sst s25  }
0xa6: {  	s5 =	sshll.u32 s26, $0x1;
	_ =	strace $0x80000046;
	[dreg:$0x1] =	wrdreg $0xFFFFFFFF  }
0xa7: {  	s28 =	simm.s32 $_size_execute0_lowered;
	s3 =	sadd.s32 s3, s5;
	[dreg:$0x0] =	wrdreg $0x0  }
0xa8: {  	s5 =	sshll.u32 s28, $0x1;
	[dreg:$0x2] =	wrdreg s3  }
0xa9: {  	[dreg:$0x3] =	wrdreg s5  }
0xaa: {  	[dreg:$0x4] =	wrdreg $0xC0  }
0xab: {  	_ =	task [dreg:s7], $0x5FFFF  }
0xac: {  	[dreg:$0x1] =	wrdreg $0xFFFFFFFF  }
0xad: {  	[dreg:$0x0] =	wrdreg $0x60  }
0xae: {  	[dreg:$0x2] =	wrdreg s2  }
0xaf: {  	[dreg:$0x3] =	wrdreg s24  }
0xb0: {  	[dreg:$0x4] =	wrdreg $0xA  }
0xb1: {  	_ =	task.clear_ibuf [dreg:s7], $0x5FFFF;
	_ =	strace $0x90000046  }
0xb2: {  	s29 =	simm.s32 $0xA;
	_ =	strace $0x80000048  }
0xb3: {  	_ =	swait.ge [sflag:s29], $0x1  }
0xb4: {  	[sflag:s29] =	ssyncadd.s32 $0xFFFFFFFF  }
0xb5: {  	_ =	strace $0x90000048  }
0xb6: {  	_ =	sfence  }
0xb7: {  	s30 =	sld [smem:$0x0];
	_ =	sdelay $0x2  }
0xb8: {  	s31 =	sshll.u32 s1, $0xD;
	s1 =	sshrl.u32 s1, $0x2  }
0xb9: {  	s3 =	sand.u32 $0x4000, s31;
	s1 =	sadd.s32 s1, s30  }
0xba: {  	s0 =	sor.u32 s3, s0;
	s1 =	sshll.u32 s1, $0x11  }
0xbb: {  	s0 =	sor.u32 s1, s0  }
0xbc: {  	s0 =	sadd.s32 $0x8F2B, s0  }
0xbd: {  	[sflag:s0] =	ssyncadd.remote.s32 $0x1  }
0xbe: {  	_ =	sfence.sel $0xFFFF  }
0xbf: {  	[dreg:$0x0] =	wrdreg $0xFFFFFFFF;
	(pc) =	sbr.abs _section_cstart, $3  }
0xc0: {  	[dreg:$0x1] =	wrdreg $0xFFFFFFFF  }
0xc1: {  	_ =	task.clear_ibuf [dreg:s7], $0x2FFFF;
	_ =	strace $0x9FFFFFFF  }
0xc2: {  	(tm) =	ssettm $0x7FFFFFFF  }
0xc3: {  	_ =	shalt  }
tec
execute0_lowered:
.L_overlay_start_1:
0x0: {  	(tag) =	ssettag $0x1  }
0x1: {  	s1 =	rddreg [dreg:$0x0]  }
0x2: {  	s0 =	rddreg [dreg:$0x1]  }
0x3: {  	s3 =	simm.s32 $0x0;
	s4 =	srdreg.scid;
	s2 =	stileid.u32  }
0x4: {  	s13 =	simm.s32 $0x28;
	s14 =	simm.s32 $0x4000;
	s15 =	simm.s32 $0x80  }
0x5: {  	s16 =	simm.s32 $0x5400;
	s17 =	simm.s32 $0x100;
	s18 =	simm.s32 $0x6800  }
0x6: {  	s19 =	simm.s32 $0x180;
	s20 =	simm.s32 $0x7C00;
	s21 =	simm.s32 $0x200  }
0x7: {  	s22 =	simm.s32 $0x9000;
	s23 =	simm.s32 $0x1;
	s24 =	simm.s32 $0x2  }
0x8: {  	s25 =	simm.s32 $0x3;
	s26 =	simm.s32 $0x4;
	s28 =	simm.s32 $0x5  }
0x9: {  	s29 =	simm.s32 $0x0;
	[smem:$0x7FF] =	sst s3;
	s7 =	sand.u32 $0x1, s4  }
0xa: {  	s30 =	sshll.u32 s2, $0x1;
	s11 =	smul.u32 $0x27100, s2;
	_ =	strace $0x80000047  }
0xb: {  	s4 =	sor.u32 s7, s30;
	s5 =	ssub.s32 $0x2, s7;
	s12 =	smul.u32 $0x13880, s7  }
0xc: {  	s6 =	sshll.u32 s4, $0xB;
	s8 =	sshrl.u32 s5, $0x1;
	s9 =	smul.u32 $0x13880, s4  }
0xd: {  	s31 =	sadd.s32 s6, s0;
	s0 =	sadd.s32 $0x1DC00, s0;
	s10 =	ssub.s32 s5, s8  }
0xe: {  	s4 =	sadd.s32 $0xDC00, s31;
	s9 =	sadd.s32 s0, s9;
	s0 =	sadd.s32 s11, s0  }
0xf: {  	s10 =	smax.u32 s10, $0x1;
	s5 =	sadd.s32 $0x12C00, s9;
	s6 =	sadd.s32 $0x12E80, s9  }
0x10: {  	s7 =	sadd.s32 $0x13100, s9;
	s8 =	sadd.s32 $0x13380, s9;
	s0 =	sadd.s32 s12, s0  }
0x11: {  	s9 =	sadd.s32 $0x13600, s9;
	s12 =	simm.s32 $0x6;
	s11 =	sadd.s32 $0xA00, s0  }
.LBB2_1:
0x12: {  	[tilespmem:s3], [sflag:$0x6] =	stream.linear.gather [hbm4b:s4+s3], $0x3E80, $0x38;
	[tilespmem:$0xA400] =	vst v63  }
0x13: {  	_ =	swait.ge [sflag:s12], $0x3E80  }
0x14: {  	[sflag:s12] =	ssyncset.done $0x0  }
0x15: {  	[sflag:s12] =	ssyncadd.s32 $0xFFFFC180  }
0x16: {  	[tilespmem:s14], [sflag:$0x1] =	stream.indirect.gather [hbm4b:s1+s13], $0x80, s3, s13, $0xb8;
	[tilespmem:$0xA400] =	vst v63  }
0x17: {  	_ = 	snop  }
0x18: {  	[tilespmem:s16], [sflag:$0x2] =	stream.indirect.gather [hbm4b:s1+s13], $0x80, s15, s13, $0xb8;
	[tilespmem:$0xA400] =	vst v63  }
0x19: {  	_ = 	snop  }
0x1a: {  	[tilespmem:s18], [sflag:$0x3] =	stream.indirect.gather [hbm4b:s1+s13], $0x80, s17, s13, $0xb8;
	[tilespmem:$0xA400] =	vst v63  }
0x1b: {  	_ = 	snop  }
0x1c: {  	[tilespmem:s20], [sflag:$0x4] =	stream.indirect.gather [hbm4b:s1+s13], $0x80, s19, s13, $0xb8;
	[tilespmem:$0xA400] =	vst v63  }
0x1d: {  	_ = 	snop  }
0x1e: {  	[tilespmem:s22], [sflag:$0x5] =	stream.indirect.gather [hbm4b:s1+s13], $0x80, s21, s13, $0xb8;
	[tilespmem:$0xA400] =	vst v63  }
0x1f: {  	_ =	swait.ge [sflag:s23], $0x1400  }
0x20: {  	[sflag:s23] =	ssyncset.done $0x0  }
0x21: {  	s0 =	sadd.s32 $0xFFFFF600, s11;
	[sflag:s23] =	ssyncadd.s32 $0xFFFFEC00  }
0x22: {  	[hbm4b:s0+s3] =	stream.linear.scatter [tilespmem:s14], [sflag:$0x6], $0x1400, $0x38;
	[tilespmem:$0xA400] =	vst v63  }
0x23: {  	_ =	swait.ge [sflag:s12], $0x1400  }
0x24: {  	[sflag:s12] =	ssyncset.done $0x0  }
0x25: {  	s2 =	simm.s32 $0x280;
	[sflag:s12] =	ssyncadd.s32 $0xFFFFEC00  }
0x26: {  	[tilespmem:s14], [sflag:$0x1] =	stream.indirect.gather [hbm4b:s1+s13], $0x80, s2, s13, $0xb8;
	[tilespmem:$0xA400] =	vst v63  }
0x27: {  	_ =	swait.ge [sflag:s24], $0x1400  }
0x28: {  	[sflag:s24] =	ssyncset.done $0x0  }
0x29: {  	s2 =	sadd.s32 $0xFFFFF880, s11;
	[sflag:s24] =	ssyncadd.s32 $0xFFFFEC00  }
0x2a: {  	[hbm4b:s2+s3] =	stream.linear.scatter [tilespmem:s16], [sflag:$0x6], $0x1400, $0x38;
	[tilespmem:$0xA400] =	vst v63  }
0x2b: {  	_ =	swait.ge [sflag:s12], $0x1400  }
0x2c: {  	[sflag:s12] =	ssyncset.done $0x0  }
0x2d: {  	s2 =	simm.s32 $0x300;
	[sflag:s12] =	ssyncadd.s32 $0xFFFFEC00  }
0x2e: {  	[tilespmem:s16], [sflag:$0x2] =	stream.indirect.gather [hbm4b:s1+s13], $0x80, s2, s13, $0xb8;
	[tilespmem:$0xA400] =	vst v63  }
0x2f: {  	_ =	swait.ge [sflag:s25], $0x1400  }
0x30: {  	[sflag:s25] =	ssyncset.done $0x0  }
0x31: {  	s2 =	sadd.s32 $0xFFFFFB00, s11;
	[sflag:s25] =	ssyncadd.s32 $0xFFFFEC00  }
0x32: {  	[hbm4b:s2+s3] =	stream.linear.scatter [tilespmem:s18], [sflag:$0x6], $0x1400, $0x38;
	[tilespmem:$0xA400] =	vst v63  }
0x33: {  	_ =	swait.ge [sflag:s12], $0x1400  }
0x34: {  	[sflag:s12] =	ssyncset.done $0x0  }
0x35: {  	s2 =	simm.s32 $0x380;
	[sflag:s12] =	ssyncadd.s32 $0xFFFFEC00  }
0x36: {  	[tilespmem:s18], [sflag:$0x3] =	stream.indirect.gather [hbm4b:s1+s13], $0x80, s2, s13, $0xb8;
	[tilespmem:$0xA400] =	vst v63  }
0x37: {  	_ =	swait.ge [sflag:s26], $0x1400  }
0x38: {  	[sflag:s26] =	ssyncset.done $0x0  }
0x39: {  	s2 =	sadd.s32 $0xFFFFFD80, s11;
	[sflag:s26] =	ssyncadd.s32 $0xFFFFEC00  }
0x3a: {  	[hbm4b:s2+s3] =	stream.linear.scatter [tilespmem:s20], [sflag:$0x6], $0x1400, $0x38;
	[tilespmem:$0xA400] =	vst v63  }
0x3b: {  	_ =	swait.ge [sflag:s12], $0x1400  }
0x3c: {  	[sflag:s12] =	ssyncset.done $0x0  }
0x3d: {  	s2 =	simm.s32 $0x400;
	[sflag:s12] =	ssyncadd.s32 $0xFFFFEC00  }
0x3e: {  	[tilespmem:s20], [sflag:$0x4] =	stream.indirect.gather [hbm4b:s1+s13], $0x80, s2, s13, $0xb8;
	[tilespmem:$0xA400] =	vst v63  }
0x3f: {  	_ =	swait.ge [sflag:s28], $0x1400  }
0x40: {  	[sflag:s28] =	ssyncset.done $0x0  }
0x41: {  	[sflag:s28] =	ssyncadd.s32 $0xFFFFEC00  }
0x42: {  	[hbm4b:s11+s3] =	stream.linear.scatter [tilespmem:s22], [sflag:$0x6], $0x1400, $0x38;
	[tilespmem:$0xA400] =	vst v63  }
0x43: {  	_ =	swait.ge [sflag:s12], $0x1400  }
0x44: {  	s30 =	simm.s32 $0xA00;
	[sflag:s12] =	ssyncset.done $0x0  }
0x45: {  	s31 =	sadd.s32 $0xC80, s11;
	s0 =	simm.s32 $0x480;
	[sflag:s12] =	ssyncadd.s32 $0xFFFFEC00  }
.LBB2_2:
0x46: {  	[tilespmem:s22], [sflag:$0x5] =	stream.indirect.gather [hbm4b:s1+s13], $0x80, s0, s13, $0xb8;
	[tilespmem:$0xA400] =	vst v63  }
0x47: {  	s0 =	smov.u32 s30  }
0x48: {  	p0 =	sne.s32 s30, $0xE600;
	s30 =	sadd.s32 $0xA00, s30;
	_ =	swait.ge [sflag:s23], $0x1400  }
0x49: {  	[sflag:s23] =	ssyncset.done $0x0  }
0x4a: {  	s2 =	sadd.s32 $0xFFFFF600, s31;
	[sflag:s23] =	ssyncadd.s32 $0xFFFFEC00  }
0x4b: {  	[hbm4b:s2+s3] =	stream.linear.scatter [tilespmem:s14], [sflag:$0x6], $0x1400, $0x38;
	[tilespmem:$0xA400] =	vst v63  }
0x4c: {  	_ =	swait.ge [sflag:s12], $0x1400  }
0x4d: {  	s0 =	sshra.s32 s0, $0x2;
	[sflag:s12] =	ssyncset.done $0x0  }
0x4e: {  	s2 =	sadd.s32 $0x280, s0;
	[sflag:s12] =	ssyncadd.s32 $0xFFFFEC00  }
0x4f: {  	[tilespmem:s14], [sflag:$0x1] =	stream.indirect.gather [hbm4b:s1+s13], $0x80, s2, s13, $0xb8;
	[tilespmem:$0xA400] =	vst v63  }
0x50: {  	_ =	swait.ge [sflag:s24], $0x1400  }
0x51: {  	[sflag:s24] =	ssyncset.done $0x0  }
0x52: {  	s2 =	sadd.s32 $0xFFFFF880, s31;
	[sflag:s24] =	ssyncadd.s32 $0xFFFFEC00  }
0x53: {  	[hbm4b:s2+s3] =	stream.linear.scatter [tilespmem:s16], [sflag:$0x6], $0x1400, $0x38;
	[tilespmem:$0xA400] =	vst v63  }
0x54: {  	_ =	swait.ge [sflag:s12], $0x1400  }
0x55: {  	[sflag:s12] =	ssyncset.done $0x0  }
0x56: {  	s2 =	sadd.s32 $0x300, s0;
	[sflag:s12] =	ssyncadd.s32 $0xFFFFEC00  }
0x57: {  	[tilespmem:s16], [sflag:$0x2] =	stream.indirect.gather [hbm4b:s1+s13], $0x80, s2, s13, $0xb8;
	[tilespmem:$0xA400] =	vst v63  }
0x58: {  	_ =	swait.ge [sflag:s25], $0x1400  }
0x59: {  	[sflag:s25] =	ssyncset.done $0x0  }
0x5a: {  	s2 =	sadd.s32 $0xFFFFFB00, s31;
	[sflag:s25] =	ssyncadd.s32 $0xFFFFEC00  }
0x5b: {  	[hbm4b:s2+s3] =	stream.linear.scatter [tilespmem:s18], [sflag:$0x6], $0x1400, $0x38;
	[tilespmem:$0xA400] =	vst v63  }
0x5c: {  	_ =	swait.ge [sflag:s12], $0x1400  }
0x5d: {  	[sflag:s12] =	ssyncset.done $0x0  }
0x5e: {  	s2 =	sadd.s32 $0x380, s0;
	[sflag:s12] =	ssyncadd.s32 $0xFFFFEC00  }
0x5f: {  	[tilespmem:s18], [sflag:$0x3] =	stream.indirect.gather [hbm4b:s1+s13], $0x80, s2, s13, $0xb8;
	[tilespmem:$0xA400] =	vst v63  }
0x60: {  	_ =	swait.ge [sflag:s26], $0x1400  }
0x61: {  	[sflag:s26] =	ssyncset.done $0x0  }
0x62: {  	s2 =	sadd.s32 $0xFFFFFD80, s31;
	[sflag:s26] =	ssyncadd.s32 $0xFFFFEC00  }
0x63: {  	[hbm4b:s2+s3] =	stream.linear.scatter [tilespmem:s20], [sflag:$0x6], $0x1400, $0x38;
	[tilespmem:$0xA400] =	vst v63  }
0x64: {  	_ =	swait.ge [sflag:s12], $0x1400  }
0x65: {  	[sflag:s12] =	ssyncset.done $0x0  }
0x66: {  	s2 =	sadd.s32 $0x400, s0;
	[sflag:s12] =	ssyncadd.s32 $0xFFFFEC00  }
0x67: {  	[tilespmem:s20], [sflag:$0x4] =	stream.indirect.gather [hbm4b:s1+s13], $0x80, s2, s13, $0xb8;
	[tilespmem:$0xA400] =	vst v63  }
0x68: {  	_ =	swait.ge [sflag:s28], $0x1400  }
0x69: {  	[sflag:s28] =	ssyncset.done $0x0  }
.Ltmp0:
0x6a: {  	[sflag:s28] =	ssyncadd.s32 $0xFFFFEC00;
	(pc) =	sbr.rel @p0 .LBB2_2-.Ltmp0, $4  }
0x6b: {  	[hbm4b:s31+s3] =	stream.linear.scatter [tilespmem:s22], [sflag:$0x6], $0x1400, $0x38;
	[tilespmem:$0xA400] =	vst v63  }
0x6c: {  	_ =	swait.ge [sflag:s12], $0x1400  }
0x6d: {  	[sflag:s12] =	ssyncset.done $0x0  }
0x6e: {  	s0 =	sadd.s32 $0x480, s0;
	s31 =	sadd.s32 $0xC80, s31;
	[sflag:s12] =	ssyncadd.s32 $0xFFFFEC00  }
0x6f: {  	[tilespmem:s22], [sflag:$0x5] =	stream.indirect.gather [hbm4b:s1+s13], $0x80, s0, s13, $0xb8;
	[tilespmem:$0xA400] =	vst v63  }
0x70: {  	_ =	swait.ge [sflag:s23], $0x1400  }
0x71: {  	[sflag:s23] =	ssyncset.done $0x0  }
0x72: {  	[sflag:s23] =	ssyncadd.s32 $0xFFFFEC00  }
0x73: {  	[hbm4b:s5+s3] =	stream.linear.scatter [tilespmem:s14], [sflag:$0x6], $0x1400, $0x38;
	[tilespmem:$0xA400] =	vst v63  }
0x74: {  	_ =	swait.ge [sflag:s12], $0x1400  }
0x75: {  	[sflag:s12] =	ssyncset.done $0x0  }
0x76: {  	[sflag:s12] =	ssyncadd.s32 $0xFFFFEC00  }
0x77: {  	_ =	swait.ge [sflag:s24], $0x1400  }
0x78: {  	[sflag:s24] =	ssyncset.done $0x0  }
0x79: {  	[sflag:s24] =	ssyncadd.s32 $0xFFFFEC00  }
0x7a: {  	[hbm4b:s6+s3] =	stream.linear.scatter [tilespmem:s16], [sflag:$0x6], $0x1400, $0x38;
	[tilespmem:$0xA400] =	vst v63  }
0x7b: {  	_ =	swait.ge [sflag:s12], $0x1400  }
0x7c: {  	[sflag:s12] =	ssyncset.done $0x0  }
0x7d: {  	[sflag:s12] =	ssyncadd.s32 $0xFFFFEC00  }
0x7e: {  	_ =	swait.ge [sflag:s25], $0x1400  }
0x7f: {  	[sflag:s25] =	ssyncset.done $0x0  }
0x80: {  	[sflag:s25] =	ssyncadd.s32 $0xFFFFEC00  }
0x81: {  	[hbm4b:s7+s3] =	stream.linear.scatter [tilespmem:s18], [sflag:$0x6], $0x1400, $0x38;
	[tilespmem:$0xA400] =	vst v63  }
0x82: {  	_ =	swait.ge [sflag:s12], $0x1400  }
0x83: {  	[sflag:s12] =	ssyncset.done $0x0  }
0x84: {  	[sflag:s12] =	ssyncadd.s32 $0xFFFFEC00  }
0x85: {  	_ =	swait.ge [sflag:s26], $0x1400  }
0x86: {  	[sflag:s26] =	ssyncset.done $0x0  }
0x87: {  	[sflag:s26] =	ssyncadd.s32 $0xFFFFEC00  }
0x88: {  	[hbm4b:s8+s3] =	stream.linear.scatter [tilespmem:s20], [sflag:$0x6], $0x1400, $0x38;
	[tilespmem:$0xA400] =	vst v63  }
0x89: {  	_ =	swait.ge [sflag:s12], $0x1400  }
0x8a: {  	[sflag:s12] =	ssyncset.done $0x0  }
0x8b: {  	[sflag:s12] =	ssyncadd.s32 $0xFFFFEC00  }
0x8c: {  	s29 =	sadd.s32 $0x1, s29;
	_ =	swait.ge [sflag:s28], $0x1400  }
0x8d: {  	p0 =	sne.s32 s29, s10;
	[sflag:s28] =	ssyncset.done $0x0  }
.Ltmp1:
0x8e: {  	[sflag:s28] =	ssyncadd.s32 $0xFFFFEC00;
	(pc) =	sbr.rel @p0 .LBB2_1-.Ltmp1, $4  }
0x8f: {  	[hbm4b:s9+s3] =	stream.linear.scatter [tilespmem:s22], [sflag:$0x6], $0x1400, $0x38;
	[tilespmem:$0xA400] =	vst v63  }
0x90: {  	_ =	swait.ge [sflag:s12], $0x1400  }
0x91: {  	[sflag:s12] =	ssyncset.done $0x0  }
0x92: {  	[sflag:s12] =	ssyncadd.s32 $0xFFFFEC00  }
0x93: {  	_ =	sfence.sel $0x180000  }
0x94: {  	[bflag:$0x0] =	sbarrier.arrive $0xFFFF  }
0x95: {  	_ =	strace $0x90000047  }
0x96: {  	s0 =	stileid.u32;
	[bflag:$0x2] =	sbarrier.arrive $0xFFFF  }
0x97: {  	p0 =	sne.s32 s0, $0x0;
	s0 =	rddreg [dreg:$0x2]  }
0x98: {  	s0 =	sadd.s32 @!p0 $0x100000, s0  }
0x99: {  	[sflag:s0] =	ssyncadd.tile.s32 @!p0 $0x1;
	_ =	shalt  }
.Lfunc_end2:
_tile_overlayer_lowered:
.L_overlay_start_2:
0x9a: {  	(tag) =	ssettag $0x2  }
0x9b: {  	s0 =	rddreg [dreg:$0x0];
	s2 =	stileid.u32  }
0x9c: {  	s1 =	rddreg [dreg:$0x1];
	p0 =	sne.s32 s2, $0x0  }
0x9d: {  	s3 =	rddreg [dreg:$0x2];
	[bflag:$0x3] =	sbarrier.arrive $0xFFFF;
	s2 =	simm.s32 @!p0 $0x1C06  }
0x9e: {  	[timem:s3], [sflag:s2] =	dma.local @!p0 [hbm:s0], s1  }
0x9f: {  	s0 =	simm.s32 @!p0 $0x6  }
0xa0: {  	_ =	swait.ge @!p0 [sflag:s0], s1  }
0xa1: {  	s1 =	ssub.s32 @!p0 $0x0, s1;
	[sflag:s0] =	ssyncset.done @!p0 $0x0  }
0xa2: {  	[sflag:s0] =	ssyncadd.s32 @!p0 s1  }
0xa3: {  	[bflag:$0x3] =	sbarrier.arrive $0xFFFF  }
0xa4: {  	_ =	shalt  }

// kernel: kernel.19.cloned.1.call-start
scs
__scs_entry_jumppad:
0x0: {  	(pc) =	sbr.rel $0x88, $3  }
0x1: {  	(tag) =	ssettag $0x0;
	lr =	simm.s32 $0x1  }
0x2: {  	[smem:$0x3F95] =	sst lr;
	_ =	strace $0xD0000000  }
0x3: {  	_ = 	snop  }
0x4: {  	_ = 	snop  }
0x5: {  	_ = 	snop  }
0x6: {  	_ = 	snop  }
0x7: {  	_ = 	snop  }
__scs_overlays_trampoline_lowered:
0x8: {  	[smem:$0x3FA4] =	sst s0  }
0x9: {  	[smem:$0x3FA5] =	sst s1  }
0xa: {  	[smem:$0x3FA6] =	sst s2  }
0xb: {  	[smem:$0x3FA7] =	sst s3  }
0xc: {  	[smem:$0x3FA8] =	sst s4  }
0xd: {  	[smem:$0x3FA9] =	sst s5  }
0xe: {  	[smem:$0x3FAA] =	sst s6  }
0xf: {  	[smem:$0x3FAB] =	sst s7  }
0x10: {  	[smem:$0x3FAC] =	sst s8  }
0x11: {  	[smem:$0x3FAD] =	sst s9;
	s0 =	simm.s32 @!p0 $0x0  }
0x12: {  	s1 =	sld [smem:$0x3F93];
	s0 =	simm.s32 @p0 $0x1  }
0x13: {  	[smem:$0x3FAE] =	sst s0;
	s0 =	simm.s32 @!p1 $0x0  }
0x14: {  	s2 =	sld [smem:$0x3F92];
	s0 =	simm.s32 @p1 $0x1  }
0x15: {  	[smem:$0x3FAF] =	sst s0;
	s0 =	simm.s32 @!p2 $0x0  }
0x16: {  	s3 =	sld [smem:$0x3FDB];
	s0 =	simm.s32 @p2 $0x1  }
0x17: {  	s4 =	simm.s32 $0x1BF5;
	[smem:$0x3FB1] =	sst s0  }
0x18: {  	s0 =	sld [smem:$0x3F94];
	_ =	swait.ge [sflag:s4], $0x0  }
0x19: {  	s7 =	sld [smem:$0x3F95]  }
0x1a: {  	s8 =	sadd.s32 $0xFFFFE003, lr  }
0x1b: {  	s9 =	sadd.s32 $0xFFFFFEF7, lr;
	s5 =	simm.s32 $0xFFFFFFFF;
	p2 =	slt.u32 s8, $0xFFFFF086  }
0x1c: {  	p1 =	slt.u32 s9, $0xF7A;
	s5 =	simm.s32 @!p2 $0x0  }
0x1d: {  	s5 =	simm.s32 @p1 $0x1;
	p0 =	seq.s32 s7, s2  }
0x1e: {  	s7 =	smul.u32 @!p0 $0xF7A, s2;
	p2 =	seq.s32 @!p0 s5, $0x0  }
0x1f: {  	s9 =	smul.u32 $0xF7A, s1;
	s8 =	simm.s32 @!p0 $0x1BF5;
	p2 =	por !p2, p0  }
0x20: {  	[sflag:s8] =	ssyncset.s32 @!p0 $0xFFFFF086;
	s6 =	sadd.s32 @!p0 s3, s7;
	s7 =	simm.s32 @!p0 $0x108  }
0x21: {  	s3 =	sadd.s32 s3, s9;
	s6 =	sadd.s32 @!p0 $0x88, s6;
	s7 =	simm.s32 @p2 $0x1082  }
0x22: {  	[simem:s7], [sflag:s8] =	dma.local @!p0 [hbm:s6], $0xF7A  }
0x23: {  	s9 =	sor.u32 $0xD0000000, s2;
	s6 =	simm.s32 $0x108;
	_ =	swait.ge @!p0 [sflag:s8], $0x0  }
0x24: {  	s3 =	sadd.s32 $0x88, s3;
	s6 =	simm.s32 @!p1 $0x1082;
	[sflag:s4] =	ssyncset.s32 $0xFFFFF086  }
0x25: {  	[simem:s6], [sflag:s4] =	dma.local [hbm:s3], $0xF7A  }
0x26: {  	[smem:$0x3F95] =	sst s1;
	(tag) =	ssettag s2;
	_ =	strace s9  }
0x27: {  	s1 =	sld [smem:$0x3FA5]  }
0x28: {  	s2 =	sld [smem:$0x3FA6]  }
0x29: {  	s4 =	sld [smem:$0x3FA8]  }
0x2a: {  	p0 =	seq.s32 s5, $0x0;
	s5 =	sld [smem:$0x3FA9]  }
0x2b: {  	s6 =	sld [smem:$0x3FAA]  }
0x2c: {  	s7 =	sld [smem:$0x3FAB]  }
0x2d: {  	s3 =	simm.s32 $0x108;
	s8 =	sld [smem:$0x3FAC]  }
0x2e: {  	s3 =	simm.s32 @!p0 $0x1082;
	s9 =	sld [smem:$0x3FAD]  }
0x2f: {  	lr =	sadd.s32 s0, s3;
	s0 =	sld [smem:$0x3FA4]  }
0x30: {  	s3 =	sld [smem:$0x3FA7]  }
0x31: {  	[smem:$0x3FB0] =	sst s10  }
0x32: {  	s10 =	sld [smem:$0x3FAE];
	_ =	sdelay $0x3  }
0x33: {  	p0 =	seq.s32 s10, $0x1;
	s10 =	sld [smem:$0x3FB0];
	_ =	sdelay $0x3  }
0x34: {  	[smem:$0x3FB0] =	sst s10  }
0x35: {  	s10 =	sld [smem:$0x3FAF];
	_ =	sdelay $0x3  }
0x36: {  	p1 =	seq.s32 s10, $0x1;
	s10 =	sld [smem:$0x3FB0];
	_ =	sdelay $0x3  }
0x37: {  	[smem:$0x3FB0] =	sst s10  }
0x38: {  	s10 =	sld [smem:$0x3FB1]  }
0x39: {  	_ = 	snop;
	(pc) =	sbr.ind lr, $3  }
0x3a: {  	_ = 	snop  }
0x3b: {  	_ = 	snop  }
0x3c: {  	p2 =	seq.s32 s10, $0x1;
	s10 =	sld [smem:$0x3FB0]  }
0x3d: {  	_ =	shalt  }
0x3e: {  	_ =	shalt  }
0x3f: {  	_ =	shalt  }
0x40: {  	_ =	shalt  }
0x41: {  	_ =	shalt  }
0x42: {  	_ =	shalt  }
0x43: {  	_ =	shalt  }
0x44: {  	_ =	shalt  }
0x45: {  	_ =	shalt  }
0x46: {  	_ =	shalt  }
0x47: {  	_ =	shalt  }
0x48: {  	_ =	shalt  }
0x49: {  	_ =	shalt  }
0x4a: {  	_ =	shalt  }
0x4b: {  	_ =	shalt  }
0x4c: {  	_ =	shalt  }
0x4d: {  	_ =	shalt  }
0x4e: {  	_ =	shalt  }
0x4f: {  	_ =	shalt  }
0x50: {  	_ =	shalt  }
0x51: {  	_ =	shalt  }
0x52: {  	_ =	shalt  }
0x53: {  	_ =	shalt  }
0x54: {  	_ =	shalt  }
0x55: {  	_ =	shalt  }
0x56: {  	_ =	shalt  }
0x57: {  	_ =	shalt  }
0x58: {  	_ =	shalt  }
0x59: {  	_ =	shalt  }
0x5a: {  	_ =	shalt  }
0x5b: {  	_ =	shalt  }
0x5c: {  	_ =	shalt  }
0x5d: {  	_ =	shalt  }
0x5e: {  	_ =	shalt  }
0x5f: {  	_ =	shalt  }
0x60: {  	_ =	shalt  }
0x61: {  	_ =	shalt  }
0x62: {  	_ =	shalt  }
0x63: {  	_ =	shalt  }
0x64: {  	_ =	shalt  }
0x65: {  	_ =	shalt  }
0x66: {  	_ =	shalt  }
0x67: {  	_ =	shalt  }
0x68: {  	_ =	shalt  }
0x69: {  	_ =	shalt  }
0x6a: {  	_ =	shalt  }
0x6b: {  	_ =	shalt  }
0x6c: {  	_ =	shalt  }
0x6d: {  	_ =	shalt  }
0x6e: {  	_ =	shalt  }
0x6f: {  	_ =	shalt  }
0x70: {  	_ =	shalt  }
0x71: {  	_ =	shalt  }
0x72: {  	_ =	shalt  }
0x73: {  	_ =	shalt  }
0x74: {  	_ =	shalt  }
0x75: {  	_ =	shalt  }
0x76: {  	_ =	shalt  }
0x77: {  	_ =	shalt  }
0x78: {  	_ =	shalt  }
0x79: {  	_ =	shalt  }
0x7a: {  	_ =	shalt  }
0x7b: {  	_ =	shalt  }
0x7c: {  	_ =	shalt  }
0x7d: {  	_ =	shalt  }
0x7e: {  	_ =	shalt  }
0x7f: {  	_ =	shalt  }
0x80: {  	_ =	shalt  }
0x81: {  	_ =	shalt  }
0x82: {  	_ =	shalt  }
0x83: {  	_ =	shalt  }
0x84: {  	_ =	shalt  }
0x85: {  	_ =	shalt  }
0x86: {  	_ =	shalt  }
0x87: {  	_ =	shalt  }
.Lfunc_end0:
.L_simem_size_0:
called_computation.3_lowered:
.L_overlay_start_0:
0x88: {  	s2 =	sld [smem:$0x3FD9]  }
0x89: {  	s3 =	sld [smem:$0x3FFE];
	_ =	sdelay $0x1  }
0x8a: {  	s1 =	srdreg.scid  }
0x8b: {  	s0 =	sand.u32 $0x1, s1  }
0x8c: {  	s17 =	sshll.u32 s0, $0xA;
	s2 =	sadd.s32 s3, s2  }
0x8d: {  	s2 =	sadd.s32 s2, s17  }
0x8e: {  	[smem:$0x3FBC] =	sst s2  }
0x8f: {  	_ = 	snop  }
0x90: {  	(tm) =	ssettm $0x1  }
0x91: {  	s18 =	sld [smem:$0x3FFB];
	_ =	sdelay $0x3  }
0x92: {  	_ =	strace s18  }
0x93: {  	s2 =	sld [smem:$0x3FFC];
	_ =	sdelay $0x3  }
0x94: {  	_ =	strace s2  }
0x95: {  	s2 =	sld [smem:$0x3FFD];
	_ =	sdelay $0x3  }
0x96: {  	_ =	strace s2  }
0x97: {  	_ =	strace $0x8FFFFFFF  }
0x98: {  	s19 =	sld [smem:$0x3FDB];
	_ =	sdelay $0x1  }
0x99: {  	s20 =	simm.s32 $_scs_section_size  }
0x9a: {  	s4 =	simm.s32 $_size__tile_overlayer_lowered;
	s5 =	simm.s32 $_tile_overlayer_lowered  }
0x9b: {  	s6 =	simm.s32 $0x1BFF;
	s21 =	sshll.u32 s5, $0x1;
	s3 =	sadd.s32 s20, s19  }
0x9c: {  	s22 =	simm.s32 $0x0;
	s4 =	sshll.u32 s4, $0x1;
	s5 =	sadd.s32 s21, s3  }
0x9d: {  	[timem:s22], [sflag:s6] =	dma.local [hbm:s5], s4  }
0x9e: {  	_ =	swait.ge [sflag:s6], s4  }
0x9f: {  	s4 =	ssub.s32 $0x0, s4;
	[sflag:s6] =	ssyncset.done $0x0  }
0xa0: {  	[sflag:s6] =	ssyncadd.s32 s4;
	_ =	sdelay $0x1  }
0xa1: {  	s23 =	simm.s32 $0x1B8B  }
0xa2: {  	_ =	swait.ge [sflag:s23], $0x1  }
0xa3: {  	[sflag:s23] =	ssyncset.done $0x0  }
0xa4: {  	[sflag:s23] =	ssyncadd.s32 $0xFFFFFFFF  }
0xa5: {  	s4 =	sld [smem:$0x0]  }
0xa6: {  	s5 =	sand.u32 $0xFFFFFFFE, s1  }
0xa7: {  	p0 =	sne.s32 s1, s5  }
0xa8: {  	s5 =	sshll.u32 @p0 s5, $0xE  }
0xa9: {  	s5 =	sadd.s32 @p0 $0x11B8D, s5;
	s6 =	sshll.u32 @p0 s4, $0x11  }
0xaa: {  	s5 =	sor.u32 @p0 s6, s5  }
0xab: {  	[sflag:s5] =	ssyncadd.remote.s32 @p0 $0x1;
	_ =	sdelay $0x1  }
0xac: {  	s5 =	simm.s32 @p0 $0x1B8D  }
0xad: {  	_ =	swait.eq @p0 [sflag:s5], $0x1  }
0xae: {  	[sflag:s5] =	ssyncadd.s32 @p0 $0xFFFFFFFF  }
0xaf: {  	s6 =	sshll.u32 @!p0 s1, $0xE  }
0xb0: {  	s6 =	sor.u32 @!p0 $0x4000, s6;
	s5 =	simm.s32 @!p0 $0x1B8D  }
0xb1: {  	s4 =	sshll.u32 @!p0 s4, $0x11;
	s6 =	sadd.s32 @!p0 $0x11B8D, s6;
	_ =	swait.eq @!p0 [sflag:s5], $0x1  }
0xb2: {  	s4 =	sor.u32 @!p0 s4, s6;
	[sflag:s5] =	ssyncadd.s32 @!p0 $0xFFFFFFFF  }
0xb3: {  	s25 =	simm.s32 $0x1B8E;
	s24 =	sld [smem:$0x3FFE];
	[sflag:s4] =	ssyncadd.remote.s32 @!p0 $0x1  }
0xb4: {  	s26 =	simm.s32 $execute0_lowered;
	[smem:$0x3FD2] =	sst s25  }
0xb5: {  	s5 =	sshll.u32 s26, $0x1;
	_ =	strace $0x8000004C;
	[dreg:$0x1] =	wrdreg $0xFFFFFFFF  }
0xb6: {  	s28 =	simm.s32 $_size_execute0_lowered;
	s3 =	sadd.s32 s3, s5;
	[dreg:$0x0] =	wrdreg $0x0  }
0xb7: {  	s5 =	sshll.u32 s28, $0x1;
	[dreg:$0x2] =	wrdreg s3  }
0xb8: {  	[dreg:$0x3] =	wrdreg s5  }
0xb9: {  	[dreg:$0x4] =	wrdreg $0xC0  }
0xba: {  	_ =	task [dreg:s22], $0x5FFFF  }
0xbb: {  	[dreg:$0x1] =	wrdreg $0xFFFFFFFF  }
0xbc: {  	[dreg:$0x0] =	wrdreg $0x60  }
0xbd: {  	[dreg:$0x2] =	wrdreg s24  }
0xbe: {  	[dreg:$0x3] =	wrdreg $0xA4000  }
0xbf: {  	[dreg:$0x4] =	wrdreg $0xA  }
0xc0: {  	_ =	task.clear_ibuf [dreg:s22], $0x5FFFF;
	_ =	strace $0x9000004C  }
0xc1: {  	s29 =	simm.s32 $0xA;
	_ =	strace $0x8000004E  }
0xc2: {  	_ =	swait.ge [sflag:s29], $0x1  }
0xc3: {  	[sflag:s29] =	ssyncadd.s32 $0xFFFFFFFF  }
0xc4: {  	_ =	strace $0x9000004E  }
0xc5: {  	_ =	sfence  }
0xc6: {  	s30 =	sld [smem:$0x0];
	_ =	sdelay $0x2  }
0xc7: {  	s31 =	sshll.u32 s1, $0xD;
	s1 =	sshrl.u32 s1, $0x2  }
0xc8: {  	s4 =	sand.u32 $0x4000, s31;
	s1 =	sadd.s32 s1, s30  }
0xc9: {  	s0 =	sor.u32 s4, s0;
	s1 =	sshll.u32 s1, $0x11  }
0xca: {  	s0 =	sor.u32 s1, s0  }
0xcb: {  	s0 =	sadd.s32 $0x8F2B, s0  }
0xcc: {  	[sflag:s0] =	ssyncadd.remote.s32 $0x1  }
0xcd: {  	_ =	sfence.sel $0xFFFF  }
0xce: {  	[dreg:$0x0] =	wrdreg $0xFFFFFFFF;
	(pc) =	sbr.abs _section_cstart, $3  }
0xcf: {  	[dreg:$0x1] =	wrdreg $0xFFFFFFFF  }
0xd0: {  	_ =	task.clear_ibuf [dreg:s22], $0x2FFFF;
	_ =	strace $0x9FFFFFFF  }
0xd1: {  	(tm) =	ssettm $0x7FFFFFFF  }
tec
execute0_lowered:
.L_overlay_start_1:
0x0: {  	(tag) =	ssettag $0x1  }
0x1: {  	s0 =	rddreg [dreg:$0x0]  }
0x2: {  	s2 =	rddreg [dreg:$0x1]  }
0x3: {  	s1 =	srdreg.scid;
	s15 =	stileid.u32;
	s3 =	simm.s32 $0x0  }
0x4: {  	s17 =	simm.s32 $0x4000;
	s18 =	simm.s32 $0x5400;
	s19 =	simm.s32 $0x6800  }
0x5: {  	s20 =	simm.s32 $0x7C00;
	s21 =	simm.s32 $0x9000;
	s22 =	simm.s32 $0x1  }
0x6: {  	s23 =	simm.s32 $0x28;
	s24 =	simm.s32 $0x2;
	s28 =	simm.s32 $0x5  }
0x7: {  	s29 =	simm.s32 $0x0;
	s1 =	sand.u32 $0x1, s1;
	s5 =	smul.u32 $0x14000, s15  }
0x8: {  	s4 =	sshll.u32 s15, $0x1;
	[smem:$0x7FF] =	sst s3;
	s9 =	smul.u32 $0x50000, s15  }
0x9: {  	s13 =	sadd.s32 $0xEE8C00, s0;
	s14 =	smul.u32 $0x27100, s15;
	s15 =	sshll.u32 s15, $0x6  }
0xa: {  	s4 =	sor.u32 s1, s4;
	_ =	strace $0x8000004D;
	s7 =	smul.u32 $0x140000, s1  }
0xb: {  	s25 =	ssub.s32 $0x2, s1;
	s30 =	smul.u32 $0x13880, s1;
	s15 =	sor.u32 $0x1C06, s15  }
0xc: {  	s6 =	sshll.u32 s4, $0xB;
	s8 =	sshrl.u32 s5, $0x3;
	s10 =	sshrl.u32 s25, $0x1  }
0xd: {  	s11 =	smul.u32 $0x13880, s4;
	s26 =	sshrl.u32 s9, $0x2;
	s31 =	sadd.s32 s14, s13  }
0xe: {  	s14 =	simm.s32 $0x6;
	s6 =	sadd.s32 s6, s0;
	s5 =	sadd.s32 s5, s7  }
0xf: {  	s8 =	sadd.s32 s8, s0;
	s12 =	ssub.s32 s25, s10;
	s16 =	sadd.s32 s26, s2  }
0x10: {  	s25 =	simm.s32 $0x3;
	s26 =	simm.s32 $0x4;
	s5 =	sshrl.u32 s5, $0x3  }
0x11: {  	s4 =	sadd.s32 $0xED8C00, s6;
	s6 =	sadd.s32 $0x3E00, s8;
	s12 =	smax.u32 s12, $0x1  }
0x12: {  	s16 =	sshrl.u32 s16, $0x3;
	s0 =	sadd.s32 s5, s0;
	s5 =	sadd.s32 s13, s11  }
0x13: {  	s13 =	sadd.s32 s30, s31;
	s7 =	sadd.s32 $0x280, s5;
	s8 =	sadd.s32 $0x500, s5  }
0x14: {  	s9 =	sadd.s32 $0x780, s5;
	s10 =	sadd.s32 $0xA00, s5;
	s11 =	sadd.s32 $0x2BE00, s0  }
.LBB2_1:
0x15: {  	[tilespmem:s3], [sflag:$0x6] =	stream.linear.gather [hbm4b:s4+s3], $0x3E80, $0x38;
	[tilespmem:$0x1E400] =	vst v63  }
0x16: {  	_ =	swait.ge [sflag:s14], $0x3E80  }
0x17: {  	[sflag:s14] =	ssyncset.done $0x0  }
0x18: {  	[sflag:s14] =	ssyncadd.s32 $0xFFFFC180  }
0x19: {  	[spmem:s16], [sflag:s15] =	dma.local [hbm:s6], $0x2800  }
0x1a: {  	_ =	swait.ge [sflag:s14], $0x2800  }
0x1b: {  	[sflag:s14] =	ssyncset.done $0x0  }
0x1c: {  	[sflag:s14] =	ssyncadd.s32 $0xFFFFD800  }
0x1d: {  	[bflag:$0x0] =	sbarrier.arrive $0xFFFF  }
0x1e: {  	[tilespmem:s17], [sflag:$0x1] =	stream.linear.gather [hbm4b:s5+s3], $0x1400, $0x38;
	[tilespmem:$0x1E400] =	vst v63  }
0x1f: {  	_ = 	snop  }
0x20: {  	[tilespmem:s18], [sflag:$0x2] =	stream.linear.gather [hbm4b:s7+s3], $0x1400, $0x38;
	[tilespmem:$0x1E400] =	vst v63  }
0x21: {  	_ = 	snop  }
0x22: {  	[tilespmem:s19], [sflag:$0x3] =	stream.linear.gather [hbm4b:s8+s3], $0x1400, $0x38;
	[tilespmem:$0x1E400] =	vst v63  }
0x23: {  	_ = 	snop  }
0x24: {  	[tilespmem:s20], [sflag:$0x4] =	stream.linear.gather [hbm4b:s9+s3], $0x1400, $0x38;
	[tilespmem:$0x1E400] =	vst v63  }
0x25: {  	_ = 	snop  }
0x26: {  	[tilespmem:s21], [sflag:$0x5] =	stream.linear.gather [hbm4b:s10+s3], $0x1400, $0x38;
	[tilespmem:$0x1E400] =	vst v63  }
0x27: {  	_ =	swait.ge [sflag:s22], $0x1400  }
0x28: {  	[sflag:s22] =	ssyncset.done $0x0  }
0x29: {  	s0 =	simm.s32 $0x0;
	[sflag:s22] =	ssyncadd.s32 $0xFFFFEC00  }
0x2a: {  	[spmem:s2] =	stream.indirect.scatter.add.f32 [tilespmem:s17], [sflag:$0x6], $0x80, s0, s23, $0xb8;
	[tilespmem:$0x1E400] =	vst v63  }
0x2b: {  	_ =	swait.ge [sflag:s14], $0x1400  }
0x2c: {  	s1 =	sadd.s32 $0x0, s13;
	[sflag:s14] =	ssyncset.done $0x0  }
0x2d: {  	s30 =	sadd.s32 $0xC80, s1;
	[sflag:s14] =	ssyncadd.s32 $0xFFFFEC00  }
0x2e: {  	[tilespmem:s17], [sflag:$0x1] =	stream.linear.gather [hbm4b:s30+s3], $0x1400, $0x38;
	[tilespmem:$0x1E400] =	vst v63  }
0x2f: {  	_ =	swait.ge [sflag:s24], $0x1400  }
0x30: {  	[sflag:s24] =	ssyncset.done $0x0  }
0x31: {  	s30 =	simm.s32 $0x80;
	[sflag:s24] =	ssyncadd.s32 $0xFFFFEC00  }
0x32: {  	[spmem:s2] =	stream.indirect.scatter.add.f32 [tilespmem:s18], [sflag:$0x6], $0x80, s30, s23, $0xb8;
	[tilespmem:$0x1E400] =	vst v63  }
0x33: {  	_ =	swait.ge [sflag:s14], $0x1400  }
0x34: {  	[sflag:s14] =	ssyncset.done $0x0  }
0x35: {  	s30 =	sadd.s32 $0xF00, s1;
	[sflag:s14] =	ssyncadd.s32 $0xFFFFEC00  }
0x36: {  	[tilespmem:s18], [sflag:$0x2] =	stream.linear.gather [hbm4b:s30+s3], $0x1400, $0x38;
	[tilespmem:$0x1E400] =	vst v63  }
0x37: {  	_ =	swait.ge [sflag:s25], $0x1400  }
0x38: {  	[sflag:s25] =	ssyncset.done $0x0  }
0x39: {  	s30 =	simm.s32 $0x100;
	[sflag:s25] =	ssyncadd.s32 $0xFFFFEC00  }
0x3a: {  	[spmem:s2] =	stream.indirect.scatter.add.f32 [tilespmem:s19], [sflag:$0x6], $0x80, s30, s23, $0xb8;
	[tilespmem:$0x1E400] =	vst v63  }
0x3b: {  	_ =	swait.ge [sflag:s14], $0x1400  }
0x3c: {  	[sflag:s14] =	ssyncset.done $0x0  }
0x3d: {  	s30 =	sadd.s32 $0x1180, s1;
	[sflag:s14] =	ssyncadd.s32 $0xFFFFEC00  }
0x3e: {  	[tilespmem:s19], [sflag:$0x3] =	stream.linear.gather [hbm4b:s30+s3], $0x1400, $0x38;
	[tilespmem:$0x1E400] =	vst v63  }
0x3f: {  	_ =	swait.ge [sflag:s26], $0x1400  }
0x40: {  	[sflag:s26] =	ssyncset.done $0x0  }
0x41: {  	s30 =	simm.s32 $0x180;
	[sflag:s26] =	ssyncadd.s32 $0xFFFFEC00  }
0x42: {  	[spmem:s2] =	stream.indirect.scatter.add.f32 [tilespmem:s20], [sflag:$0x6], $0x80, s30, s23, $0xb8;
	[tilespmem:$0x1E400] =	vst v63  }
0x43: {  	_ =	swait.ge [sflag:s14], $0x1400  }
0x44: {  	[sflag:s14] =	ssyncset.done $0x0  }
0x45: {  	s30 =	sadd.s32 $0x1400, s1;
	[sflag:s14] =	ssyncadd.s32 $0xFFFFEC00  }
0x46: {  	[tilespmem:s20], [sflag:$0x4] =	stream.linear.gather [hbm4b:s30+s3], $0x1400, $0x38;
	[tilespmem:$0x1E400] =	vst v63  }
0x47: {  	_ =	swait.ge [sflag:s28], $0x1400  }
0x48: {  	[sflag:s28] =	ssyncset.done $0x0  }
0x49: {  	s30 =	simm.s32 $0x200;
	[sflag:s28] =	ssyncadd.s32 $0xFFFFEC00  }
0x4a: {  	[spmem:s2] =	stream.indirect.scatter.add.f32 [tilespmem:s21], [sflag:$0x6], $0x80, s30, s23, $0xb8;
	[tilespmem:$0x1E400] =	vst v63  }
0x4b: {  	_ =	swait.ge [sflag:s14], $0x1400  }
0x4c: {  	s31 =	simm.s32 $0x480;
	[sflag:s14] =	ssyncset.done $0x0  }
0x4d: {  	s0 =	sadd.s32 $0x1680, s1;
	s30 =	simm.s32 $0xC80;
	[sflag:s14] =	ssyncadd.s32 $0xFFFFEC00  }
.LBB2_2:
0x4e: {  	[tilespmem:s21], [sflag:$0x5] =	stream.linear.gather [hbm4b:s0+s3], $0x1400, $0x38;
	[tilespmem:$0x1E400] =	vst v63  }
0x4f: {  	s0 =	smov.u32 s30  }
0x50: {  	p0 =	sne.s32 s30, $0x11F80;
	s30 =	sadd.s32 $0xC80, s30;
	_ =	swait.ge [sflag:s22], $0x1400  }
0x51: {  	[sflag:s22] =	ssyncset.done $0x0  }
0x52: {  	s1 =	sadd.s32 $0xFFFFFE00, s31;
	[sflag:s22] =	ssyncadd.s32 $0xFFFFEC00  }
0x53: {  	[spmem:s2] =	stream.indirect.scatter.add.f32 [tilespmem:s17], [sflag:$0x6], $0x80, s1, s23, $0xb8;
	[tilespmem:$0x1E400] =	vst v63  }
0x54: {  	_ =	swait.ge [sflag:s14], $0x1400  }
0x55: {  	s0 =	sadd.s32 s0, s13;
	[sflag:s14] =	ssyncset.done $0x0  }
0x56: {  	s1 =	sadd.s32 $0xC80, s0;
	[sflag:s14] =	ssyncadd.s32 $0xFFFFEC00  }
0x57: {  	[tilespmem:s17], [sflag:$0x1] =	stream.linear.gather [hbm4b:s1+s3], $0x1400, $0x38;
	[tilespmem:$0x1E400] =	vst v63  }
0x58: {  	_ =	swait.ge [sflag:s24], $0x1400  }
0x59: {  	[sflag:s24] =	ssyncset.done $0x0  }
0x5a: {  	s1 =	sadd.s32 $0xFFFFFE80, s31;
	[sflag:s24] =	ssyncadd.s32 $0xFFFFEC00  }
0x5b: {  	[spmem:s2] =	stream.indirect.scatter.add.f32 [tilespmem:s18], [sflag:$0x6], $0x80, s1, s23, $0xb8;
	[tilespmem:$0x1E400] =	vst v63  }
0x5c: {  	_ =	swait.ge [sflag:s14], $0x1400  }
0x5d: {  	[sflag:s14] =	ssyncset.done $0x0  }
0x5e: {  	s1 =	sadd.s32 $0xF00, s0;
	[sflag:s14] =	ssyncadd.s32 $0xFFFFEC00  }
0x5f: {  	[tilespmem:s18], [sflag:$0x2] =	stream.linear.gather [hbm4b:s1+s3], $0x1400, $0x38;
	[tilespmem:$0x1E400] =	vst v63  }
0x60: {  	_ =	swait.ge [sflag:s25], $0x1400  }
0x61: {  	[sflag:s25] =	ssyncset.done $0x0  }
0x62: {  	s1 =	sadd.s32 $0xFFFFFF00, s31;
	[sflag:s25] =	ssyncadd.s32 $0xFFFFEC00  }
0x63: {  	[spmem:s2] =	stream.indirect.scatter.add.f32 [tilespmem:s19], [sflag:$0x6], $0x80, s1, s23, $0xb8;
	[tilespmem:$0x1E400] =	vst v63  }
0x64: {  	_ =	swait.ge [sflag:s14], $0x1400  }
0x65: {  	[sflag:s14] =	ssyncset.done $0x0  }
0x66: {  	s1 =	sadd.s32 $0x1180, s0;
	[sflag:s14] =	ssyncadd.s32 $0xFFFFEC00  }
0x67: {  	[tilespmem:s19], [sflag:$0x3] =	stream.linear.gather [hbm4b:s1+s3], $0x1400, $0x38;
	[tilespmem:$0x1E400] =	vst v63  }
0x68: {  	_ =	swait.ge [sflag:s26], $0x1400  }
0x69: {  	[sflag:s26] =	ssyncset.done $0x0  }
0x6a: {  	s1 =	sadd.s32 $0xFFFFFF80, s31;
	[sflag:s26] =	ssyncadd.s32 $0xFFFFEC00  }
0x6b: {  	[spmem:s2] =	stream.indirect.scatter.add.f32 [tilespmem:s20], [sflag:$0x6], $0x80, s1, s23, $0xb8;
	[tilespmem:$0x1E400] =	vst v63  }
0x6c: {  	_ =	swait.ge [sflag:s14], $0x1400  }
0x6d: {  	[sflag:s14] =	ssyncset.done $0x0  }
0x6e: {  	s1 =	sadd.s32 $0x1400, s0;
	[sflag:s14] =	ssyncadd.s32 $0xFFFFEC00  }
0x6f: {  	[tilespmem:s20], [sflag:$0x4] =	stream.linear.gather [hbm4b:s1+s3], $0x1400, $0x38;
	[tilespmem:$0x1E400] =	vst v63  }
0x70: {  	_ =	swait.ge [sflag:s28], $0x1400  }
0x71: {  	[sflag:s28] =	ssyncset.done $0x0  }
.Ltmp0:
0x72: {  	[sflag:s28] =	ssyncadd.s32 $0xFFFFEC00;
	(pc) =	sbr.rel @p0 .LBB2_2-.Ltmp0, $4  }
0x73: {  	[spmem:s2] =	stream.indirect.scatter.add.f32 [tilespmem:s21], [sflag:$0x6], $0x80, s31, s23, $0xb8;
	[tilespmem:$0x1E400] =	vst v63  }
0x74: {  	_ =	swait.ge [sflag:s14], $0x1400  }
0x75: {  	[sflag:s14] =	ssyncset.done $0x0  }
0x76: {  	s0 =	sadd.s32 $0x1680, s0;
	s31 =	sadd.s32 $0x280, s31;
	[sflag:s14] =	ssyncadd.s32 $0xFFFFEC00  }
0x77: {  	[tilespmem:s21], [sflag:$0x5] =	stream.linear.gather [hbm4b:s0+s3], $0x1400, $0x38;
	[tilespmem:$0x1E400] =	vst v63  }
0x78: {  	_ =	swait.ge [sflag:s22], $0x1400  }
0x79: {  	[sflag:s22] =	ssyncset.done $0x0  }
0x7a: {  	s30 =	simm.s32 $0x3C00;
	[sflag:s22] =	ssyncadd.s32 $0xFFFFEC00  }
0x7b: {  	[spmem:s2] =	stream.indirect.scatter.add.f32 [tilespmem:s17], [sflag:$0x6], $0x80, s30, s23, $0xb8;
	[tilespmem:$0x1E400] =	vst v63  }
0x7c: {  	_ =	swait.ge [sflag:s14], $0x1400  }
0x7d: {  	[sflag:s14] =	ssyncset.done $0x0  }
0x7e: {  	[sflag:s14] =	ssyncadd.s32 $0xFFFFEC00  }
0x7f: {  	_ =	swait.ge [sflag:s24], $0x1400  }
0x80: {  	[sflag:s24] =	ssyncset.done $0x0  }
0x81: {  	s31 =	simm.s32 $0x3C80;
	[sflag:s24] =	ssyncadd.s32 $0xFFFFEC00  }
0x82: {  	[spmem:s2] =	stream.indirect.scatter.add.f32 [tilespmem:s18], [sflag:$0x6], $0x80, s31, s23, $0xb8;
	[tilespmem:$0x1E400] =	vst v63  }
0x83: {  	_ =	swait.ge [sflag:s14], $0x1400  }
0x84: {  	[sflag:s14] =	ssyncset.done $0x0  }
0x85: {  	[sflag:s14] =	ssyncadd.s32 $0xFFFFEC00  }
0x86: {  	_ =	swait.ge [sflag:s25], $0x1400  }
0x87: {  	[sflag:s25] =	ssyncset.done $0x0  }
0x88: {  	s1 =	simm.s32 $0x3D00;
	[sflag:s25] =	ssyncadd.s32 $0xFFFFEC00  }
0x89: {  	[spmem:s2] =	stream.indirect.scatter.add.f32 [tilespmem:s19], [sflag:$0x6], $0x80, s1, s23, $0xb8;
	[tilespmem:$0x1E400] =	vst v63  }
0x8a: {  	_ =	swait.ge [sflag:s14], $0x1400  }
0x8b: {  	[sflag:s14] =	ssyncset.done $0x0  }
0x8c: {  	[sflag:s14] =	ssyncadd.s32 $0xFFFFEC00  }
0x8d: {  	_ =	swait.ge [sflag:s26], $0x1400  }
0x8e: {  	[sflag:s26] =	ssyncset.done $0x0  }
0x8f: {  	s30 =	simm.s32 $0x3D80;
	[sflag:s26] =	ssyncadd.s32 $0xFFFFEC00  }
0x90: {  	[spmem:s2] =	stream.indirect.scatter.add.f32 [tilespmem:s20], [sflag:$0x6], $0x80, s30, s23, $0xb8;
	[tilespmem:$0x1E400] =	vst v63  }
0x91: {  	_ =	swait.ge [sflag:s14], $0x1400  }
0x92: {  	[sflag:s14] =	ssyncset.done $0x0  }
0x93: {  	[sflag:s14] =	ssyncadd.s32 $0xFFFFEC00  }
0x94: {  	_ =	swait.ge [sflag:s28], $0x1400  }
0x95: {  	[sflag:s28] =	ssyncset.done $0x0  }
0x96: {  	s31 =	simm.s32 $0x3E00;
	[sflag:s28] =	ssyncadd.s32 $0xFFFFEC00  }
0x97: {  	[spmem:s2] =	stream.indirect.scatter.add.f32 [tilespmem:s21], [sflag:$0x6], $0x80, s31, s23, $0xb8;
	[tilespmem:$0x1E400] =	vst v63  }
0x98: {  	_ =	swait.ge [sflag:s14], $0x1400  }
0x99: {  	s29 =	sadd.s32 $0x1, s29;
	[sflag:s14] =	ssyncset.done $0x0  }
0x9a: {  	p0 =	sne.s32 s29, s12;
	[sflag:s14] =	ssyncadd.s32 $0xFFFFEC00  }
.Ltmp1:
0x9b: {  	[bflag:$0x0] =	sbarrier.arrive $0xFFFF;
	(pc) =	sbr.rel @p0 .LBB2_1-.Ltmp1, $4  }
0x9c: {  	[hbm:s11], [sflag:s15] =	dma.local [spmem:s16], $0x2800  }
0x9d: {  	_ =	swait.ge [sflag:s14], $0x2800  }
0x9e: {  	[sflag:s14] =	ssyncset.done $0x0  }
0x9f: {  	[sflag:s14] =	ssyncadd.s32 $0xFFFFD800  }
0xa0: {  	_ =	sfence.sel $0x180000  }
0xa1: {  	[bflag:$0x0] =	sbarrier.arrive $0xFFFF  }
0xa2: {  	_ =	strace $0x9000004D  }
0xa3: {  	s0 =	stileid.u32;
	[bflag:$0x2] =	sbarrier.arrive $0xFFFF  }
0xa4: {  	p0 =	sne.s32 s0, $0x0;
	s0 =	rddreg [dreg:$0x2]  }
0xa5: {  	s0 =	sadd.s32 @!p0 $0x100000, s0  }
0xa6: {  	[sflag:s0] =	ssyncadd.tile.s32 @!p0 $0x1;
	_ =	shalt  }
.Lfunc_end2:
_tile_overlayer_lowered:
.L_overlay_start_2:
0xa7: {  	(tag) =	ssettag $0x2  }
0xa8: {  	s0 =	rddreg [dreg:$0x0];
	s2 =	stileid.u32  }
0xa9: {  	s1 =	rddreg [dreg:$0x1];
	p0 =	sne.s32 s2, $0x0  }
0xaa: {  	s3 =	rddreg [dreg:$0x2];
	[bflag:$0x3] =	sbarrier.arrive $0xFFFF;
	s2 =	simm.s32 @!p0 $0x1C06  }
0xab: {  	[timem:s3], [sflag:s2] =	dma.local @!p0 [hbm:s0], s1  }
0xac: {  	s0 =	simm.s32 @!p0 $0x6  }
0xad: {  	_ =	swait.ge @!p0 [sflag:s0], s1  }
0xae: {  	s1 =	ssub.s32 @!p0 $0x0, s1;
	[sflag:s0] =	ssyncset.done @!p0 $0x0  }
0xaf: {  	[sflag:s0] =	ssyncadd.s32 @!p0 s1  }
0xb0: {  	[bflag:$0x3] =	sbarrier.arrive $0xFFFF  }
0xb1: {  	_ =	shalt  }

</sc_bundles>
